<compile_context>
chip_gen: v7x
topology: tpu7x:2x2x1
jax: 0.10.2.dev20260603
libtpu: 0.0.44.dev20260713+nightly
codegen_flags: <defaults>
</compile_context>

<pallas_src>
import jax
import jax.numpy as jnp
from jax import lax
from jax.experimental import pallas as pl
from jax.experimental.pallas import tpu as pltpu
from jax.experimental.pallas import tpu_sc as plsc

N = 10000
E = 160000
D = 256
DH = 128
NC = 2
NS = 16
CH = 80
E_PAD = 163840
ECH = E_PAD // CH
DUMP = N
NP = 10240
RPT = NP // NS
AW = 128
C3 = ECH // NS
C1 = ECH // (NC * NS)
R = NP // 16
GRID = NP // R
EPT = E_PAD // (NC * NS)
VL = 16

_mesh = plsc.VectorSubcoreMesh(core_axis_name="c", subcore_axis_name="s")



def _edge_pipe(src_hbm, dst_hbm, tab, acc, src_b, dst_b, rows_v,
               sem_i, sem_g, sem_s, cb, n):

  def idx_start(i, b):
    pltpu.async_copy(src_hbm.at[cb + i], src_b.at[b], sem_i.at[b])
    pltpu.async_copy(dst_hbm.at[cb + i], dst_b.at[b], sem_i.at[b])

  def idx_wait(i, b):
    pltpu.make_async_copy(src_hbm.at[cb + i], src_b.at[b], sem_i.at[b]).wait()
    pltpu.make_async_copy(dst_hbm.at[cb + i], dst_b.at[b], sem_i.at[b]).wait()

  def g_start(bi, br):
    pltpu.async_copy(tab.at[src_b.at[bi]], rows_v.at[br], sem_g.at[br])

  def g_wait(bi, br):
    pltpu.make_async_copy(tab.at[src_b.at[bi]], rows_v.at[br],
                          sem_g.at[br]).wait()

  def s_start(bi, br):
    pltpu.async_copy(rows_v.at[br], acc.at[dst_b.at[bi]], sem_s.at[br],
                     add=True)

  def s_wait(bi, br):
    pltpu.make_async_copy(rows_v.at[br], acc.at[dst_b.at[bi]],
                          sem_s.at[br]).wait()

  idx_start(0, 0)
  idx_start(1, 1)
  idx_start(2, 2)
  idx_wait(0, 0)
  g_start(0, 0)
  idx_wait(1, 1)
  g_start(1, 1)
  groups = n // 8

  def group(gi, carry):
    for j in range(8):
      i = 8 * gi + j
      bi = j
      br = i % 4 if False else j % 4
      bi2 = (j + 2) % 8
      br2 = (j + 2) % 4
      bi3 = (j + 3) % 8
      if j >= 2:
        s_wait((j - 2) % 8, (j - 2) % 4)
      else:

        @pl.when(gi > 0)
        def _(a=(j - 2) % 8, b=(j - 2) % 4):
          s_wait(a, b)

      if j < 6:
        idx_wait(i + 2, bi2)
        g_start(bi2, br2)
      else:

        @pl.when(gi < groups - 1)
        def _():
          idx_wait(i + 2, bi2)
          g_start(bi2, br2)

      if j < 5:
        idx_start(i + 3, bi3)
      else:

        @pl.when(gi < groups - 1)
        def _():
          idx_start(i + 3, bi3)

      g_wait(bi, br)
      s_start(bi, br)
    return carry

  lax.fori_loop(0, groups, group, 0)
  s_wait(6, 2)
  s_wait(7, 3)


def _hist_reduce(acc_v, stage, red_v, res_v, out_hbm, cid, sid):
  pltpu.sync_copy(acc_v, stage.at[sid])
  plsc.subcore_barrier()
  for r in range(NS):
    pltpu.sync_copy(stage.at[r, pl.ds(sid * RPT, RPT)],
                    red_v.at[pl.ds(r * RPT, RPT)])

  def red_body(v, carry):
    x = red_v[pl.ds(v * VL, VL)]
    for r in range(1, NS):
      x = x + red_v[pl.ds(r * RPT + v * VL, VL)]
    res_v[pl.ds(v * VL, VL)] = x
    return carry

  lax.fori_loop(0, RPT // VL, red_body, 0)
  pltpu.sync_copy(res_v, out_hbm.at[cid, pl.ds(sid * RPT, RPT)])


def _deg_body(dst_hbm, out_hbm, dst_v, acc_v, red_v, res_v, stage):
  cid = lax.axis_index("c")
  sid = lax.axis_index("s")
  pltpu.sync_copy(dst_hbm.at[pl.ds((cid * NS + sid) * EPT, EPT)], dst_v)

  def zero(r, carry):
    acc_v[pl.ds(r * VL, VL)] = jnp.zeros((VL,), jnp.float32)
    return carry

  lax.fori_loop(0, NP // VL, zero, 0)
  ones = jnp.ones((VL,), jnp.float32)

  def body(k, carry):
    d16 = dst_v[pl.ds(k * VL, VL)]
    plsc.addupdate_scatter(acc_v, [d16], ones)
    return carry

  lax.fori_loop(0, EPT // VL, body, 0)
  _hist_reduce(acc_v, stage, red_v, res_v, out_hbm, cid, sid)


_deg_call = pl.kernel(
    _deg_body,
    out_type=jax.ShapeDtypeStruct((NC, NP), jnp.float32),
    mesh=_mesh,
    compiler_params=pltpu.CompilerParams(needs_layout_passes=False),
    scratch_types=[
        pltpu.VMEM((EPT,), jnp.int32),
        pltpu.VMEM((NP,), jnp.float32),
        pltpu.VMEM((NS * RPT,), jnp.float32),
        pltpu.VMEM((RPT,), jnp.float32),
        pltpu.VMEM_SHARED((NS, NP), jnp.float32),
    ],
)


def _agg_body(src_hbm, dst_hbm, y_hbm, z_hbm,
              src_b, dst_b, rows_v, acc, sem_i, sem_g, sem_s):
  cid = lax.axis_index("c")
  sid = lax.axis_index("s")
  pltpu.sync_copy(y_hbm.at[cid, pl.ds(sid * RPT, RPT)],
                  acc.at[pl.ds(sid * RPT, RPT)])
  plsc.subcore_barrier()
  _edge_pipe(src_hbm, dst_hbm, y_hbm.at[cid], acc, src_b, dst_b, rows_v,
             sem_i, sem_g, sem_s, sid * C3, C3)
  plsc.subcore_barrier()
  pltpu.sync_copy(acc.at[pl.ds(sid * RPT, RPT)],
                  z_hbm.at[cid, pl.ds(sid * RPT, RPT)])


_agg_call = pl.kernel(
    _agg_body,
    out_type=jax.ShapeDtypeStruct((NC, NP, DH), jnp.float32),
    mesh=_mesh,
    scratch_types=[
        pltpu.VMEM((8, CH), jnp.int32),
        pltpu.VMEM((8, CH), jnp.int32),
        pltpu.VMEM((4, CH, DH), jnp.float32),
        pltpu.VMEM_SHARED((NP, DH), jnp.float32),
        pltpu.SemaphoreType.DMA((8,)),
        pltpu.SemaphoreType.DMA((4,)),
        pltpu.SemaphoreType.DMA((4,)),
    ],
)


def _sagg_body(src_hbm, dst_hbm, t8_hbm, u_hbm,
               src_v, dst_v, t_v, acc_v, red_v, res_v, stage):
  cid = lax.axis_index("c")
  sid = lax.axis_index("s")
  eb = (cid * NS + sid) * EPT
  pltpu.sync_copy(t8_hbm.at[0], t_v)
  pltpu.sync_copy(src_hbm.at[pl.ds(eb, EPT)], src_v)
  pltpu.sync_copy(dst_hbm.at[pl.ds(eb, EPT)], dst_v)

  first = jnp.logical_and(cid == 0, sid == 0)

  @pl.when(first)
  def _():
    pltpu.sync_copy(t8_hbm.at[0], acc_v)

  @pl.when(jnp.logical_not(first))
  def _():

    def zero(r, carry):
      acc_v[pl.ds(r * VL, VL)] = jnp.zeros((VL,), jnp.float32)
      return carry

    lax.fori_loop(0, NP // VL, zero, 0)

  def body(k, carry):
    sl = pl.ds(k * VL, VL)
    s16 = src_v[sl]
    d16 = dst_v[sl]
    vals = plsc.load_gather(t_v, [s16])
    plsc.addupdate_scatter(acc_v, [d16], vals)
    return carry

  lax.fori_loop(0, EPT // VL, body, 0)
  _hist_reduce(acc_v, stage, red_v, res_v, u_hbm, cid, sid)


_sagg_call = pl.kernel(
    _sagg_body,
    out_type=jax.ShapeDtypeStruct((NC, NP), jnp.float32),
    mesh=_mesh,
    compiler_params=pltpu.CompilerParams(needs_layout_passes=False),
    scratch_types=[
        pltpu.VMEM((EPT,), jnp.int32),
        pltpu.VMEM((EPT,), jnp.int32),
        pltpu.VMEM((NP,), jnp.float32),
        pltpu.VMEM((NP,), jnp.float32),
        pltpu.VMEM((NS * RPT,), jnp.float32),
        pltpu.VMEM((RPT,), jnp.float32),
        pltpu.VMEM_SHARED((NS, NP), jnp.float32),
    ],
)


def _scale_body(emb_ref, mask_ref, degacc_ref, y_ref, dinv_ref):
  deg = degacc_ref[0] + degacc_ref[1] + 1.0
  dinv = lax.rsqrt(deg)
  y = emb_ref[...] * (mask_ref[...] * dinv)
  y_ref[0] = y[:, :DH]
  y_ref[1] = y[:, DH:]
  dinv_ref[...] = jnp.broadcast_to(dinv, dinv_ref.shape)


def _dense_body(z_ref, dinv_ref, w1_ref, b1_ref, w2_ref, hw_ref,
                t8_ref):
  dinv = dinv_ref[:, 0:1]
  a = jnp.concatenate([z_ref[0], z_ref[1]], axis=1) * dinv
  h = lax.dot_general(a, w1_ref[...], (((1,), (0,)), ((), ())),
                      preferred_element_type=jnp.float32) + b1_ref[...]
  g = 0.5 * h * (1.0 + lax.erf(h * 0.7071067811865476))
  w = lax.dot_general(w2_ref[...], hw_ref[...], (((1,), (0,)), ((), ())),
                      preferred_element_type=jnp.float32)
  s = lax.dot_general(g, w, (((1,), (0,)), ((), ())),
                      preferred_element_type=jnp.float32)
  t = dinv * s
  t_row = jnp.transpose(t, (1, 0))
  t8_ref[...] = jnp.broadcast_to(t_row, (8, t_row.shape[1]))


def _final_body(u_ref, dinv_ref, b2_ref, hwt_ref, hb_ref, out_ref):
  c0 = jnp.sum(b2_ref[...] * hwt_ref[...]) + hb_ref[0, 0]
  out_ref[...] = dinv_ref[:, 0:1] * (u_ref[0] + u_ref[1]) + c0


_scale_call = pl.pallas_call(
    _scale_body,
    grid=(GRID,),
    in_specs=[
        pl.BlockSpec((R, D), lambda i: (i, 0)),
        pl.BlockSpec((R, 1), lambda i: (i, 0)),
        pl.BlockSpec((NC, R, 1), lambda i: (0, i, 0)),
    ],
    out_specs=[
        pl.BlockSpec((NC, R, DH), lambda i: (0, i, 0)),
        pl.BlockSpec((R, AW), lambda i: (i, 0)),
    ],
    out_shape=[
        jax.ShapeDtypeStruct((NC, NP, DH), jnp.float32),
        jax.ShapeDtypeStruct((NP, AW), jnp.float32),
    ],
)

_dense_call = pl.pallas_call(
    _dense_body,
    grid=(GRID,),
    in_specs=[
        pl.BlockSpec((NC, R, DH), lambda i: (0, i, 0)),
        pl.BlockSpec((R, AW), lambda i: (i, 0)),
        pl.BlockSpec((D, 2 * D), lambda i: (0, 0)),
        pl.BlockSpec((1, 2 * D), lambda i: (0, 0)),
        pl.BlockSpec((2 * D, D), lambda i: (0, 0)),
        pl.BlockSpec((D, 1), lambda i: (0, 0)),
    ],
    out_specs=pl.BlockSpec((8, R), lambda i: (0, i)),
    out_shape=jax.ShapeDtypeStruct((8, NP), jnp.float32),
)

_final_call = pl.pallas_call(
    _final_body,
    grid=(GRID,),
    in_specs=[
        pl.BlockSpec((NC, R, 1), lambda i: (0, i, 0)),
        pl.BlockSpec((R, AW), lambda i: (i, 0)),
        pl.BlockSpec((1, D), lambda i: (0, 0)),
        pl.BlockSpec((1, D), lambda i: (0, 0)),
        pl.BlockSpec((1, 1), lambda i: (0, 0)),
    ],
    out_specs=pl.BlockSpec((R, 1), lambda i: (i, 0)),
    out_shape=jax.ShapeDtypeStruct((NP, 1), jnp.float32),
)


@jax.jit
def kernel(perturbation_mask, edge_index, emb_weight, W1, b1, W2, b2,
           head_W, head_b):
  src = edge_index[0]
  dst = edge_index[1]
  npad = E_PAD - E
  src1 = jnp.concatenate([src, jnp.zeros((npad,), jnp.int32)])
  pad_dst = DUMP + (jnp.arange(npad, dtype=jnp.int32) % (NP - N))
  dst1 = jnp.concatenate([dst, pad_dst])
  src2 = src1.reshape(ECH, CH)
  dst2 = dst1.reshape(ECH, CH)
  emb_pad = jnp.pad(emb_weight, ((0, NP - N), (0, 0)))
  mask_pad = jnp.pad(perturbation_mask[:, None], ((0, NP - N), (0, 0)))

  deg2 = _deg_call(dst1)[:, :, None]
  y, dinv = _scale_call(emb_pad, mask_pad, deg2)
  z = _agg_call(src2, dst2, y)
  t8 = _dense_call(z, dinv, W1, b1[None, :], W2, head_W)
  u2 = _sagg_call(src1, dst1, t8)[:, :, None]
  out = _final_call(u2, dinv, b2[None, :], head_W[:, 0][None, :],
                    head_b[None, :])
  return out[:N, 0]

# --- scband reference (transcript-rebuilt; emitter-appended) ---
"""Pipeline reference for scband-turbo-gnn-8693013807133 (READ-ONLY COPY).

The authoritative reference and input builder live on the scoring server;
editing this copy changes nothing except your own understanding.
"""

import jax, jax.numpy as jnp
import numpy as np

N = 10000
E = 160000
D = 256


def gcn_conv(x, edge_index, W, b):
    num_nodes = x.shape[0]
    src = edge_index[0]
    dst = edge_index[1]
    loop = jnp.arange(num_nodes, dtype=src.dtype)
    src = jnp.concatenate([src, loop])
    dst = jnp.concatenate([dst, loop])
    deg = jax.ops.segment_sum(jnp.ones_like(dst, dtype=x.dtype), dst, num_segments=num_nodes)
    dinv = jnp.where(deg > 0, 1.0 / jnp.sqrt(deg), 0.0)
    norm = dinv[src] * dinv[dst]
    h = x @ W
    msg = h[src] * norm[:, None]
    out = jax.ops.segment_sum(msg, dst, num_segments=num_nodes)
    return out + b


def setup_inputs(seed: int = 0) -> dict:
    key = jax.random.key(seed)
    ks = jax.random.split(key, 9)
    edge_index = jax.random.randint(ks[0], (2, E), 0, N, dtype=jnp.int32)
    perturbation_mask = jax.random.uniform(ks[1], (N,), dtype=jnp.float32)
    emb_weight = jax.random.normal(ks[2], (N, D), dtype=jnp.float32)
    W1 = jax.random.normal(ks[3], (D, 2 * D), dtype=jnp.float32) * (1.0 / np.sqrt(D))
    b1 = jnp.zeros((2 * D,), dtype=jnp.float32)
    W2 = jax.random.normal(ks[4], (2 * D, D), dtype=jnp.float32) * (1.0 / np.sqrt(2 * D))
    b2 = jnp.zeros((D,), dtype=jnp.float32)
    head_W = jax.random.normal(ks[5], (D, 1), dtype=jnp.float32) * (1.0 / np.sqrt(D))
    head_b = jnp.zeros((1,), dtype=jnp.float32)
    return {
        "perturbation_mask": perturbation_mask,
        "edge_index": edge_index,
        "emb_weight": emb_weight,
        "W1": W1,
        "b1": b1,
        "W2": W2,
        "b2": b2,
        "head_W": head_W,
        "head_b": head_b,
    }


def reference(perturbation_mask, edge_index, emb_weight, W1, b1, W2, b2, head_W, head_b):
    # x = self.emb(arange(num_genes)) -> the full embedding table
    x = emb_weight
    # float mask path: x = x * mask.unsqueeze(1)
    x = x * perturbation_mask[:, None]
    x = gcn_conv(x, edge_index, W1, b1)
    x = jax.nn.gelu(x, approximate=False)
    x = gcn_conv(x, edge_index, W2, b2)
    out = x @ head_W + head_b
    return out.squeeze()

if __name__ == "__main__":
    import jax
    _d = setup_inputs()
    print(jax.jit(kernel)(*tuple(_d.values())))

</pallas_src>

<mosaic_0001>
#map = affine_map<(d0, d1) -> (0)>
#map1 = affine_map<(d0, d1) -> (0, 0)>
module attributes {stable_mosaic.version = 14 : i64} {
  func.func @_deg_body(%arg0: i32, %arg1: i32, %arg2: memref<163840xi32, #tpu.memory_space<hbm>>, %arg3: memref<2x10240xf32, #tpu.memory_space<hbm>>, %arg4: memref<5120xi32, #tpu.memory_space<vmem>>, %arg5: memref<10240xf32, #tpu.memory_space<vmem>>, %arg6: memref<10240xf32, #tpu.memory_space<vmem>>, %arg7: memref<640xf32, #tpu.memory_space<vmem>>, %arg8: memref<16x10240xf32, #tpu.memory_space<vmem_shared>>) attributes {dimension_semantics = [#tpu.dimension_semantics<core_parallel>, #tpu.dimension_semantics<subcore_parallel>], iteration_bounds = array<i64: 2, 16>, scalar_prefetch = 0 : i64, scratch_operands = 5 : i64, tpu.core_type = #tpu.core_type<sc_vector_subcore>, window_params = [{transform_indices = #map}, {transform_indices = #map1}]} {
    %mul3A = arith.constant 16 : i32
    %mul3A_0 = arith.muli %arg0, %mul3A : i32
    %add3A = arith.addi %mul3A_0, %arg1 : i32
    %mul3A_1 = arith.constant 5120 : i32
    %mul3A_2 = arith.muli %add3A, %mul3A_1 : i32
    "tpu.region"() ({
      %run_scoped3A_70 = tpu.sem_alloc : memref<!tpu.dma_semaphore, #tpu.memory_space<semaphore_mem>>
      %dma_start3A = tpu.memref_slice %arg2[%mul3A_2] : memref<163840xi32, #tpu.memory_space<hbm>> -> memref<5120xi32, #tpu.memory_space<hbm>>
      %dma_start3A_71 = tpu.memref_slice %arg2[%mul3A_2] : memref<163840xi32, #tpu.memory_space<hbm>> -> memref<5120xi32, #tpu.memory_space<hbm>>
      tpu.enqueue_dma source(%dma_start3A_71 : memref<5120xi32, #tpu.memory_space<hbm>>) target(%arg4 : memref<5120xi32, #tpu.memory_space<vmem>>) target_semaphore(%run_scoped3A_70 : memref<!tpu.dma_semaphore, #tpu.memory_space<semaphore_mem>>)
      %dma_wait3A = tpu.memref_slice %arg2[%mul3A_2] : memref<163840xi32, #tpu.memory_space<hbm>> -> memref<5120xi32, #tpu.memory_space<hbm>>
      %dma_wait3A_72 = tpu.memref_slice %arg2[%mul3A_2] : memref<163840xi32, #tpu.memory_space<hbm>> -> memref<5120xi32, #tpu.memory_space<hbm>>
      tpu.wait_dma2 semaphore(%run_scoped3A_70 : memref<!tpu.dma_semaphore, #tpu.memory_space<semaphore_mem>>) src(%dma_wait3A_72 : memref<5120xi32, #tpu.memory_space<hbm>>) dst(%arg4 : memref<5120xi32, #tpu.memory_space<vmem>>)
      tpu.yield
    }) : () -> ()
    %scan3A = arith.constant 0 : i32
    %scan3A_3 = arith.constant 0 : i32
    %scan3A_4 = arith.constant 640 : i32
    %scan3A_5 = arith.addi %scan3A_3, %scan3A_4 : i32
    %scan3A_6 = arith.constant 1 : i32
    scf.for %scan3A_70 = %scan3A_3 to %scan3A_5 step %scan3A_6  : i32 {
      %broadcast_in_dim3A_71 = arith.constant 0.000000e+00 : f32
      %broadcast_in_dim3A_72 = vector.broadcast %broadcast_in_dim3A_71 : f32 to vector<16xf32>
      %mul3A_73 = arith.constant 16 : i32
      %mul3A_74 = arith.muli %scan3A_70, %mul3A_73 : i32
      %swap3A = arith.index_cast %mul3A_74 : i32 to index
      %swap3A_75 = tpu.vector_load %arg5[%swap3A] {strides = array<i32>} : memref<10240xf32, #tpu.memory_space<vmem>>, vector<16xf32>,
      tpu.vector_store %arg5[%swap3A], %broadcast_in_dim3A_72 {strides = array<i32>} : memref<10240xf32, #tpu.memory_space<vmem>>, vector<16xf32>,
    }
    %scan3A_7 = arith.constant 640 : i32
    %broadcast_in_dim3A = arith.constant 1.000000e+00 : f32
    %broadcast_in_dim3A_8 = vector.broadcast %broadcast_in_dim3A : f32 to vector<16xf32>
    %scan3A_9 = arith.constant 0 : i32
    %scan3A_10 = arith.constant 0 : i32
    %scan3A_11 = arith.constant 320 : i32
    %scan3A_12 = arith.addi %scan3A_10, %scan3A_11 : i32
    %scan3A_13 = arith.constant 1 : i32
    scf.for %scan3A_70 = %scan3A_10 to %scan3A_12 step %scan3A_13  : i32 {
      %mul3A_71 = arith.constant 16 : i32
      %mul3A_72 = arith.muli %scan3A_70, %mul3A_71 : i32
      %get3A = arith.index_cast %mul3A_72 : i32 to index
      %get3A_73 = tpu.vector_load %arg4[%get3A] {strides = array<i32>} : memref<5120xi32, #tpu.memory_space<vmem>>, vector<16xi32>,
      tpu.vector_store_idx %arg5[%get3A_73], %broadcast_in_dim3A_8 {add = true} : memref<10240xf32, #tpu.memory_space<vmem>>[vector<16xi32>], vector<16xf32>,
    }
    %scan3A_14 = arith.constant 320 : i32
    "tpu.region"() ({
      %run_scoped3A_70 = tpu.sem_alloc : memref<!tpu.dma_semaphore, #tpu.memory_space<semaphore_mem>>
      %dma_start3A = arith.constant 0 : i32
      %dma_start3A_71 = tpu.memref_slice %arg8[%arg1, %dma_start3A] : memref<16x10240xf32, #tpu.memory_space<vmem_shared>> -> memref<1x10240xf32, #tpu.memory_space<vmem_shared>>
      %dma_start3A_72 = tpu.memref_squeeze %dma_start3A_71 : memref<1x10240xf32, #tpu.memory_space<vmem_shared>> -> memref<10240xf32, #tpu.memory_space<vmem_shared>>
      %dma_start3A_73 = arith.constant 0 : i32
      %dma_start3A_74 = tpu.memref_slice %arg8[%arg1, %dma_start3A_73] : memref<16x10240xf32, #tpu.memory_space<vmem_shared>> -> memref<1x10240xf32, #tpu.memory_space<vmem_shared>>
      %dma_start3A_75 = tpu.memref_squeeze %dma_start3A_74 : memref<1x10240xf32, #tpu.memory_space<vmem_shared>> -> memref<10240xf32, #tpu.memory_space<vmem_shared>>
      tpu.enqueue_dma source(%arg5 : memref<10240xf32, #tpu.memory_space<vmem>>) target(%dma_start3A_75 : memref<10240xf32, #tpu.memory_space<vmem_shared>>) target_semaphore(%run_scoped3A_70 : memref<!tpu.dma_semaphore, #tpu.memory_space<semaphore_mem>>)
      %dma_wait3A = arith.constant 0 : i32
      %dma_wait3A_76 = tpu.memref_slice %arg8[%arg1, %dma_wait3A] : memref<16x10240xf32, #tpu.memory_space<vmem_shared>> -> memref<1x10240xf32, #tpu.memory_space<vmem_shared>>
      %dma_wait3A_77 = tpu.memref_squeeze %dma_wait3A_76 : memref<1x10240xf32, #tpu.memory_space<vmem_shared>> -> memref<10240xf32, #tpu.memory_space<vmem_shared>>
      %dma_wait3A_78 = arith.constant 0 : i32
      %dma_wait3A_79 = tpu.memref_slice %arg8[%arg1, %dma_wait3A_78] : memref<16x10240xf32, #tpu.memory_space<vmem_shared>> -> memref<1x10240xf32, #tpu.memory_space<vmem_shared>>
      %dma_wait3A_80 = tpu.memref_squeeze %dma_wait3A_79 : memref<1x10240xf32, #tpu.memory_space<vmem_shared>> -> memref<10240xf32, #tpu.memory_space<vmem_shared>>
      tpu.wait_dma2 semaphore(%run_scoped3A_70 : memref<!tpu.dma_semaphore, #tpu.memory_space<semaphore_mem>>) src(%arg5 : memref<10240xf32, #tpu.memory_space<vmem>>) dst(%dma_wait3A_80 : memref<10240xf32, #tpu.memory_space<vmem_shared>>)
      tpu.yield
    }) : () -> ()
    %barrier3A = arith.constant 0 : index
    tpu.barrier barrier_id(%barrier3A)
    %mul3A_15 = arith.constant 640 : i32
    %mul3A_16 = arith.muli %arg1, %mul3A_15 : i32
    %run_scoped3A = arith.constant 0 : i32
    "tpu.region"() ({
      %run_scoped3A_70 = tpu.sem_alloc : memref<!tpu.dma_semaphore, #tpu.memory_space<semaphore_mem>>
      %dma_start3A = arith.constant 0 : i32
      %dma_start3A_71 = tpu.memref_slice %arg6[%dma_start3A] : memref<10240xf32, #tpu.memory_space<vmem>> -> memref<640xf32, #tpu.memory_space<vmem>>
      %dma_start3A_72 = tpu.memref_slice %arg8[%run_scoped3A, %mul3A_16] : memref<16x10240xf32, #tpu.memory_space<vmem_shared>> -> memref<1x640xf32, #tpu.memory_space<vmem_shared>>
      %dma_start3A_73 = tpu.memref_squeeze %dma_start3A_72 : memref<1x640xf32, #tpu.memory_space<vmem_shared>> -> memref<640xf32, #tpu.memory_space<vmem_shared>>
      %dma_start3A_74 = arith.constant 0 : i32
      %dma_start3A_75 = tpu.memref_slice %arg6[%dma_start3A_74] : memref<10240xf32, #tpu.memory_space<vmem>> -> memref<640xf32, #tpu.memory_space<vmem>>
      %dma_start3A_76 = tpu.memref_slice %arg8[%run_scoped3A, %mul3A_16] : memref<16x10240xf32, #tpu.memory_space<vmem_shared>> -> memref<1x640xf32, #tpu.memory_space<vmem_shared>>
      %dma_start3A_77 = tpu.memref_squeeze %dma_start3A_76 : memref<1x640xf32, #tpu.memory_space<vmem_shared>> -> memref<640xf32, #tpu.memory_space<vmem_shared>>
      tpu.enqueue_dma source(%dma_start3A_77 : memref<640xf32, #tpu.memory_space<vmem_shared>>) target(%dma_start3A_75 : memref<640xf32, #tpu.memory_space<vmem>>) target_semaphore(%run_scoped3A_70 : memref<!tpu.dma_semaphore, #tpu.memory_space<semaphore_mem>>)
      %dma_wait3A = arith.constant 0 : i32
      %dma_wait3A_78 = tpu.memref_slice %arg6[%dma_wait3A] : memref<10240xf32, #tpu.memory_space<vmem>> -> memref<640xf32, #tpu.memory_space<vmem>>
      %dma_wait3A_79 = tpu.memref_slice %arg8[%run_scoped3A, %mul3A_16] : memref<16x10240xf32, #tpu.memory_space<vmem_shared>> -> memref<1x640xf32, #tpu.memory_space<vmem_shared>>
      %dma_wait3A_80 = tpu.memref_squeeze %dma_wait3A_79 : memref<1x640xf32, #tpu.memory_space<vmem_shared>> -> memref<640xf32, #tpu.memory_space<vmem_shared>>
      %dma_wait3A_81 = arith.constant 0 : i32
      %dma_wait3A_82 = tpu.memref_slice %arg6[%dma_wait3A_81] : memref<10240xf32, #tpu.memory_space<vmem>> -> memref<640xf32, #tpu.memory_space<vmem>>
      %dma_wait3A_83 = tpu.memref_slice %arg8[%run_scoped3A, %mul3A_16] : memref<16x10240xf32, #tpu.memory_space<vmem_shared>> -> memref<1x640xf32, #tpu.memory_space<vmem_shared>>
      %dma_wait3A_84 = tpu.memref_squeeze %dma_wait3A_83 : memref<1x640xf32, #tpu.memory_space<vmem_shared>> -> memref<640xf32, #tpu.memory_space<vmem_shared>>
      tpu.wait_dma2 semaphore(%run_scoped3A_70 : memref<!tpu.dma_semaphore, #tpu.memory_space<semaphore_mem>>) src(%dma_wait3A_84 : memref<640xf32, #tpu.memory_space<vmem_shared>>) dst(%dma_wait3A_82 : memref<640xf32, #tpu.memory_space<vmem>>)
      tpu.yield
    }) : () -> ()
    %mul3A_17 = arith.constant 640 : i32
    %mul3A_18 = arith.muli %arg1, %mul3A_17 : i32
    %run_scoped3A_19 = arith.constant 1 : i32
    "tpu.region"() ({
      %run_scoped3A_70 = tpu.sem_alloc : memref<!tpu.dma_semaphore, #tpu.memory_space<semaphore_mem>>
      %dma_start3A = arith.constant 640 : i32
      %dma_start3A_71 = tpu.memref_slice %arg6[%dma_start3A] : memref<10240xf32, #tpu.memory_space<vmem>> -> memref<640xf32, #tpu.memory_space<vmem>>
      %dma_start3A_72 = tpu.memref_slice %arg8[%run_scoped3A_19, %mul3A_18] : memref<16x10240xf32, #tpu.memory_space<vmem_shared>> -> memref<1x640xf32, #tpu.memory_space<vmem_shared>>
      %dma_start3A_73 = tpu.memref_squeeze %dma_start3A_72 : memref<1x640xf32, #tpu.memory_space<vmem_shared>> -> memref<640xf32, #tpu.memory_space<vmem_shared>>
      %dma_start3A_74 = arith.constant 640 : i32
      %dma_start3A_75 = tpu.memref_slice %arg6[%dma_start3A_74] : memref<10240xf32, #tpu.memory_space<vmem>> -> memref<640xf32, #tpu.memory_space<vmem>>
      %dma_start3A_76 = tpu.memref_slice %arg8[%run_scoped3A_19, %mul3A_18] : memref<16x10240xf32, #tpu.memory_space<vmem_shared>> -> memref<1x640xf32, #tpu.memory_space<vmem_shared>>
      %dma_start3A_77 = tpu.memref_squeeze %dma_start3A_76 : memref<1x640xf32, #tpu.memory_space<vmem_shared>> -> memref<640xf32, #tpu.memory_space<vmem_shared>>
      tpu.enqueue_dma source(%dma_start3A_77 : memref<640xf32, #tpu.memory_space<vmem_shared>>) target(%dma_start3A_75 : memref<640xf32, #tpu.memory_space<vmem>>) target_semaphore(%run_scoped3A_70 : memref<!tpu.dma_semaphore, #tpu.memory_space<semaphore_mem>>)
      %dma_wait3A = arith.constant 640 : i32
      %dma_wait3A_78 = tpu.memref_slice %arg6[%dma_wait3A] : memref<10240xf32, #tpu.memory_space<vmem>> -> memref<640xf32, #tpu.memory_space<vmem>>
      %dma_wait3A_79 = tpu.memref_slice %arg8[%run_scoped3A_19, %mul3A_18] : memref<16x10240xf32, #tpu.memory_space<vmem_shared>> -> memref<1x640xf32, #tpu.memory_space<vmem_shared>>
      %dma_wait3A_80 = tpu.memref_squeeze %dma_wait3A_79 : memref<1x640xf32, #tpu.memory_space<vmem_shared>> -> memref<640xf32, #tpu.memory_space<vmem_shared>>
      %dma_wait3A_81 = arith.constant 640 : i32
      %dma_wait3A_82 = tpu.memref_slice %arg6[%dma_wait3A_81] : memref<10240xf32, #tpu.memory_space<vmem>> -> memref<640xf32, #tpu.memory_space<vmem>>
      %dma_wait3A_83 = tpu.memref_slice %arg8[%run_scoped3A_19, %mul3A_18] : memref<16x10240xf32, #tpu.memory_space<vmem_shared>> -> memref<1x640xf32, #tpu.memory_space<vmem_shared>>
      %dma_wait3A_84 = tpu.memref_squeeze %dma_wait3A_83 : memref<1x640xf32, #tpu.memory_space<vmem_shared>> -> memref<640xf32, #tpu.memory_space<vmem_shared>>
      tpu.wait_dma2 semaphore(%run_scoped3A_70 : memref<!tpu.dma_semaphore, #tpu.memory_space<semaphore_mem>>) src(%dma_wait3A_84 : memref<640xf32, #tpu.memory_space<vmem_shared>>) dst(%dma_wait3A_82 : memref<640xf32, #tpu.memory_space<vmem>>)
      tpu.yield
    }) : () -> ()
    %mul3A_20 = arith.constant 640 : i32
    %mul3A_21 = arith.muli %arg1, %mul3A_20 : i32
    %run_scoped3A_22 = arith.constant 2 : i32
    "tpu.region"() ({
      %run_scoped3A_70 = tpu.sem_alloc : memref<!tpu.dma_semaphore, #tpu.memory_space<semaphore_mem>>
      %dma_start3A = arith.constant 1280 : i32
      %dma_start3A_71 = tpu.memref_slice %arg6[%dma_start3A] : memref<10240xf32, #tpu.memory_space<vmem>> -> memref<640xf32, #tpu.memory_space<vmem>>
      %dma_start3A_72 = tpu.memref_slice %arg8[%run_scoped3A_22, %mul3A_21] : memref<16x10240xf32, #tpu.memory_space<vmem_shared>> -> memref<1x640xf32, #tpu.memory_space<vmem_shared>>
      %dma_start3A_73 = tpu.memref_squeeze %dma_start3A_72 : memref<1x640xf32, #tpu.memory_space<vmem_shared>> -> memref<640xf32, #tpu.memory_space<vmem_shared>>
      %dma_start3A_74 = arith.constant 1280 : i32
      %dma_start3A_75 = tpu.memref_slice %arg6[%dma_start3A_74] : memref<10240xf32, #tpu.memory_space<vmem>> -> memref<640xf32, #tpu.memory_space<vmem>>
      %dma_start3A_76 = tpu.memref_slice %arg8[%run_scoped3A_22, %mul3A_21] : memref<16x10240xf32, #tpu.memory_space<vmem_shared>> -> memref<1x640xf32, #tpu.memory_space<vmem_shared>>
      %dma_start3A_77 = tpu.memref_squeeze %dma_start3A_76 : memref<1x640xf32, #tpu.memory_space<vmem_shared>> -> memref<640xf32, #tpu.memory_space<vmem_shared>>
      tpu.enqueue_dma source(%dma_start3A_77 : memref<640xf32, #tpu.memory_space<vmem_shared>>) target(%dma_start3A_75 : memref<640xf32, #tpu.memory_space<vmem>>) target_semaphore(%run_scoped3A_70 : memref<!tpu.dma_semaphore, #tpu.memory_space<semaphore_mem>>)
      %dma_wait3A = arith.constant 1280 : i32
      %dma_wait3A_78 = tpu.memref_slice %arg6[%dma_wait3A] : memref<10240xf32, #tpu.memory_space<vmem>> -> memref<640xf32, #tpu.memory_space<vmem>>
      %dma_wait3A_79 = tpu.memref_slice %arg8[%run_scoped3A_22, %mul3A_21] : memref<16x10240xf32, #tpu.memory_space<vmem_shared>> -> memref<1x640xf32, #tpu.memory_space<vmem_shared>>
      %dma_wait3A_80 = tpu.memref_squeeze %dma_wait3A_79 : memref<1x640xf32, #tpu.memory_space<vmem_shared>> -> memref<640xf32, #tpu.memory_space<vmem_shared>>
      %dma_wait3A_81 = arith.constant 1280 : i32
      %dma_wait3A_82 = tpu.memref_slice %arg6[%dma_wait3A_81] : memref<10240xf32, #tpu.memory_space<vmem>> -> memref<640xf32, #tpu.memory_space<vmem>>
      %dma_wait3A_83 = tpu.memref_slice %arg8[%run_scoped3A_22, %mul3A_21] : memref<16x10240xf32, #tpu.memory_space<vmem_shared>> -> memref<1x640xf32, #tpu.memory_space<vmem_shared>>
      %dma_wait3A_84 = tpu.memref_squeeze %dma_wait3A_83 : memref<1x640xf32, #tpu.memory_space<vmem_shared>> -> memref<640xf32, #tpu.memory_space<vmem_shared>>
      tpu.wait_dma2 semaphore(%run_scoped3A_70 : memref<!tpu.dma_semaphore, #tpu.memory_space<semaphore_mem>>) src(%dma_wait3A_84 : memref<640xf32, #tpu.memory_space<vmem_shared>>) dst(%dma_wait3A_82 : memref<640xf32, #tpu.memory_space<vmem>>)
      tpu.yield
    }) : () -> ()
    %mul3A_23 = arith.constant 640 : i32
    %mul3A_24 = arith.muli %arg1, %mul3A_23 : i32
    %run_scoped3A_25 = arith.constant 3 : i32
    "tpu.region"() ({
      %run_scoped3A_70 = tpu.sem_alloc : memref<!tpu.dma_semaphore, #tpu.memory_space<semaphore_mem>>
      %dma_start3A = arith.constant 1920 : i32
      %dma_start3A_71 = tpu.memref_slice %arg6[%dma_start3A] : memref<10240xf32, #tpu.memory_space<vmem>> -> memref<640xf32, #tpu.memory_space<vmem>>
      %dma_start3A_72 = tpu.memref_slice %arg8[%run_scoped3A_25, %mul3A_24] : memref<16x10240xf32, #tpu.memory_space<vmem_shared>> -> memref<1x640xf32, #tpu.memory_space<vmem_shared>>
      %dma_start3A_73 = tpu.memref_squeeze %dma_start3A_72 : memref<1x640xf32, #tpu.memory_space<vmem_shared>> -> memref<640xf32, #tpu.memory_space<vmem_shared>>
      %dma_start3A_74 = arith.constant 1920 : i32
      %dma_start3A_75 = tpu.memref_slice %arg6[%dma_start3A_74] : memref<10240xf32, #tpu.memory_space<vmem>> -> memref<640xf32, #tpu.memory_space<vmem>>
      %dma_start3A_76 = tpu.memref_slice %arg8[%run_scoped3A_25, %mul3A_24] : memref<16x10240xf32, #tpu.memory_space<vmem_shared>> -> memref<1x640xf32, #tpu.memory_space<vmem_shared>>
      %dma_start3A_77 = tpu.memref_squeeze %dma_start3A_76 : memref<1x640xf32, #tpu.memory_space<vmem_shared>> -> memref<640xf32, #tpu.memory_space<vmem_shared>>
      tpu.enqueue_dma source(%dma_start3A_77 : memref<640xf32, #tpu.memory_space<vmem_shared>>) target(%dma_start3A_75 : memref<640xf32, #tpu.memory_space<vmem>>) target_semaphore(%run_scoped3A_70 : memref<!tpu.dma_semaphore, #tpu.memory_space<semaphore_mem>>)
      %dma_wait3A = arith.constant 1920 : i32
      %dma_wait3A_78 = tpu.memref_slice %arg6[%dma_wait3A] : memref<10240xf32, #tpu.memory_space<vmem>> -> memref<640xf32, #tpu.memory_space<vmem>>
      %dma_wait3A_79 = tpu.memref_slice %arg8[%run_scoped3A_25, %mul3A_24] : memref<16x10240xf32, #tpu.memory_space<vmem_shared>> -> memref<1x640xf32, #tpu.memory_space<vmem_shared>>
      %dma_wait3A_80 = tpu.memref_squeeze %dma_wait3A_79 : memref<1x640xf32, #tpu.memory_space<vmem_shared>> -> memref<640xf32, #tpu.memory_space<vmem_shared>>
      %dma_wait3A_81 = arith.constant 1920 : i32
      %dma_wait3A_82 = tpu.memref_slice %arg6[%dma_wait3A_81] : memref<10240xf32, #tpu.memory_space<vmem>> -> memref<640xf32, #tpu.memory_space<vmem>>
      %dma_wait3A_83 = tpu.memref_slice %arg8[%run_scoped3A_25, %mul3A_24] : memref<16x10240xf32, #tpu.memory_space<vmem_shared>> -> memref<1x640xf32, #tpu.memory_space<vmem_shared>>
      %dma_wait3A_84 = tpu.memref_squeeze %dma_wait3A_83 : memref<1x640xf32, #tpu.memory_space<vmem_shared>> -> memref<640xf32, #tpu.memory_space<vmem_shared>>
      tpu.wait_dma2 semaphore(%run_scoped3A_70 : memref<!tpu.dma_semaphore, #tpu.memory_space<semaphore_mem>>) src(%dma_wait3A_84 : memref<640xf32, #tpu.memory_space<vmem_shared>>) dst(%dma_wait3A_82 : memref<640xf32, #tpu.memory_space<vmem>>)
      tpu.yield
    }) : () -> ()
    %mul3A_26 = arith.constant 640 : i32
    %mul3A_27 = arith.muli %arg1, %mul3A_26 : i32
    %run_scoped3A_28 = arith.constant 4 : i32
    "tpu.region"() ({
      %run_scoped3A_70 = tpu.sem_alloc : memref<!tpu.dma_semaphore, #tpu.memory_space<semaphore_mem>>
      %dma_start3A = arith.constant 2560 : i32
      %dma_start3A_71 = tpu.memref_slice %arg6[%dma_start3A] : memref<10240xf32, #tpu.memory_space<vmem>> -> memref<640xf32, #tpu.memory_space<vmem>>
      %dma_start3A_72 = tpu.memref_slice %arg8[%run_scoped3A_28, %mul3A_27] : memref<16x10240xf32, #tpu.memory_space<vmem_shared>> -> memref<1x640xf32, #tpu.memory_space<vmem_shared>>
      %dma_start3A_73 = tpu.memref_squeeze %dma_start3A_72 : memref<1x640xf32, #tpu.memory_space<vmem_shared>> -> memref<640xf32, #tpu.memory_space<vmem_shared>>
      %dma_start3A_74 = arith.constant 2560 : i32
      %dma_start3A_75 = tpu.memref_slice %arg6[%dma_start3A_74] : memref<10240xf32, #tpu.memory_space<vmem>> -> memref<640xf32, #tpu.memory_space<vmem>>
      %dma_start3A_76 = tpu.memref_slice %arg8[%run_scoped3A_28, %mul3A_27] : memref<16x10240xf32, #tpu.memory_space<vmem_shared>> -> memref<1x640xf32, #tpu.memory_space<vmem_shared>>
      %dma_start3A_77 = tpu.memref_squeeze %dma_start3A_76 : memref<1x640xf32, #tpu.memory_space<vmem_shared>> -> memref<640xf32, #tpu.memory_space<vmem_shared>>
      tpu.enqueue_dma source(%dma_start3A_77 : memref<640xf32, #tpu.memory_space<vmem_shared>>) target(%dma_start3A_75 : memref<640xf32, #tpu.memory_space<vmem>>) target_semaphore(%run_scoped3A_70 : memref<!tpu.dma_semaphore, #tpu.memory_space<semaphore_mem>>)
      %dma_wait3A = arith.constant 2560 : i32
      %dma_wait3A_78 = tpu.memref_slice %arg6[%dma_wait3A] : memref<10240xf32, #tpu.memory_space<vmem>> -> memref<640xf32, #tpu.memory_space<vmem>>
      %dma_wait3A_79 = tpu.memref_slice %arg8[%run_scoped3A_28, %mul3A_27] : memref<16x10240xf32, #tpu.memory_space<vmem_shared>> -> memref<1x640xf32, #tpu.memory_space<vmem_shared>>
      %dma_wait3A_80 = tpu.memref_squeeze %dma_wait3A_79 : memref<1x640xf32, #tpu.memory_space<vmem_shared>> -> memref<640xf32, #tpu.memory_space<vmem_shared>>
      %dma_wait3A_81 = arith.constant 2560 : i32
      %dma_wait3A_82 = tpu.memref_slice %arg6[%dma_wait3A_81] : memref<10240xf32, #tpu.memory_space<vmem>> -> memref<640xf32, #tpu.memory_space<vmem>>
      %dma_wait3A_83 = tpu.memref_slice %arg8[%run_scoped3A_28, %mul3A_27] : memref<16x10240xf32, #tpu.memory_space<vmem_shared>> -> memref<1x640xf32, #tpu.memory_space<vmem_shared>>
      %dma_wait3A_84 = tpu.memref_squeeze %dma_wait3A_83 : memref<1x640xf32, #tpu.memory_space<vmem_shared>> -> memref<640xf32, #tpu.memory_space<vmem_shared>>
      tpu.wait_dma2 semaphore(%run_scoped3A_70 : memref<!tpu.dma_semaphore, #tpu.memory_space<semaphore_mem>>) src(%dma_wait3A_84 : memref<640xf32, #tpu.memory_space<vmem_shared>>) dst(%dma_wait3A_82 : memref<640xf32, #tpu.memory_space<vmem>>)
      tpu.yield
    }) : () -> ()
    %mul3A_29 = arith.constant 640 : i32
    %mul3A_30 = arith.muli %arg1, %mul3A_29 : i32
    %run_scoped3A_31 = arith.constant 5 : i32
    "tpu.region"() ({
      %run_scoped3A_70 = tpu.sem_alloc : memref<!tpu.dma_semaphore, #tpu.memory_space<semaphore_mem>>
      %dma_start3A = arith.constant 3200 : i32
      %dma_start3A_71 = tpu.memref_slice %arg6[%dma_start3A] : memref<10240xf32, #tpu.memory_space<vmem>> -> memref<640xf32, #tpu.memory_space<vmem>>
      %dma_start3A_72 = tpu.memref_slice %arg8[%run_scoped3A_31, %mul3A_30] : memref<16x10240xf32, #tpu.memory_space<vmem_shared>> -> memref<1x640xf32, #tpu.memory_space<vmem_shared>>
      %dma_start3A_73 = tpu.memref_squeeze %dma_start3A_72 : memref<1x640xf32, #tpu.memory_space<vmem_shared>> -> memref<640xf32, #tpu.memory_space<vmem_shared>>
      %dma_start3A_74 = arith.constant 3200 : i32
      %dma_start3A_75 = tpu.memref_slice %arg6[%dma_start3A_74] : memref<10240xf32, #tpu.memory_space<vmem>> -> memref<640xf32, #tpu.memory_space<vmem>>
      %dma_start3A_76 = tpu.memref_slice %arg8[%run_scoped3A_31, %mul3A_30] : memref<16x10240xf32, #tpu.memory_space<vmem_shared>> -> memref<1x640xf32, #tpu.memory_space<vmem_shared>>
      %dma_start3A_77 = tpu.memref_squeeze %dma_start3A_76 : memref<1x640xf32, #tpu.memory_space<vmem_shared>> -> memref<640xf32, #tpu.memory_space<vmem_shared>>
      tpu.enqueue_dma source(%dma_start3A_77 : memref<640xf32, #tpu.memory_space<vmem_shared>>) target(%dma_start3A_75 : memref<640xf32, #tpu.memory_space<vmem>>) target_semaphore(%run_scoped3A_70 : memref<!tpu.dma_semaphore, #tpu.memory_space<semaphore_mem>>)
      %dma_wait3A = arith.constant 3200 : i32
      %dma_wait3A_78 = tpu.memref_slice %arg6[%dma_wait3A] : memref<10240xf32, #tpu.memory_space<vmem>> -> memref<640xf32, #tpu.memory_space<vmem>>
      %dma_wait3A_79 = tpu.memref_slice %arg8[%run_scoped3A_31, %mul3A_30] : memref<16x10240xf32, #tpu.memory_space<vmem_shared>> -> memref<1x640xf32, #tpu.memory_space<vmem_shared>>
      %dma_wait3A_80 = tpu.memref_squeeze %dma_wait3A_79 : memref<1x640xf32, #tpu.memory_space<vmem_shared>> -> memref<640xf32, #tpu.memory_space<vmem_shared>>
      %dma_wait3A_81 = arith.constant 3200 : i32
      %dma_wait3A_82 = tpu.memref_slice %arg6[%dma_wait3A_81] : memref<10240xf32, #tpu.memory_space<vmem>> -> memref<640xf32, #tpu.memory_space<vmem>>
      %dma_wait3A_83 = tpu.memref_slice %arg8[%run_scoped3A_31, %mul3A_30] : memref<16x10240xf32, #tpu.memory_space<vmem_shared>> -> memref<1x640xf32, #tpu.memory_space<vmem_shared>>
      %dma_wait3A_84 = tpu.memref_squeeze %dma_wait3A_83 : memref<1x640xf32, #tpu.memory_space<vmem_shared>> -> memref<640xf32, #tpu.memory_space<vmem_shared>>
      tpu.wait_dma2 semaphore(%run_scoped3A_70 : memref<!tpu.dma_semaphore, #tpu.memory_space<semaphore_mem>>) src(%dma_wait3A_84 : memref<640xf32, #tpu.memory_space<vmem_shared>>) dst(%dma_wait3A_82 : memref<640xf32, #tpu.memory_space<vmem>>)
      tpu.yield
    }) : () -> ()
    %mul3A_32 = arith.constant 640 : i32
    %mul3A_33 = arith.muli %arg1, %mul3A_32 : i32
    %run_scoped3A_34 = arith.constant 6 : i32
    "tpu.region"() ({
      %run_scoped3A_70 = tpu.sem_alloc : memref<!tpu.dma_semaphore, #tpu.memory_space<semaphore_mem>>
      %dma_start3A = arith.constant 3840 : i32
      %dma_start3A_71 = tpu.memref_slice %arg6[%dma_start3A] : memref<10240xf32, #tpu.memory_space<vmem>> -> memref<640xf32, #tpu.memory_space<vmem>>
      %dma_start3A_72 = tpu.memref_slice %arg8[%run_scoped3A_34, %mul3A_33] : memref<16x10240xf32, #tpu.memory_space<vmem_shared>> -> memref<1x640xf32, #tpu.memory_space<vmem_shared>>
      %dma_start3A_73 = tpu.memref_squeeze %dma_start3A_72 : memref<1x640xf32, #tpu.memory_space<vmem_shared>> -> memref<640xf32, #tpu.memory_space<vmem_shared>>
      %dma_start3A_74 = arith.constant 3840 : i32
      %dma_start3A_75 = tpu.memref_slice %arg6[%dma_start3A_74] : memref<10240xf32, #tpu.memory_space<vmem>> -> memref<640xf32, #tpu.memory_space<vmem>>
      %dma_start3A_76 = tpu.memref_slice %arg8[%run_scoped3A_34, %mul3A_33] : memref<16x10240xf32, #tpu.memory_space<vmem_shared>> -> memref<1x640xf32, #tpu.memory_space<vmem_shared>>
      %dma_start3A_77 = tpu.memref_squeeze %dma_start3A_76 : memref<1x640xf32, #tpu.memory_space<vmem_shared>> -> memref<640xf32, #tpu.memory_space<vmem_shared>>
      tpu.enqueue_dma source(%dma_start3A_77 : memref<640xf32, #tpu.memory_space<vmem_shared>>) target(%dma_start3A_75 : memref<640xf32, #tpu.memory_space<vmem>>) target_semaphore(%run_scoped3A_70 : memref<!tpu.dma_semaphore, #tpu.memory_space<semaphore_mem>>)
      %dma_wait3A = arith.constant 3840 : i32
      %dma_wait3A_78 = tpu.memref_slice %arg6[%dma_wait3A] : memref<10240xf32, #tpu.memory_space<vmem>> -> memref<640xf32, #tpu.memory_space<vmem>>
      %dma_wait3A_79 = tpu.memref_slice %arg8[%run_scoped3A_34, %mul3A_33] : memref<16x10240xf32, #tpu.memory_space<vmem_shared>> -> memref<1x640xf32, #tpu.memory_space<vmem_shared>>
      %dma_wait3A_80 = tpu.memref_squeeze %dma_wait3A_79 : memref<1x640xf32, #tpu.memory_space<vmem_shared>> -> memref<640xf32, #tpu.memory_space<vmem_shared>>
      %dma_wait3A_81 = arith.constant 3840 : i32
      %dma_wait3A_82 = tpu.memref_slice %arg6[%dma_wait3A_81] : memref<10240xf32, #tpu.memory_space<vmem>> -> memref<640xf32, #tpu.memory_space<vmem>>
      %dma_wait3A_83 = tpu.memref_slice %arg8[%run_scoped3A_34, %mul3A_33] : memref<16x10240xf32, #tpu.memory_space<vmem_shared>> -> memref<1x640xf32, #tpu.memory_space<vmem_shared>>
      %dma_wait3A_84 = tpu.memref_squeeze %dma_wait3A_83 : memref<1x640xf32, #tpu.memory_space<vmem_shared>> -> memref<640xf32, #tpu.memory_space<vmem_shared>>
      tpu.wait_dma2 semaphore(%run_scoped3A_70 : memref<!tpu.dma_semaphore, #tpu.memory_space<semaphore_mem>>) src(%dma_wait3A_84 : memref<640xf32, #tpu.memory_space<vmem_shared>>) dst(%dma_wait3A_82 : memref<640xf32, #tpu.memory_space<vmem>>)
      tpu.yield
    }) : () -> ()
    %mul3A_35 = arith.constant 640 : i32
    %mul3A_36 = arith.muli %arg1, %mul3A_35 : i32
    %run_scoped3A_37 = arith.constant 7 : i32
    "tpu.region"() ({
      %run_scoped3A_70 = tpu.sem_alloc : memref<!tpu.dma_semaphore, #tpu.memory_space<semaphore_mem>>
      %dma_start3A = arith.constant 4480 : i32
      %dma_start3A_71 = tpu.memref_slice %arg6[%dma_start3A] : memref<10240xf32, #tpu.memory_space<vmem>> -> memref<640xf32, #tpu.memory_space<vmem>>
      %dma_start3A_72 = tpu.memref_slice %arg8[%run_scoped3A_37, %mul3A_36] : memref<16x10240xf32, #tpu.memory_space<vmem_shared>> -> memref<1x640xf32, #tpu.memory_space<vmem_shared>>
      %dma_start3A_73 = tpu.memref_squeeze %dma_start3A_72 : memref<1x640xf32, #tpu.memory_space<vmem_shared>> -> memref<640xf32, #tpu.memory_space<vmem_shared>>
      %dma_start3A_74 = arith.constant 4480 : i32
      %dma_start3A_75 = tpu.memref_slice %arg6[%dma_start3A_74] : memref<10240xf32, #tpu.memory_space<vmem>> -> memref<640xf32, #tpu.memory_space<vmem>>
      %dma_start3A_76 = tpu.memref_slice %arg8[%run_scoped3A_37, %mul3A_36] : memref<16x10240xf32, #tpu.memory_space<vmem_shared>> -> memref<1x640xf32, #tpu.memory_space<vmem_shared>>
      %dma_start3A_77 = tpu.memref_squeeze %dma_start3A_76 : memref<1x640xf32, #tpu.memory_space<vmem_shared>> -> memref<640xf32, #tpu.memory_space<vmem_shared>>
      tpu.enqueue_dma source(%dma_start3A_77 : memref<640xf32, #tpu.memory_space<vmem_shared>>) target(%dma_start3A_75 : memref<640xf32, #tpu.memory_space<vmem>>) target_semaphore(%run_scoped3A_70 : memref<!tpu.dma_semaphore, #tpu.memory_space<semaphore_mem>>)
      %dma_wait3A = arith.constant 4480 : i32
      %dma_wait3A_78 = tpu.memref_slice %arg6[%dma_wait3A] : memref<10240xf32, #tpu.memory_space<vmem>> -> memref<640xf32, #tpu.memory_space<vmem>>
      %dma_wait3A_79 = tpu.memref_slice %arg8[%run_scoped3A_37, %mul3A_36] : memref<16x10240xf32, #tpu.memory_space<vmem_shared>> -> memref<1x640xf32, #tpu.memory_space<vmem_shared>>
      %dma_wait3A_80 = tpu.memref_squeeze %dma_wait3A_79 : memref<1x640xf32, #tpu.memory_space<vmem_shared>> -> memref<640xf32, #tpu.memory_space<vmem_shared>>
      %dma_wait3A_81 = arith.constant 4480 : i32
      %dma_wait3A_82 = tpu.memref_slice %arg6[%dma_wait3A_81] : memref<10240xf32, #tpu.memory_space<vmem>> -> memref<640xf32, #tpu.memory_space<vmem>>
      %dma_wait3A_83 = tpu.memref_slice %arg8[%run_scoped3A_37, %mul3A_36] : memref<16x10240xf32, #tpu.memory_space<vmem_shared>> -> memref<1x640xf32, #tpu.memory_space<vmem_shared>>
      %dma_wait3A_84 = tpu.memref_squeeze %dma_wait3A_83 : memref<1x640xf32, #tpu.memory_space<vmem_shared>> -> memref<640xf32, #tpu.memory_space<vmem_shared>>
      tpu.wait_dma2 semaphore(%run_scoped3A_70 : memref<!tpu.dma_semaphore, #tpu.memory_space<semaphore_mem>>) src(%dma_wait3A_84 : memref<640xf32, #tpu.memory_space<vmem_shared>>) dst(%dma_wait3A_82 : memref<640xf32, #tpu.memory_space<vmem>>)
      tpu.yield
    }) : () -> ()
    %mul3A_38 = arith.constant 640 : i32
    %mul3A_39 = arith.muli %arg1, %mul3A_38 : i32
    %run_scoped3A_40 = arith.constant 8 : i32
    "tpu.region"() ({
      %run_scoped3A_70 = tpu.sem_alloc : memref<!tpu.dma_semaphore, #tpu.memory_space<semaphore_mem>>
      %dma_start3A = arith.constant 5120 : i32
      %dma_start3A_71 = tpu.memref_slice %arg6[%dma_start3A] : memref<10240xf32, #tpu.memory_space<vmem>> -> memref<640xf32, #tpu.memory_space<vmem>>
      %dma_start3A_72 = tpu.memref_slice %arg8[%run_scoped3A_40, %mul3A_39] : memref<16x10240xf32, #tpu.memory_space<vmem_shared>> -> memref<1x640xf32, #tpu.memory_space<vmem_shared>>
      %dma_start3A_73 = tpu.memref_squeeze %dma_start3A_72 : memref<1x640xf32, #tpu.memory_space<vmem_shared>> -> memref<640xf32, #tpu.memory_space<vmem_shared>>
      %dma_start3A_74 = arith.constant 5120 : i32
      %dma_start3A_75 = tpu.memref_slice %arg6[%dma_start3A_74] : memref<10240xf32, #tpu.memory_space<vmem>> -> memref<640xf32, #tpu.memory_space<vmem>>
      %dma_start3A_76 = tpu.memref_slice %arg8[%run_scoped3A_40, %mul3A_39] : memref<16x10240xf32, #tpu.memory_space<vmem_shared>> -> memref<1x640xf32, #tpu.memory_space<vmem_shared>>
      %dma_start3A_77 = tpu.memref_squeeze %dma_start3A_76 : memref<1x640xf32, #tpu.memory_space<vmem_shared>> -> memref<640xf32, #tpu.memory_space<vmem_shared>>
      tpu.enqueue_dma source(%dma_start3A_77 : memref<640xf32, #tpu.memory_space<vmem_shared>>) target(%dma_start3A_75 : memref<640xf32, #tpu.memory_space<vmem>>) target_semaphore(%run_scoped3A_70 : memref<!tpu.dma_semaphore, #tpu.memory_space<semaphore_mem>>)
      %dma_wait3A = arith.constant 5120 : i32
      %dma_wait3A_78 = tpu.memref_slice %arg6[%dma_wait3A] : memref<10240xf32, #tpu.memory_space<vmem>> -> memref<640xf32, #tpu.memory_space<vmem>>
      %dma_wait3A_79 = tpu.memref_slice %arg8[%run_scoped3A_40, %mul3A_39] : memref<16x10240xf32, #tpu.memory_space<vmem_shared>> -> memref<1x640xf32, #tpu.memory_space<vmem_shared>>
      %dma_wait3A_80 = tpu.memref_squeeze %dma_wait3A_79 : memref<1x640xf32, #tpu.memory_space<vmem_shared>> -> memref<640xf32, #tpu.memory_space<vmem_shared>>
      %dma_wait3A_81 = arith.constant 5120 : i32
      %dma_wait3A_82 = tpu.memref_slice %arg6[%dma_wait3A_81] : memref<10240xf32, #tpu.memory_space<vmem>> -> memref<640xf32, #tpu.memory_space<vmem>>
      %dma_wait3A_83 = tpu.memref_slice %arg8[%run_scoped3A_40, %mul3A_39] : memref<16x10240xf32, #tpu.memory_space<vmem_shared>> -> memref<1x640xf32, #tpu.memory_space<vmem_shared>>
      %dma_wait3A_84 = tpu.memref_squeeze %dma_wait3A_83 : memref<1x640xf32, #tpu.memory_space<vmem_shared>> -> memref<640xf32, #tpu.memory_space<vmem_shared>>
      tpu.wait_dma2 semaphore(%run_scoped3A_70 : memref<!tpu.dma_semaphore, #tpu.memory_space<semaphore_mem>>) src(%dma_wait3A_84 : memref<640xf32, #tpu.memory_space<vmem_shared>>) dst(%dma_wait3A_82 : memref<640xf32, #tpu.memory_space<vmem>>)
      tpu.yield
    }) : () -> ()
    %mul3A_41 = arith.constant 640 : i32
    %mul3A_42 = arith.muli %arg1, %mul3A_41 : i32
    %run_scoped3A_43 = arith.constant 9 : i32
    "tpu.region"() ({
      %run_scoped3A_70 = tpu.sem_alloc : memref<!tpu.dma_semaphore, #tpu.memory_space<semaphore_mem>>
      %dma_start3A = arith.constant 5760 : i32
      %dma_start3A_71 = tpu.memref_slice %arg6[%dma_start3A] : memref<10240xf32, #tpu.memory_space<vmem>> -> memref<640xf32, #tpu.memory_space<vmem>>
      %dma_start3A_72 = tpu.memref_slice %arg8[%run_scoped3A_43, %mul3A_42] : memref<16x10240xf32, #tpu.memory_space<vmem_shared>> -> memref<1x640xf32, #tpu.memory_space<vmem_shared>>
      %dma_start3A_73 = tpu.memref_squeeze %dma_start3A_72 : memref<1x640xf32, #tpu.memory_space<vmem_shared>> -> memref<640xf32, #tpu.memory_space<vmem_shared>>
      %dma_start3A_74 = arith.constant 5760 : i32
      %dma_start3A_75 = tpu.memref_slice %arg6[%dma_start3A_74] : memref<10240xf32, #tpu.memory_space<vmem>> -> memref<640xf32, #tpu.memory_space<vmem>>
      %dma_start3A_76 = tpu.memref_slice %arg8[%run_scoped3A_43, %mul3A_42] : memref<16x10240xf32, #tpu.memory_space<vmem_shared>> -> memref<1x640xf32, #tpu.memory_space<vmem_shared>>
      %dma_start3A_77 = tpu.memref_squeeze %dma_start3A_76 : memref<1x640xf32, #tpu.memory_space<vmem_shared>> -> memref<640xf32, #tpu.memory_space<vmem_shared>>
      tpu.enqueue_dma source(%dma_start3A_77 : memref<640xf32, #tpu.memory_space<vmem_shared>>) target(%dma_start3A_75 : memref<640xf32, #tpu.memory_space<vmem>>) target_semaphore(%run_scoped3A_70 : memref<!tpu.dma_semaphore, #tpu.memory_space<semaphore_mem>>)
      %dma_wait3A = arith.constant 5760 : i32
      %dma_wait3A_78 = tpu.memref_slice %arg6[%dma_wait3A] : memref<10240xf32, #tpu.memory_space<vmem>> -> memref<640xf32, #tpu.memory_space<vmem>>
      %dma_wait3A_79 = tpu.memref_slice %arg8[%run_scoped3A_43, %mul3A_42] : memref<16x10240xf32, #tpu.memory_space<vmem_shared>> -> memref<1x640xf32, #tpu.memory_space<vmem_shared>>
      %dma_wait3A_80 = tpu.memref_squeeze %dma_wait3A_79 : memref<1x640xf32, #tpu.memory_space<vmem_shared>> -> memref<640xf32, #tpu.memory_space<vmem_shared>>
      %dma_wait3A_81 = arith.constant 5760 : i32
      %dma_wait3A_82 = tpu.memref_slice %arg6[%dma_wait3A_81] : memref<10240xf32, #tpu.memory_space<vmem>> -> memref<640xf32, #tpu.memory_space<vmem>>
      %dma_wait3A_83 = tpu.memref_slice %arg8[%run_scoped3A_43, %mul3A_42] : memref<16x10240xf32, #tpu.memory_space<vmem_shared>> -> memref<1x640xf32, #tpu.memory_space<vmem_shared>>
      %dma_wait3A_84 = tpu.memref_squeeze %dma_wait3A_83 : memref<1x640xf32, #tpu.memory_space<vmem_shared>> -> memref<640xf32, #tpu.memory_space<vmem_shared>>
      tpu.wait_dma2 semaphore(%run_scoped3A_70 : memref<!tpu.dma_semaphore, #tpu.memory_space<semaphore_mem>>) src(%dma_wait3A_84 : memref<640xf32, #tpu.memory_space<vmem_shared>>) dst(%dma_wait3A_82 : memref<640xf32, #tpu.memory_space<vmem>>)
      tpu.yield
    }) : () -> ()
    %mul3A_44 = arith.constant 640 : i32
    %mul3A_45 = arith.muli %arg1, %mul3A_44 : i32
    %run_scoped3A_46 = arith.constant 10 : i32
    "tpu.region"() ({
      %run_scoped3A_70 = tpu.sem_alloc : memref<!tpu.dma_semaphore, #tpu.memory_space<semaphore_mem>>
      %dma_start3A = arith.constant 6400 : i32
      %dma_start3A_71 = tpu.memref_slice %arg6[%dma_start3A] : memref<10240xf32, #tpu.memory_space<vmem>> -> memref<640xf32, #tpu.memory_space<vmem>>
      %dma_start3A_72 = tpu.memref_slice %arg8[%run_scoped3A_46, %mul3A_45] : memref<16x10240xf32, #tpu.memory_space<vmem_shared>> -> memref<1x640xf32, #tpu.memory_space<vmem_shared>>
      %dma_start3A_73 = tpu.memref_squeeze %dma_start3A_72 : memref<1x640xf32, #tpu.memory_space<vmem_shared>> -> memref<640xf32, #tpu.memory_space<vmem_shared>>
      %dma_start3A_74 = arith.constant 6400 : i32
      %dma_start3A_75 = tpu.memref_slice %arg6[%dma_start3A_74] : memref<10240xf32, #tpu.memory_space<vmem>> -> memref<640xf32, #tpu.memory_space<vmem>>
      %dma_start3A_76 = tpu.memref_slice %arg8[%run_scoped3A_46, %mul3A_45] : memref<16x10240xf32, #tpu.memory_space<vmem_shared>> -> memref<1x640xf32, #tpu.memory_space<vmem_shared>>
      %dma_start3A_77 = tpu.memref_squeeze %dma_start3A_76 : memref<1x640xf32, #tpu.memory_space<vmem_shared>> -> memref<640xf32, #tpu.memory_space<vmem_shared>>
      tpu.enqueue_dma source(%dma_start3A_77 : memref<640xf32, #tpu.memory_space<vmem_shared>>) target(%dma_start3A_75 : memref<640xf32, #tpu.memory_space<vmem>>) target_semaphore(%run_scoped3A_70 : memref<!tpu.dma_semaphore, #tpu.memory_space<semaphore_mem>>)
      %dma_wait3A = arith.constant 6400 : i32
      %dma_wait3A_78 = tpu.memref_slice %arg6[%dma_wait3A] : memref<10240xf32, #tpu.memory_space<vmem>> -> memref<640xf32, #tpu.memory_space<vmem>>
      %dma_wait3A_79 = tpu.memref_slice %arg8[%run_scoped3A_46, %mul3A_45] : memref<16x10240xf32, #tpu.memory_space<vmem_shared>> -> memref<1x640xf32, #tpu.memory_space<vmem_shared>>
      %dma_wait3A_80 = tpu.memref_squeeze %dma_wait3A_79 : memref<1x640xf32, #tpu.memory_space<vmem_shared>> -> memref<640xf32, #tpu.memory_space<vmem_shared>>
      %dma_wait3A_81 = arith.constant 6400 : i32
      %dma_wait3A_82 = tpu.memref_slice %arg6[%dma_wait3A_81] : memref<10240xf32, #tpu.memory_space<vmem>> -> memref<640xf32, #tpu.memory_space<vmem>>
      %dma_wait3A_83 = tpu.memref_slice %arg8[%run_scoped3A_46, %mul3A_45] : memref<16x10240xf32, #tpu.memory_space<vmem_shared>> -> memref<1x640xf32, #tpu.memory_space<vmem_shared>>
      %dma_wait3A_84 = tpu.memref_squeeze %dma_wait3A_83 : memref<1x640xf32, #tpu.memory_space<vmem_shared>> -> memref<640xf32, #tpu.memory_space<vmem_shared>>
      tpu.wait_dma2 semaphore(%run_scoped3A_70 : memref<!tpu.dma_semaphore, #tpu.memory_space<semaphore_mem>>) src(%dma_wait3A_84 : memref<640xf32, #tpu.memory_space<vmem_shared>>) dst(%dma_wait3A_82 : memref<640xf32, #tpu.memory_space<vmem>>)
      tpu.yield
    }) : () -> ()
    %mul3A_47 = arith.constant 640 : i32
    %mul3A_48 = arith.muli %arg1, %mul3A_47 : i32
    %run_scoped3A_49 = arith.constant 11 : i32
    "tpu.region"() ({
      %run_scoped3A_70 = tpu.sem_alloc : memref<!tpu.dma_semaphore, #tpu.memory_space<semaphore_mem>>
      %dma_start3A = arith.constant 7040 : i32
      %dma_start3A_71 = tpu.memref_slice %arg6[%dma_start3A] : memref<10240xf32, #tpu.memory_space<vmem>> -> memref<640xf32, #tpu.memory_space<vmem>>
      %dma_start3A_72 = tpu.memref_slice %arg8[%run_scoped3A_49, %mul3A_48] : memref<16x10240xf32, #tpu.memory_space<vmem_shared>> -> memref<1x640xf32, #tpu.memory_space<vmem_shared>>
      %dma_start3A_73 = tpu.memref_squeeze %dma_start3A_72 : memref<1x640xf32, #tpu.memory_space<vmem_shared>> -> memref<640xf32, #tpu.memory_space<vmem_shared>>
      %dma_start3A_74 = arith.constant 7040 : i32
      %dma_start3A_75 = tpu.memref_slice %arg6[%dma_start3A_74] : memref<10240xf32, #tpu.memory_space<vmem>> -> memref<640xf32, #tpu.memory_space<vmem>>
      %dma_start3A_76 = tpu.memref_slice %arg8[%run_scoped3A_49, %mul3A_48] : memref<16x10240xf32, #tpu.memory_space<vmem_shared>> -> memref<1x640xf32, #tpu.memory_space<vmem_shared>>
      %dma_start3A_77 = tpu.memref_squeeze %dma_start3A_76 : memref<1x640xf32, #tpu.memory_space<vmem_shared>> -> memref<640xf32, #tpu.memory_space<vmem_shared>>
      tpu.enqueue_dma source(%dma_start3A_77 : memref<640xf32, #tpu.memory_space<vmem_shared>>) target(%dma_start3A_75 : memref<640xf32, #tpu.memory_space<vmem>>) target_semaphore(%run_scoped3A_70 : memref<!tpu.dma_semaphore, #tpu.memory_space<semaphore_mem>>)
      %dma_wait3A = arith.constant 7040 : i32
      %dma_wait3A_78 = tpu.memref_slice %arg6[%dma_wait3A] : memref<10240xf32, #tpu.memory_space<vmem>> -> memref<640xf32, #tpu.memory_space<vmem>>
      %dma_wait3A_79 = tpu.memref_slice %arg8[%run_scoped3A_49, %mul3A_48] : memref<16x10240xf32, #tpu.memory_space<vmem_shared>> -> memref<1x640xf32, #tpu.memory_space<vmem_shared>>
      %dma_wait3A_80 = tpu.memref_squeeze %dma_wait3A_79 : memref<1x640xf32, #tpu.memory_space<vmem_shared>> -> memref<640xf32, #tpu.memory_space<vmem_shared>>
      %dma_wait3A_81 = arith.constant 7040 : i32
      %dma_wait3A_82 = tpu.memref_slice %arg6[%dma_wait3A_81] : memref<10240xf32, #tpu.memory_space<vmem>> -> memref<640xf32, #tpu.memory_space<vmem>>
      %dma_wait3A_83 = tpu.memref_slice %arg8[%run_scoped3A_49, %mul3A_48] : memref<16x10240xf32, #tpu.memory_space<vmem_shared>> -> memref<1x640xf32, #tpu.memory_space<vmem_shared>>
      %dma_wait3A_84 = tpu.memref_squeeze %dma_wait3A_83 : memref<1x640xf32, #tpu.memory_space<vmem_shared>> -> memref<640xf32, #tpu.memory_space<vmem_shared>>
      tpu.wait_dma2 semaphore(%run_scoped3A_70 : memref<!tpu.dma_semaphore, #tpu.memory_space<semaphore_mem>>) src(%dma_wait3A_84 : memref<640xf32, #tpu.memory_space<vmem_shared>>) dst(%dma_wait3A_82 : memref<640xf32, #tpu.memory_space<vmem>>)
      tpu.yield
    }) : () -> ()
    %mul3A_50 = arith.constant 640 : i32
    %mul3A_51 = arith.muli %arg1, %mul3A_50 : i32
    %run_scoped3A_52 = arith.constant 12 : i32
    "tpu.region"() ({
      %run_scoped3A_70 = tpu.sem_alloc : memref<!tpu.dma_semaphore, #tpu.memory_space<semaphore_mem>>
      %dma_start3A = arith.constant 7680 : i32
      %dma_start3A_71 = tpu.memref_slice %arg6[%dma_start3A] : memref<10240xf32, #tpu.memory_space<vmem>> -> memref<640xf32, #tpu.memory_space<vmem>>
      %dma_start3A_72 = tpu.memref_slice %arg8[%run_scoped3A_52, %mul3A_51] : memref<16x10240xf32, #tpu.memory_space<vmem_shared>> -> memref<1x640xf32, #tpu.memory_space<vmem_shared>>
      %dma_start3A_73 = tpu.memref_squeeze %dma_start3A_72 : memref<1x640xf32, #tpu.memory_space<vmem_shared>> -> memref<640xf32, #tpu.memory_space<vmem_shared>>
      %dma_start3A_74 = arith.constant 7680 : i32
      %dma_start3A_75 = tpu.memref_slice %arg6[%dma_start3A_74] : memref<10240xf32, #tpu.memory_space<vmem>> -> memref<640xf32, #tpu.memory_space<vmem>>
      %dma_start3A_76 = tpu.memref_slice %arg8[%run_scoped3A_52, %mul3A_51] : memref<16x10240xf32, #tpu.memory_space<vmem_shared>> -> memref<1x640xf32, #tpu.memory_space<vmem_shared>>
      %dma_start3A_77 = tpu.memref_squeeze %dma_start3A_76 : memref<1x640xf32, #tpu.memory_space<vmem_shared>> -> memref<640xf32, #tpu.memory_space<vmem_shared>>
      tpu.enqueue_dma source(%dma_start3A_77 : memref<640xf32, #tpu.memory_space<vmem_shared>>) target(%dma_start3A_75 : memref<640xf32, #tpu.memory_space<vmem>>) target_semaphore(%run_scoped3A_70 : memref<!tpu.dma_semaphore, #tpu.memory_space<semaphore_mem>>)
      %dma_wait3A = arith.constant 7680 : i32
      %dma_wait3A_78 = tpu.memref_slice %arg6[%dma_wait3A] : memref<10240xf32, #tpu.memory_space<vmem>> -> memref<640xf32, #tpu.memory_space<vmem>>
      %dma_wait3A_79 = tpu.memref_slice %arg8[%run_scoped3A_52, %mul3A_51] : memref<16x10240xf32, #tpu.memory_space<vmem_shared>> -> memref<1x640xf32, #tpu.memory_space<vmem_shared>>
      %dma_wait3A_80 = tpu.memref_squeeze %dma_wait3A_79 : memref<1x640xf32, #tpu.memory_space<vmem_shared>> -> memref<640xf32, #tpu.memory_space<vmem_shared>>
      %dma_wait3A_81 = arith.constant 7680 : i32
      %dma_wait3A_82 = tpu.memref_slice %arg6[%dma_wait3A_81] : memref<10240xf32, #tpu.memory_space<vmem>> -> memref<640xf32, #tpu.memory_space<vmem>>
      %dma_wait3A_83 = tpu.memref_slice %arg8[%run_scoped3A_52, %mul3A_51] : memref<16x10240xf32, #tpu.memory_space<vmem_shared>> -> memref<1x640xf32, #tpu.memory_space<vmem_shared>>
      %dma_wait3A_84 = tpu.memref_squeeze %dma_wait3A_83 : memref<1x640xf32, #tpu.memory_space<vmem_shared>> -> memref<640xf32, #tpu.memory_space<vmem_shared>>
      tpu.wait_dma2 semaphore(%run_scoped3A_70 : memref<!tpu.dma_semaphore, #tpu.memory_space<semaphore_mem>>) src(%dma_wait3A_84 : memref<640xf32, #tpu.memory_space<vmem_shared>>) dst(%dma_wait3A_82 : memref<640xf32, #tpu.memory_space<vmem>>)
      tpu.yield
    }) : () -> ()
    %mul3A_53 = arith.constant 640 : i32
    %mul3A_54 = arith.muli %arg1, %mul3A_53 : i32
    %run_scoped3A_55 = arith.constant 13 : i32
    "tpu.region"() ({
      %run_scoped3A_70 = tpu.sem_alloc : memref<!tpu.dma_semaphore, #tpu.memory_space<semaphore_mem>>
      %dma_start3A = arith.constant 8320 : i32
      %dma_start3A_71 = tpu.memref_slice %arg6[%dma_start3A] : memref<10240xf32, #tpu.memory_space<vmem>> -> memref<640xf32, #tpu.memory_space<vmem>>
      %dma_start3A_72 = tpu.memref_slice %arg8[%run_scoped3A_55, %mul3A_54] : memref<16x10240xf32, #tpu.memory_space<vmem_shared>> -> memref<1x640xf32, #tpu.memory_space<vmem_shared>>
      %dma_start3A_73 = tpu.memref_squeeze %dma_start3A_72 : memref<1x640xf32, #tpu.memory_space<vmem_shared>> -> memref<640xf32, #tpu.memory_space<vmem_shared>>
      %dma_start3A_74 = arith.constant 8320 : i32
      %dma_start3A_75 = tpu.memref_slice %arg6[%dma_start3A_74] : memref<10240xf32, #tpu.memory_space<vmem>> -> memref<640xf32, #tpu.memory_space<vmem>>
      %dma_start3A_76 = tpu.memref_slice %arg8[%run_scoped3A_55, %mul3A_54] : memref<16x10240xf32, #tpu.memory_space<vmem_shared>> -> memref<1x640xf32, #tpu.memory_space<vmem_shared>>
      %dma_start3A_77 = tpu.memref_squeeze %dma_start3A_76 : memref<1x640xf32, #tpu.memory_space<vmem_shared>> -> memref<640xf32, #tpu.memory_space<vmem_shared>>
      tpu.enqueue_dma source(%dma_start3A_77 : memref<640xf32, #tpu.memory_space<vmem_shared>>) target(%dma_start3A_75 : memref<640xf32, #tpu.memory_space<vmem>>) target_semaphore(%run_scoped3A_70 : memref<!tpu.dma_semaphore, #tpu.memory_space<semaphore_mem>>)
      %dma_wait3A = arith.constant 8320 : i32
      %dma_wait3A_78 = tpu.memref_slice %arg6[%dma_wait3A] : memref<10240xf32, #tpu.memory_space<vmem>> -> memref<640xf32, #tpu.memory_space<vmem>>
      %dma_wait3A_79 = tpu.memref_slice %arg8[%run_scoped3A_55, %mul3A_54] : memref<16x10240xf32, #tpu.memory_space<vmem_shared>> -> memref<1x640xf32, #tpu.memory_space<vmem_shared>>
      %dma_wait3A_80 = tpu.memref_squeeze %dma_wait3A_79 : memref<1x640xf32, #tpu.memory_space<vmem_shared>> -> memref<640xf32, #tpu.memory_space<vmem_shared>>
      %dma_wait3A_81 = arith.constant 8320 : i32
      %dma_wait3A_82 = tpu.memref_slice %arg6[%dma_wait3A_81] : memref<10240xf32, #tpu.memory_space<vmem>> -> memref<640xf32, #tpu.memory_space<vmem>>
      %dma_wait3A_83 = tpu.memref_slice %arg8[%run_scoped3A_55, %mul3A_54] : memref<16x10240xf32, #tpu.memory_space<vmem_shared>> -> memref<1x640xf32, #tpu.memory_space<vmem_shared>>
      %dma_wait3A_84 = tpu.memref_squeeze %dma_wait3A_83 : memref<1x640xf32, #tpu.memory_space<vmem_shared>> -> memref<640xf32, #tpu.memory_space<vmem_shared>>
      tpu.wait_dma2 semaphore(%run_scoped3A_70 : memref<!tpu.dma_semaphore, #tpu.memory_space<semaphore_mem>>) src(%dma_wait3A_84 : memref<640xf32, #tpu.memory_space<vmem_shared>>) dst(%dma_wait3A_82 : memref<640xf32, #tpu.memory_space<vmem>>)
      tpu.yield
    }) : () -> ()
    %mul3A_56 = arith.constant 640 : i32
    %mul3A_57 = arith.muli %arg1, %mul3A_56 : i32
    %run_scoped3A_58 = arith.constant 14 : i32
    "tpu.region"() ({
      %run_scoped3A_70 = tpu.sem_alloc : memref<!tpu.dma_semaphore, #tpu.memory_space<semaphore_mem>>
      %dma_start3A = arith.constant 8960 : i32
      %dma_start3A_71 = tpu.memref_slice %arg6[%dma_start3A] : memref<10240xf32, #tpu.memory_space<vmem>> -> memref<640xf32, #tpu.memory_space<vmem>>
      %dma_start3A_72 = tpu.memref_slice %arg8[%run_scoped3A_58, %mul3A_57] : memref<16x10240xf32, #tpu.memory_space<vmem_shared>> -> memref<1x640xf32, #tpu.memory_space<vmem_shared>>
      %dma_start3A_73 = tpu.memref_squeeze %dma_start3A_72 : memref<1x640xf32, #tpu.memory_space<vmem_shared>> -> memref<640xf32, #tpu.memory_space<vmem_shared>>
      %dma_start3A_74 = arith.constant 8960 : i32
      %dma_start3A_75 = tpu.memref_slice %arg6[%dma_start3A_74] : memref<10240xf32, #tpu.memory_space<vmem>> -> memref<640xf32, #tpu.memory_space<vmem>>
      %dma_start3A_76 = tpu.memref_slice %arg8[%run_scoped3A_58, %mul3A_57] : memref<16x10240xf32, #tpu.memory_space<vmem_shared>> -> memref<1x640xf32, #tpu.memory_space<vmem_shared>>
      %dma_start3A_77 = tpu.memref_squeeze %dma_start3A_76 : memref<1x640xf32, #tpu.memory_space<vmem_shared>> -> memref<640xf32, #tpu.memory_space<vmem_shared>>
      tpu.enqueue_dma source(%dma_start3A_77 : memref<640xf32, #tpu.memory_space<vmem_shared>>) target(%dma_start3A_75 : memref<640xf32, #tpu.memory_space<vmem>>) target_semaphore(%run_scoped3A_70 : memref<!tpu.dma_semaphore, #tpu.memory_space<semaphore_mem>>)
      %dma_wait3A = arith.constant 8960 : i32
      %dma_wait3A_78 = tpu.memref_slice %arg6[%dma_wait3A] : memref<10240xf32, #tpu.memory_space<vmem>> -> memref<640xf32, #tpu.memory_space<vmem>>
      %dma_wait3A_79 = tpu.memref_slice %arg8[%run_scoped3A_58, %mul3A_57] : memref<16x10240xf32, #tpu.memory_space<vmem_shared>> -> memref<1x640xf32, #tpu.memory_space<vmem_shared>>
      %dma_wait3A_80 = tpu.memref_squeeze %dma_wait3A_79 : memref<1x640xf32, #tpu.memory_space<vmem_shared>> -> memref<640xf32, #tpu.memory_space<vmem_shared>>
      %dma_wait3A_81 = arith.constant 8960 : i32
      %dma_wait3A_82 = tpu.memref_slice %arg6[%dma_wait3A_81] : memref<10240xf32, #tpu.memory_space<vmem>> -> memref<640xf32, #tpu.memory_space<vmem>>
      %dma_wait3A_83 = tpu.memref_slice %arg8[%run_scoped3A_58, %mul3A_57] : memref<16x10240xf32, #tpu.memory_space<vmem_shared>> -> memref<1x640xf32, #tpu.memory_space<vmem_shared>>
      %dma_wait3A_84 = tpu.memref_squeeze %dma_wait3A_83 : memref<1x640xf32, #tpu.memory_space<vmem_shared>> -> memref<640xf32, #tpu.memory_space<vmem_shared>>
      tpu.wait_dma2 semaphore(%run_scoped3A_70 : memref<!tpu.dma_semaphore, #tpu.memory_space<semaphore_mem>>) src(%dma_wait3A_84 : memref<640xf32, #tpu.memory_space<vmem_shared>>) dst(%dma_wait3A_82 : memref<640xf32, #tpu.memory_space<vmem>>)
      tpu.yield
    }) : () -> ()
    %mul3A_59 = arith.constant 640 : i32
    %mul3A_60 = arith.muli %arg1, %mul3A_59 : i32
    %run_scoped3A_61 = arith.constant 15 : i32
    "tpu.region"() ({
      %run_scoped3A_70 = tpu.sem_alloc : memref<!tpu.dma_semaphore, #tpu.memory_space<semaphore_mem>>
      %dma_start3A = arith.constant 9600 : i32
      %dma_start3A_71 = tpu.memref_slice %arg6[%dma_start3A] : memref<10240xf32, #tpu.memory_space<vmem>> -> memref<640xf32, #tpu.memory_space<vmem>>
      %dma_start3A_72 = tpu.memref_slice %arg8[%run_scoped3A_61, %mul3A_60] : memref<16x10240xf32, #tpu.memory_space<vmem_shared>> -> memref<1x640xf32, #tpu.memory_space<vmem_shared>>
      %dma_start3A_73 = tpu.memref_squeeze %dma_start3A_72 : memref<1x640xf32, #tpu.memory_space<vmem_shared>> -> memref<640xf32, #tpu.memory_space<vmem_shared>>
      %dma_start3A_74 = arith.constant 9600 : i32
      %dma_start3A_75 = tpu.memref_slice %arg6[%dma_start3A_74] : memref<10240xf32, #tpu.memory_space<vmem>> -> memref<640xf32, #tpu.memory_space<vmem>>
      %dma_start3A_76 = tpu.memref_slice %arg8[%run_scoped3A_61, %mul3A_60] : memref<16x10240xf32, #tpu.memory_space<vmem_shared>> -> memref<1x640xf32, #tpu.memory_space<vmem_shared>>
      %dma_start3A_77 = tpu.memref_squeeze %dma_start3A_76 : memref<1x640xf32, #tpu.memory_space<vmem_shared>> -> memref<640xf32, #tpu.memory_space<vmem_shared>>
      tpu.enqueue_dma source(%dma_start3A_77 : memref<640xf32, #tpu.memory_space<vmem_shared>>) target(%dma_start3A_75 : memref<640xf32, #tpu.memory_space<vmem>>) target_semaphore(%run_scoped3A_70 : memref<!tpu.dma_semaphore, #tpu.memory_space<semaphore_mem>>)
      %dma_wait3A = arith.constant 9600 : i32
      %dma_wait3A_78 = tpu.memref_slice %arg6[%dma_wait3A] : memref<10240xf32, #tpu.memory_space<vmem>> -> memref<640xf32, #tpu.memory_space<vmem>>
      %dma_wait3A_79 = tpu.memref_slice %arg8[%run_scoped3A_61, %mul3A_60] : memref<16x10240xf32, #tpu.memory_space<vmem_shared>> -> memref<1x640xf32, #tpu.memory_space<vmem_shared>>
      %dma_wait3A_80 = tpu.memref_squeeze %dma_wait3A_79 : memref<1x640xf32, #tpu.memory_space<vmem_shared>> -> memref<640xf32, #tpu.memory_space<vmem_shared>>
      %dma_wait3A_81 = arith.constant 9600 : i32
      %dma_wait3A_82 = tpu.memref_slice %arg6[%dma_wait3A_81] : memref<10240xf32, #tpu.memory_space<vmem>> -> memref<640xf32, #tpu.memory_space<vmem>>
      %dma_wait3A_83 = tpu.memref_slice %arg8[%run_scoped3A_61, %mul3A_60] : memref<16x10240xf32, #tpu.memory_space<vmem_shared>> -> memref<1x640xf32, #tpu.memory_space<vmem_shared>>
      %dma_wait3A_84 = tpu.memref_squeeze %dma_wait3A_83 : memref<1x640xf32, #tpu.memory_space<vmem_shared>> -> memref<640xf32, #tpu.memory_space<vmem_shared>>
      tpu.wait_dma2 semaphore(%run_scoped3A_70 : memref<!tpu.dma_semaphore, #tpu.memory_space<semaphore_mem>>) src(%dma_wait3A_84 : memref<640xf32, #tpu.memory_space<vmem_shared>>) dst(%dma_wait3A_82 : memref<640xf32, #tpu.memory_space<vmem>>)
      tpu.yield
    }) : () -> ()
    %scan3A_62 = arith.constant 0 : i32
    %scan3A_63 = arith.constant 0 : i32
    %scan3A_64 = arith.constant 40 : i32
    %scan3A_65 = arith.addi %scan3A_63, %scan3A_64 : i32
    %scan3A_66 = arith.constant 1 : i32
    scf.for %scan3A_70 = %scan3A_63 to %scan3A_65 step %scan3A_66  : i32 {
      %mul3A_71 = arith.constant 16 : i32
      %mul3A_72 = arith.muli %scan3A_70, %mul3A_71 : i32
      %get3A = arith.index_cast %mul3A_72 : i32 to index
      %get3A_73 = tpu.vector_load %arg6[%get3A] {strides = array<i32>} : memref<10240xf32, #tpu.memory_space<vmem>>, vector<16xf32>,
      %mul3A_74 = arith.constant 16 : i32
      %mul3A_75 = arith.muli %scan3A_70, %mul3A_74 : i32
      %add3A_76 = arith.constant 640 : i32
      %add3A_77 = arith.addi %add3A_76, %mul3A_75 : i32
      %get3A_78 = arith.index_cast %add3A_77 : i32 to index
      %get3A_79 = tpu.vector_load %arg6[%get3A_78] {strides = array<i32>} : memref<10240xf32, #tpu.memory_space<vmem>>, vector<16xf32>,
      %add3A_80 = arith.addf %get3A_73, %get3A_79 : vector<16xf32>
      %mul3A_81 = arith.constant 16 : i32
      %mul3A_82 = arith.muli %scan3A_70, %mul3A_81 : i32
      %add3A_83 = arith.constant 1280 : i32
      %add3A_84 = arith.addi %add3A_83, %mul3A_82 : i32
      %get3A_85 = arith.index_cast %add3A_84 : i32 to index
      %get3A_86 = tpu.vector_load %arg6[%get3A_85] {strides = array<i32>} : memref<10240xf32, #tpu.memory_space<vmem>>, vector<16xf32>,
      %add3A_87 = arith.addf %add3A_80, %get3A_86 : vector<16xf32>
      %mul3A_88 = arith.constant 16 : i32
      %mul3A_89 = arith.muli %scan3A_70, %mul3A_88 : i32
      %add3A_90 = arith.constant 1920 : i32
      %add3A_91 = arith.addi %add3A_90, %mul3A_89 : i32
      %get3A_92 = arith.index_cast %add3A_91 : i32 to index
      %get3A_93 = tpu.vector_load %arg6[%get3A_92] {strides = array<i32>} : memref<10240xf32, #tpu.memory_space<vmem>>, vector<16xf32>,
      %add3A_94 = arith.addf %add3A_87, %get3A_93 : vector<16xf32>
      %mul3A_95 = arith.constant 16 : i32
      %mul3A_96 = arith.muli %scan3A_70, %mul3A_95 : i32
      %add3A_97 = arith.constant 2560 : i32
      %add3A_98 = arith.addi %add3A_97, %mul3A_96 : i32
      %get3A_99 = arith.index_cast %add3A_98 : i32 to index
      %get3A_100 = tpu.vector_load %arg6[%get3A_99] {strides = array<i32>} : memref<10240xf32, #tpu.memory_space<vmem>>, vector<16xf32>,
      %add3A_101 = arith.addf %add3A_94, %get3A_100 : vector<16xf32>
      %mul3A_102 = arith.constant 16 : i32
      %mul3A_103 = arith.muli %scan3A_70, %mul3A_102 : i32
      %add3A_104 = arith.constant 3200 : i32
      %add3A_105 = arith.addi %add3A_104, %mul3A_103 : i32
      %get3A_106 = arith.index_cast %add3A_105 : i32 to index
      %get3A_107 = tpu.vector_load %arg6[%get3A_106] {strides = array<i32>} : memref<10240xf32, #tpu.memory_space<vmem>>, vector<16xf32>,
      %add3A_108 = arith.addf %add3A_101, %get3A_107 : vector<16xf32>
      %mul3A_109 = arith.constant 16 : i32
      %mul3A_110 = arith.muli %scan3A_70, %mul3A_109 : i32
      %add3A_111 = arith.constant 3840 : i32
      %add3A_112 = arith.addi %add3A_111, %mul3A_110 : i32
      %get3A_113 = arith.index_cast %add3A_112 : i32 to index
      %get3A_114 = tpu.vector_load %arg6[%get3A_113] {strides = array<i32>} : memref<10240xf32, #tpu.memory_space<vmem>>, vector<16xf32>,
      %add3A_115 = arith.addf %add3A_108, %get3A_114 : vector<16xf32>
      %mul3A_116 = arith.constant 16 : i32
      %mul3A_117 = arith.muli %scan3A_70, %mul3A_116 : i32
      %add3A_118 = arith.constant 4480 : i32
      %add3A_119 = arith.addi %add3A_118, %mul3A_117 : i32
      %get3A_120 = arith.index_cast %add3A_119 : i32 to index
      %get3A_121 = tpu.vector_load %arg6[%get3A_120] {strides = array<i32>} : memref<10240xf32, #tpu.memory_space<vmem>>, vector<16xf32>,
      %add3A_122 = arith.addf %add3A_115, %get3A_121 : vector<16xf32>
      %mul3A_123 = arith.constant 16 : i32
      %mul3A_124 = arith.muli %scan3A_70, %mul3A_123 : i32
      %add3A_125 = arith.constant 5120 : i32
      %add3A_126 = arith.addi %add3A_125, %mul3A_124 : i32
      %get3A_127 = arith.index_cast %add3A_126 : i32 to index
      %get3A_128 = tpu.vector_load %arg6[%get3A_127] {strides = array<i32>} : memref<10240xf32, #tpu.memory_space<vmem>>, vector<16xf32>,
      %add3A_129 = arith.addf %add3A_122, %get3A_128 : vector<16xf32>
      %mul3A_130 = arith.constant 16 : i32
      %mul3A_131 = arith.muli %scan3A_70, %mul3A_130 : i32
      %add3A_132 = arith.constant 5760 : i32
      %add3A_133 = arith.addi %add3A_132, %mul3A_131 : i32
      %get3A_134 = arith.index_cast %add3A_133 : i32 to index
      %get3A_135 = tpu.vector_load %arg6[%get3A_134] {strides = array<i32>} : memref<10240xf32, #tpu.memory_space<vmem>>, vector<16xf32>,
      %add3A_136 = arith.addf %add3A_129, %get3A_135 : vector<16xf32>
      %mul3A_137 = arith.constant 16 : i32
      %mul3A_138 = arith.muli %scan3A_70, %mul3A_137 : i32
      %add3A_139 = arith.constant 6400 : i32
      %add3A_140 = arith.addi %add3A_139, %mul3A_138 : i32
      %get3A_141 = arith.index_cast %add3A_140 : i32 to index
      %get3A_142 = tpu.vector_load %arg6[%get3A_141] {strides = array<i32>} : memref<10240xf32, #tpu.memory_space<vmem>>, vector<16xf32>,
      %add3A_143 = arith.addf %add3A_136, %get3A_142 : vector<16xf32>
      %mul3A_144 = arith.constant 16 : i32
      %mul3A_145 = arith.muli %scan3A_70, %mul3A_144 : i32
      %add3A_146 = arith.constant 7040 : i32
      %add3A_147 = arith.addi %add3A_146, %mul3A_145 : i32
      %get3A_148 = arith.index_cast %add3A_147 : i32 to index
      %get3A_149 = tpu.vector_load %arg6[%get3A_148] {strides = array<i32>} : memref<10240xf32, #tpu.memory_space<vmem>>, vector<16xf32>,
      %add3A_150 = arith.addf %add3A_143, %get3A_149 : vector<16xf32>
      %mul3A_151 = arith.constant 16 : i32
      %mul3A_152 = arith.muli %scan3A_70, %mul3A_151 : i32
      %add3A_153 = arith.constant 7680 : i32
      %add3A_154 = arith.addi %add3A_153, %mul3A_152 : i32
      %get3A_155 = arith.index_cast %add3A_154 : i32 to index
      %get3A_156 = tpu.vector_load %arg6[%get3A_155] {strides = array<i32>} : memref<10240xf32, #tpu.memory_space<vmem>>, vector<16xf32>,
      %add3A_157 = arith.addf %add3A_150, %get3A_156 : vector<16xf32>
      %mul3A_158 = arith.constant 16 : i32
      %mul3A_159 = arith.muli %scan3A_70, %mul3A_158 : i32
      %add3A_160 = arith.constant 8320 : i32
      %add3A_161 = arith.addi %add3A_160, %mul3A_159 : i32
      %get3A_162 = arith.index_cast %add3A_161 : i32 to index
      %get3A_163 = tpu.vector_load %arg6[%get3A_162] {strides = array<i32>} : memref<10240xf32, #tpu.memory_space<vmem>>, vector<16xf32>,
      %add3A_164 = arith.addf %add3A_157, %get3A_163 : vector<16xf32>
      %mul3A_165 = arith.constant 16 : i32
      %mul3A_166 = arith.muli %scan3A_70, %mul3A_165 : i32
      %add3A_167 = arith.constant 8960 : i32
      %add3A_168 = arith.addi %add3A_167, %mul3A_166 : i32
      %get3A_169 = arith.index_cast %add3A_168 : i32 to index
      %get3A_170 = tpu.vector_load %arg6[%get3A_169] {strides = array<i32>} : memref<10240xf32, #tpu.memory_space<vmem>>, vector<16xf32>,
      %add3A_171 = arith.addf %add3A_164, %get3A_170 : vector<16xf32>
      %mul3A_172 = arith.constant 16 : i32
      %mul3A_173 = arith.muli %scan3A_70, %mul3A_172 : i32
      %add3A_174 = arith.constant 9600 : i32
      %add3A_175 = arith.addi %add3A_174, %mul3A_173 : i32
      %get3A_176 = arith.index_cast %add3A_175 : i32 to index
      %get3A_177 = tpu.vector_load %arg6[%get3A_176] {strides = array<i32>} : memref<10240xf32, #tpu.memory_space<vmem>>, vector<16xf32>,
      %add3A_178 = arith.addf %add3A_171, %get3A_177 : vector<16xf32>
      %mul3A_179 = arith.constant 16 : i32
      %mul3A_180 = arith.muli %scan3A_70, %mul3A_179 : i32
      %swap3A = arith.index_cast %mul3A_180 : i32 to index
      %swap3A_181 = tpu.vector_load %arg7[%swap3A] {strides = array<i32>} : memref<640xf32, #tpu.memory_space<vmem>>, vector<16xf32>,
      tpu.vector_store %arg7[%swap3A], %add3A_178 {strides = array<i32>} : memref<640xf32, #tpu.memory_space<vmem>>, vector<16xf32>,
    }
    %scan3A_67 = arith.constant 40 : i32
    %mul3A_68 = arith.constant 640 : i32
    %mul3A_69 = arith.muli %arg1, %mul3A_68 : i32
    "tpu.region"() ({
      %run_scoped3A_70 = tpu.sem_alloc : memref<!tpu.dma_semaphore, #tpu.memory_space<semaphore_mem>>
      %dma_start3A = tpu.memref_slice %arg3[%arg0, %mul3A_69] : memref<2x10240xf32, #tpu.memory_space<hbm>> -> memref<1x640xf32, #tpu.memory_space<hbm>>
      %dma_start3A_71 = tpu.memref_squeeze %dma_start3A : memref<1x640xf32, #tpu.memory_space<hbm>> -> memref<640xf32, #tpu.memory_space<hbm>>
      %dma_start3A_72 = tpu.memref_slice %arg3[%arg0, %mul3A_69] : memref<2x10240xf32, #tpu.memory_space<hbm>> -> memref<1x640xf32, #tpu.memory_space<hbm>>
      %dma_start3A_73 = tpu.memref_squeeze %dma_start3A_72 : memref<1x640xf32, #tpu.memory_space<hbm>> -> memref<640xf32, #tpu.memory_space<hbm>>
      tpu.enqueue_dma source(%arg7 : memref<640xf32, #tpu.memory_space<vmem>>) target(%dma_start3A_73 : memref<640xf32, #tpu.memory_space<hbm>>) target_semaphore(%run_scoped3A_70 : memref<!tpu.dma_semaphore, #tpu.memory_space<semaphore_mem>>)
      %dma_wait3A = tpu.memref_slice %arg3[%arg0, %mul3A_69] : memref<2x10240xf32, #tpu.memory_space<hbm>> -> memref<1x640xf32, #tpu.memory_space<hbm>>
      %dma_wait3A_74 = tpu.memref_squeeze %dma_wait3A : memref<1x640xf32, #tpu.memory_space<hbm>> -> memref<640xf32, #tpu.memory_space<hbm>>
      %dma_wait3A_75 = tpu.memref_slice %arg3[%arg0, %mul3A_69] : memref<2x10240xf32, #tpu.memory_space<hbm>> -> memref<1x640xf32, #tpu.memory_space<hbm>>
      %dma_wait3A_76 = tpu.memref_squeeze %dma_wait3A_75 : memref<1x640xf32, #tpu.memory_space<hbm>> -> memref<640xf32, #tpu.memory_space<hbm>>
      tpu.wait_dma2 semaphore(%run_scoped3A_70 : memref<!tpu.dma_semaphore, #tpu.memory_space<semaphore_mem>>) src(%arg7 : memref<640xf32, #tpu.memory_space<vmem>>) dst(%dma_wait3A_76 : memref<640xf32, #tpu.memory_space<hbm>>)
      tpu.yield
    }) : () -> ()
    return
  }
}

#map = affine_map<(d0, d1) -> (0)>
#map1 = affine_map<(d0, d1) -> (0, 0)>
module attributes {stable_mosaic.version = 14 : i64} {
  func.func @_sagg_body(%arg0: i32, %arg1: i32, %arg2: memref<163840xi32, #tpu.memory_space<hbm>>, %arg3: memref<163840xi32, #tpu.memory_space<hbm>>, %arg4: memref<8x10240xf32, #tpu.memory_space<hbm>>, %arg5: memref<2x10240xf32, #tpu.memory_space<hbm>>, %arg6: memref<5120xi32, #tpu.memory_space<vmem>>, %arg7: memref<5120xi32, #tpu.memory_space<vmem>>, %arg8: memref<10240xf32, #tpu.memory_space<vmem>>, %arg9: memref<10240xf32, #tpu.memory_space<vmem>>, %arg10: memref<10240xf32, #tpu.memory_space<vmem>>, %arg11: memref<640xf32, #tpu.memory_space<vmem>>, %arg12: memref<16x10240xf32, #tpu.memory_space<vmem_shared>>) attributes {dimension_semantics = [#tpu.dimension_semantics<core_parallel>, #tpu.dimension_semantics<subcore_parallel>], iteration_bounds = array<i64: 2, 16>, scalar_prefetch = 0 : i64, scratch_operands = 7 : i64, tpu.core_type = #tpu.core_type<sc_vector_subcore>, window_params = [{transform_indices = #map}, {transform_indices = #map}, {transform_indices = #map1}, {transform_indices = #map1}]} {
    %mul3A = arith.constant 16 : i32
    %mul3A_0 = arith.muli %arg0, %mul3A : i32
    %add3A = arith.addi %mul3A_0, %arg1 : i32
    %mul3A_1 = arith.constant 5120 : i32
    %mul3A_2 = arith.muli %add3A, %mul3A_1 : i32
    %run_scoped3A = arith.constant 0 : i32
    "tpu.region"() ({
      %run_scoped3A_72 = tpu.sem_alloc : memref<!tpu.dma_semaphore, #tpu.memory_space<semaphore_mem>>
      %dma_start3A = arith.constant 0 : i32
      %dma_start3A_73 = tpu.memref_slice %arg4[%run_scoped3A, %dma_start3A] : memref<8x10240xf32, #tpu.memory_space<hbm>> -> memref<1x10240xf32, #tpu.memory_space<hbm>>
      %dma_start3A_74 = tpu.memref_squeeze %dma_start3A_73 : memref<1x10240xf32, #tpu.memory_space<hbm>> -> memref<10240xf32, #tpu.memory_space<hbm>>
      %dma_start3A_75 = arith.constant 0 : i32
      %dma_start3A_76 = tpu.memref_slice %arg4[%run_scoped3A, %dma_start3A_75] : memref<8x10240xf32, #tpu.memory_space<hbm>> -> memref<1x10240xf32, #tpu.memory_space<hbm>>
      %dma_start3A_77 = tpu.memref_squeeze %dma_start3A_76 : memref<1x10240xf32, #tpu.memory_space<hbm>> -> memref<10240xf32, #tpu.memory_space<hbm>>
      tpu.enqueue_dma source(%dma_start3A_77 : memref<10240xf32, #tpu.memory_space<hbm>>) target(%arg8 : memref<10240xf32, #tpu.memory_space<vmem>>) target_semaphore(%run_scoped3A_72 : memref<!tpu.dma_semaphore, #tpu.memory_space<semaphore_mem>>)
      %dma_wait3A = arith.constant 0 : i32
      %dma_wait3A_78 = tpu.memref_slice %arg4[%run_scoped3A, %dma_wait3A] : memref<8x10240xf32, #tpu.memory_space<hbm>> -> memref<1x10240xf32, #tpu.memory_space<hbm>>
      %dma_wait3A_79 = tpu.memref_squeeze %dma_wait3A_78 : memref<1x10240xf32, #tpu.memory_space<hbm>> -> memref<10240xf32, #tpu.memory_space<hbm>>
      %dma_wait3A_80 = arith.constant 0 : i32
      %dma_wait3A_81 = tpu.memref_slice %arg4[%run_scoped3A, %dma_wait3A_80] : memref<8x10240xf32, #tpu.memory_space<hbm>> -> memref<1x10240xf32, #tpu.memory_space<hbm>>
      %dma_wait3A_82 = tpu.memref_squeeze %dma_wait3A_81 : memref<1x10240xf32, #tpu.memory_space<hbm>> -> memref<10240xf32, #tpu.memory_space<hbm>>
      tpu.wait_dma2 semaphore(%run_scoped3A_72 : memref<!tpu.dma_semaphore, #tpu.memory_space<semaphore_mem>>) src(%dma_wait3A_82 : memref<10240xf32, #tpu.memory_space<hbm>>) dst(%arg8 : memref<10240xf32, #tpu.memory_space<vmem>>)
      tpu.yield
    }) : () -> ()
    "tpu.region"() ({
      %run_scoped3A_72 = tpu.sem_alloc : memref<!tpu.dma_semaphore, #tpu.memory_space<semaphore_mem>>
      %dma_start3A = tpu.memref_slice %arg2[%mul3A_2] : memref<163840xi32, #tpu.memory_space<hbm>> -> memref<5120xi32, #tpu.memory_space<hbm>>
      %dma_start3A_73 = tpu.memref_slice %arg2[%mul3A_2] : memref<163840xi32, #tpu.memory_space<hbm>> -> memref<5120xi32, #tpu.memory_space<hbm>>
      tpu.enqueue_dma source(%dma_start3A_73 : memref<5120xi32, #tpu.memory_space<hbm>>) target(%arg6 : memref<5120xi32, #tpu.memory_space<vmem>>) target_semaphore(%run_scoped3A_72 : memref<!tpu.dma_semaphore, #tpu.memory_space<semaphore_mem>>)
      %dma_wait3A = tpu.memref_slice %arg2[%mul3A_2] : memref<163840xi32, #tpu.memory_space<hbm>> -> memref<5120xi32, #tpu.memory_space<hbm>>
      %dma_wait3A_74 = tpu.memref_slice %arg2[%mul3A_2] : memref<163840xi32, #tpu.memory_space<hbm>> -> memref<5120xi32, #tpu.memory_space<hbm>>
      tpu.wait_dma2 semaphore(%run_scoped3A_72 : memref<!tpu.dma_semaphore, #tpu.memory_space<semaphore_mem>>) src(%dma_wait3A_74 : memref<5120xi32, #tpu.memory_space<hbm>>) dst(%arg6 : memref<5120xi32, #tpu.memory_space<vmem>>)
      tpu.yield
    }) : () -> ()
    "tpu.region"() ({
      %run_scoped3A_72 = tpu.sem_alloc : memref<!tpu.dma_semaphore, #tpu.memory_space<semaphore_mem>>
      %dma_start3A = tpu.memref_slice %arg3[%mul3A_2] : memref<163840xi32, #tpu.memory_space<hbm>> -> memref<5120xi32, #tpu.memory_space<hbm>>
      %dma_start3A_73 = tpu.memref_slice %arg3[%mul3A_2] : memref<163840xi32, #tpu.memory_space<hbm>> -> memref<5120xi32, #tpu.memory_space<hbm>>
      tpu.enqueue_dma source(%dma_start3A_73 : memref<5120xi32, #tpu.memory_space<hbm>>) target(%arg7 : memref<5120xi32, #tpu.memory_space<vmem>>) target_semaphore(%run_scoped3A_72 : memref<!tpu.dma_semaphore, #tpu.memory_space<semaphore_mem>>)
      %dma_wait3A = tpu.memref_slice %arg3[%mul3A_2] : memref<163840xi32, #tpu.memory_space<hbm>> -> memref<5120xi32, #tpu.memory_space<hbm>>
      %dma_wait3A_74 = tpu.memref_slice %arg3[%mul3A_2] : memref<163840xi32, #tpu.memory_space<hbm>> -> memref<5120xi32, #tpu.memory_space<hbm>>
      tpu.wait_dma2 semaphore(%run_scoped3A_72 : memref<!tpu.dma_semaphore, #tpu.memory_space<semaphore_mem>>) src(%dma_wait3A_74 : memref<5120xi32, #tpu.memory_space<hbm>>) dst(%arg7 : memref<5120xi32, #tpu.memory_space<vmem>>)
      tpu.yield
    }) : () -> ()
    %eq3A = arith.constant 0 : i32
    %eq3A_3 = arith.cmpi eq, %arg0, %eq3A : i32
    %eq3A_4 = arith.constant 0 : i32
    %eq3A_5 = arith.cmpi eq, %arg1, %eq3A_4 : i32
    %and3A = arith.andi %eq3A_3, %eq3A_5 : i1
    %convert_element_type3A = arith.extui %and3A : i1 to i32
    %cond3A = arith.constant 0 : i32
    %cond3A_6 = arith.cmpi ne, %convert_element_type3A, %cond3A : i32
    scf.if %cond3A_6 {
      %run_scoped3A_72 = arith.constant 0 : i32
      "tpu.region"() ({
        %run_scoped3A_73 = tpu.sem_alloc : memref<!tpu.dma_semaphore, #tpu.memory_space<semaphore_mem>>
        %dma_start3A = arith.constant 0 : i32
        %dma_start3A_74 = tpu.memref_slice %arg4[%run_scoped3A_72, %dma_start3A] : memref<8x10240xf32, #tpu.memory_space<hbm>> -> memref<1x10240xf32, #tpu.memory_space<hbm>>
        %dma_start3A_75 = tpu.memref_squeeze %dma_start3A_74 : memref<1x10240xf32, #tpu.memory_space<hbm>> -> memref<10240xf32, #tpu.memory_space<hbm>>
        %dma_start3A_76 = arith.constant 0 : i32
        %dma_start3A_77 = tpu.memref_slice %arg4[%run_scoped3A_72, %dma_start3A_76] : memref<8x10240xf32, #tpu.memory_space<hbm>> -> memref<1x10240xf32, #tpu.memory_space<hbm>>
        %dma_start3A_78 = tpu.memref_squeeze %dma_start3A_77 : memref<1x10240xf32, #tpu.memory_space<hbm>> -> memref<10240xf32, #tpu.memory_space<hbm>>
        tpu.enqueue_dma source(%dma_start3A_78 : memref<10240xf32, #tpu.memory_space<hbm>>) target(%arg9 : memref<10240xf32, #tpu.memory_space<vmem>>) target_semaphore(%run_scoped3A_73 : memref<!tpu.dma_semaphore, #tpu.memory_space<semaphore_mem>>)
        %dma_wait3A = arith.constant 0 : i32
        %dma_wait3A_79 = tpu.memref_slice %arg4[%run_scoped3A_72, %dma_wait3A] : memref<8x10240xf32, #tpu.memory_space<hbm>> -> memref<1x10240xf32, #tpu.memory_space<hbm>>
        %dma_wait3A_80 = tpu.memref_squeeze %dma_wait3A_79 : memref<1x10240xf32, #tpu.memory_space<hbm>> -> memref<10240xf32, #tpu.memory_space<hbm>>
        %dma_wait3A_81 = arith.constant 0 : i32
        %dma_wait3A_82 = tpu.memref_slice %arg4[%run_scoped3A_72, %dma_wait3A_81] : memref<8x10240xf32, #tpu.memory_space<hbm>> -> memref<1x10240xf32, #tpu.memory_space<hbm>>
        %dma_wait3A_83 = tpu.memref_squeeze %dma_wait3A_82 : memref<1x10240xf32, #tpu.memory_space<hbm>> -> memref<10240xf32, #tpu.memory_space<hbm>>
        tpu.wait_dma2 semaphore(%run_scoped3A_73 : memref<!tpu.dma_semaphore, #tpu.memory_space<semaphore_mem>>) src(%dma_wait3A_83 : memref<10240xf32, #tpu.memory_space<hbm>>) dst(%arg9 : memref<10240xf32, #tpu.memory_space<vmem>>)
        tpu.yield
      }) : () -> ()
    } else {
    }
    %not3A = arith.constant true
    %not3A_7 = arith.xori %and3A, %not3A : i1
    %convert_element_type3A_8 = arith.extui %not3A_7 : i1 to i32
    %cond3A_9 = arith.constant 0 : i32
    %cond3A_10 = arith.cmpi ne, %convert_element_type3A_8, %cond3A_9 : i32
    scf.if %cond3A_10 {
      %scan3A_72 = arith.constant 0 : i32
      %scan3A_73 = arith.constant 0 : i32
      %scan3A_74 = arith.constant 640 : i32
      %scan3A_75 = arith.addi %scan3A_73, %scan3A_74 : i32
      %scan3A_76 = arith.constant 1 : i32
      scf.for %scan3A_78 = %scan3A_73 to %scan3A_75 step %scan3A_76  : i32 {
        %broadcast_in_dim3A = arith.constant 0.000000e+00 : f32
        %broadcast_in_dim3A_79 = vector.broadcast %broadcast_in_dim3A : f32 to vector<16xf32>
        %mul3A_80 = arith.constant 16 : i32
        %mul3A_81 = arith.muli %scan3A_78, %mul3A_80 : i32
        %swap3A = arith.index_cast %mul3A_81 : i32 to index
        %swap3A_82 = tpu.vector_load %arg9[%swap3A] {strides = array<i32>} : memref<10240xf32, #tpu.memory_space<vmem>>, vector<16xf32>,
        tpu.vector_store %arg9[%swap3A], %broadcast_in_dim3A_79 {strides = array<i32>} : memref<10240xf32, #tpu.memory_space<vmem>>, vector<16xf32>,
      }
      %scan3A_77 = arith.constant 640 : i32
    } else {
    }
    %scan3A = arith.constant 0 : i32
    %scan3A_11 = arith.constant 0 : i32
    %scan3A_12 = arith.constant 320 : i32
    %scan3A_13 = arith.addi %scan3A_11, %scan3A_12 : i32
    %scan3A_14 = arith.constant 1 : i32
    scf.for %scan3A_72 = %scan3A_11 to %scan3A_13 step %scan3A_14  : i32 {
      %mul3A_73 = arith.constant 16 : i32
      %mul3A_74 = arith.muli %scan3A_72, %mul3A_73 : i32
      %get3A = arith.index_cast %mul3A_74 : i32 to index
      %get3A_75 = tpu.vector_load %arg6[%get3A] {strides = array<i32>} : memref<5120xi32, #tpu.memory_space<vmem>>, vector<16xi32>,
      %get3A_76 = arith.index_cast %mul3A_74 : i32 to index
      %get3A_77 = tpu.vector_load %arg7[%get3A_76] {strides = array<i32>} : memref<5120xi32, #tpu.memory_space<vmem>>, vector<16xi32>,
      %gather3A = tpu.vector_load_idx %arg8[%get3A_75] : memref<10240xf32, #tpu.memory_space<vmem>>[vector<16xi32>], vector<16xf32>,
      tpu.vector_store_idx %arg9[%get3A_77], %gather3A {add = true} : memref<10240xf32, #tpu.memory_space<vmem>>[vector<16xi32>], vector<16xf32>,
    }
    %scan3A_15 = arith.constant 320 : i32
    "tpu.region"() ({
      %run_scoped3A_72 = tpu.sem_alloc : memref<!tpu.dma_semaphore, #tpu.memory_space<semaphore_mem>>
      %dma_start3A = arith.constant 0 : i32
      %dma_start3A_73 = tpu.memref_slice %arg12[%arg1, %dma_start3A] : memref<16x10240xf32, #tpu.memory_space<vmem_shared>> -> memref<1x10240xf32, #tpu.memory_space<vmem_shared>>
      %dma_start3A_74 = tpu.memref_squeeze %dma_start3A_73 : memref<1x10240xf32, #tpu.memory_space<vmem_shared>> -> memref<10240xf32, #tpu.memory_space<vmem_shared>>
      %dma_start3A_75 = arith.constant 0 : i32
      %dma_start3A_76 = tpu.memref_slice %arg12[%arg1, %dma_start3A_75] : memref<16x10240xf32, #tpu.memory_space<vmem_shared>> -> memref<1x10240xf32, #tpu.memory_space<vmem_shared>>
      %dma_start3A_77 = tpu.memref_squeeze %dma_start3A_76 : memref<1x10240xf32, #tpu.memory_space<vmem_shared>> -> memref<10240xf32, #tpu.memory_space<vmem_shared>>
      tpu.enqueue_dma source(%arg9 : memref<10240xf32, #tpu.memory_space<vmem>>) target(%dma_start3A_77 : memref<10240xf32, #tpu.memory_space<vmem_shared>>) target_semaphore(%run_scoped3A_72 : memref<!tpu.dma_semaphore, #tpu.memory_space<semaphore_mem>>)
      %dma_wait3A = arith.constant 0 : i32
      %dma_wait3A_78 = tpu.memref_slice %arg12[%arg1, %dma_wait3A] : memref<16x10240xf32, #tpu.memory_space<vmem_shared>> -> memref<1x10240xf32, #tpu.memory_space<vmem_shared>>
      %dma_wait3A_79 = tpu.memref_squeeze %dma_wait3A_78 : memref<1x10240xf32, #tpu.memory_space<vmem_shared>> -> memref<10240xf32, #tpu.memory_space<vmem_shared>>
      %dma_wait3A_80 = arith.constant 0 : i32
      %dma_wait3A_81 = tpu.memref_slice %arg12[%arg1, %dma_wait3A_80] : memref<16x10240xf32, #tpu.memory_space<vmem_shared>> -> memref<1x10240xf32, #tpu.memory_space<vmem_shared>>
      %dma_wait3A_82 = tpu.memref_squeeze %dma_wait3A_81 : memref<1x10240xf32, #tpu.memory_space<vmem_shared>> -> memref<10240xf32, #tpu.memory_space<vmem_shared>>
      tpu.wait_dma2 semaphore(%run_scoped3A_72 : memref<!tpu.dma_semaphore, #tpu.memory_space<semaphore_mem>>) src(%arg9 : memref<10240xf32, #tpu.memory_space<vmem>>) dst(%dma_wait3A_82 : memref<10240xf32, #tpu.memory_space<vmem_shared>>)
      tpu.yield
    }) : () -> ()
    %barrier3A = arith.constant 0 : index
    tpu.barrier barrier_id(%barrier3A)
    %mul3A_16 = arith.constant 640 : i32
    %mul3A_17 = arith.muli %arg1, %mul3A_16 : i32
    %run_scoped3A_18 = arith.constant 0 : i32
    "tpu.region"() ({
      %run_scoped3A_72 = tpu.sem_alloc : memref<!tpu.dma_semaphore, #tpu.memory_space<semaphore_mem>>
      %dma_start3A = arith.constant 0 : i32
      %dma_start3A_73 = tpu.memref_slice %arg10[%dma_start3A] : memref<10240xf32, #tpu.memory_space<vmem>> -> memref<640xf32, #tpu.memory_space<vmem>>
      %dma_start3A_74 = tpu.memref_slice %arg12[%run_scoped3A_18, %mul3A_17] : memref<16x10240xf32, #tpu.memory_space<vmem_shared>> -> memref<1x640xf32, #tpu.memory_space<vmem_shared>>
      %dma_start3A_75 = tpu.memref_squeeze %dma_start3A_74 : memref<1x640xf32, #tpu.memory_space<vmem_shared>> -> memref<640xf32, #tpu.memory_space<vmem_shared>>
      %dma_start3A_76 = arith.constant 0 : i32
      %dma_start3A_77 = tpu.memref_slice %arg10[%dma_start3A_76] : memref<10240xf32, #tpu.memory_space<vmem>> -> memref<640xf32, #tpu.memory_space<vmem>>
      %dma_start3A_78 = tpu.memref_slice %arg12[%run_scoped3A_18, %mul3A_17] : memref<16x10240xf32, #tpu.memory_space<vmem_shared>> -> memref<1x640xf32, #tpu.memory_space<vmem_shared>>
      %dma_start3A_79 = tpu.memref_squeeze %dma_start3A_78 : memref<1x640xf32, #tpu.memory_space<vmem_shared>> -> memref<640xf32, #tpu.memory_space<vmem_shared>>
      tpu.enqueue_dma source(%dma_start3A_79 : memref<640xf32, #tpu.memory_space<vmem_shared>>) target(%dma_start3A_77 : memref<640xf32, #tpu.memory_space<vmem>>) target_semaphore(%run_scoped3A_72 : memref<!tpu.dma_semaphore, #tpu.memory_space<semaphore_mem>>)
      %dma_wait3A = arith.constant 0 : i32
      %dma_wait3A_80 = tpu.memref_slice %arg10[%dma_wait3A] : memref<10240xf32, #tpu.memory_space<vmem>> -> memref<640xf32, #tpu.memory_space<vmem>>
      %dma_wait3A_81 = tpu.memref_slice %arg12[%run_scoped3A_18, %mul3A_17] : memref<16x10240xf32, #tpu.memory_space<vmem_shared>> -> memref<1x640xf32, #tpu.memory_space<vmem_shared>>
      %dma_wait3A_82 = tpu.memref_squeeze %dma_wait3A_81 : memref<1x640xf32, #tpu.memory_space<vmem_shared>> -> memref<640xf32, #tpu.memory_space<vmem_shared>>
      %dma_wait3A_83 = arith.constant 0 : i32
      %dma_wait3A_84 = tpu.memref_slice %arg10[%dma_wait3A_83] : memref<10240xf32, #tpu.memory_space<vmem>> -> memref<640xf32, #tpu.memory_space<vmem>>
      %dma_wait3A_85 = tpu.memref_slice %arg12[%run_scoped3A_18, %mul3A_17] : memref<16x10240xf32, #tpu.memory_space<vmem_shared>> -> memref<1x640xf32, #tpu.memory_space<vmem_shared>>
      %dma_wait3A_86 = tpu.memref_squeeze %dma_wait3A_85 : memref<1x640xf32, #tpu.memory_space<vmem_shared>> -> memref<640xf32, #tpu.memory_space<vmem_shared>>
      tpu.wait_dma2 semaphore(%run_scoped3A_72 : memref<!tpu.dma_semaphore, #tpu.memory_space<semaphore_mem>>) src(%dma_wait3A_86 : memref<640xf32, #tpu.memory_space<vmem_shared>>) dst(%dma_wait3A_84 : memref<640xf32, #tpu.memory_space<vmem>>)
      tpu.yield
    }) : () -> ()
    %mul3A_19 = arith.constant 640 : i32
    %mul3A_20 = arith.muli %arg1, %mul3A_19 : i32
    %run_scoped3A_21 = arith.constant 1 : i32
    "tpu.region"() ({
      %run_scoped3A_72 = tpu.sem_alloc : memref<!tpu.dma_semaphore, #tpu.memory_space<semaphore_mem>>
      %dma_start3A = arith.constant 640 : i32
      %dma_start3A_73 = tpu.memref_slice %arg10[%dma_start3A] : memref<10240xf32, #tpu.memory_space<vmem>> -> memref<640xf32, #tpu.memory_space<vmem>>
      %dma_start3A_74 = tpu.memref_slice %arg12[%run_scoped3A_21, %mul3A_20] : memref<16x10240xf32, #tpu.memory_space<vmem_shared>> -> memref<1x640xf32, #tpu.memory_space<vmem_shared>>
      %dma_start3A_75 = tpu.memref_squeeze %dma_start3A_74 : memref<1x640xf32, #tpu.memory_space<vmem_shared>> -> memref<640xf32, #tpu.memory_space<vmem_shared>>
      %dma_start3A_76 = arith.constant 640 : i32
      %dma_start3A_77 = tpu.memref_slice %arg10[%dma_start3A_76] : memref<10240xf32, #tpu.memory_space<vmem>> -> memref<640xf32, #tpu.memory_space<vmem>>
      %dma_start3A_78 = tpu.memref_slice %arg12[%run_scoped3A_21, %mul3A_20] : memref<16x10240xf32, #tpu.memory_space<vmem_shared>> -> memref<1x640xf32, #tpu.memory_space<vmem_shared>>
      %dma_start3A_79 = tpu.memref_squeeze %dma_start3A_78 : memref<1x640xf32, #tpu.memory_space<vmem_shared>> -> memref<640xf32, #tpu.memory_space<vmem_shared>>
      tpu.enqueue_dma source(%dma_start3A_79 : memref<640xf32, #tpu.memory_space<vmem_shared>>) target(%dma_start3A_77 : memref<640xf32, #tpu.memory_space<vmem>>) target_semaphore(%run_scoped3A_72 : memref<!tpu.dma_semaphore, #tpu.memory_space<semaphore_mem>>)
      %dma_wait3A = arith.constant 640 : i32
      %dma_wait3A_80 = tpu.memref_slice %arg10[%dma_wait3A] : memref<10240xf32, #tpu.memory_space<vmem>> -> memref<640xf32, #tpu.memory_space<vmem>>
      %dma_wait3A_81 = tpu.memref_slice %arg12[%run_scoped3A_21, %mul3A_20] : memref<16x10240xf32, #tpu.memory_space<vmem_shared>> -> memref<1x640xf32, #tpu.memory_space<vmem_shared>>
      %dma_wait3A_82 = tpu.memref_squeeze %dma_wait3A_81 : memref<1x640xf32, #tpu.memory_space<vmem_shared>> -> memref<640xf32, #tpu.memory_space<vmem_shared>>
      %dma_wait3A_83 = arith.constant 640 : i32
      %dma_wait3A_84 = tpu.memref_slice %arg10[%dma_wait3A_83] : memref<10240xf32, #tpu.memory_space<vmem>> -> memref<640xf32, #tpu.memory_space<vmem>>
      %dma_wait3A_85 = tpu.memref_slice %arg12[%run_scoped3A_21, %mul3A_20] : memref<16x10240xf32, #tpu.memory_space<vmem_shared>> -> memref<1x640xf32, #tpu.memory_space<vmem_shared>>
      %dma_wait3A_86 = tpu.memref_squeeze %dma_wait3A_85 : memref<1x640xf32, #tpu.memory_space<vmem_shared>> -> memref<640xf32, #tpu.memory_space<vmem_shared>>
      tpu.wait_dma2 semaphore(%run_scoped3A_72 : memref<!tpu.dma_semaphore, #tpu.memory_space<semaphore_mem>>) src(%dma_wait3A_86 : memref<640xf32, #tpu.memory_space<vmem_shared>>) dst(%dma_wait3A_84 : memref<640xf32, #tpu.memory_space<vmem>>)
      tpu.yield
    }) : () -> ()
    %mul3A_22 = arith.constant 640 : i32
    %mul3A_23 = arith.muli %arg1, %mul3A_22 : i32
    %run_scoped3A_24 = arith.constant 2 : i32
    "tpu.region"() ({
      %run_scoped3A_72 = tpu.sem_alloc : memref<!tpu.dma_semaphore, #tpu.memory_space<semaphore_mem>>
      %dma_start3A = arith.constant 1280 : i32
      %dma_start3A_73 = tpu.memref_slice %arg10[%dma_start3A] : memref<10240xf32, #tpu.memory_space<vmem>> -> memref<640xf32, #tpu.memory_space<vmem>>
      %dma_start3A_74 = tpu.memref_slice %arg12[%run_scoped3A_24, %mul3A_23] : memref<16x10240xf32, #tpu.memory_space<vmem_shared>> -> memref<1x640xf32, #tpu.memory_space<vmem_shared>>
      %dma_start3A_75 = tpu.memref_squeeze %dma_start3A_74 : memref<1x640xf32, #tpu.memory_space<vmem_shared>> -> memref<640xf32, #tpu.memory_space<vmem_shared>>
      %dma_start3A_76 = arith.constant 1280 : i32
      %dma_start3A_77 = tpu.memref_slice %arg10[%dma_start3A_76] : memref<10240xf32, #tpu.memory_space<vmem>> -> memref<640xf32, #tpu.memory_space<vmem>>
      %dma_start3A_78 = tpu.memref_slice %arg12[%run_scoped3A_24, %mul3A_23] : memref<16x10240xf32, #tpu.memory_space<vmem_shared>> -> memref<1x640xf32, #tpu.memory_space<vmem_shared>>
      %dma_start3A_79 = tpu.memref_squeeze %dma_start3A_78 : memref<1x640xf32, #tpu.memory_space<vmem_shared>> -> memref<640xf32, #tpu.memory_space<vmem_shared>>
      tpu.enqueue_dma source(%dma_start3A_79 : memref<640xf32, #tpu.memory_space<vmem_shared>>) target(%dma_start3A_77 : memref<640xf32, #tpu.memory_space<vmem>>) target_semaphore(%run_scoped3A_72 : memref<!tpu.dma_semaphore, #tpu.memory_space<semaphore_mem>>)
      %dma_wait3A = arith.constant 1280 : i32
      %dma_wait3A_80 = tpu.memref_slice %arg10[%dma_wait3A] : memref<10240xf32, #tpu.memory_space<vmem>> -> memref<640xf32, #tpu.memory_space<vmem>>
      %dma_wait3A_81 = tpu.memref_slice %arg12[%run_scoped3A_24, %mul3A_23] : memref<16x10240xf32, #tpu.memory_space<vmem_shared>> -> memref<1x640xf32, #tpu.memory_space<vmem_shared>>
      %dma_wait3A_82 = tpu.memref_squeeze %dma_wait3A_81 : memref<1x640xf32, #tpu.memory_space<vmem_shared>> -> memref<640xf32, #tpu.memory_space<vmem_shared>>
      %dma_wait3A_83 = arith.constant 1280 : i32
      %dma_wait3A_84 = tpu.memref_slice %arg10[%dma_wait3A_83] : memref<10240xf32, #tpu.memory_space<vmem>> -> memref<640xf32, #tpu.memory_space<vmem>>
      %dma_wait3A_85 = tpu.memref_slice %arg12[%run_scoped3A_24, %mul3A_23] : memref<16x10240xf32, #tpu.memory_space<vmem_shared>> -> memref<1x640xf32, #tpu.memory_space<vmem_shared>>
      %dma_wait3A_86 = tpu.memref_squeeze %dma_wait3A_85 : memref<1x640xf32, #tpu.memory_space<vmem_shared>> -> memref<640xf32, #tpu.memory_space<vmem_shared>>
      tpu.wait_dma2 semaphore(%run_scoped3A_72 : memref<!tpu.dma_semaphore, #tpu.memory_space<semaphore_mem>>) src(%dma_wait3A_86 : memref<640xf32, #tpu.memory_space<vmem_shared>>) dst(%dma_wait3A_84 : memref<640xf32, #tpu.memory_space<vmem>>)
      tpu.yield
    }) : () -> ()
    %mul3A_25 = arith.constant 640 : i32
    %mul3A_26 = arith.muli %arg1, %mul3A_25 : i32
    %run_scoped3A_27 = arith.constant 3 : i32
    "tpu.region"() ({
      %run_scoped3A_72 = tpu.sem_alloc : memref<!tpu.dma_semaphore, #tpu.memory_space<semaphore_mem>>
      %dma_start3A = arith.constant 1920 : i32
      %dma_start3A_73 = tpu.memref_slice %arg10[%dma_start3A] : memref<10240xf32, #tpu.memory_space<vmem>> -> memref<640xf32, #tpu.memory_space<vmem>>
      %dma_start3A_74 = tpu.memref_slice %arg12[%run_scoped3A_27, %mul3A_26] : memref<16x10240xf32, #tpu.memory_space<vmem_shared>> -> memref<1x640xf32, #tpu.memory_space<vmem_shared>>
      %dma_start3A_75 = tpu.memref_squeeze %dma_start3A_74 : memref<1x640xf32, #tpu.memory_space<vmem_shared>> -> memref<640xf32, #tpu.memory_space<vmem_shared>>
      %dma_start3A_76 = arith.constant 1920 : i32
      %dma_start3A_77 = tpu.memref_slice %arg10[%dma_start3A_76] : memref<10240xf32, #tpu.memory_space<vmem>> -> memref<640xf32, #tpu.memory_space<vmem>>
      %dma_start3A_78 = tpu.memref_slice %arg12[%run_scoped3A_27, %mul3A_26] : memref<16x10240xf32, #tpu.memory_space<vmem_shared>> -> memref<1x640xf32, #tpu.memory_space<vmem_shared>>
      %dma_start3A_79 = tpu.memref_squeeze %dma_start3A_78 : memref<1x640xf32, #tpu.memory_space<vmem_shared>> -> memref<640xf32, #tpu.memory_space<vmem_shared>>
      tpu.enqueue_dma source(%dma_start3A_79 : memref<640xf32, #tpu.memory_space<vmem_shared>>) target(%dma_start3A_77 : memref<640xf32, #tpu.memory_space<vmem>>) target_semaphore(%run_scoped3A_72 : memref<!tpu.dma_semaphore, #tpu.memory_space<semaphore_mem>>)
      %dma_wait3A = arith.constant 1920 : i32
      %dma_wait3A_80 = tpu.memref_slice %arg10[%dma_wait3A] : memref<10240xf32, #tpu.memory_space<vmem>> -> memref<640xf32, #tpu.memory_space<vmem>>
      %dma_wait3A_81 = tpu.memref_slice %arg12[%run_scoped3A_27, %mul3A_26] : memref<16x10240xf32, #tpu.memory_space<vmem_shared>> -> memref<1x640xf32, #tpu.memory_space<vmem_shared>>
      %dma_wait3A_82 = tpu.memref_squeeze %dma_wait3A_81 : memref<1x640xf32, #tpu.memory_space<vmem_shared>> -> memref<640xf32, #tpu.memory_space<vmem_shared>>
      %dma_wait3A_83 = arith.constant 1920 : i32
      %dma_wait3A_84 = tpu.memref_slice %arg10[%dma_wait3A_83] : memref<10240xf32, #tpu.memory_space<vmem>> -> memref<640xf32, #tpu.memory_space<vmem>>
      %dma_wait3A_85 = tpu.memref_slice %arg12[%run_scoped3A_27, %mul3A_26] : memref<16x10240xf32, #tpu.memory_space<vmem_shared>> -> memref<1x640xf32, #tpu.memory_space<vmem_shared>>
      %dma_wait3A_86 = tpu.memref_squeeze %dma_wait3A_85 : memref<1x640xf32, #tpu.memory_space<vmem_shared>> -> memref<640xf32, #tpu.memory_space<vmem_shared>>
      tpu.wait_dma2 semaphore(%run_scoped3A_72 : memref<!tpu.dma_semaphore, #tpu.memory_space<semaphore_mem>>) src(%dma_wait3A_86 : memref<640xf32, #tpu.memory_space<vmem_shared>>) dst(%dma_wait3A_84 : memref<640xf32, #tpu.memory_space<vmem>>)
      tpu.yield
    }) : () -> ()
    %mul3A_28 = arith.constant 640 : i32
    %mul3A_29 = arith.muli %arg1, %mul3A_28 : i32
    %run_scoped3A_30 = arith.constant 4 : i32
    "tpu.region"() ({
      %run_scoped3A_72 = tpu.sem_alloc : memref<!tpu.dma_semaphore, #tpu.memory_space<semaphore_mem>>
      %dma_start3A = arith.constant 2560 : i32
      %dma_start3A_73 = tpu.memref_slice %arg10[%dma_start3A] : memref<10240xf32, #tpu.memory_space<vmem>> -> memref<640xf32, #tpu.memory_space<vmem>>
      %dma_start3A_74 = tpu.memref_slice %arg12[%run_scoped3A_30, %mul3A_29] : memref<16x10240xf32, #tpu.memory_space<vmem_shared>> -> memref<1x640xf32, #tpu.memory_space<vmem_shared>>
      %dma_start3A_75 = tpu.memref_squeeze %dma_start3A_74 : memref<1x640xf32, #tpu.memory_space<vmem_shared>> -> memref<640xf32, #tpu.memory_space<vmem_shared>>
      %dma_start3A_76 = arith.constant 2560 : i32
      %dma_start3A_77 = tpu.memref_slice %arg10[%dma_start3A_76] : memref<10240xf32, #tpu.memory_space<vmem>> -> memref<640xf32, #tpu.memory_space<vmem>>
      %dma_start3A_78 = tpu.memref_slice %arg12[%run_scoped3A_30, %mul3A_29] : memref<16x10240xf32, #tpu.memory_space<vmem_shared>> -> memref<1x640xf32, #tpu.memory_space<vmem_shared>>
      %dma_start3A_79 = tpu.memref_squeeze %dma_start3A_78 : memref<1x640xf32, #tpu.memory_space<vmem_shared>> -> memref<640xf32, #tpu.memory_space<vmem_shared>>
      tpu.enqueue_dma source(%dma_start3A_79 : memref<640xf32, #tpu.memory_space<vmem_shared>>) target(%dma_start3A_77 : memref<640xf32, #tpu.memory_space<vmem>>) target_semaphore(%run_scoped3A_72 : memref<!tpu.dma_semaphore, #tpu.memory_space<semaphore_mem>>)
      %dma_wait3A = arith.constant 2560 : i32
      %dma_wait3A_80 = tpu.memref_slice %arg10[%dma_wait3A] : memref<10240xf32, #tpu.memory_space<vmem>> -> memref<640xf32, #tpu.memory_space<vmem>>
      %dma_wait3A_81 = tpu.memref_slice %arg12[%run_scoped3A_30, %mul3A_29] : memref<16x10240xf32, #tpu.memory_space<vmem_shared>> -> memref<1x640xf32, #tpu.memory_space<vmem_shared>>
      %dma_wait3A_82 = tpu.memref_squeeze %dma_wait3A_81 : memref<1x640xf32, #tpu.memory_space<vmem_shared>> -> memref<640xf32, #tpu.memory_space<vmem_shared>>
      %dma_wait3A_83 = arith.constant 2560 : i32
      %dma_wait3A_84 = tpu.memref_slice %arg10[%dma_wait3A_83] : memref<10240xf32, #tpu.memory_space<vmem>> -> memref<640xf32, #tpu.memory_space<vmem>>
      %dma_wait3A_85 = tpu.memref_slice %arg12[%run_scoped3A_30, %mul3A_29] : memref<16x10240xf32, #tpu.memory_space<vmem_shared>> -> memref<1x640xf32, #tpu.memory_space<vmem_shared>>
      %dma_wait3A_86 = tpu.memref_squeeze %dma_wait3A_85 : memref<1x640xf32, #tpu.memory_space<vmem_shared>> -> memref<640xf32, #tpu.memory_space<vmem_shared>>
      tpu.wait_dma2 semaphore(%run_scoped3A_72 : memref<!tpu.dma_semaphore, #tpu.memory_space<semaphore_mem>>) src(%dma_wait3A_86 : memref<640xf32, #tpu.memory_space<vmem_shared>>) dst(%dma_wait3A_84 : memref<640xf32, #tpu.memory_space<vmem>>)
      tpu.yield
    }) : () -> ()
    %mul3A_31 = arith.constant 640 : i32
    %mul3A_32 = arith.muli %arg1, %mul3A_31 : i32
    %run_scoped3A_33 = arith.constant 5 : i32
    "tpu.region"() ({
      %run_scoped3A_72 = tpu.sem_alloc : memref<!tpu.dma_semaphore, #tpu.memory_space<semaphore_mem>>
      %dma_start3A = arith.constant 3200 : i32
      %dma_start3A_73 = tpu.memref_slice %arg10[%dma_start3A] : memref<10240xf32, #tpu.memory_space<vmem>> -> memref<640xf32, #tpu.memory_space<vmem>>
      %dma_start3A_74 = tpu.memref_slice %arg12[%run_scoped3A_33, %mul3A_32] : memref<16x10240xf32, #tpu.memory_space<vmem_shared>> -> memref<1x640xf32, #tpu.memory_space<vmem_shared>>
      %dma_start3A_75 = tpu.memref_squeeze %dma_start3A_74 : memref<1x640xf32, #tpu.memory_space<vmem_shared>> -> memref<640xf32, #tpu.memory_space<vmem_shared>>
      %dma_start3A_76 = arith.constant 3200 : i32
      %dma_start3A_77 = tpu.memref_slice %arg10[%dma_start3A_76] : memref<10240xf32, #tpu.memory_space<vmem>> -> memref<640xf32, #tpu.memory_space<vmem>>
      %dma_start3A_78 = tpu.memref_slice %arg12[%run_scoped3A_33, %mul3A_32] : memref<16x10240xf32, #tpu.memory_space<vmem_shared>> -> memref<1x640xf32, #tpu.memory_space<vmem_shared>>
      %dma_start3A_79 = tpu.memref_squeeze %dma_start3A_78 : memref<1x640xf32, #tpu.memory_space<vmem_shared>> -> memref<640xf32, #tpu.memory_space<vmem_shared>>
      tpu.enqueue_dma source(%dma_start3A_79 : memref<640xf32, #tpu.memory_space<vmem_shared>>) target(%dma_start3A_77 : memref<640xf32, #tpu.memory_space<vmem>>) target_semaphore(%run_scoped3A_72 : memref<!tpu.dma_semaphore, #tpu.memory_space<semaphore_mem>>)
      %dma_wait3A = arith.constant 3200 : i32
      %dma_wait3A_80 = tpu.memref_slice %arg10[%dma_wait3A] : memref<10240xf32, #tpu.memory_space<vmem>> -> memref<640xf32, #tpu.memory_space<vmem>>
      %dma_wait3A_81 = tpu.memref_slice %arg12[%run_scoped3A_33, %mul3A_32] : memref<16x10240xf32, #tpu.memory_space<vmem_shared>> -> memref<1x640xf32, #tpu.memory_space<vmem_shared>>
      %dma_wait3A_82 = tpu.memref_squeeze %dma_wait3A_81 : memref<1x640xf32, #tpu.memory_space<vmem_shared>> -> memref<640xf32, #tpu.memory_space<vmem_shared>>
      %dma_wait3A_83 = arith.constant 3200 : i32
      %dma_wait3A_84 = tpu.memref_slice %arg10[%dma_wait3A_83] : memref<10240xf32, #tpu.memory_space<vmem>> -> memref<640xf32, #tpu.memory_space<vmem>>
      %dma_wait3A_85 = tpu.memref_slice %arg12[%run_scoped3A_33, %mul3A_32] : memref<16x10240xf32, #tpu.memory_space<vmem_shared>> -> memref<1x640xf32, #tpu.memory_space<vmem_shared>>
      %dma_wait3A_86 = tpu.memref_squeeze %dma_wait3A_85 : memref<1x640xf32, #tpu.memory_space<vmem_shared>> -> memref<640xf32, #tpu.memory_space<vmem_shared>>
      tpu.wait_dma2 semaphore(%run_scoped3A_72 : memref<!tpu.dma_semaphore, #tpu.memory_space<semaphore_mem>>) src(%dma_wait3A_86 : memref<640xf32, #tpu.memory_space<vmem_shared>>) dst(%dma_wait3A_84 : memref<640xf32, #tpu.memory_space<vmem>>)
      tpu.yield
    }) : () -> ()
    %mul3A_34 = arith.constant 640 : i32
    %mul3A_35 = arith.muli %arg1, %mul3A_34 : i32
    %run_scoped3A_36 = arith.constant 6 : i32
    "tpu.region"() ({
      %run_scoped3A_72 = tpu.sem_alloc : memref<!tpu.dma_semaphore, #tpu.memory_space<semaphore_mem>>
      %dma_start3A = arith.constant 3840 : i32
      %dma_start3A_73 = tpu.memref_slice %arg10[%dma_start3A] : memref<10240xf32, #tpu.memory_space<vmem>> -> memref<640xf32, #tpu.memory_space<vmem>>
      %dma_start3A_74 = tpu.memref_slice %arg12[%run_scoped3A_36, %mul3A_35] : memref<16x10240xf32, #tpu.memory_space<vmem_shared>> -> memref<1x640xf32, #tpu.memory_space<vmem_shared>>
      %dma_start3A_75 = tpu.memref_squeeze %dma_start3A_74 : memref<1x640xf32, #tpu.memory_space<vmem_shared>> -> memref<640xf32, #tpu.memory_space<vmem_shared>>
      %dma_start3A_76 = arith.constant 3840 : i32
      %dma_start3A_77 = tpu.memref_slice %arg10[%dma_start3A_76] : memref<10240xf32, #tpu.memory_space<vmem>> -> memref<640xf32, #tpu.memory_space<vmem>>
      %dma_start3A_78 = tpu.memref_slice %arg12[%run_scoped3A_36, %mul3A_35] : memref<16x10240xf32, #tpu.memory_space<vmem_shared>> -> memref<1x640xf32, #tpu.memory_space<vmem_shared>>
      %dma_start3A_79 = tpu.memref_squeeze %dma_start3A_78 : memref<1x640xf32, #tpu.memory_space<vmem_shared>> -> memref<640xf32, #tpu.memory_space<vmem_shared>>
      tpu.enqueue_dma source(%dma_start3A_79 : memref<640xf32, #tpu.memory_space<vmem_shared>>) target(%dma_start3A_77 : memref<640xf32, #tpu.memory_space<vmem>>) target_semaphore(%run_scoped3A_72 : memref<!tpu.dma_semaphore, #tpu.memory_space<semaphore_mem>>)
      %dma_wait3A = arith.constant 3840 : i32
      %dma_wait3A_80 = tpu.memref_slice %arg10[%dma_wait3A] : memref<10240xf32, #tpu.memory_space<vmem>> -> memref<640xf32, #tpu.memory_space<vmem>>
      %dma_wait3A_81 = tpu.memref_slice %arg12[%run_scoped3A_36, %mul3A_35] : memref<16x10240xf32, #tpu.memory_space<vmem_shared>> -> memref<1x640xf32, #tpu.memory_space<vmem_shared>>
      %dma_wait3A_82 = tpu.memref_squeeze %dma_wait3A_81 : memref<1x640xf32, #tpu.memory_space<vmem_shared>> -> memref<640xf32, #tpu.memory_space<vmem_shared>>
      %dma_wait3A_83 = arith.constant 3840 : i32
      %dma_wait3A_84 = tpu.memref_slice %arg10[%dma_wait3A_83] : memref<10240xf32, #tpu.memory_space<vmem>> -> memref<640xf32, #tpu.memory_space<vmem>>
      %dma_wait3A_85 = tpu.memref_slice %arg12[%run_scoped3A_36, %mul3A_35] : memref<16x10240xf32, #tpu.memory_space<vmem_shared>> -> memref<1x640xf32, #tpu.memory_space<vmem_shared>>
      %dma_wait3A_86 = tpu.memref_squeeze %dma_wait3A_85 : memref<1x640xf32, #tpu.memory_space<vmem_shared>> -> memref<640xf32, #tpu.memory_space<vmem_shared>>
      tpu.wait_dma2 semaphore(%run_scoped3A_72 : memref<!tpu.dma_semaphore, #tpu.memory_space<semaphore_mem>>) src(%dma_wait3A_86 : memref<640xf32, #tpu.memory_space<vmem_shared>>) dst(%dma_wait3A_84 : memref<640xf32, #tpu.memory_space<vmem>>)
      tpu.yield
    }) : () -> ()
    %mul3A_37 = arith.constant 640 : i32
    %mul3A_38 = arith.muli %arg1, %mul3A_37 : i32
    %run_scoped3A_39 = arith.constant 7 : i32
    "tpu.region"() ({
      %run_scoped3A_72 = tpu.sem_alloc : memref<!tpu.dma_semaphore, #tpu.memory_space<semaphore_mem>>
      %dma_start3A = arith.constant 4480 : i32
      %dma_start3A_73 = tpu.memref_slice %arg10[%dma_start3A] : memref<10240xf32, #tpu.memory_space<vmem>> -> memref<640xf32, #tpu.memory_space<vmem>>
      %dma_start3A_74 = tpu.memref_slice %arg12[%run_scoped3A_39, %mul3A_38] : memref<16x10240xf32, #tpu.memory_space<vmem_shared>> -> memref<1x640xf32, #tpu.memory_space<vmem_shared>>
      %dma_start3A_75 = tpu.memref_squeeze %dma_start3A_74 : memref<1x640xf32, #tpu.memory_space<vmem_shared>> -> memref<640xf32, #tpu.memory_space<vmem_shared>>
      %dma_start3A_76 = arith.constant 4480 : i32
      %dma_start3A_77 = tpu.memref_slice %arg10[%dma_start3A_76] : memref<10240xf32, #tpu.memory_space<vmem>> -> memref<640xf32, #tpu.memory_space<vmem>>
      %dma_start3A_78 = tpu.memref_slice %arg12[%run_scoped3A_39, %mul3A_38] : memref<16x10240xf32, #tpu.memory_space<vmem_shared>> -> memref<1x640xf32, #tpu.memory_space<vmem_shared>>
      %dma_start3A_79 = tpu.memref_squeeze %dma_start3A_78 : memref<1x640xf32, #tpu.memory_space<vmem_shared>> -> memref<640xf32, #tpu.memory_space<vmem_shared>>
      tpu.enqueue_dma source(%dma_start3A_79 : memref<640xf32, #tpu.memory_space<vmem_shared>>) target(%dma_start3A_77 : memref<640xf32, #tpu.memory_space<vmem>>) target_semaphore(%run_scoped3A_72 : memref<!tpu.dma_semaphore, #tpu.memory_space<semaphore_mem>>)
      %dma_wait3A = arith.constant 4480 : i32
      %dma_wait3A_80 = tpu.memref_slice %arg10[%dma_wait3A] : memref<10240xf32, #tpu.memory_space<vmem>> -> memref<640xf32, #tpu.memory_space<vmem>>
      %dma_wait3A_81 = tpu.memref_slice %arg12[%run_scoped3A_39, %mul3A_38] : memref<16x10240xf32, #tpu.memory_space<vmem_shared>> -> memref<1x640xf32, #tpu.memory_space<vmem_shared>>
      %dma_wait3A_82 = tpu.memref_squeeze %dma_wait3A_81 : memref<1x640xf32, #tpu.memory_space<vmem_shared>> -> memref<640xf32, #tpu.memory_space<vmem_shared>>
      %dma_wait3A_83 = arith.constant 4480 : i32
      %dma_wait3A_84 = tpu.memref_slice %arg10[%dma_wait3A_83] : memref<10240xf32, #tpu.memory_space<vmem>> -> memref<640xf32, #tpu.memory_space<vmem>>
      %dma_wait3A_85 = tpu.memref_slice %arg12[%run_scoped3A_39, %mul3A_38] : memref<16x10240xf32, #tpu.memory_space<vmem_shared>> -> memref<1x640xf32, #tpu.memory_space<vmem_shared>>
      %dma_wait3A_86 = tpu.memref_squeeze %dma_wait3A_85 : memref<1x640xf32, #tpu.memory_space<vmem_shared>> -> memref<640xf32, #tpu.memory_space<vmem_shared>>
      tpu.wait_dma2 semaphore(%run_scoped3A_72 : memref<!tpu.dma_semaphore, #tpu.memory_space<semaphore_mem>>) src(%dma_wait3A_86 : memref<640xf32, #tpu.memory_space<vmem_shared>>) dst(%dma_wait3A_84 : memref<640xf32, #tpu.memory_space<vmem>>)
      tpu.yield
    }) : () -> ()
    %mul3A_40 = arith.constant 640 : i32
    %mul3A_41 = arith.muli %arg1, %mul3A_40 : i32
    %run_scoped3A_42 = arith.constant 8 : i32
    "tpu.region"() ({
      %run_scoped3A_72 = tpu.sem_alloc : memref<!tpu.dma_semaphore, #tpu.memory_space<semaphore_mem>>
      %dma_start3A = arith.constant 5120 : i32
      %dma_start3A_73 = tpu.memref_slice %arg10[%dma_start3A] : memref<10240xf32, #tpu.memory_space<vmem>> -> memref<640xf32, #tpu.memory_space<vmem>>
      %dma_start3A_74 = tpu.memref_slice %arg12[%run_scoped3A_42, %mul3A_41] : memref<16x10240xf32, #tpu.memory_space<vmem_shared>> -> memref<1x640xf32, #tpu.memory_space<vmem_shared>>
      %dma_start3A_75 = tpu.memref_squeeze %dma_start3A_74 : memref<1x640xf32, #tpu.memory_space<vmem_shared>> -> memref<640xf32, #tpu.memory_space<vmem_shared>>
      %dma_start3A_76 = arith.constant 5120 : i32
      %dma_start3A_77 = tpu.memref_slice %arg10[%dma_start3A_76] : memref<10240xf32, #tpu.memory_space<vmem>> -> memref<640xf32, #tpu.memory_space<vmem>>
      %dma_start3A_78 = tpu.memref_slice %arg12[%run_scoped3A_42, %mul3A_41] : memref<16x10240xf32, #tpu.memory_space<vmem_shared>> -> memref<1x640xf32, #tpu.memory_space<vmem_shared>>
      %dma_start3A_79 = tpu.memref_squeeze %dma_start3A_78 : memref<1x640xf32, #tpu.memory_space<vmem_shared>> -> memref<640xf32, #tpu.memory_space<vmem_shared>>
      tpu.enqueue_dma source(%dma_start3A_79 : memref<640xf32, #tpu.memory_space<vmem_shared>>) target(%dma_start3A_77 : memref<640xf32, #tpu.memory_space<vmem>>) target_semaphore(%run_scoped3A_72 : memref<!tpu.dma_semaphore, #tpu.memory_space<semaphore_mem>>)
      %dma_wait3A = arith.constant 5120 : i32
      %dma_wait3A_80 = tpu.memref_slice %arg10[%dma_wait3A] : memref<10240xf32, #tpu.memory_space<vmem>> -> memref<640xf32, #tpu.memory_space<vmem>>
      %dma_wait3A_81 = tpu.memref_slice %arg12[%run_scoped3A_42, %mul3A_41] : memref<16x10240xf32, #tpu.memory_space<vmem_shared>> -> memref<1x640xf32, #tpu.memory_space<vmem_shared>>
      %dma_wait3A_82 = tpu.memref_squeeze %dma_wait3A_81 : memref<1x640xf32, #tpu.memory_space<vmem_shared>> -> memref<640xf32, #tpu.memory_space<vmem_shared>>
      %dma_wait3A_83 = arith.constant 5120 : i32
      %dma_wait3A_84 = tpu.memref_slice %arg10[%dma_wait3A_83] : memref<10240xf32, #tpu.memory_space<vmem>> -> memref<640xf32, #tpu.memory_space<vmem>>
      %dma_wait3A_85 = tpu.memref_slice %arg12[%run_scoped3A_42, %mul3A_41] : memref<16x10240xf32, #tpu.memory_space<vmem_shared>> -> memref<1x640xf32, #tpu.memory_space<vmem_shared>>
      %dma_wait3A_86 = tpu.memref_squeeze %dma_wait3A_85 : memref<1x640xf32, #tpu.memory_space<vmem_shared>> -> memref<640xf32, #tpu.memory_space<vmem_shared>>
      tpu.wait_dma2 semaphore(%run_scoped3A_72 : memref<!tpu.dma_semaphore, #tpu.memory_space<semaphore_mem>>) src(%dma_wait3A_86 : memref<640xf32, #tpu.memory_space<vmem_shared>>) dst(%dma_wait3A_84 : memref<640xf32, #tpu.memory_space<vmem>>)
      tpu.yield
    }) : () -> ()
    %mul3A_43 = arith.constant 640 : i32
    %mul3A_44 = arith.muli %arg1, %mul3A_43 : i32
    %run_scoped3A_45 = arith.constant 9 : i32
    "tpu.region"() ({
      %run_scoped3A_72 = tpu.sem_alloc : memref<!tpu.dma_semaphore, #tpu.memory_space<semaphore_mem>>
      %dma_start3A = arith.constant 5760 : i32
      %dma_start3A_73 = tpu.memref_slice %arg10[%dma_start3A] : memref<10240xf32, #tpu.memory_space<vmem>> -> memref<640xf32, #tpu.memory_space<vmem>>
      %dma_start3A_74 = tpu.memref_slice %arg12[%run_scoped3A_45, %mul3A_44] : memref<16x10240xf32, #tpu.memory_space<vmem_shared>> -> memref<1x640xf32, #tpu.memory_space<vmem_shared>>
      %dma_start3A_75 = tpu.memref_squeeze %dma_start3A_74 : memref<1x640xf32, #tpu.memory_space<vmem_shared>> -> memref<640xf32, #tpu.memory_space<vmem_shared>>
      %dma_start3A_76 = arith.constant 5760 : i32
      %dma_start3A_77 = tpu.memref_slice %arg10[%dma_start3A_76] : memref<10240xf32, #tpu.memory_space<vmem>> -> memref<640xf32, #tpu.memory_space<vmem>>
      %dma_start3A_78 = tpu.memref_slice %arg12[%run_scoped3A_45, %mul3A_44] : memref<16x10240xf32, #tpu.memory_space<vmem_shared>> -> memref<1x640xf32, #tpu.memory_space<vmem_shared>>
      %dma_start3A_79 = tpu.memref_squeeze %dma_start3A_78 : memref<1x640xf32, #tpu.memory_space<vmem_shared>> -> memref<640xf32, #tpu.memory_space<vmem_shared>>
      tpu.enqueue_dma source(%dma_start3A_79 : memref<640xf32, #tpu.memory_space<vmem_shared>>) target(%dma_start3A_77 : memref<640xf32, #tpu.memory_space<vmem>>) target_semaphore(%run_scoped3A_72 : memref<!tpu.dma_semaphore, #tpu.memory_space<semaphore_mem>>)
      %dma_wait3A = arith.constant 5760 : i32
      %dma_wait3A_80 = tpu.memref_slice %arg10[%dma_wait3A] : memref<10240xf32, #tpu.memory_space<vmem>> -> memref<640xf32, #tpu.memory_space<vmem>>
      %dma_wait3A_81 = tpu.memref_slice %arg12[%run_scoped3A_45, %mul3A_44] : memref<16x10240xf32, #tpu.memory_space<vmem_shared>> -> memref<1x640xf32, #tpu.memory_space<vmem_shared>>
      %dma_wait3A_82 = tpu.memref_squeeze %dma_wait3A_81 : memref<1x640xf32, #tpu.memory_space<vmem_shared>> -> memref<640xf32, #tpu.memory_space<vmem_shared>>
      %dma_wait3A_83 = arith.constant 5760 : i32
      %dma_wait3A_84 = tpu.memref_slice %arg10[%dma_wait3A_83] : memref<10240xf32, #tpu.memory_space<vmem>> -> memref<640xf32, #tpu.memory_space<vmem>>
      %dma_wait3A_85 = tpu.memref_slice %arg12[%run_scoped3A_45, %mul3A_44] : memref<16x10240xf32, #tpu.memory_space<vmem_shared>> -> memref<1x640xf32, #tpu.memory_space<vmem_shared>>
      %dma_wait3A_86 = tpu.memref_squeeze %dma_wait3A_85 : memref<1x640xf32, #tpu.memory_space<vmem_shared>> -> memref<640xf32, #tpu.memory_space<vmem_shared>>
      tpu.wait_dma2 semaphore(%run_scoped3A_72 : memref<!tpu.dma_semaphore, #tpu.memory_space<semaphore_mem>>) src(%dma_wait3A_86 : memref<640xf32, #tpu.memory_space<vmem_shared>>) dst(%dma_wait3A_84 : memref<640xf32, #tpu.memory_space<vmem>>)
      tpu.yield
    }) : () -> ()
    %mul3A_46 = arith.constant 640 : i32
    %mul3A_47 = arith.muli %arg1, %mul3A_46 : i32
    %run_scoped3A_48 = arith.constant 10 : i32
    "tpu.region"() ({
      %run_scoped3A_72 = tpu.sem_alloc : memref<!tpu.dma_semaphore, #tpu.memory_space<semaphore_mem>>
      %dma_start3A = arith.constant 6400 : i32
      %dma_start3A_73 = tpu.memref_slice %arg10[%dma_start3A] : memref<10240xf32, #tpu.memory_space<vmem>> -> memref<640xf32, #tpu.memory_space<vmem>>
      %dma_start3A_74 = tpu.memref_slice %arg12[%run_scoped3A_48, %mul3A_47] : memref<16x10240xf32, #tpu.memory_space<vmem_shared>> -> memref<1x640xf32, #tpu.memory_space<vmem_shared>>
      %dma_start3A_75 = tpu.memref_squeeze %dma_start3A_74 : memref<1x640xf32, #tpu.memory_space<vmem_shared>> -> memref<640xf32, #tpu.memory_space<vmem_shared>>
      %dma_start3A_76 = arith.constant 6400 : i32
      %dma_start3A_77 = tpu.memref_slice %arg10[%dma_start3A_76] : memref<10240xf32, #tpu.memory_space<vmem>> -> memref<640xf32, #tpu.memory_space<vmem>>
      %dma_start3A_78 = tpu.memref_slice %arg12[%run_scoped3A_48, %mul3A_47] : memref<16x10240xf32, #tpu.memory_space<vmem_shared>> -> memref<1x640xf32, #tpu.memory_space<vmem_shared>>
      %dma_start3A_79 = tpu.memref_squeeze %dma_start3A_78 : memref<1x640xf32, #tpu.memory_space<vmem_shared>> -> memref<640xf32, #tpu.memory_space<vmem_shared>>
      tpu.enqueue_dma source(%dma_start3A_79 : memref<640xf32, #tpu.memory_space<vmem_shared>>) target(%dma_start3A_77 : memref<640xf32, #tpu.memory_space<vmem>>) target_semaphore(%run_scoped3A_72 : memref<!tpu.dma_semaphore, #tpu.memory_space<semaphore_mem>>)
      %dma_wait3A = arith.constant 6400 : i32
      %dma_wait3A_80 = tpu.memref_slice %arg10[%dma_wait3A] : memref<10240xf32, #tpu.memory_space<vmem>> -> memref<640xf32, #tpu.memory_space<vmem>>
      %dma_wait3A_81 = tpu.memref_slice %arg12[%run_scoped3A_48, %mul3A_47] : memref<16x10240xf32, #tpu.memory_space<vmem_shared>> -> memref<1x640xf32, #tpu.memory_space<vmem_shared>>
      %dma_wait3A_82 = tpu.memref_squeeze %dma_wait3A_81 : memref<1x640xf32, #tpu.memory_space<vmem_shared>> -> memref<640xf32, #tpu.memory_space<vmem_shared>>
      %dma_wait3A_83 = arith.constant 6400 : i32
      %dma_wait3A_84 = tpu.memref_slice %arg10[%dma_wait3A_83] : memref<10240xf32, #tpu.memory_space<vmem>> -> memref<640xf32, #tpu.memory_space<vmem>>
      %dma_wait3A_85 = tpu.memref_slice %arg12[%run_scoped3A_48, %mul3A_47] : memref<16x10240xf32, #tpu.memory_space<vmem_shared>> -> memref<1x640xf32, #tpu.memory_space<vmem_shared>>
      %dma_wait3A_86 = tpu.memref_squeeze %dma_wait3A_85 : memref<1x640xf32, #tpu.memory_space<vmem_shared>> -> memref<640xf32, #tpu.memory_space<vmem_shared>>
      tpu.wait_dma2 semaphore(%run_scoped3A_72 : memref<!tpu.dma_semaphore, #tpu.memory_space<semaphore_mem>>) src(%dma_wait3A_86 : memref<640xf32, #tpu.memory_space<vmem_shared>>) dst(%dma_wait3A_84 : memref<640xf32, #tpu.memory_space<vmem>>)
      tpu.yield
    }) : () -> ()
    %mul3A_49 = arith.constant 640 : i32
    %mul3A_50 = arith.muli %arg1, %mul3A_49 : i32
    %run_scoped3A_51 = arith.constant 11 : i32
    "tpu.region"() ({
      %run_scoped3A_72 = tpu.sem_alloc : memref<!tpu.dma_semaphore, #tpu.memory_space<semaphore_mem>>
      %dma_start3A = arith.constant 7040 : i32
      %dma_start3A_73 = tpu.memref_slice %arg10[%dma_start3A] : memref<10240xf32, #tpu.memory_space<vmem>> -> memref<640xf32, #tpu.memory_space<vmem>>
      %dma_start3A_74 = tpu.memref_slice %arg12[%run_scoped3A_51, %mul3A_50] : memref<16x10240xf32, #tpu.memory_space<vmem_shared>> -> memref<1x640xf32, #tpu.memory_space<vmem_shared>>
      %dma_start3A_75 = tpu.memref_squeeze %dma_start3A_74 : memref<1x640xf32, #tpu.memory_space<vmem_shared>> -> memref<640xf32, #tpu.memory_space<vmem_shared>>
      %dma_start3A_76 = arith.constant 7040 : i32
      %dma_start3A_77 = tpu.memref_slice %arg10[%dma_start3A_76] : memref<10240xf32, #tpu.memory_space<vmem>> -> memref<640xf32, #tpu.memory_space<vmem>>
      %dma_start3A_78 = tpu.memref_slice %arg12[%run_scoped3A_51, %mul3A_50] : memref<16x10240xf32, #tpu.memory_space<vmem_shared>> -> memref<1x640xf32, #tpu.memory_space<vmem_shared>>
      %dma_start3A_79 = tpu.memref_squeeze %dma_start3A_78 : memref<1x640xf32, #tpu.memory_space<vmem_shared>> -> memref<640xf32, #tpu.memory_space<vmem_shared>>
      tpu.enqueue_dma source(%dma_start3A_79 : memref<640xf32, #tpu.memory_space<vmem_shared>>) target(%dma_start3A_77 : memref<640xf32, #tpu.memory_space<vmem>>) target_semaphore(%run_scoped3A_72 : memref<!tpu.dma_semaphore, #tpu.memory_space<semaphore_mem>>)
      %dma_wait3A = arith.constant 7040 : i32
      %dma_wait3A_80 = tpu.memref_slice %arg10[%dma_wait3A] : memref<10240xf32, #tpu.memory_space<vmem>> -> memref<640xf32, #tpu.memory_space<vmem>>
      %dma_wait3A_81 = tpu.memref_slice %arg12[%run_scoped3A_51, %mul3A_50] : memref<16x10240xf32, #tpu.memory_space<vmem_shared>> -> memref<1x640xf32, #tpu.memory_space<vmem_shared>>
      %dma_wait3A_82 = tpu.memref_squeeze %dma_wait3A_81 : memref<1x640xf32, #tpu.memory_space<vmem_shared>> -> memref<640xf32, #tpu.memory_space<vmem_shared>>
      %dma_wait3A_83 = arith.constant 7040 : i32
      %dma_wait3A_84 = tpu.memref_slice %arg10[%dma_wait3A_83] : memref<10240xf32, #tpu.memory_space<vmem>> -> memref<640xf32, #tpu.memory_space<vmem>>
      %dma_wait3A_85 = tpu.memref_slice %arg12[%run_scoped3A_51, %mul3A_50] : memref<16x10240xf32, #tpu.memory_space<vmem_shared>> -> memref<1x640xf32, #tpu.memory_space<vmem_shared>>
      %dma_wait3A_86 = tpu.memref_squeeze %dma_wait3A_85 : memref<1x640xf32, #tpu.memory_space<vmem_shared>> -> memref<640xf32, #tpu.memory_space<vmem_shared>>
      tpu.wait_dma2 semaphore(%run_scoped3A_72 : memref<!tpu.dma_semaphore, #tpu.memory_space<semaphore_mem>>) src(%dma_wait3A_86 : memref<640xf32, #tpu.memory_space<vmem_shared>>) dst(%dma_wait3A_84 : memref<640xf32, #tpu.memory_space<vmem>>)
      tpu.yield
    }) : () -> ()
    %mul3A_52 = arith.constant 640 : i32
    %mul3A_53 = arith.muli %arg1, %mul3A_52 : i32
    %run_scoped3A_54 = arith.constant 12 : i32
    "tpu.region"() ({
      %run_scoped3A_72 = tpu.sem_alloc : memref<!tpu.dma_semaphore, #tpu.memory_space<semaphore_mem>>
      %dma_start3A = arith.constant 7680 : i32
      %dma_start3A_73 = tpu.memref_slice %arg10[%dma_start3A] : memref<10240xf32, #tpu.memory_space<vmem>> -> memref<640xf32, #tpu.memory_space<vmem>>
      %dma_start3A_74 = tpu.memref_slice %arg12[%run_scoped3A_54, %mul3A_53] : memref<16x10240xf32, #tpu.memory_space<vmem_shared>> -> memref<1x640xf32, #tpu.memory_space<vmem_shared>>
      %dma_start3A_75 = tpu.memref_squeeze %dma_start3A_74 : memref<1x640xf32, #tpu.memory_space<vmem_shared>> -> memref<640xf32, #tpu.memory_space<vmem_shared>>
      %dma_start3A_76 = arith.constant 7680 : i32
      %dma_start3A_77 = tpu.memref_slice %arg10[%dma_start3A_76] : memref<10240xf32, #tpu.memory_space<vmem>> -> memref<640xf32, #tpu.memory_space<vmem>>
      %dma_start3A_78 = tpu.memref_slice %arg12[%run_scoped3A_54, %mul3A_53] : memref<16x10240xf32, #tpu.memory_space<vmem_shared>> -> memref<1x640xf32, #tpu.memory_space<vmem_shared>>
      %dma_start3A_79 = tpu.memref_squeeze %dma_start3A_78 : memref<1x640xf32, #tpu.memory_space<vmem_shared>> -> memref<640xf32, #tpu.memory_space<vmem_shared>>
      tpu.enqueue_dma source(%dma_start3A_79 : memref<640xf32, #tpu.memory_space<vmem_shared>>) target(%dma_start3A_77 : memref<640xf32, #tpu.memory_space<vmem>>) target_semaphore(%run_scoped3A_72 : memref<!tpu.dma_semaphore, #tpu.memory_space<semaphore_mem>>)
      %dma_wait3A = arith.constant 7680 : i32
      %dma_wait3A_80 = tpu.memref_slice %arg10[%dma_wait3A] : memref<10240xf32, #tpu.memory_space<vmem>> -> memref<640xf32, #tpu.memory_space<vmem>>
      %dma_wait3A_81 = tpu.memref_slice %arg12[%run_scoped3A_54, %mul3A_53] : memref<16x10240xf32, #tpu.memory_space<vmem_shared>> -> memref<1x640xf32, #tpu.memory_space<vmem_shared>>
      %dma_wait3A_82 = tpu.memref_squeeze %dma_wait3A_81 : memref<1x640xf32, #tpu.memory_space<vmem_shared>> -> memref<640xf32, #tpu.memory_space<vmem_shared>>
      %dma_wait3A_83 = arith.constant 7680 : i32
      %dma_wait3A_84 = tpu.memref_slice %arg10[%dma_wait3A_83] : memref<10240xf32, #tpu.memory_space<vmem>> -> memref<640xf32, #tpu.memory_space<vmem>>
      %dma_wait3A_85 = tpu.memref_slice %arg12[%run_scoped3A_54, %mul3A_53] : memref<16x10240xf32, #tpu.memory_space<vmem_shared>> -> memref<1x640xf32, #tpu.memory_space<vmem_shared>>
      %dma_wait3A_86 = tpu.memref_squeeze %dma_wait3A_85 : memref<1x640xf32, #tpu.memory_space<vmem_shared>> -> memref<640xf32, #tpu.memory_space<vmem_shared>>
      tpu.wait_dma2 semaphore(%run_scoped3A_72 : memref<!tpu.dma_semaphore, #tpu.memory_space<semaphore_mem>>) src(%dma_wait3A_86 : memref<640xf32, #tpu.memory_space<vmem_shared>>) dst(%dma_wait3A_84 : memref<640xf32, #tpu.memory_space<vmem>>)
      tpu.yield
    }) : () -> ()
    %mul3A_55 = arith.constant 640 : i32
    %mul3A_56 = arith.muli %arg1, %mul3A_55 : i32
    %run_scoped3A_57 = arith.constant 13 : i32
    "tpu.region"() ({
      %run_scoped3A_72 = tpu.sem_alloc : memref<!tpu.dma_semaphore, #tpu.memory_space<semaphore_mem>>
      %dma_start3A = arith.constant 8320 : i32
      %dma_start3A_73 = tpu.memref_slice %arg10[%dma_start3A] : memref<10240xf32, #tpu.memory_space<vmem>> -> memref<640xf32, #tpu.memory_space<vmem>>
      %dma_start3A_74 = tpu.memref_slice %arg12[%run_scoped3A_57, %mul3A_56] : memref<16x10240xf32, #tpu.memory_space<vmem_shared>> -> memref<1x640xf32, #tpu.memory_space<vmem_shared>>
      %dma_start3A_75 = tpu.memref_squeeze %dma_start3A_74 : memref<1x640xf32, #tpu.memory_space<vmem_shared>> -> memref<640xf32, #tpu.memory_space<vmem_shared>>
      %dma_start3A_76 = arith.constant 8320 : i32
      %dma_start3A_77 = tpu.memref_slice %arg10[%dma_start3A_76] : memref<10240xf32, #tpu.memory_space<vmem>> -> memref<640xf32, #tpu.memory_space<vmem>>
      %dma_start3A_78 = tpu.memref_slice %arg12[%run_scoped3A_57, %mul3A_56] : memref<16x10240xf32, #tpu.memory_space<vmem_shared>> -> memref<1x640xf32, #tpu.memory_space<vmem_shared>>
      %dma_start3A_79 = tpu.memref_squeeze %dma_start3A_78 : memref<1x640xf32, #tpu.memory_space<vmem_shared>> -> memref<640xf32, #tpu.memory_space<vmem_shared>>
      tpu.enqueue_dma source(%dma_start3A_79 : memref<640xf32, #tpu.memory_space<vmem_shared>>) target(%dma_start3A_77 : memref<640xf32, #tpu.memory_space<vmem>>) target_semaphore(%run_scoped3A_72 : memref<!tpu.dma_semaphore, #tpu.memory_space<semaphore_mem>>)
      %dma_wait3A = arith.constant 8320 : i32
      %dma_wait3A_80 = tpu.memref_slice %arg10[%dma_wait3A] : memref<10240xf32, #tpu.memory_space<vmem>> -> memref<640xf32, #tpu.memory_space<vmem>>
      %dma_wait3A_81 = tpu.memref_slice %arg12[%run_scoped3A_57, %mul3A_56] : memref<16x10240xf32, #tpu.memory_space<vmem_shared>> -> memref<1x640xf32, #tpu.memory_space<vmem_shared>>
      %dma_wait3A_82 = tpu.memref_squeeze %dma_wait3A_81 : memref<1x640xf32, #tpu.memory_space<vmem_shared>> -> memref<640xf32, #tpu.memory_space<vmem_shared>>
      %dma_wait3A_83 = arith.constant 8320 : i32
      %dma_wait3A_84 = tpu.memref_slice %arg10[%dma_wait3A_83] : memref<10240xf32, #tpu.memory_space<vmem>> -> memref<640xf32, #tpu.memory_space<vmem>>
      %dma_wait3A_85 = tpu.memref_slice %arg12[%run_scoped3A_57, %mul3A_56] : memref<16x10240xf32, #tpu.memory_space<vmem_shared>> -> memref<1x640xf32, #tpu.memory_space<vmem_shared>>
      %dma_wait3A_86 = tpu.memref_squeeze %dma_wait3A_85 : memref<1x640xf32, #tpu.memory_space<vmem_shared>> -> memref<640xf32, #tpu.memory_space<vmem_shared>>
      tpu.wait_dma2 semaphore(%run_scoped3A_72 : memref<!tpu.dma_semaphore, #tpu.memory_space<semaphore_mem>>) src(%dma_wait3A_86 : memref<640xf32, #tpu.memory_space<vmem_shared>>) dst(%dma_wait3A_84 : memref<640xf32, #tpu.memory_space<vmem>>)
      tpu.yield
    }) : () -> ()
    %mul3A_58 = arith.constant 640 : i32
    %mul3A_59 = arith.muli %arg1, %mul3A_58 : i32
    %run_scoped3A_60 = arith.constant 14 : i32
    "tpu.region"() ({
      %run_scoped3A_72 = tpu.sem_alloc : memref<!tpu.dma_semaphore, #tpu.memory_space<semaphore_mem>>
      %dma_start3A = arith.constant 8960 : i32
      %dma_start3A_73 = tpu.memref_slice %arg10[%dma_start3A] : memref<10240xf32, #tpu.memory_space<vmem>> -> memref<640xf32, #tpu.memory_space<vmem>>
      %dma_start3A_74 = tpu.memref_slice %arg12[%run_scoped3A_60, %mul3A_59] : memref<16x10240xf32, #tpu.memory_space<vmem_shared>> -> memref<1x640xf32, #tpu.memory_space<vmem_shared>>
      %dma_start3A_75 = tpu.memref_squeeze %dma_start3A_74 : memref<1x640xf32, #tpu.memory_space<vmem_shared>> -> memref<640xf32, #tpu.memory_space<vmem_shared>>
      %dma_start3A_76 = arith.constant 8960 : i32
      %dma_start3A_77 = tpu.memref_slice %arg10[%dma_start3A_76] : memref<10240xf32, #tpu.memory_space<vmem>> -> memref<640xf32, #tpu.memory_space<vmem>>
      %dma_start3A_78 = tpu.memref_slice %arg12[%run_scoped3A_60, %mul3A_59] : memref<16x10240xf32, #tpu.memory_space<vmem_shared>> -> memref<1x640xf32, #tpu.memory_space<vmem_shared>>
      %dma_start3A_79 = tpu.memref_squeeze %dma_start3A_78 : memref<1x640xf32, #tpu.memory_space<vmem_shared>> -> memref<640xf32, #tpu.memory_space<vmem_shared>>
      tpu.enqueue_dma source(%dma_start3A_79 : memref<640xf32, #tpu.memory_space<vmem_shared>>) target(%dma_start3A_77 : memref<640xf32, #tpu.memory_space<vmem>>) target_semaphore(%run_scoped3A_72 : memref<!tpu.dma_semaphore, #tpu.memory_space<semaphore_mem>>)
      %dma_wait3A = arith.constant 8960 : i32
      %dma_wait3A_80 = tpu.memref_slice %arg10[%dma_wait3A] : memref<10240xf32, #tpu.memory_space<vmem>> -> memref<640xf32, #tpu.memory_space<vmem>>
      %dma_wait3A_81 = tpu.memref_slice %arg12[%run_scoped3A_60, %mul3A_59] : memref<16x10240xf32, #tpu.memory_space<vmem_shared>> -> memref<1x640xf32, #tpu.memory_space<vmem_shared>>
      %dma_wait3A_82 = tpu.memref_squeeze %dma_wait3A_81 : memref<1x640xf32, #tpu.memory_space<vmem_shared>> -> memref<640xf32, #tpu.memory_space<vmem_shared>>
      %dma_wait3A_83 = arith.constant 8960 : i32
      %dma_wait3A_84 = tpu.memref_slice %arg10[%dma_wait3A_83] : memref<10240xf32, #tpu.memory_space<vmem>> -> memref<640xf32, #tpu.memory_space<vmem>>
      %dma_wait3A_85 = tpu.memref_slice %arg12[%run_scoped3A_60, %mul3A_59] : memref<16x10240xf32, #tpu.memory_space<vmem_shared>> -> memref<1x640xf32, #tpu.memory_space<vmem_shared>>
      %dma_wait3A_86 = tpu.memref_squeeze %dma_wait3A_85 : memref<1x640xf32, #tpu.memory_space<vmem_shared>> -> memref<640xf32, #tpu.memory_space<vmem_shared>>
      tpu.wait_dma2 semaphore(%run_scoped3A_72 : memref<!tpu.dma_semaphore, #tpu.memory_space<semaphore_mem>>) src(%dma_wait3A_86 : memref<640xf32, #tpu.memory_space<vmem_shared>>) dst(%dma_wait3A_84 : memref<640xf32, #tpu.memory_space<vmem>>)
      tpu.yield
    }) : () -> ()
    %mul3A_61 = arith.constant 640 : i32
    %mul3A_62 = arith.muli %arg1, %mul3A_61 : i32
    %run_scoped3A_63 = arith.constant 15 : i32
    "tpu.region"() ({
      %run_scoped3A_72 = tpu.sem_alloc : memref<!tpu.dma_semaphore, #tpu.memory_space<semaphore_mem>>
      %dma_start3A = arith.constant 9600 : i32
      %dma_start3A_73 = tpu.memref_slice %arg10[%dma_start3A] : memref<10240xf32, #tpu.memory_space<vmem>> -> memref<640xf32, #tpu.memory_space<vmem>>
      %dma_start3A_74 = tpu.memref_slice %arg12[%run_scoped3A_63, %mul3A_62] : memref<16x10240xf32, #tpu.memory_space<vmem_shared>> -> memref<1x640xf32, #tpu.memory_space<vmem_shared>>
      %dma_start3A_75 = tpu.memref_squeeze %dma_start3A_74 : memref<1x640xf32, #tpu.memory_space<vmem_shared>> -> memref<640xf32, #tpu.memory_space<vmem_shared>>
      %dma_start3A_76 = arith.constant 9600 : i32
      %dma_start3A_77 = tpu.memref_slice %arg10[%dma_start3A_76] : memref<10240xf32, #tpu.memory_space<vmem>> -> memref<640xf32, #tpu.memory_space<vmem>>
      %dma_start3A_78 = tpu.memref_slice %arg12[%run_scoped3A_63, %mul3A_62] : memref<16x10240xf32, #tpu.memory_space<vmem_shared>> -> memref<1x640xf32, #tpu.memory_space<vmem_shared>>
      %dma_start3A_79 = tpu.memref_squeeze %dma_start3A_78 : memref<1x640xf32, #tpu.memory_space<vmem_shared>> -> memref<640xf32, #tpu.memory_space<vmem_shared>>
      tpu.enqueue_dma source(%dma_start3A_79 : memref<640xf32, #tpu.memory_space<vmem_shared>>) target(%dma_start3A_77 : memref<640xf32, #tpu.memory_space<vmem>>) target_semaphore(%run_scoped3A_72 : memref<!tpu.dma_semaphore, #tpu.memory_space<semaphore_mem>>)
      %dma_wait3A = arith.constant 9600 : i32
      %dma_wait3A_80 = tpu.memref_slice %arg10[%dma_wait3A] : memref<10240xf32, #tpu.memory_space<vmem>> -> memref<640xf32, #tpu.memory_space<vmem>>
      %dma_wait3A_81 = tpu.memref_slice %arg12[%run_scoped3A_63, %mul3A_62] : memref<16x10240xf32, #tpu.memory_space<vmem_shared>> -> memref<1x640xf32, #tpu.memory_space<vmem_shared>>
      %dma_wait3A_82 = tpu.memref_squeeze %dma_wait3A_81 : memref<1x640xf32, #tpu.memory_space<vmem_shared>> -> memref<640xf32, #tpu.memory_space<vmem_shared>>
      %dma_wait3A_83 = arith.constant 9600 : i32
      %dma_wait3A_84 = tpu.memref_slice %arg10[%dma_wait3A_83] : memref<10240xf32, #tpu.memory_space<vmem>> -> memref<640xf32, #tpu.memory_space<vmem>>
      %dma_wait3A_85 = tpu.memref_slice %arg12[%run_scoped3A_63, %mul3A_62] : memref<16x10240xf32, #tpu.memory_space<vmem_shared>> -> memref<1x640xf32, #tpu.memory_space<vmem_shared>>
      %dma_wait3A_86 = tpu.memref_squeeze %dma_wait3A_85 : memref<1x640xf32, #tpu.memory_space<vmem_shared>> -> memref<640xf32, #tpu.memory_space<vmem_shared>>
      tpu.wait_dma2 semaphore(%run_scoped3A_72 : memref<!tpu.dma_semaphore, #tpu.memory_space<semaphore_mem>>) src(%dma_wait3A_86 : memref<640xf32, #tpu.memory_space<vmem_shared>>) dst(%dma_wait3A_84 : memref<640xf32, #tpu.memory_space<vmem>>)
      tpu.yield
    }) : () -> ()
    %scan3A_64 = arith.constant 0 : i32
    %scan3A_65 = arith.constant 0 : i32
    %scan3A_66 = arith.constant 40 : i32
    %scan3A_67 = arith.addi %scan3A_65, %scan3A_66 : i32
    %scan3A_68 = arith.constant 1 : i32
    scf.for %scan3A_72 = %scan3A_65 to %scan3A_67 step %scan3A_68  : i32 {
      %mul3A_73 = arith.constant 16 : i32
      %mul3A_74 = arith.muli %scan3A_72, %mul3A_73 : i32
      %get3A = arith.index_cast %mul3A_74 : i32 to index
      %get3A_75 = tpu.vector_load %arg10[%get3A] {strides = array<i32>} : memref<10240xf32, #tpu.memory_space<vmem>>, vector<16xf32>,
      %mul3A_76 = arith.constant 16 : i32
      %mul3A_77 = arith.muli %scan3A_72, %mul3A_76 : i32
      %add3A_78 = arith.constant 640 : i32
      %add3A_79 = arith.addi %add3A_78, %mul3A_77 : i32
      %get3A_80 = arith.index_cast %add3A_79 : i32 to index
      %get3A_81 = tpu.vector_load %arg10[%get3A_80] {strides = array<i32>} : memref<10240xf32, #tpu.memory_space<vmem>>, vector<16xf32>,
      %add3A_82 = arith.addf %get3A_75, %get3A_81 : vector<16xf32>
      %mul3A_83 = arith.constant 16 : i32
      %mul3A_84 = arith.muli %scan3A_72, %mul3A_83 : i32
      %add3A_85 = arith.constant 1280 : i32
      %add3A_86 = arith.addi %add3A_85, %mul3A_84 : i32
      %get3A_87 = arith.index_cast %add3A_86 : i32 to index
      %get3A_88 = tpu.vector_load %arg10[%get3A_87] {strides = array<i32>} : memref<10240xf32, #tpu.memory_space<vmem>>, vector<16xf32>,
      %add3A_89 = arith.addf %add3A_82, %get3A_88 : vector<16xf32>
      %mul3A_90 = arith.constant 16 : i32
      %mul3A_91 = arith.muli %scan3A_72, %mul3A_90 : i32
      %add3A_92 = arith.constant 1920 : i32
      %add3A_93 = arith.addi %add3A_92, %mul3A_91 : i32
      %get3A_94 = arith.index_cast %add3A_93 : i32 to index
      %get3A_95 = tpu.vector_load %arg10[%get3A_94] {strides = array<i32>} : memref<10240xf32, #tpu.memory_space<vmem>>, vector<16xf32>,
      %add3A_96 = arith.addf %add3A_89, %get3A_95 : vector<16xf32>
      %mul3A_97 = arith.constant 16 : i32
      %mul3A_98 = arith.muli %scan3A_72, %mul3A_97 : i32
      %add3A_99 = arith.constant 2560 : i32
      %add3A_100 = arith.addi %add3A_99, %mul3A_98 : i32
      %get3A_101 = arith.index_cast %add3A_100 : i32 to index
      %get3A_102 = tpu.vector_load %arg10[%get3A_101] {strides = array<i32>} : memref<10240xf32, #tpu.memory_space<vmem>>, vector<16xf32>,
      %add3A_103 = arith.addf %add3A_96, %get3A_102 : vector<16xf32>
      %mul3A_104 = arith.constant 16 : i32
      %mul3A_105 = arith.muli %scan3A_72, %mul3A_104 : i32
      %add3A_106 = arith.constant 3200 : i32
      %add3A_107 = arith.addi %add3A_106, %mul3A_105 : i32
      %get3A_108 = arith.index_cast %add3A_107 : i32 to index
      %get3A_109 = tpu.vector_load %arg10[%get3A_108] {strides = array<i32>} : memref<10240xf32, #tpu.memory_space<vmem>>, vector<16xf32>,
      %add3A_110 = arith.addf %add3A_103, %get3A_109 : vector<16xf32>
      %mul3A_111 = arith.constant 16 : i32
      %mul3A_112 = arith.muli %scan3A_72, %mul3A_111 : i32
      %add3A_113 = arith.constant 3840 : i32
      %add3A_114 = arith.addi %add3A_113, %mul3A_112 : i32
      %get3A_115 = arith.index_cast %add3A_114 : i32 to index
      %get3A_116 = tpu.vector_load %arg10[%get3A_115] {strides = array<i32>} : memref<10240xf32, #tpu.memory_space<vmem>>, vector<16xf32>,
      %add3A_117 = arith.addf %add3A_110, %get3A_116 : vector<16xf32>
      %mul3A_118 = arith.constant 16 : i32
      %mul3A_119 = arith.muli %scan3A_72, %mul3A_118 : i32
      %add3A_120 = arith.constant 4480 : i32
      %add3A_121 = arith.addi %add3A_120, %mul3A_119 : i32
      %get3A_122 = arith.index_cast %add3A_121 : i32 to index
      %get3A_123 = tpu.vector_load %arg10[%get3A_122] {strides = array<i32>} : memref<10240xf32, #tpu.memory_space<vmem>>, vector<16xf32>,
      %add3A_124 = arith.addf %add3A_117, %get3A_123 : vector<16xf32>
      %mul3A_125 = arith.constant 16 : i32
      %mul3A_126 = arith.muli %scan3A_72, %mul3A_125 : i32
      %add3A_127 = arith.constant 5120 : i32
      %add3A_128 = arith.addi %add3A_127, %mul3A_126 : i32
      %get3A_129 = arith.index_cast %add3A_128 : i32 to index
      %get3A_130 = tpu.vector_load %arg10[%get3A_129] {strides = array<i32>} : memref<10240xf32, #tpu.memory_space<vmem>>, vector<16xf32>,
      %add3A_131 = arith.addf %add3A_124, %get3A_130 : vector<16xf32>
      %mul3A_132 = arith.constant 16 : i32
      %mul3A_133 = arith.muli %scan3A_72, %mul3A_132 : i32
      %add3A_134 = arith.constant 5760 : i32
      %add3A_135 = arith.addi %add3A_134, %mul3A_133 : i32
      %get3A_136 = arith.index_cast %add3A_135 : i32 to index
      %get3A_137 = tpu.vector_load %arg10[%get3A_136] {strides = array<i32>} : memref<10240xf32, #tpu.memory_space<vmem>>, vector<16xf32>,
      %add3A_138 = arith.addf %add3A_131, %get3A_137 : vector<16xf32>
      %mul3A_139 = arith.constant 16 : i32
      %mul3A_140 = arith.muli %scan3A_72, %mul3A_139 : i32
      %add3A_141 = arith.constant 6400 : i32
      %add3A_142 = arith.addi %add3A_141, %mul3A_140 : i32
      %get3A_143 = arith.index_cast %add3A_142 : i32 to index
      %get3A_144 = tpu.vector_load %arg10[%get3A_143] {strides = array<i32>} : memref<10240xf32, #tpu.memory_space<vmem>>, vector<16xf32>,
      %add3A_145 = arith.addf %add3A_138, %get3A_144 : vector<16xf32>
      %mul3A_146 = arith.constant 16 : i32
      %mul3A_147 = arith.muli %scan3A_72, %mul3A_146 : i32
      %add3A_148 = arith.constant 7040 : i32
      %add3A_149 = arith.addi %add3A_148, %mul3A_147 : i32
      %get3A_150 = arith.index_cast %add3A_149 : i32 to index
      %get3A_151 = tpu.vector_load %arg10[%get3A_150] {strides = array<i32>} : memref<10240xf32, #tpu.memory_space<vmem>>, vector<16xf32>,
      %add3A_152 = arith.addf %add3A_145, %get3A_151 : vector<16xf32>
      %mul3A_153 = arith.constant 16 : i32
      %mul3A_154 = arith.muli %scan3A_72, %mul3A_153 : i32
      %add3A_155 = arith.constant 7680 : i32
      %add3A_156 = arith.addi %add3A_155, %mul3A_154 : i32
      %get3A_157 = arith.index_cast %add3A_156 : i32 to index
      %get3A_158 = tpu.vector_load %arg10[%get3A_157] {strides = array<i32>} : memref<10240xf32, #tpu.memory_space<vmem>>, vector<16xf32>,
      %add3A_159 = arith.addf %add3A_152, %get3A_158 : vector<16xf32>
      %mul3A_160 = arith.constant 16 : i32
      %mul3A_161 = arith.muli %scan3A_72, %mul3A_160 : i32
      %add3A_162 = arith.constant 8320 : i32
      %add3A_163 = arith.addi %add3A_162, %mul3A_161 : i32
      %get3A_164 = arith.index_cast %add3A_163 : i32 to index
      %get3A_165 = tpu.vector_load %arg10[%get3A_164] {strides = array<i32>} : memref<10240xf32, #tpu.memory_space<vmem>>, vector<16xf32>,
      %add3A_166 = arith.addf %add3A_159, %get3A_165 : vector<16xf32>
      %mul3A_167 = arith.constant 16 : i32
      %mul3A_168 = arith.muli %scan3A_72, %mul3A_167 : i32
      %add3A_169 = arith.constant 8960 : i32
      %add3A_170 = arith.addi %add3A_169, %mul3A_168 : i32
      %get3A_171 = arith.index_cast %add3A_170 : i32 to index
      %get3A_172 = tpu.vector_load %arg10[%get3A_171] {strides = array<i32>} : memref<10240xf32, #tpu.memory_space<vmem>>, vector<16xf32>,
      %add3A_173 = arith.addf %add3A_166, %get3A_172 : vector<16xf32>
      %mul3A_174 = arith.constant 16 : i32
      %mul3A_175 = arith.muli %scan3A_72, %mul3A_174 : i32
      %add3A_176 = arith.constant 9600 : i32
      %add3A_177 = arith.addi %add3A_176, %mul3A_175 : i32
      %get3A_178 = arith.index_cast %add3A_177 : i32 to index
      %get3A_179 = tpu.vector_load %arg10[%get3A_178] {strides = array<i32>} : memref<10240xf32, #tpu.memory_space<vmem>>, vector<16xf32>,
      %add3A_180 = arith.addf %add3A_173, %get3A_179 : vector<16xf32>
      %mul3A_181 = arith.constant 16 : i32
      %mul3A_182 = arith.muli %scan3A_72, %mul3A_181 : i32
      %swap3A = arith.index_cast %mul3A_182 : i32 to index
      %swap3A_183 = tpu.vector_load %arg11[%swap3A] {strides = array<i32>} : memref<640xf32, #tpu.memory_space<vmem>>, vector<16xf32>,
      tpu.vector_store %arg11[%swap3A], %add3A_180 {strides = array<i32>} : memref<640xf32, #tpu.memory_space<vmem>>, vector<16xf32>,
    }
    %scan3A_69 = arith.constant 40 : i32
    %mul3A_70 = arith.constant 640 : i32
    %mul3A_71 = arith.muli %arg1, %mul3A_70 : i32
    "tpu.region"() ({
      %run_scoped3A_72 = tpu.sem_alloc : memref<!tpu.dma_semaphore, #tpu.memory_space<semaphore_mem>>
      %dma_start3A = tpu.memref_slice %arg5[%arg0, %mul3A_71] : memref<2x10240xf32, #tpu.memory_space<hbm>> -> memref<1x640xf32, #tpu.memory_space<hbm>>
      %dma_start3A_73 = tpu.memref_squeeze %dma_start3A : memref<1x640xf32, #tpu.memory_space<hbm>> -> memref<640xf32, #tpu.memory_space<hbm>>
      %dma_start3A_74 = tpu.memref_slice %arg5[%arg0, %mul3A_71] : memref<2x10240xf32, #tpu.memory_space<hbm>> -> memref<1x640xf32, #tpu.memory_space<hbm>>
      %dma_start3A_75 = tpu.memref_squeeze %dma_start3A_74 : memref<1x640xf32, #tpu.memory_space<hbm>> -> memref<640xf32, #tpu.memory_space<hbm>>
      tpu.enqueue_dma source(%arg11 : memref<640xf32, #tpu.memory_space<vmem>>) target(%dma_start3A_75 : memref<640xf32, #tpu.memory_space<hbm>>) target_semaphore(%run_scoped3A_72 : memref<!tpu.dma_semaphore, #tpu.memory_space<semaphore_mem>>)
      %dma_wait3A = tpu.memref_slice %arg5[%arg0, %mul3A_71] : memref<2x10240xf32, #tpu.memory_space<hbm>> -> memref<1x640xf32, #tpu.memory_space<hbm>>
      %dma_wait3A_76 = tpu.memref_squeeze %dma_wait3A : memref<1x640xf32, #tpu.memory_space<hbm>> -> memref<640xf32, #tpu.memory_space<hbm>>
      %dma_wait3A_77 = tpu.memref_slice %arg5[%arg0, %mul3A_71] : memref<2x10240xf32, #tpu.memory_space<hbm>> -> memref<1x640xf32, #tpu.memory_space<hbm>>
      %dma_wait3A_78 = tpu.memref_squeeze %dma_wait3A_77 : memref<1x640xf32, #tpu.memory_space<hbm>> -> memref<640xf32, #tpu.memory_space<hbm>>
      tpu.wait_dma2 semaphore(%run_scoped3A_72 : memref<!tpu.dma_semaphore, #tpu.memory_space<semaphore_mem>>) src(%arg11 : memref<640xf32, #tpu.memory_space<vmem>>) dst(%dma_wait3A_78 : memref<640xf32, #tpu.memory_space<hbm>>)
      tpu.yield
    }) : () -> ()
    return
  }
}

#map = affine_map<(d0, d1) -> (0, 0)>
#map1 = affine_map<(d0, d1) -> (0, 0, 0)>
module attributes {stable_mosaic.version = 14 : i64} {
  func.func @_agg_body(%arg0: i32, %arg1: i32, %arg2: memref<2048x80xi32, #tpu.memory_space<hbm>>, %arg3: memref<2048x80xi32, #tpu.memory_space<hbm>>, %arg4: memref<2x10240x128xf32, #tpu.memory_space<hbm>>, %arg5: memref<2x10240x128xf32, #tpu.memory_space<hbm>>, %arg6: memref<8x80xi32, #tpu.memory_space<vmem>>, %arg7: memref<8x80xi32, #tpu.memory_space<vmem>>, %arg8: memref<4x80x128xf32, #tpu.memory_space<vmem>>, %arg9: memref<10240x128xf32, #tpu.memory_space<vmem_shared>>, %arg10: memref<8x!tpu.dma_semaphore, #tpu.memory_space<semaphore_mem>>, %arg11: memref<4x!tpu.dma_semaphore, #tpu.memory_space<semaphore_mem>>, %arg12: memref<4x!tpu.dma_semaphore, #tpu.memory_space<semaphore_mem>>) attributes {dimension_semantics = [#tpu.dimension_semantics<core_parallel>, #tpu.dimension_semantics<subcore_parallel>], iteration_bounds = array<i64: 2, 16>, scalar_prefetch = 0 : i64, scratch_operands = 7 : i64, tpu.core_type = #tpu.core_type<sc_vector_subcore>, window_params = [{transform_indices = #map}, {transform_indices = #map}, {transform_indices = #map1}, {transform_indices = #map1}]} {
    %mul3A = arith.constant 640 : i32
    %mul3A_0 = arith.muli %arg1, %mul3A : i32
    %mul3A_1 = arith.constant 640 : i32
    %mul3A_2 = arith.muli %arg1, %mul3A_1 : i32
    "tpu.region"() ({
      %run_scoped3A = tpu.sem_alloc : memref<!tpu.dma_semaphore, #tpu.memory_space<semaphore_mem>>
      %dma_start3A_260 = arith.constant 0 : i32
      %dma_start3A_261 = tpu.memref_slice %arg9[%mul3A_2, %dma_start3A_260] : memref<10240x128xf32, #tpu.memory_space<vmem_shared>> -> memref<640x128xf32, #tpu.memory_space<vmem_shared>>
      %dma_start3A_262 = arith.constant 0 : i32
      %dma_start3A_263 = tpu.memref_slice %arg4[%arg0, %mul3A_0, %dma_start3A_262] : memref<2x10240x128xf32, #tpu.memory_space<hbm>> -> memref<1x640x128xf32, #tpu.memory_space<hbm>>
      %dma_start3A_264 = tpu.memref_squeeze %dma_start3A_263 : memref<1x640x128xf32, #tpu.memory_space<hbm>> -> memref<640x128xf32, #tpu.memory_space<hbm>>
      tpu.enqueue_dma source(%dma_start3A_264 : memref<640x128xf32, #tpu.memory_space<hbm>>) target(%dma_start3A_261 : memref<640x128xf32, #tpu.memory_space<vmem_shared>>) target_semaphore(%run_scoped3A : memref<!tpu.dma_semaphore, #tpu.memory_space<semaphore_mem>>)
      %dma_wait3A_265 = arith.constant 0 : i32
      %dma_wait3A_266 = tpu.memref_slice %arg9[%mul3A_2, %dma_wait3A_265] : memref<10240x128xf32, #tpu.memory_space<vmem_shared>> -> memref<640x128xf32, #tpu.memory_space<vmem_shared>>
      %dma_wait3A_267 = arith.constant 0 : i32
      %dma_wait3A_268 = tpu.memref_slice %arg4[%arg0, %mul3A_0, %dma_wait3A_267] : memref<2x10240x128xf32, #tpu.memory_space<hbm>> -> memref<1x640x128xf32, #tpu.memory_space<hbm>>
      %dma_wait3A_269 = tpu.memref_squeeze %dma_wait3A_268 : memref<1x640x128xf32, #tpu.memory_space<hbm>> -> memref<640x128xf32, #tpu.memory_space<hbm>>
      tpu.wait_dma2 semaphore(%run_scoped3A : memref<!tpu.dma_semaphore, #tpu.memory_space<semaphore_mem>>) src(%dma_wait3A_269 : memref<640x128xf32, #tpu.memory_space<hbm>>) dst(%dma_wait3A_266 : memref<640x128xf32, #tpu.memory_space<vmem_shared>>)
      tpu.yield
    }) : () -> ()
    %barrier3A = arith.constant 0 : index
    tpu.barrier barrier_id(%barrier3A)
    %mul3A_3 = arith.constant 128 : i32
    %mul3A_4 = arith.muli %arg1, %mul3A_3 : i32
    %add3A = arith.constant 0 : i32
    %add3A_5 = arith.addi %mul3A_4, %add3A : i32
    %dma_start3A = arith.constant 0 : i32
    %dma_start3A_6 = arith.constant 0 : i32
    %dma_start3A_7 = arith.constant 0 : i32
    %dma_start3A_8 = tpu.memref_slice %arg6[%dma_start3A, %dma_start3A_7] : memref<8x80xi32, #tpu.memory_space<vmem>> -> memref<1x80xi32, #tpu.memory_space<vmem>>
    %dma_start3A_9 = tpu.memref_squeeze %dma_start3A_8 : memref<1x80xi32, #tpu.memory_space<vmem>> -> memref<80xi32, #tpu.memory_space<vmem>>
    %dma_start3A_10 = arith.constant 0 : i32
    %dma_start3A_11 = tpu.memref_slice %arg2[%add3A_5, %dma_start3A_10] : memref<2048x80xi32, #tpu.memory_space<hbm>> -> memref<1x80xi32, #tpu.memory_space<hbm>>
    %dma_start3A_12 = tpu.memref_squeeze %dma_start3A_11 : memref<1x80xi32, #tpu.memory_space<hbm>> -> memref<80xi32, #tpu.memory_space<hbm>>
    %dma_start3A_13 = tpu.memref_slice %arg10[%dma_start3A_6] : memref<8x!tpu.dma_semaphore, #tpu.memory_space<semaphore_mem>> -> memref<1x!tpu.dma_semaphore, #tpu.memory_space<semaphore_mem>>
    %dma_start3A_14 = tpu.memref_squeeze %dma_start3A_13 : memref<1x!tpu.dma_semaphore, #tpu.memory_space<semaphore_mem>> -> memref<!tpu.dma_semaphore, #tpu.memory_space<semaphore_mem>>
    %dma_start3A_15 = arith.constant 0 : i32
    %dma_start3A_16 = tpu.memref_slice %arg6[%dma_start3A, %dma_start3A_15] : memref<8x80xi32, #tpu.memory_space<vmem>> -> memref<1x80xi32, #tpu.memory_space<vmem>>
    %dma_start3A_17 = tpu.memref_squeeze %dma_start3A_16 : memref<1x80xi32, #tpu.memory_space<vmem>> -> memref<80xi32, #tpu.memory_space<vmem>>
    %dma_start3A_18 = arith.constant 0 : i32
    %dma_start3A_19 = tpu.memref_slice %arg2[%add3A_5, %dma_start3A_18] : memref<2048x80xi32, #tpu.memory_space<hbm>> -> memref<1x80xi32, #tpu.memory_space<hbm>>
    %dma_start3A_20 = tpu.memref_squeeze %dma_start3A_19 : memref<1x80xi32, #tpu.memory_space<hbm>> -> memref<80xi32, #tpu.memory_space<hbm>>
    tpu.enqueue_dma source(%dma_start3A_20 : memref<80xi32, #tpu.memory_space<hbm>>) target(%dma_start3A_17 : memref<80xi32, #tpu.memory_space<vmem>>) target_semaphore(%dma_start3A_14 : memref<!tpu.dma_semaphore, #tpu.memory_space<semaphore_mem>>)
    %add3A_21 = arith.constant 0 : i32
    %add3A_22 = arith.addi %mul3A_4, %add3A_21 : i32
    %dma_start3A_23 = arith.constant 0 : i32
    %dma_start3A_24 = arith.constant 0 : i32
    %dma_start3A_25 = arith.constant 0 : i32
    %dma_start3A_26 = tpu.memref_slice %arg7[%dma_start3A_23, %dma_start3A_25] : memref<8x80xi32, #tpu.memory_space<vmem>> -> memref<1x80xi32, #tpu.memory_space<vmem>>
    %dma_start3A_27 = tpu.memref_squeeze %dma_start3A_26 : memref<1x80xi32, #tpu.memory_space<vmem>> -> memref<80xi32, #tpu.memory_space<vmem>>
    %dma_start3A_28 = arith.constant 0 : i32
    %dma_start3A_29 = tpu.memref_slice %arg3[%add3A_22, %dma_start3A_28] : memref<2048x80xi32, #tpu.memory_space<hbm>> -> memref<1x80xi32, #tpu.memory_space<hbm>>
    %dma_start3A_30 = tpu.memref_squeeze %dma_start3A_29 : memref<1x80xi32, #tpu.memory_space<hbm>> -> memref<80xi32, #tpu.memory_space<hbm>>
    %dma_start3A_31 = tpu.memref_slice %arg10[%dma_start3A_24] : memref<8x!tpu.dma_semaphore, #tpu.memory_space<semaphore_mem>> -> memref<1x!tpu.dma_semaphore, #tpu.memory_space<semaphore_mem>>
    %dma_start3A_32 = tpu.memref_squeeze %dma_start3A_31 : memref<1x!tpu.dma_semaphore, #tpu.memory_space<semaphore_mem>> -> memref<!tpu.dma_semaphore, #tpu.memory_space<semaphore_mem>>
    %dma_start3A_33 = arith.constant 0 : i32
    %dma_start3A_34 = tpu.memref_slice %arg7[%dma_start3A_23, %dma_start3A_33] : memref<8x80xi32, #tpu.memory_space<vmem>> -> memref<1x80xi32, #tpu.memory_space<vmem>>
    %dma_start3A_35 = tpu.memref_squeeze %dma_start3A_34 : memref<1x80xi32, #tpu.memory_space<vmem>> -> memref<80xi32, #tpu.memory_space<vmem>>
    %dma_start3A_36 = arith.constant 0 : i32
    %dma_start3A_37 = tpu.memref_slice %arg3[%add3A_22, %dma_start3A_36] : memref<2048x80xi32, #tpu.memory_space<hbm>> -> memref<1x80xi32, #tpu.memory_space<hbm>>
    %dma_start3A_38 = tpu.memref_squeeze %dma_start3A_37 : memref<1x80xi32, #tpu.memory_space<hbm>> -> memref<80xi32, #tpu.memory_space<hbm>>
    tpu.enqueue_dma source(%dma_start3A_38 : memref<80xi32, #tpu.memory_space<hbm>>) target(%dma_start3A_35 : memref<80xi32, #tpu.memory_space<vmem>>) target_semaphore(%dma_start3A_32 : memref<!tpu.dma_semaphore, #tpu.memory_space<semaphore_mem>>)
    %add3A_39 = arith.constant 1 : i32
    %add3A_40 = arith.addi %mul3A_4, %add3A_39 : i32
    %dma_start3A_41 = arith.constant 1 : i32
    %dma_start3A_42 = arith.constant 1 : i32
    %dma_start3A_43 = arith.constant 0 : i32
    %dma_start3A_44 = tpu.memref_slice %arg6[%dma_start3A_41, %dma_start3A_43] : memref<8x80xi32, #tpu.memory_space<vmem>> -> memref<1x80xi32, #tpu.memory_space<vmem>>
    %dma_start3A_45 = tpu.memref_squeeze %dma_start3A_44 : memref<1x80xi32, #tpu.memory_space<vmem>> -> memref<80xi32, #tpu.memory_space<vmem>>
    %dma_start3A_46 = arith.constant 0 : i32
    %dma_start3A_47 = tpu.memref_slice %arg2[%add3A_40, %dma_start3A_46] : memref<2048x80xi32, #tpu.memory_space<hbm>> -> memref<1x80xi32, #tpu.memory_space<hbm>>
    %dma_start3A_48 = tpu.memref_squeeze %dma_start3A_47 : memref<1x80xi32, #tpu.memory_space<hbm>> -> memref<80xi32, #tpu.memory_space<hbm>>
    %dma_start3A_49 = tpu.memref_slice %arg10[%dma_start3A_42] : memref<8x!tpu.dma_semaphore, #tpu.memory_space<semaphore_mem>> -> memref<1x!tpu.dma_semaphore, #tpu.memory_space<semaphore_mem>>
    %dma_start3A_50 = tpu.memref_squeeze %dma_start3A_49 : memref<1x!tpu.dma_semaphore, #tpu.memory_space<semaphore_mem>> -> memref<!tpu.dma_semaphore, #tpu.memory_space<semaphore_mem>>
    %dma_start3A_51 = arith.constant 0 : i32
    %dma_start3A_52 = tpu.memref_slice %arg6[%dma_start3A_41, %dma_start3A_51] : memref<8x80xi32, #tpu.memory_space<vmem>> -> memref<1x80xi32, #tpu.memory_space<vmem>>
    %dma_start3A_53 = tpu.memref_squeeze %dma_start3A_52 : memref<1x80xi32, #tpu.memory_space<vmem>> -> memref<80xi32, #tpu.memory_space<vmem>>
    %dma_start3A_54 = arith.constant 0 : i32
    %dma_start3A_55 = tpu.memref_slice %arg2[%add3A_40, %dma_start3A_54] : memref<2048x80xi32, #tpu.memory_space<hbm>> -> memref<1x80xi32, #tpu.memory_space<hbm>>
    %dma_start3A_56 = tpu.memref_squeeze %dma_start3A_55 : memref<1x80xi32, #tpu.memory_space<hbm>> -> memref<80xi32, #tpu.memory_space<hbm>>
    tpu.enqueue_dma source(%dma_start3A_56 : memref<80xi32, #tpu.memory_space<hbm>>) target(%dma_start3A_53 : memref<80xi32, #tpu.memory_space<vmem>>) target_semaphore(%dma_start3A_50 : memref<!tpu.dma_semaphore, #tpu.memory_space<semaphore_mem>>)
    %add3A_57 = arith.constant 1 : i32
    %add3A_58 = arith.addi %mul3A_4, %add3A_57 : i32
    %dma_start3A_59 = arith.constant 1 : i32
    %dma_start3A_60 = arith.constant 1 : i32
    %dma_start3A_61 = arith.constant 0 : i32
    %dma_start3A_62 = tpu.memref_slice %arg7[%dma_start3A_59, %dma_start3A_61] : memref<8x80xi32, #tpu.memory_space<vmem>> -> memref<1x80xi32, #tpu.memory_space<vmem>>
    %dma_start3A_63 = tpu.memref_squeeze %dma_start3A_62 : memref<1x80xi32, #tpu.memory_space<vmem>> -> memref<80xi32, #tpu.memory_space<vmem>>
    %dma_start3A_64 = arith.constant 0 : i32
    %dma_start3A_65 = tpu.memref_slice %arg3[%add3A_58, %dma_start3A_64] : memref<2048x80xi32, #tpu.memory_space<hbm>> -> memref<1x80xi32, #tpu.memory_space<hbm>>
    %dma_start3A_66 = tpu.memref_squeeze %dma_start3A_65 : memref<1x80xi32, #tpu.memory_space<hbm>> -> memref<80xi32, #tpu.memory_space<hbm>>
    %dma_start3A_67 = tpu.memref_slice %arg10[%dma_start3A_60] : memref<8x!tpu.dma_semaphore, #tpu.memory_space<semaphore_mem>> -> memref<1x!tpu.dma_semaphore, #tpu.memory_space<semaphore_mem>>
    %dma_start3A_68 = tpu.memref_squeeze %dma_start3A_67 : memref<1x!tpu.dma_semaphore, #tpu.memory_space<semaphore_mem>> -> memref<!tpu.dma_semaphore, #tpu.memory_space<semaphore_mem>>
    %dma_start3A_69 = arith.constant 0 : i32
    %dma_start3A_70 = tpu.memref_slice %arg7[%dma_start3A_59, %dma_start3A_69] : memref<8x80xi32, #tpu.memory_space<vmem>> -> memref<1x80xi32, #tpu.memory_space<vmem>>
    %dma_start3A_71 = tpu.memref_squeeze %dma_start3A_70 : memref<1x80xi32, #tpu.memory_space<vmem>> -> memref<80xi32, #tpu.memory_space<vmem>>
    %dma_start3A_72 = arith.constant 0 : i32
    %dma_start3A_73 = tpu.memref_slice %arg3[%add3A_58, %dma_start3A_72] : memref<2048x80xi32, #tpu.memory_space<hbm>> -> memref<1x80xi32, #tpu.memory_space<hbm>>
    %dma_start3A_74 = tpu.memref_squeeze %dma_start3A_73 : memref<1x80xi32, #tpu.memory_space<hbm>> -> memref<80xi32, #tpu.memory_space<hbm>>
    tpu.enqueue_dma source(%dma_start3A_74 : memref<80xi32, #tpu.memory_space<hbm>>) target(%dma_start3A_71 : memref<80xi32, #tpu.memory_space<vmem>>) target_semaphore(%dma_start3A_68 : memref<!tpu.dma_semaphore, #tpu.memory_space<semaphore_mem>>)
    %add3A_75 = arith.constant 2 : i32
    %add3A_76 = arith.addi %mul3A_4, %add3A_75 : i32
    %dma_start3A_77 = arith.constant 2 : i32
    %dma_start3A_78 = arith.constant 2 : i32
    %dma_start3A_79 = arith.constant 0 : i32
    %dma_start3A_80 = tpu.memref_slice %arg6[%dma_start3A_77, %dma_start3A_79] : memref<8x80xi32, #tpu.memory_space<vmem>> -> memref<1x80xi32, #tpu.memory_space<vmem>>
    %dma_start3A_81 = tpu.memref_squeeze %dma_start3A_80 : memref<1x80xi32, #tpu.memory_space<vmem>> -> memref<80xi32, #tpu.memory_space<vmem>>
    %dma_start3A_82 = arith.constant 0 : i32
    %dma_start3A_83 = tpu.memref_slice %arg2[%add3A_76, %dma_start3A_82] : memref<2048x80xi32, #tpu.memory_space<hbm>> -> memref<1x80xi32, #tpu.memory_space<hbm>>
    %dma_start3A_84 = tpu.memref_squeeze %dma_start3A_83 : memref<1x80xi32, #tpu.memory_space<hbm>> -> memref<80xi32, #tpu.memory_space<hbm>>
    %dma_start3A_85 = tpu.memref_slice %arg10[%dma_start3A_78] : memref<8x!tpu.dma_semaphore, #tpu.memory_space<semaphore_mem>> -> memref<1x!tpu.dma_semaphore, #tpu.memory_space<semaphore_mem>>
    %dma_start3A_86 = tpu.memref_squeeze %dma_start3A_85 : memref<1x!tpu.dma_semaphore, #tpu.memory_space<semaphore_mem>> -> memref<!tpu.dma_semaphore, #tpu.memory_space<semaphore_mem>>
    %dma_start3A_87 = arith.constant 0 : i32
    %dma_start3A_88 = tpu.memref_slice %arg6[%dma_start3A_77, %dma_start3A_87] : memref<8x80xi32, #tpu.memory_space<vmem>> -> memref<1x80xi32, #tpu.memory_space<vmem>>
    %dma_start3A_89 = tpu.memref_squeeze %dma_start3A_88 : memref<1x80xi32, #tpu.memory_space<vmem>> -> memref<80xi32, #tpu.memory_space<vmem>>
    %dma_start3A_90 = arith.constant 0 : i32
    %dma_start3A_91 = tpu.memref_slice %arg2[%add3A_76, %dma_start3A_90] : memref<2048x80xi32, #tpu.memory_space<hbm>> -> memref<1x80xi32, #tpu.memory_space<hbm>>
    %dma_start3A_92 = tpu.memref_squeeze %dma_start3A_91 : memref<1x80xi32, #tpu.memory_space<hbm>> -> memref<80xi32, #tpu.memory_space<hbm>>
    tpu.enqueue_dma source(%dma_start3A_92 : memref<80xi32, #tpu.memory_space<hbm>>) target(%dma_start3A_89 : memref<80xi32, #tpu.memory_space<vmem>>) target_semaphore(%dma_start3A_86 : memref<!tpu.dma_semaphore, #tpu.memory_space<semaphore_mem>>)
    %add3A_93 = arith.constant 2 : i32
    %add3A_94 = arith.addi %mul3A_4, %add3A_93 : i32
    %dma_start3A_95 = arith.constant 2 : i32
    %dma_start3A_96 = arith.constant 2 : i32
    %dma_start3A_97 = arith.constant 0 : i32
    %dma_start3A_98 = tpu.memref_slice %arg7[%dma_start3A_95, %dma_start3A_97] : memref<8x80xi32, #tpu.memory_space<vmem>> -> memref<1x80xi32, #tpu.memory_space<vmem>>
    %dma_start3A_99 = tpu.memref_squeeze %dma_start3A_98 : memref<1x80xi32, #tpu.memory_space<vmem>> -> memref<80xi32, #tpu.memory_space<vmem>>
    %dma_start3A_100 = arith.constant 0 : i32
    %dma_start3A_101 = tpu.memref_slice %arg3[%add3A_94, %dma_start3A_100] : memref<2048x80xi32, #tpu.memory_space<hbm>> -> memref<1x80xi32, #tpu.memory_space<hbm>>
    %dma_start3A_102 = tpu.memref_squeeze %dma_start3A_101 : memref<1x80xi32, #tpu.memory_space<hbm>> -> memref<80xi32, #tpu.memory_space<hbm>>
    %dma_start3A_103 = tpu.memref_slice %arg10[%dma_start3A_96] : memref<8x!tpu.dma_semaphore, #tpu.memory_space<semaphore_mem>> -> memref<1x!tpu.dma_semaphore, #tpu.memory_space<semaphore_mem>>
    %dma_start3A_104 = tpu.memref_squeeze %dma_start3A_103 : memref<1x!tpu.dma_semaphore, #tpu.memory_space<semaphore_mem>> -> memref<!tpu.dma_semaphore, #tpu.memory_space<semaphore_mem>>
    %dma_start3A_105 = arith.constant 0 : i32
    %dma_start3A_106 = tpu.memref_slice %arg7[%dma_start3A_95, %dma_start3A_105] : memref<8x80xi32, #tpu.memory_space<vmem>> -> memref<1x80xi32, #tpu.memory_space<vmem>>
    %dma_start3A_107 = tpu.memref_squeeze %dma_start3A_106 : memref<1x80xi32, #tpu.memory_space<vmem>> -> memref<80xi32, #tpu.memory_space<vmem>>
    %dma_start3A_108 = arith.constant 0 : i32
    %dma_start3A_109 = tpu.memref_slice %arg3[%add3A_94, %dma_start3A_108] : memref<2048x80xi32, #tpu.memory_space<hbm>> -> memref<1x80xi32, #tpu.memory_space<hbm>>
    %dma_start3A_110 = tpu.memref_squeeze %dma_start3A_109 : memref<1x80xi32, #tpu.memory_space<hbm>> -> memref<80xi32, #tpu.memory_space<hbm>>
    tpu.enqueue_dma source(%dma_start3A_110 : memref<80xi32, #tpu.memory_space<hbm>>) target(%dma_start3A_107 : memref<80xi32, #tpu.memory_space<vmem>>) target_semaphore(%dma_start3A_104 : memref<!tpu.dma_semaphore, #tpu.memory_space<semaphore_mem>>)
    %add3A_111 = arith.constant 0 : i32
    %add3A_112 = arith.addi %mul3A_4, %add3A_111 : i32
    %dma_wait3A = arith.constant 0 : i32
    %dma_wait3A_113 = arith.constant 0 : i32
    %dma_wait3A_114 = arith.constant 0 : i32
    %dma_wait3A_115 = tpu.memref_slice %arg6[%dma_wait3A, %dma_wait3A_114] : memref<8x80xi32, #tpu.memory_space<vmem>> -> memref<1x80xi32, #tpu.memory_space<vmem>>
    %dma_wait3A_116 = tpu.memref_squeeze %dma_wait3A_115 : memref<1x80xi32, #tpu.memory_space<vmem>> -> memref<80xi32, #tpu.memory_space<vmem>>
    %dma_wait3A_117 = arith.constant 0 : i32
    %dma_wait3A_118 = tpu.memref_slice %arg2[%add3A_112, %dma_wait3A_117] : memref<2048x80xi32, #tpu.memory_space<hbm>> -> memref<1x80xi32, #tpu.memory_space<hbm>>
    %dma_wait3A_119 = tpu.memref_squeeze %dma_wait3A_118 : memref<1x80xi32, #tpu.memory_space<hbm>> -> memref<80xi32, #tpu.memory_space<hbm>>
    %dma_wait3A_120 = tpu.memref_slice %arg10[%dma_wait3A_113] : memref<8x!tpu.dma_semaphore, #tpu.memory_space<semaphore_mem>> -> memref<1x!tpu.dma_semaphore, #tpu.memory_space<semaphore_mem>>
    %dma_wait3A_121 = tpu.memref_squeeze %dma_wait3A_120 : memref<1x!tpu.dma_semaphore, #tpu.memory_space<semaphore_mem>> -> memref<!tpu.dma_semaphore, #tpu.memory_space<semaphore_mem>>
    %dma_wait3A_122 = arith.constant 0 : i32
    %dma_wait3A_123 = tpu.memref_slice %arg6[%dma_wait3A, %dma_wait3A_122] : memref<8x80xi32, #tpu.memory_space<vmem>> -> memref<1x80xi32, #tpu.memory_space<vmem>>
    %dma_wait3A_124 = tpu.memref_squeeze %dma_wait3A_123 : memref<1x80xi32, #tpu.memory_space<vmem>> -> memref<80xi32, #tpu.memory_space<vmem>>
    %dma_wait3A_125 = arith.constant 0 : i32
    %dma_wait3A_126 = tpu.memref_slice %arg2[%add3A_112, %dma_wait3A_125] : memref<2048x80xi32, #tpu.memory_space<hbm>> -> memref<1x80xi32, #tpu.memory_space<hbm>>
    %dma_wait3A_127 = tpu.memref_squeeze %dma_wait3A_126 : memref<1x80xi32, #tpu.memory_space<hbm>> -> memref<80xi32, #tpu.memory_space<hbm>>
    tpu.wait_dma2 semaphore(%dma_wait3A_121 : memref<!tpu.dma_semaphore, #tpu.memory_space<semaphore_mem>>) src(%dma_wait3A_127 : memref<80xi32, #tpu.memory_space<hbm>>) dst(%dma_wait3A_124 : memref<80xi32, #tpu.memory_space<vmem>>)
    %add3A_128 = arith.constant 0 : i32
    %add3A_129 = arith.addi %mul3A_4, %add3A_128 : i32
    %dma_wait3A_130 = arith.constant 0 : i32
    %dma_wait3A_131 = arith.constant 0 : i32
    %dma_wait3A_132 = arith.constant 0 : i32
    %dma_wait3A_133 = tpu.memref_slice %arg7[%dma_wait3A_130, %dma_wait3A_132] : memref<8x80xi32, #tpu.memory_space<vmem>> -> memref<1x80xi32, #tpu.memory_space<vmem>>
    %dma_wait3A_134 = tpu.memref_squeeze %dma_wait3A_133 : memref<1x80xi32, #tpu.memory_space<vmem>> -> memref<80xi32, #tpu.memory_space<vmem>>
    %dma_wait3A_135 = arith.constant 0 : i32
    %dma_wait3A_136 = tpu.memref_slice %arg3[%add3A_129, %dma_wait3A_135] : memref<2048x80xi32, #tpu.memory_space<hbm>> -> memref<1x80xi32, #tpu.memory_space<hbm>>
    %dma_wait3A_137 = tpu.memref_squeeze %dma_wait3A_136 : memref<1x80xi32, #tpu.memory_space<hbm>> -> memref<80xi32, #tpu.memory_space<hbm>>
    %dma_wait3A_138 = tpu.memref_slice %arg10[%dma_wait3A_131] : memref<8x!tpu.dma_semaphore, #tpu.memory_space<semaphore_mem>> -> memref<1x!tpu.dma_semaphore, #tpu.memory_space<semaphore_mem>>
    %dma_wait3A_139 = tpu.memref_squeeze %dma_wait3A_138 : memref<1x!tpu.dma_semaphore, #tpu.memory_space<semaphore_mem>> -> memref<!tpu.dma_semaphore, #tpu.memory_space<semaphore_mem>>
    %dma_wait3A_140 = arith.constant 0 : i32
    %dma_wait3A_141 = tpu.memref_slice %arg7[%dma_wait3A_130, %dma_wait3A_140] : memref<8x80xi32, #tpu.memory_space<vmem>> -> memref<1x80xi32, #tpu.memory_space<vmem>>
    %dma_wait3A_142 = tpu.memref_squeeze %dma_wait3A_141 : memref<1x80xi32, #tpu.memory_space<vmem>> -> memref<80xi32, #tpu.memory_space<vmem>>
    %dma_wait3A_143 = arith.constant 0 : i32
    %dma_wait3A_144 = tpu.memref_slice %arg3[%add3A_129, %dma_wait3A_143] : memref<2048x80xi32, #tpu.memory_space<hbm>> -> memref<1x80xi32, #tpu.memory_space<hbm>>
    %dma_wait3A_145 = tpu.memref_squeeze %dma_wait3A_144 : memref<1x80xi32, #tpu.memory_space<hbm>> -> memref<80xi32, #tpu.memory_space<hbm>>
    tpu.wait_dma2 semaphore(%dma_wait3A_139 : memref<!tpu.dma_semaphore, #tpu.memory_space<semaphore_mem>>) src(%dma_wait3A_145 : memref<80xi32, #tpu.memory_space<hbm>>) dst(%dma_wait3A_142 : memref<80xi32, #tpu.memory_space<vmem>>)
    %dma_start3A_146 = arith.constant 0 : i32
    %dma_start3A_147 = arith.constant 0 : i32
    %dma_start3A_148 = arith.constant 0 : i32
    %dma_start3A_149 = arith.constant 0 : i32
    %dma_start3A_150 = arith.constant 0 : i32
    %dma_start3A_151 = tpu.memref_slice %arg8[%dma_start3A_147, %dma_start3A_149, %dma_start3A_150] : memref<4x80x128xf32, #tpu.memory_space<vmem>> -> memref<1x80x128xf32, #tpu.memory_space<vmem>>
    %dma_start3A_152 = tpu.memref_squeeze %dma_start3A_151 : memref<1x80x128xf32, #tpu.memory_space<vmem>> -> memref<80x128xf32, #tpu.memory_space<vmem>>
    %dma_start3A_153 = arith.constant 0 : i32
    %dma_start3A_154 = tpu.memref_slice %arg6[%dma_start3A_146, %dma_start3A_153] : memref<8x80xi32, #tpu.memory_space<vmem>> -> memref<1x80xi32, #tpu.memory_space<vmem>>
    %dma_start3A_155 = tpu.memref_squeeze %dma_start3A_154 : memref<1x80xi32, #tpu.memory_space<vmem>> -> memref<80xi32, #tpu.memory_space<vmem>>
    %dma_start3A_156 = arith.constant 0 : i32
    %dma_start3A_157 = arith.constant 0 : i32
    %dma_start3A_158 = tpu.memref_slice %arg4[%arg0, %dma_start3A_156, %dma_start3A_157] : memref<2x10240x128xf32, #tpu.memory_space<hbm>> -> memref<1x10240x128xf32, #tpu.memory_space<hbm>>
    %dma_start3A_159 = tpu.memref_squeeze %dma_start3A_158 : memref<1x10240x128xf32, #tpu.memory_space<hbm>> -> memref<10240x128xf32, #tpu.memory_space<hbm>>
    %dma_start3A_160 = arith.constant 0 : i32
    %dma_start3A_161 = arith.constant 0 : i32
    %dma_start3A_162 = tpu.memref_slice %dma_start3A_159[%dma_start3A_160, %dma_start3A_161] : memref<10240x128xf32, #tpu.memory_space<hbm>> -> memref<10240x128xf32, #tpu.memory_space<hbm>>
    %dma_start3A_163 = tpu.memref_slice %arg11[%dma_start3A_148] : memref<4x!tpu.dma_semaphore, #tpu.memory_space<semaphore_mem>> -> memref<1x!tpu.dma_semaphore, #tpu.memory_space<semaphore_mem>>
    %dma_start3A_164 = tpu.memref_squeeze %dma_start3A_163 : memref<1x!tpu.dma_semaphore, #tpu.memory_space<semaphore_mem>> -> memref<!tpu.dma_semaphore, #tpu.memory_space<semaphore_mem>>
    tpu.enqueue_indirect_dma source(%dma_start3A_162 : memref<10240x128xf32, #tpu.memory_space<hbm>>) target(%dma_start3A_152 : memref<80x128xf32, #tpu.memory_space<vmem>>) offsets(%dma_start3A_155 : memref<80xi32, #tpu.memory_space<vmem>>) semaphore(%dma_start3A_164 : memref<!tpu.dma_semaphore, #tpu.memory_space<semaphore_mem>>)
    %add3A_165 = arith.constant 1 : i32
    %add3A_166 = arith.addi %mul3A_4, %add3A_165 : i32
    %dma_wait3A_167 = arith.constant 1 : i32
    %dma_wait3A_168 = arith.constant 1 : i32
    %dma_wait3A_169 = arith.constant 0 : i32
    %dma_wait3A_170 = tpu.memref_slice %arg6[%dma_wait3A_167, %dma_wait3A_169] : memref<8x80xi32, #tpu.memory_space<vmem>> -> memref<1x80xi32, #tpu.memory_space<vmem>>
    %dma_wait3A_171 = tpu.memref_squeeze %dma_wait3A_170 : memref<1x80xi32, #tpu.memory_space<vmem>> -> memref<80xi32, #tpu.memory_space<vmem>>
    %dma_wait3A_172 = arith.constant 0 : i32
    %dma_wait3A_173 = tpu.memref_slice %arg2[%add3A_166, %dma_wait3A_172] : memref<2048x80xi32, #tpu.memory_space<hbm>> -> memref<1x80xi32, #tpu.memory_space<hbm>>
    %dma_wait3A_174 = tpu.memref_squeeze %dma_wait3A_173 : memref<1x80xi32, #tpu.memory_space<hbm>> -> memref<80xi32, #tpu.memory_space<hbm>>
    %dma_wait3A_175 = tpu.memref_slice %arg10[%dma_wait3A_168] : memref<8x!tpu.dma_semaphore, #tpu.memory_space<semaphore_mem>> -> memref<1x!tpu.dma_semaphore, #tpu.memory_space<semaphore_mem>>
    %dma_wait3A_176 = tpu.memref_squeeze %dma_wait3A_175 : memref<1x!tpu.dma_semaphore, #tpu.memory_space<semaphore_mem>> -> memref<!tpu.dma_semaphore, #tpu.memory_space<semaphore_mem>>
    %dma_wait3A_177 = arith.constant 0 : i32
    %dma_wait3A_178 = tpu.memref_slice %arg6[%dma_wait3A_167, %dma_wait3A_177] : memref<8x80xi32, #tpu.memory_space<vmem>> -> memref<1x80xi32, #tpu.memory_space<vmem>>
    %dma_wait3A_179 = tpu.memref_squeeze %dma_wait3A_178 : memref<1x80xi32, #tpu.memory_space<vmem>> -> memref<80xi32, #tpu.memory_space<vmem>>
    %dma_wait3A_180 = arith.constant 0 : i32
    %dma_wait3A_181 = tpu.memref_slice %arg2[%add3A_166, %dma_wait3A_180] : memref<2048x80xi32, #tpu.memory_space<hbm>> -> memref<1x80xi32, #tpu.memory_space<hbm>>
    %dma_wait3A_182 = tpu.memref_squeeze %dma_wait3A_181 : memref<1x80xi32, #tpu.memory_space<hbm>> -> memref<80xi32, #tpu.memory_space<hbm>>
    tpu.wait_dma2 semaphore(%dma_wait3A_176 : memref<!tpu.dma_semaphore, #tpu.memory_space<semaphore_mem>>) src(%dma_wait3A_182 : memref<80xi32, #tpu.memory_space<hbm>>) dst(%dma_wait3A_179 : memref<80xi32, #tpu.memory_space<vmem>>)
    %add3A_183 = arith.constant 1 : i32
    %add3A_184 = arith.addi %mul3A_4, %add3A_183 : i32
    %dma_wait3A_185 = arith.constant 1 : i32
    %dma_wait3A_186 = arith.constant 1 : i32
    %dma_wait3A_187 = arith.constant 0 : i32
    %dma_wait3A_188 = tpu.memref_slice %arg7[%dma_wait3A_185, %dma_wait3A_187] : memref<8x80xi32, #tpu.memory_space<vmem>> -> memref<1x80xi32, #tpu.memory_space<vmem>>
    %dma_wait3A_189 = tpu.memref_squeeze %dma_wait3A_188 : memref<1x80xi32, #tpu.memory_space<vmem>> -> memref<80xi32, #tpu.memory_space<vmem>>
    %dma_wait3A_190 = arith.constant 0 : i32
    %dma_wait3A_191 = tpu.memref_slice %arg3[%add3A_184, %dma_wait3A_190] : memref<2048x80xi32, #tpu.memory_space<hbm>> -> memref<1x80xi32, #tpu.memory_space<hbm>>
    %dma_wait3A_192 = tpu.memref_squeeze %dma_wait3A_191 : memref<1x80xi32, #tpu.memory_space<hbm>> -> memref<80xi32, #tpu.memory_space<hbm>>
    %dma_wait3A_193 = tpu.memref_slice %arg10[%dma_wait3A_186] : memref<8x!tpu.dma_semaphore, #tpu.memory_space<semaphore_mem>> -> memref<1x!tpu.dma_semaphore, #tpu.memory_space<semaphore_mem>>
    %dma_wait3A_194 = tpu.memref_squeeze %dma_wait3A_193 : memref<1x!tpu.dma_semaphore, #tpu.memory_space<semaphore_mem>> -> memref<!tpu.dma_semaphore, #tpu.memory_space<semaphore_mem>>
    %dma_wait3A_195 = arith.constant 0 : i32
    %dma_wait3A_196 = tpu.memref_slice %arg7[%dma_wait3A_185, %dma_wait3A_195] : memref<8x80xi32, #tpu.memory_space<vmem>> -> memref<1x80xi32, #tpu.memory_space<vmem>>
    %dma_wait3A_197 = tpu.memref_squeeze %dma_wait3A_196 : memref<1x80xi32, #tpu.memory_space<vmem>> -> memref<80xi32, #tpu.memory_space<vmem>>
    %dma_wait3A_198 = arith.constant 0 : i32
    %dma_wait3A_199 = tpu.memref_slice %arg3[%add3A_184, %dma_wait3A_198] : memref<2048x80xi32, #tpu.memory_space<hbm>> -> memref<1x80xi32, #tpu.memory_space<hbm>>
    %dma_wait3A_200 = tpu.memref_squeeze %dma_wait3A_199 : memref<1x80xi32, #tpu.memory_space<hbm>> -> memref<80xi32, #tpu.memory_space<hbm>>
    tpu.wait_dma2 semaphore(%dma_wait3A_194 : memref<!tpu.dma_semaphore, #tpu.memory_space<semaphore_mem>>) src(%dma_wait3A_200 : memref<80xi32, #tpu.memory_space<hbm>>) dst(%dma_wait3A_197 : memref<80xi32, #tpu.memory_space<vmem>>)
    %dma_start3A_201 = arith.constant 1 : i32
    %dma_start3A_202 = arith.constant 1 : i32
    %dma_start3A_203 = arith.constant 1 : i32
    %dma_start3A_204 = arith.constant 0 : i32
    %dma_start3A_205 = arith.constant 0 : i32
    %dma_start3A_206 = tpu.memref_slice %arg8[%dma_start3A_202, %dma_start3A_204, %dma_start3A_205] : memref<4x80x128xf32, #tpu.memory_space<vmem>> -> memref<1x80x128xf32, #tpu.memory_space<vmem>>
    %dma_start3A_207 = tpu.memref_squeeze %dma_start3A_206 : memref<1x80x128xf32, #tpu.memory_space<vmem>> -> memref<80x128xf32, #tpu.memory_space<vmem>>
    %dma_start3A_208 = arith.constant 0 : i32
    %dma_start3A_209 = tpu.memref_slice %arg6[%dma_start3A_201, %dma_start3A_208] : memref<8x80xi32, #tpu.memory_space<vmem>> -> memref<1x80xi32, #tpu.memory_space<vmem>>
    %dma_start3A_210 = tpu.memref_squeeze %dma_start3A_209 : memref<1x80xi32, #tpu.memory_space<vmem>> -> memref<80xi32, #tpu.memory_space<vmem>>
    %dma_start3A_211 = arith.constant 0 : i32
    %dma_start3A_212 = arith.constant 0 : i32
    %dma_start3A_213 = tpu.memref_slice %arg4[%arg0, %dma_start3A_211, %dma_start3A_212] : memref<2x10240x128xf32, #tpu.memory_space<hbm>> -> memref<1x10240x128xf32, #tpu.memory_space<hbm>>
    %dma_start3A_214 = tpu.memref_squeeze %dma_start3A_213 : memref<1x10240x128xf32, #tpu.memory_space<hbm>> -> memref<10240x128xf32, #tpu.memory_space<hbm>>
    %dma_start3A_215 = arith.constant 0 : i32
    %dma_start3A_216 = arith.constant 0 : i32
    %dma_start3A_217 = tpu.memref_slice %dma_start3A_214[%dma_start3A_215, %dma_start3A_216] : memref<10240x128xf32, #tpu.memory_space<hbm>> -> memref<10240x128xf32, #tpu.memory_space<hbm>>
    %dma_start3A_218 = tpu.memref_slice %arg11[%dma_start3A_203] : memref<4x!tpu.dma_semaphore, #tpu.memory_space<semaphore_mem>> -> memref<1x!tpu.dma_semaphore, #tpu.memory_space<semaphore_mem>>
    %dma_start3A_219 = tpu.memref_squeeze %dma_start3A_218 : memref<1x!tpu.dma_semaphore, #tpu.memory_space<semaphore_mem>> -> memref<!tpu.dma_semaphore, #tpu.memory_space<semaphore_mem>>
    tpu.enqueue_indirect_dma source(%dma_start3A_217 : memref<10240x128xf32, #tpu.memory_space<hbm>>) target(%dma_start3A_207 : memref<80x128xf32, #tpu.memory_space<vmem>>) offsets(%dma_start3A_210 : memref<80xi32, #tpu.memory_space<vmem>>) semaphore(%dma_start3A_219 : memref<!tpu.dma_semaphore, #tpu.memory_space<semaphore_mem>>)
    %scan3A = arith.constant 0 : i32
    %scan3A_220 = arith.constant 0 : i32
    %scan3A_221 = arith.constant 16 : i32
    %scan3A_222 = arith.addi %scan3A_220, %scan3A_221 : i32
    %scan3A_223 = arith.constant 1 : i32
    scf.for %scan3A_260 = %scan3A_220 to %scan3A_222 step %scan3A_223  : i32 {
      %mul3A_261 = arith.constant 8 : i32
      %mul3A_262 = arith.muli %mul3A_261, %scan3A_260 : i32
      %add3A_263 = arith.constant 0 : i32
      %add3A_264 = arith.addi %mul3A_262, %add3A_263 : i32
      %gt3A = arith.constant 0 : i32
      %gt3A_265 = arith.cmpi sgt, %scan3A_260, %gt3A : i32
      %convert_element_type3A = arith.extui %gt3A_265 : i1 to i32
      %cond3A = arith.constant 0 : i32
      %cond3A_266 = arith.cmpi ne, %convert_element_type3A, %cond3A : i32
      scf.if %cond3A_266 {
        %dma_wait3A_1196 = arith.constant 2 : i32
        %dma_wait3A_1197 = arith.constant 6 : i32
        %dma_wait3A_1198 = arith.constant 2 : i32
        %dma_wait3A_1199 = arith.constant 0 : i32
        %dma_wait3A_1200 = arith.constant 0 : i32
        %dma_wait3A_1201 = tpu.memref_slice %arg8[%dma_wait3A_1196, %dma_wait3A_1199, %dma_wait3A_1200] : memref<4x80x128xf32, #tpu.memory_space<vmem>> -> memref<1x80x128xf32, #tpu.memory_space<vmem>>
        %dma_wait3A_1202 = tpu.memref_squeeze %dma_wait3A_1201 : memref<1x80x128xf32, #tpu.memory_space<vmem>> -> memref<80x128xf32, #tpu.memory_space<vmem>>
        %dma_wait3A_1203 = arith.constant 0 : i32
        %dma_wait3A_1204 = tpu.memref_slice %arg7[%dma_wait3A_1197, %dma_wait3A_1203] : memref<8x80xi32, #tpu.memory_space<vmem>> -> memref<1x80xi32, #tpu.memory_space<vmem>>
        %dma_wait3A_1205 = tpu.memref_squeeze %dma_wait3A_1204 : memref<1x80xi32, #tpu.memory_space<vmem>> -> memref<80xi32, #tpu.memory_space<vmem>>
        %dma_wait3A_1206 = arith.constant 0 : i32
        %dma_wait3A_1207 = arith.constant 0 : i32
        %dma_wait3A_1208 = tpu.memref_slice %arg9[%dma_wait3A_1206, %dma_wait3A_1207] : memref<10240x128xf32, #tpu.memory_space<vmem_shared>> -> memref<10240x128xf32, #tpu.memory_space<vmem_shared>>
        %dma_wait3A_1209 = tpu.memref_slice %arg12[%dma_wait3A_1198] : memref<4x!tpu.dma_semaphore, #tpu.memory_space<semaphore_mem>> -> memref<1x!tpu.dma_semaphore, #tpu.memory_space<semaphore_mem>>
        %dma_wait3A_1210 = tpu.memref_squeeze %dma_wait3A_1209 : memref<1x!tpu.dma_semaphore, #tpu.memory_space<semaphore_mem>> -> memref<!tpu.dma_semaphore, #tpu.memory_space<semaphore_mem>>
        tpu.wait_indirect_dma semaphore(%dma_wait3A_1210 : memref<!tpu.dma_semaphore, #tpu.memory_space<semaphore_mem>>) src(%dma_wait3A_1202 : memref<80x128xf32, #tpu.memory_space<vmem>>) dst(%dma_wait3A_1208 : memref<10240x128xf32, #tpu.memory_space<vmem_shared>>)
      } else {
      }
      %add3A_267 = arith.constant 2 : i32
      %add3A_268 = arith.addi %add3A_264, %add3A_267 : i32
      %add3A_269 = arith.addi %mul3A_4, %add3A_268 : i32
      %dma_wait3A_270 = arith.constant 2 : i32
      %dma_wait3A_271 = arith.constant 2 : i32
      %dma_wait3A_272 = arith.constant 0 : i32
      %dma_wait3A_273 = tpu.memref_slice %arg6[%dma_wait3A_270, %dma_wait3A_272] : memref<8x80xi32, #tpu.memory_space<vmem>> -> memref<1x80xi32, #tpu.memory_space<vmem>>
      %dma_wait3A_274 = tpu.memref_squeeze %dma_wait3A_273 : memref<1x80xi32, #tpu.memory_space<vmem>> -> memref<80xi32, #tpu.memory_space<vmem>>
      %dma_wait3A_275 = arith.constant 0 : i32
      %dma_wait3A_276 = tpu.memref_slice %arg2[%add3A_269, %dma_wait3A_275] : memref<2048x80xi32, #tpu.memory_space<hbm>> -> memref<1x80xi32, #tpu.memory_space<hbm>>
      %dma_wait3A_277 = tpu.memref_squeeze %dma_wait3A_276 : memref<1x80xi32, #tpu.memory_space<hbm>> -> memref<80xi32, #tpu.memory_space<hbm>>
      %dma_wait3A_278 = tpu.memref_slice %arg10[%dma_wait3A_271] : memref<8x!tpu.dma_semaphore, #tpu.memory_space<semaphore_mem>> -> memref<1x!tpu.dma_semaphore, #tpu.memory_space<semaphore_mem>>
      %dma_wait3A_279 = tpu.memref_squeeze %dma_wait3A_278 : memref<1x!tpu.dma_semaphore, #tpu.memory_space<semaphore_mem>> -> memref<!tpu.dma_semaphore, #tpu.memory_space<semaphore_mem>>
      %dma_wait3A_280 = arith.constant 0 : i32
      %dma_wait3A_281 = tpu.memref_slice %arg6[%dma_wait3A_270, %dma_wait3A_280] : memref<8x80xi32, #tpu.memory_space<vmem>> -> memref<1x80xi32, #tpu.memory_space<vmem>>
      %dma_wait3A_282 = tpu.memref_squeeze %dma_wait3A_281 : memref<1x80xi32, #tpu.memory_space<vmem>> -> memref<80xi32, #tpu.memory_space<vmem>>
      %dma_wait3A_283 = arith.constant 0 : i32
      %dma_wait3A_284 = tpu.memref_slice %arg2[%add3A_269, %dma_wait3A_283] : memref<2048x80xi32, #tpu.memory_space<hbm>> -> memref<1x80xi32, #tpu.memory_space<hbm>>
      %dma_wait3A_285 = tpu.memref_squeeze %dma_wait3A_284 : memref<1x80xi32, #tpu.memory_space<hbm>> -> memref<80xi32, #tpu.memory_space<hbm>>
      tpu.wait_dma2 semaphore(%dma_wait3A_279 : memref<!tpu.dma_semaphore, #tpu.memory_space<semaphore_mem>>) src(%dma_wait3A_285 : memref<80xi32, #tpu.memory_space<hbm>>) dst(%dma_wait3A_282 : memref<80xi32, #tpu.memory_space<vmem>>)
      %add3A_286 = arith.addi %mul3A_4, %add3A_268 : i32
      %dma_wait3A_287 = arith.constant 2 : i32
      %dma_wait3A_288 = arith.constant 2 : i32
      %dma_wait3A_289 = arith.constant 0 : i32
      %dma_wait3A_290 = tpu.memref_slice %arg7[%dma_wait3A_287, %dma_wait3A_289] : memref<8x80xi32, #tpu.memory_space<vmem>> -> memref<1x80xi32, #tpu.memory_space<vmem>>
      %dma_wait3A_291 = tpu.memref_squeeze %dma_wait3A_290 : memref<1x80xi32, #tpu.memory_space<vmem>> -> memref<80xi32, #tpu.memory_space<vmem>>
      %dma_wait3A_292 = arith.constant 0 : i32
      %dma_wait3A_293 = tpu.memref_slice %arg3[%add3A_286, %dma_wait3A_292] : memref<2048x80xi32, #tpu.memory_space<hbm>> -> memref<1x80xi32, #tpu.memory_space<hbm>>
      %dma_wait3A_294 = tpu.memref_squeeze %dma_wait3A_293 : memref<1x80xi32, #tpu.memory_space<hbm>> -> memref<80xi32, #tpu.memory_space<hbm>>
      %dma_wait3A_295 = tpu.memref_slice %arg10[%dma_wait3A_288] : memref<8x!tpu.dma_semaphore, #tpu.memory_space<semaphore_mem>> -> memref<1x!tpu.dma_semaphore, #tpu.memory_space<semaphore_mem>>
      %dma_wait3A_296 = tpu.memref_squeeze %dma_wait3A_295 : memref<1x!tpu.dma_semaphore, #tpu.memory_space<semaphore_mem>> -> memref<!tpu.dma_semaphore, #tpu.memory_space<semaphore_mem>>
      %dma_wait3A_297 = arith.constant 0 : i32
      %dma_wait3A_298 = tpu.memref_slice %arg7[%dma_wait3A_287, %dma_wait3A_297] : memref<8x80xi32, #tpu.memory_space<vmem>> -> memref<1x80xi32, #tpu.memory_space<vmem>>
      %dma_wait3A_299 = tpu.memref_squeeze %dma_wait3A_298 : memref<1x80xi32, #tpu.memory_space<vmem>> -> memref<80xi32, #tpu.memory_space<vmem>>
      %dma_wait3A_300 = arith.constant 0 : i32
      %dma_wait3A_301 = tpu.memref_slice %arg3[%add3A_286, %dma_wait3A_300] : memref<2048x80xi32, #tpu.memory_space<hbm>> -> memref<1x80xi32, #tpu.memory_space<hbm>>
      %dma_wait3A_302 = tpu.memref_squeeze %dma_wait3A_301 : memref<1x80xi32, #tpu.memory_space<hbm>> -> memref<80xi32, #tpu.memory_space<hbm>>
      tpu.wait_dma2 semaphore(%dma_wait3A_296 : memref<!tpu.dma_semaphore, #tpu.memory_space<semaphore_mem>>) src(%dma_wait3A_302 : memref<80xi32, #tpu.memory_space<hbm>>) dst(%dma_wait3A_299 : memref<80xi32, #tpu.memory_space<vmem>>)
      %dma_start3A_303 = arith.constant 2 : i32
      %dma_start3A_304 = arith.constant 2 : i32
      %dma_start3A_305 = arith.constant 2 : i32
      %dma_start3A_306 = arith.constant 0 : i32
      %dma_start3A_307 = arith.constant 0 : i32
      %dma_start3A_308 = tpu.memref_slice %arg8[%dma_start3A_304, %dma_start3A_306, %dma_start3A_307] : memref<4x80x128xf32, #tpu.memory_space<vmem>> -> memref<1x80x128xf32, #tpu.memory_space<vmem>>
      %dma_start3A_309 = tpu.memref_squeeze %dma_start3A_308 : memref<1x80x128xf32, #tpu.memory_space<vmem>> -> memref<80x128xf32, #tpu.memory_space<vmem>>
      %dma_start3A_310 = arith.constant 0 : i32
      %dma_start3A_311 = tpu.memref_slice %arg6[%dma_start3A_303, %dma_start3A_310] : memref<8x80xi32, #tpu.memory_space<vmem>> -> memref<1x80xi32, #tpu.memory_space<vmem>>
      %dma_start3A_312 = tpu.memref_squeeze %dma_start3A_311 : memref<1x80xi32, #tpu.memory_space<vmem>> -> memref<80xi32, #tpu.memory_space<vmem>>
      %dma_start3A_313 = arith.constant 0 : i32
      %dma_start3A_314 = arith.constant 0 : i32
      %dma_start3A_315 = tpu.memref_slice %arg4[%arg0, %dma_start3A_313, %dma_start3A_314] : memref<2x10240x128xf32, #tpu.memory_space<hbm>> -> memref<1x10240x128xf32, #tpu.memory_space<hbm>>
      %dma_start3A_316 = tpu.memref_squeeze %dma_start3A_315 : memref<1x10240x128xf32, #tpu.memory_space<hbm>> -> memref<10240x128xf32, #tpu.memory_space<hbm>>
      %dma_start3A_317 = arith.constant 0 : i32
      %dma_start3A_318 = arith.constant 0 : i32
      %dma_start3A_319 = tpu.memref_slice %dma_start3A_316[%dma_start3A_317, %dma_start3A_318] : memref<10240x128xf32, #tpu.memory_space<hbm>> -> memref<10240x128xf32, #tpu.memory_space<hbm>>
      %dma_start3A_320 = tpu.memref_slice %arg11[%dma_start3A_305] : memref<4x!tpu.dma_semaphore, #tpu.memory_space<semaphore_mem>> -> memref<1x!tpu.dma_semaphore, #tpu.memory_space<semaphore_mem>>
      %dma_start3A_321 = tpu.memref_squeeze %dma_start3A_320 : memref<1x!tpu.dma_semaphore, #tpu.memory_space<semaphore_mem>> -> memref<!tpu.dma_semaphore, #tpu.memory_space<semaphore_mem>>
      tpu.enqueue_indirect_dma source(%dma_start3A_319 : memref<10240x128xf32, #tpu.memory_space<hbm>>) target(%dma_start3A_309 : memref<80x128xf32, #tpu.memory_space<vmem>>) offsets(%dma_start3A_312 : memref<80xi32, #tpu.memory_space<vmem>>) semaphore(%dma_start3A_321 : memref<!tpu.dma_semaphore, #tpu.memory_space<semaphore_mem>>)
      %add3A_322 = arith.constant 3 : i32
      %add3A_323 = arith.addi %add3A_264, %add3A_322 : i32
      %add3A_324 = arith.addi %mul3A_4, %add3A_323 : i32
      %dma_start3A_325 = arith.constant 3 : i32
      %dma_start3A_326 = arith.constant 3 : i32
      %dma_start3A_327 = arith.constant 0 : i32
      %dma_start3A_328 = tpu.memref_slice %arg6[%dma_start3A_325, %dma_start3A_327] : memref<8x80xi32, #tpu.memory_space<vmem>> -> memref<1x80xi32, #tpu.memory_space<vmem>>
      %dma_start3A_329 = tpu.memref_squeeze %dma_start3A_328 : memref<1x80xi32, #tpu.memory_space<vmem>> -> memref<80xi32, #tpu.memory_space<vmem>>
      %dma_start3A_330 = arith.constant 0 : i32
      %dma_start3A_331 = tpu.memref_slice %arg2[%add3A_324, %dma_start3A_330] : memref<2048x80xi32, #tpu.memory_space<hbm>> -> memref<1x80xi32, #tpu.memory_space<hbm>>
      %dma_start3A_332 = tpu.memref_squeeze %dma_start3A_331 : memref<1x80xi32, #tpu.memory_space<hbm>> -> memref<80xi32, #tpu.memory_space<hbm>>
      %dma_start3A_333 = tpu.memref_slice %arg10[%dma_start3A_326] : memref<8x!tpu.dma_semaphore, #tpu.memory_space<semaphore_mem>> -> memref<1x!tpu.dma_semaphore, #tpu.memory_space<semaphore_mem>>
      %dma_start3A_334 = tpu.memref_squeeze %dma_start3A_333 : memref<1x!tpu.dma_semaphore, #tpu.memory_space<semaphore_mem>> -> memref<!tpu.dma_semaphore, #tpu.memory_space<semaphore_mem>>
      %dma_start3A_335 = arith.constant 0 : i32
      %dma_start3A_336 = tpu.memref_slice %arg6[%dma_start3A_325, %dma_start3A_335] : memref<8x80xi32, #tpu.memory_space<vmem>> -> memref<1x80xi32, #tpu.memory_space<vmem>>
      %dma_start3A_337 = tpu.memref_squeeze %dma_start3A_336 : memref<1x80xi32, #tpu.memory_space<vmem>> -> memref<80xi32, #tpu.memory_space<vmem>>
      %dma_start3A_338 = arith.constant 0 : i32
      %dma_start3A_339 = tpu.memref_slice %arg2[%add3A_324, %dma_start3A_338] : memref<2048x80xi32, #tpu.memory_space<hbm>> -> memref<1x80xi32, #tpu.memory_space<hbm>>
      %dma_start3A_340 = tpu.memref_squeeze %dma_start3A_339 : memref<1x80xi32, #tpu.memory_space<hbm>> -> memref<80xi32, #tpu.memory_space<hbm>>
      tpu.enqueue_dma source(%dma_start3A_340 : memref<80xi32, #tpu.memory_space<hbm>>) target(%dma_start3A_337 : memref<80xi32, #tpu.memory_space<vmem>>) target_semaphore(%dma_start3A_334 : memref<!tpu.dma_semaphore, #tpu.memory_space<semaphore_mem>>)
      %add3A_341 = arith.addi %mul3A_4, %add3A_323 : i32
      %dma_start3A_342 = arith.constant 3 : i32
      %dma_start3A_343 = arith.constant 3 : i32
      %dma_start3A_344 = arith.constant 0 : i32
      %dma_start3A_345 = tpu.memref_slice %arg7[%dma_start3A_342, %dma_start3A_344] : memref<8x80xi32, #tpu.memory_space<vmem>> -> memref<1x80xi32, #tpu.memory_space<vmem>>
      %dma_start3A_346 = tpu.memref_squeeze %dma_start3A_345 : memref<1x80xi32, #tpu.memory_space<vmem>> -> memref<80xi32, #tpu.memory_space<vmem>>
      %dma_start3A_347 = arith.constant 0 : i32
      %dma_start3A_348 = tpu.memref_slice %arg3[%add3A_341, %dma_start3A_347] : memref<2048x80xi32, #tpu.memory_space<hbm>> -> memref<1x80xi32, #tpu.memory_space<hbm>>
      %dma_start3A_349 = tpu.memref_squeeze %dma_start3A_348 : memref<1x80xi32, #tpu.memory_space<hbm>> -> memref<80xi32, #tpu.memory_space<hbm>>
      %dma_start3A_350 = tpu.memref_slice %arg10[%dma_start3A_343] : memref<8x!tpu.dma_semaphore, #tpu.memory_space<semaphore_mem>> -> memref<1x!tpu.dma_semaphore, #tpu.memory_space<semaphore_mem>>
      %dma_start3A_351 = tpu.memref_squeeze %dma_start3A_350 : memref<1x!tpu.dma_semaphore, #tpu.memory_space<semaphore_mem>> -> memref<!tpu.dma_semaphore, #tpu.memory_space<semaphore_mem>>
      %dma_start3A_352 = arith.constant 0 : i32
      %dma_start3A_353 = tpu.memref_slice %arg7[%dma_start3A_342, %dma_start3A_352] : memref<8x80xi32, #tpu.memory_space<vmem>> -> memref<1x80xi32, #tpu.memory_space<vmem>>
      %dma_start3A_354 = tpu.memref_squeeze %dma_start3A_353 : memref<1x80xi32, #tpu.memory_space<vmem>> -> memref<80xi32, #tpu.memory_space<vmem>>
      %dma_start3A_355 = arith.constant 0 : i32
      %dma_start3A_356 = tpu.memref_slice %arg3[%add3A_341, %dma_start3A_355] : memref<2048x80xi32, #tpu.memory_space<hbm>> -> memref<1x80xi32, #tpu.memory_space<hbm>>
      %dma_start3A_357 = tpu.memref_squeeze %dma_start3A_356 : memref<1x80xi32, #tpu.memory_space<hbm>> -> memref<80xi32, #tpu.memory_space<hbm>>
      tpu.enqueue_dma source(%dma_start3A_357 : memref<80xi32, #tpu.memory_space<hbm>>) target(%dma_start3A_354 : memref<80xi32, #tpu.memory_space<vmem>>) target_semaphore(%dma_start3A_351 : memref<!tpu.dma_semaphore, #tpu.memory_space<semaphore_mem>>)
      %dma_wait3A_358 = arith.constant 0 : i32
      %dma_wait3A_359 = arith.constant 0 : i32
      %dma_wait3A_360 = arith.constant 0 : i32
      %dma_wait3A_361 = arith.constant 0 : i32
      %dma_wait3A_362 = arith.constant 0 : i32
      %dma_wait3A_363 = tpu.memref_slice %arg8[%dma_wait3A_359, %dma_wait3A_361, %dma_wait3A_362] : memref<4x80x128xf32, #tpu.memory_space<vmem>> -> memref<1x80x128xf32, #tpu.memory_space<vmem>>
      %dma_wait3A_364 = tpu.memref_squeeze %dma_wait3A_363 : memref<1x80x128xf32, #tpu.memory_space<vmem>> -> memref<80x128xf32, #tpu.memory_space<vmem>>
      %dma_wait3A_365 = arith.constant 0 : i32
      %dma_wait3A_366 = tpu.memref_slice %arg6[%dma_wait3A_358, %dma_wait3A_365] : memref<8x80xi32, #tpu.memory_space<vmem>> -> memref<1x80xi32, #tpu.memory_space<vmem>>
      %dma_wait3A_367 = tpu.memref_squeeze %dma_wait3A_366 : memref<1x80xi32, #tpu.memory_space<vmem>> -> memref<80xi32, #tpu.memory_space<vmem>>
      %dma_wait3A_368 = arith.constant 0 : i32
      %dma_wait3A_369 = arith.constant 0 : i32
      %dma_wait3A_370 = tpu.memref_slice %arg4[%arg0, %dma_wait3A_368, %dma_wait3A_369] : memref<2x10240x128xf32, #tpu.memory_space<hbm>> -> memref<1x10240x128xf32, #tpu.memory_space<hbm>>
      %dma_wait3A_371 = tpu.memref_squeeze %dma_wait3A_370 : memref<1x10240x128xf32, #tpu.memory_space<hbm>> -> memref<10240x128xf32, #tpu.memory_space<hbm>>
      %dma_wait3A_372 = arith.constant 0 : i32
      %dma_wait3A_373 = arith.constant 0 : i32
      %dma_wait3A_374 = tpu.memref_slice %dma_wait3A_371[%dma_wait3A_372, %dma_wait3A_373] : memref<10240x128xf32, #tpu.memory_space<hbm>> -> memref<10240x128xf32, #tpu.memory_space<hbm>>
      %dma_wait3A_375 = tpu.memref_slice %arg11[%dma_wait3A_360] : memref<4x!tpu.dma_semaphore, #tpu.memory_space<semaphore_mem>> -> memref<1x!tpu.dma_semaphore, #tpu.memory_space<semaphore_mem>>
      %dma_wait3A_376 = tpu.memref_squeeze %dma_wait3A_375 : memref<1x!tpu.dma_semaphore, #tpu.memory_space<semaphore_mem>> -> memref<!tpu.dma_semaphore, #tpu.memory_space<semaphore_mem>>
      tpu.wait_indirect_dma semaphore(%dma_wait3A_376 : memref<!tpu.dma_semaphore, #tpu.memory_space<semaphore_mem>>) src(%dma_wait3A_374 : memref<10240x128xf32, #tpu.memory_space<hbm>>) dst(%dma_wait3A_364 : memref<80x128xf32, #tpu.memory_space<vmem>>)
      %dma_start3A_377 = arith.constant 0 : i32
      %dma_start3A_378 = arith.constant 0 : i32
      %dma_start3A_379 = arith.constant 0 : i32
      %dma_start3A_380 = arith.constant 0 : i32
      %dma_start3A_381 = arith.constant 0 : i32
      %dma_start3A_382 = tpu.memref_slice %arg8[%dma_start3A_377, %dma_start3A_380, %dma_start3A_381] : memref<4x80x128xf32, #tpu.memory_space<vmem>> -> memref<1x80x128xf32, #tpu.memory_space<vmem>>
      %dma_start3A_383 = tpu.memref_squeeze %dma_start3A_382 : memref<1x80x128xf32, #tpu.memory_space<vmem>> -> memref<80x128xf32, #tpu.memory_space<vmem>>
      %dma_start3A_384 = arith.constant 0 : i32
      %dma_start3A_385 = tpu.memref_slice %arg7[%dma_start3A_378, %dma_start3A_384] : memref<8x80xi32, #tpu.memory_space<vmem>> -> memref<1x80xi32, #tpu.memory_space<vmem>>
      %dma_start3A_386 = tpu.memref_squeeze %dma_start3A_385 : memref<1x80xi32, #tpu.memory_space<vmem>> -> memref<80xi32, #tpu.memory_space<vmem>>
      %dma_start3A_387 = arith.constant 0 : i32
      %dma_start3A_388 = arith.constant 0 : i32
      %dma_start3A_389 = tpu.memref_slice %arg9[%dma_start3A_387, %dma_start3A_388] : memref<10240x128xf32, #tpu.memory_space<vmem_shared>> -> memref<10240x128xf32, #tpu.memory_space<vmem_shared>>
      %dma_start3A_390 = tpu.memref_slice %arg12[%dma_start3A_379] : memref<4x!tpu.dma_semaphore, #tpu.memory_space<semaphore_mem>> -> memref<1x!tpu.dma_semaphore, #tpu.memory_space<semaphore_mem>>
      %dma_start3A_391 = tpu.memref_squeeze %dma_start3A_390 : memref<1x!tpu.dma_semaphore, #tpu.memory_space<semaphore_mem>> -> memref<!tpu.dma_semaphore, #tpu.memory_space<semaphore_mem>>
      tpu.enqueue_indirect_dma source(%dma_start3A_383 : memref<80x128xf32, #tpu.memory_space<vmem>>) target(%dma_start3A_389 : memref<10240x128xf32, #tpu.memory_space<vmem_shared>>) offsets(%dma_start3A_386 : memref<80xi32, #tpu.memory_space<vmem>>) semaphore(%dma_start3A_391 : memref<!tpu.dma_semaphore, #tpu.memory_space<semaphore_mem>>) {add = true}
      %mul3A_392 = arith.constant 8 : i32
      %mul3A_393 = arith.muli %mul3A_392, %scan3A_260 : i32
      %add3A_394 = arith.constant 1 : i32
      %add3A_395 = arith.addi %mul3A_393, %add3A_394 : i32
      %gt3A_396 = arith.constant 0 : i32
      %gt3A_397 = arith.cmpi sgt, %scan3A_260, %gt3A_396 : i32
      %convert_element_type3A_398 = arith.extui %gt3A_397 : i1 to i32
      %cond3A_399 = arith.constant 0 : i32
      %cond3A_400 = arith.cmpi ne, %convert_element_type3A_398, %cond3A_399 : i32
      scf.if %cond3A_400 {
        %dma_wait3A_1196 = arith.constant 3 : i32
        %dma_wait3A_1197 = arith.constant 7 : i32
        %dma_wait3A_1198 = arith.constant 3 : i32
        %dma_wait3A_1199 = arith.constant 0 : i32
        %dma_wait3A_1200 = arith.constant 0 : i32
        %dma_wait3A_1201 = tpu.memref_slice %arg8[%dma_wait3A_1196, %dma_wait3A_1199, %dma_wait3A_1200] : memref<4x80x128xf32, #tpu.memory_space<vmem>> -> memref<1x80x128xf32, #tpu.memory_space<vmem>>
        %dma_wait3A_1202 = tpu.memref_squeeze %dma_wait3A_1201 : memref<1x80x128xf32, #tpu.memory_space<vmem>> -> memref<80x128xf32, #tpu.memory_space<vmem>>
        %dma_wait3A_1203 = arith.constant 0 : i32
        %dma_wait3A_1204 = tpu.memref_slice %arg7[%dma_wait3A_1197, %dma_wait3A_1203] : memref<8x80xi32, #tpu.memory_space<vmem>> -> memref<1x80xi32, #tpu.memory_space<vmem>>
        %dma_wait3A_1205 = tpu.memref_squeeze %dma_wait3A_1204 : memref<1x80xi32, #tpu.memory_space<vmem>> -> memref<80xi32, #tpu.memory_space<vmem>>
        %dma_wait3A_1206 = arith.constant 0 : i32
        %dma_wait3A_1207 = arith.constant 0 : i32
        %dma_wait3A_1208 = tpu.memref_slice %arg9[%dma_wait3A_1206, %dma_wait3A_1207] : memref<10240x128xf32, #tpu.memory_space<vmem_shared>> -> memref<10240x128xf32, #tpu.memory_space<vmem_shared>>
        %dma_wait3A_1209 = tpu.memref_slice %arg12[%dma_wait3A_1198] : memref<4x!tpu.dma_semaphore, #tpu.memory_space<semaphore_mem>> -> memref<1x!tpu.dma_semaphore, #tpu.memory_space<semaphore_mem>>
        %dma_wait3A_1210 = tpu.memref_squeeze %dma_wait3A_1209 : memref<1x!tpu.dma_semaphore, #tpu.memory_space<semaphore_mem>> -> memref<!tpu.dma_semaphore, #tpu.memory_space<semaphore_mem>>
        tpu.wait_indirect_dma semaphore(%dma_wait3A_1210 : memref<!tpu.dma_semaphore, #tpu.memory_space<semaphore_mem>>) src(%dma_wait3A_1202 : memref<80x128xf32, #tpu.memory_space<vmem>>) dst(%dma_wait3A_1208 : memref<10240x128xf32, #tpu.memory_space<vmem_shared>>)
      } else {
      }
      %add3A_401 = arith.constant 2 : i32
      %add3A_402 = arith.addi %add3A_395, %add3A_401 : i32
      %add3A_403 = arith.addi %mul3A_4, %add3A_402 : i32
      %dma_wait3A_404 = arith.constant 3 : i32
      %dma_wait3A_405 = arith.constant 3 : i32
      %dma_wait3A_406 = arith.constant 0 : i32
      %dma_wait3A_407 = tpu.memref_slice %arg6[%dma_wait3A_404, %dma_wait3A_406] : memref<8x80xi32, #tpu.memory_space<vmem>> -> memref<1x80xi32, #tpu.memory_space<vmem>>
      %dma_wait3A_408 = tpu.memref_squeeze %dma_wait3A_407 : memref<1x80xi32, #tpu.memory_space<vmem>> -> memref<80xi32, #tpu.memory_space<vmem>>
      %dma_wait3A_409 = arith.constant 0 : i32
      %dma_wait3A_410 = tpu.memref_slice %arg2[%add3A_403, %dma_wait3A_409] : memref<2048x80xi32, #tpu.memory_space<hbm>> -> memref<1x80xi32, #tpu.memory_space<hbm>>
      %dma_wait3A_411 = tpu.memref_squeeze %dma_wait3A_410 : memref<1x80xi32, #tpu.memory_space<hbm>> -> memref<80xi32, #tpu.memory_space<hbm>>
      %dma_wait3A_412 = tpu.memref_slice %arg10[%dma_wait3A_405] : memref<8x!tpu.dma_semaphore, #tpu.memory_space<semaphore_mem>> -> memref<1x!tpu.dma_semaphore, #tpu.memory_space<semaphore_mem>>
      %dma_wait3A_413 = tpu.memref_squeeze %dma_wait3A_412 : memref<1x!tpu.dma_semaphore, #tpu.memory_space<semaphore_mem>> -> memref<!tpu.dma_semaphore, #tpu.memory_space<semaphore_mem>>
      %dma_wait3A_414 = arith.constant 0 : i32
      %dma_wait3A_415 = tpu.memref_slice %arg6[%dma_wait3A_404, %dma_wait3A_414] : memref<8x80xi32, #tpu.memory_space<vmem>> -> memref<1x80xi32, #tpu.memory_space<vmem>>
      %dma_wait3A_416 = tpu.memref_squeeze %dma_wait3A_415 : memref<1x80xi32, #tpu.memory_space<vmem>> -> memref<80xi32, #tpu.memory_space<vmem>>
      %dma_wait3A_417 = arith.constant 0 : i32
      %dma_wait3A_418 = tpu.memref_slice %arg2[%add3A_403, %dma_wait3A_417] : memref<2048x80xi32, #tpu.memory_space<hbm>> -> memref<1x80xi32, #tpu.memory_space<hbm>>
      %dma_wait3A_419 = tpu.memref_squeeze %dma_wait3A_418 : memref<1x80xi32, #tpu.memory_space<hbm>> -> memref<80xi32, #tpu.memory_space<hbm>>
      tpu.wait_dma2 semaphore(%dma_wait3A_413 : memref<!tpu.dma_semaphore, #tpu.memory_space<semaphore_mem>>) src(%dma_wait3A_419 : memref<80xi32, #tpu.memory_space<hbm>>) dst(%dma_wait3A_416 : memref<80xi32, #tpu.memory_space<vmem>>)
      %add3A_420 = arith.addi %mul3A_4, %add3A_402 : i32
      %dma_wait3A_421 = arith.constant 3 : i32
      %dma_wait3A_422 = arith.constant 3 : i32
      %dma_wait3A_423 = arith.constant 0 : i32
      %dma_wait3A_424 = tpu.memref_slice %arg7[%dma_wait3A_421, %dma_wait3A_423] : memref<8x80xi32, #tpu.memory_space<vmem>> -> memref<1x80xi32, #tpu.memory_space<vmem>>
      %dma_wait3A_425 = tpu.memref_squeeze %dma_wait3A_424 : memref<1x80xi32, #tpu.memory_space<vmem>> -> memref<80xi32, #tpu.memory_space<vmem>>
      %dma_wait3A_426 = arith.constant 0 : i32
      %dma_wait3A_427 = tpu.memref_slice %arg3[%add3A_420, %dma_wait3A_426] : memref<2048x80xi32, #tpu.memory_space<hbm>> -> memref<1x80xi32, #tpu.memory_space<hbm>>
      %dma_wait3A_428 = tpu.memref_squeeze %dma_wait3A_427 : memref<1x80xi32, #tpu.memory_space<hbm>> -> memref<80xi32, #tpu.memory_space<hbm>>
      %dma_wait3A_429 = tpu.memref_slice %arg10[%dma_wait3A_422] : memref<8x!tpu.dma_semaphore, #tpu.memory_space<semaphore_mem>> -> memref<1x!tpu.dma_semaphore, #tpu.memory_space<semaphore_mem>>
      %dma_wait3A_430 = tpu.memref_squeeze %dma_wait3A_429 : memref<1x!tpu.dma_semaphore, #tpu.memory_space<semaphore_mem>> -> memref<!tpu.dma_semaphore, #tpu.memory_space<semaphore_mem>>
      %dma_wait3A_431 = arith.constant 0 : i32
      %dma_wait3A_432 = tpu.memref_slice %arg7[%dma_wait3A_421, %dma_wait3A_431] : memref<8x80xi32, #tpu.memory_space<vmem>> -> memref<1x80xi32, #tpu.memory_space<vmem>>
      %dma_wait3A_433 = tpu.memref_squeeze %dma_wait3A_432 : memref<1x80xi32, #tpu.memory_space<vmem>> -> memref<80xi32, #tpu.memory_space<vmem>>
      %dma_wait3A_434 = arith.constant 0 : i32
      %dma_wait3A_435 = tpu.memref_slice %arg3[%add3A_420, %dma_wait3A_434] : memref<2048x80xi32, #tpu.memory_space<hbm>> -> memref<1x80xi32, #tpu.memory_space<hbm>>
      %dma_wait3A_436 = tpu.memref_squeeze %dma_wait3A_435 : memref<1x80xi32, #tpu.memory_space<hbm>> -> memref<80xi32, #tpu.memory_space<hbm>>
      tpu.wait_dma2 semaphore(%dma_wait3A_430 : memref<!tpu.dma_semaphore, #tpu.memory_space<semaphore_mem>>) src(%dma_wait3A_436 : memref<80xi32, #tpu.memory_space<hbm>>) dst(%dma_wait3A_433 : memref<80xi32, #tpu.memory_space<vmem>>)
      %dma_start3A_437 = arith.constant 3 : i32
      %dma_start3A_438 = arith.constant 3 : i32
      %dma_start3A_439 = arith.constant 3 : i32
      %dma_start3A_440 = arith.constant 0 : i32
      %dma_start3A_441 = arith.constant 0 : i32
      %dma_start3A_442 = tpu.memref_slice %arg8[%dma_start3A_438, %dma_start3A_440, %dma_start3A_441] : memref<4x80x128xf32, #tpu.memory_space<vmem>> -> memref<1x80x128xf32, #tpu.memory_space<vmem>>
      %dma_start3A_443 = tpu.memref_squeeze %dma_start3A_442 : memref<1x80x128xf32, #tpu.memory_space<vmem>> -> memref<80x128xf32, #tpu.memory_space<vmem>>
      %dma_start3A_444 = arith.constant 0 : i32
      %dma_start3A_445 = tpu.memref_slice %arg6[%dma_start3A_437, %dma_start3A_444] : memref<8x80xi32, #tpu.memory_space<vmem>> -> memref<1x80xi32, #tpu.memory_space<vmem>>
      %dma_start3A_446 = tpu.memref_squeeze %dma_start3A_445 : memref<1x80xi32, #tpu.memory_space<vmem>> -> memref<80xi32, #tpu.memory_space<vmem>>
      %dma_start3A_447 = arith.constant 0 : i32
      %dma_start3A_448 = arith.constant 0 : i32
      %dma_start3A_449 = tpu.memref_slice %arg4[%arg0, %dma_start3A_447, %dma_start3A_448] : memref<2x10240x128xf32, #tpu.memory_space<hbm>> -> memref<1x10240x128xf32, #tpu.memory_space<hbm>>
      %dma_start3A_450 = tpu.memref_squeeze %dma_start3A_449 : memref<1x10240x128xf32, #tpu.memory_space<hbm>> -> memref<10240x128xf32, #tpu.memory_space<hbm>>
      %dma_start3A_451 = arith.constant 0 : i32
      %dma_start3A_452 = arith.constant 0 : i32
      %dma_start3A_453 = tpu.memref_slice %dma_start3A_450[%dma_start3A_451, %dma_start3A_452] : memref<10240x128xf32, #tpu.memory_space<hbm>> -> memref<10240x128xf32, #tpu.memory_space<hbm>>
      %dma_start3A_454 = tpu.memref_slice %arg11[%dma_start3A_439] : memref<4x!tpu.dma_semaphore, #tpu.memory_space<semaphore_mem>> -> memref<1x!tpu.dma_semaphore, #tpu.memory_space<semaphore_mem>>
      %dma_start3A_455 = tpu.memref_squeeze %dma_start3A_454 : memref<1x!tpu.dma_semaphore, #tpu.memory_space<semaphore_mem>> -> memref<!tpu.dma_semaphore, #tpu.memory_space<semaphore_mem>>
      tpu.enqueue_indirect_dma source(%dma_start3A_453 : memref<10240x128xf32, #tpu.memory_space<hbm>>) target(%dma_start3A_443 : memref<80x128xf32, #tpu.memory_space<vmem>>) offsets(%dma_start3A_446 : memref<80xi32, #tpu.memory_space<vmem>>) semaphore(%dma_start3A_455 : memref<!tpu.dma_semaphore, #tpu.memory_space<semaphore_mem>>)
      %add3A_456 = arith.constant 3 : i32
      %add3A_457 = arith.addi %add3A_395, %add3A_456 : i32
      %add3A_458 = arith.addi %mul3A_4, %add3A_457 : i32
      %dma_start3A_459 = arith.constant 4 : i32
      %dma_start3A_460 = arith.constant 4 : i32
      %dma_start3A_461 = arith.constant 0 : i32
      %dma_start3A_462 = tpu.memref_slice %arg6[%dma_start3A_459, %dma_start3A_461] : memref<8x80xi32, #tpu.memory_space<vmem>> -> memref<1x80xi32, #tpu.memory_space<vmem>>
      %dma_start3A_463 = tpu.memref_squeeze %dma_start3A_462 : memref<1x80xi32, #tpu.memory_space<vmem>> -> memref<80xi32, #tpu.memory_space<vmem>>
      %dma_start3A_464 = arith.constant 0 : i32
      %dma_start3A_465 = tpu.memref_slice %arg2[%add3A_458, %dma_start3A_464] : memref<2048x80xi32, #tpu.memory_space<hbm>> -> memref<1x80xi32, #tpu.memory_space<hbm>>
      %dma_start3A_466 = tpu.memref_squeeze %dma_start3A_465 : memref<1x80xi32, #tpu.memory_space<hbm>> -> memref<80xi32, #tpu.memory_space<hbm>>
      %dma_start3A_467 = tpu.memref_slice %arg10[%dma_start3A_460] : memref<8x!tpu.dma_semaphore, #tpu.memory_space<semaphore_mem>> -> memref<1x!tpu.dma_semaphore, #tpu.memory_space<semaphore_mem>>
      %dma_start3A_468 = tpu.memref_squeeze %dma_start3A_467 : memref<1x!tpu.dma_semaphore, #tpu.memory_space<semaphore_mem>> -> memref<!tpu.dma_semaphore, #tpu.memory_space<semaphore_mem>>
      %dma_start3A_469 = arith.constant 0 : i32
      %dma_start3A_470 = tpu.memref_slice %arg6[%dma_start3A_459, %dma_start3A_469] : memref<8x80xi32, #tpu.memory_space<vmem>> -> memref<1x80xi32, #tpu.memory_space<vmem>>
      %dma_start3A_471 = tpu.memref_squeeze %dma_start3A_470 : memref<1x80xi32, #tpu.memory_space<vmem>> -> memref<80xi32, #tpu.memory_space<vmem>>
      %dma_start3A_472 = arith.constant 0 : i32
      %dma_start3A_473 = tpu.memref_slice %arg2[%add3A_458, %dma_start3A_472] : memref<2048x80xi32, #tpu.memory_space<hbm>> -> memref<1x80xi32, #tpu.memory_space<hbm>>
      %dma_start3A_474 = tpu.memref_squeeze %dma_start3A_473 : memref<1x80xi32, #tpu.memory_space<hbm>> -> memref<80xi32, #tpu.memory_space<hbm>>
      tpu.enqueue_dma source(%dma_start3A_474 : memref<80xi32, #tpu.memory_space<hbm>>) target(%dma_start3A_471 : memref<80xi32, #tpu.memory_space<vmem>>) target_semaphore(%dma_start3A_468 : memref<!tpu.dma_semaphore, #tpu.memory_space<semaphore_mem>>)
      %add3A_475 = arith.addi %mul3A_4, %add3A_457 : i32
      %dma_start3A_476 = arith.constant 4 : i32
      %dma_start3A_477 = arith.constant 4 : i32
      %dma_start3A_478 = arith.constant 0 : i32
      %dma_start3A_479 = tpu.memref_slice %arg7[%dma_start3A_476, %dma_start3A_478] : memref<8x80xi32, #tpu.memory_space<vmem>> -> memref<1x80xi32, #tpu.memory_space<vmem>>
      %dma_start3A_480 = tpu.memref_squeeze %dma_start3A_479 : memref<1x80xi32, #tpu.memory_space<vmem>> -> memref<80xi32, #tpu.memory_space<vmem>>
      %dma_start3A_481 = arith.constant 0 : i32
      %dma_start3A_482 = tpu.memref_slice %arg3[%add3A_475, %dma_start3A_481] : memref<2048x80xi32, #tpu.memory_space<hbm>> -> memref<1x80xi32, #tpu.memory_space<hbm>>
      %dma_start3A_483 = tpu.memref_squeeze %dma_start3A_482 : memref<1x80xi32, #tpu.memory_space<hbm>> -> memref<80xi32, #tpu.memory_space<hbm>>
      %dma_start3A_484 = tpu.memref_slice %arg10[%dma_start3A_477] : memref<8x!tpu.dma_semaphore, #tpu.memory_space<semaphore_mem>> -> memref<1x!tpu.dma_semaphore, #tpu.memory_space<semaphore_mem>>
      %dma_start3A_485 = tpu.memref_squeeze %dma_start3A_484 : memref<1x!tpu.dma_semaphore, #tpu.memory_space<semaphore_mem>> -> memref<!tpu.dma_semaphore, #tpu.memory_space<semaphore_mem>>
      %dma_start3A_486 = arith.constant 0 : i32
      %dma_start3A_487 = tpu.memref_slice %arg7[%dma_start3A_476, %dma_start3A_486] : memref<8x80xi32, #tpu.memory_space<vmem>> -> memref<1x80xi32, #tpu.memory_space<vmem>>
      %dma_start3A_488 = tpu.memref_squeeze %dma_start3A_487 : memref<1x80xi32, #tpu.memory_space<vmem>> -> memref<80xi32, #tpu.memory_space<vmem>>
      %dma_start3A_489 = arith.constant 0 : i32
      %dma_start3A_490 = tpu.memref_slice %arg3[%add3A_475, %dma_start3A_489] : memref<2048x80xi32, #tpu.memory_space<hbm>> -> memref<1x80xi32, #tpu.memory_space<hbm>>
      %dma_start3A_491 = tpu.memref_squeeze %dma_start3A_490 : memref<1x80xi32, #tpu.memory_space<hbm>> -> memref<80xi32, #tpu.memory_space<hbm>>
      tpu.enqueue_dma source(%dma_start3A_491 : memref<80xi32, #tpu.memory_space<hbm>>) target(%dma_start3A_488 : memref<80xi32, #tpu.memory_space<vmem>>) target_semaphore(%dma_start3A_485 : memref<!tpu.dma_semaphore, #tpu.memory_space<semaphore_mem>>)
      %dma_wait3A_492 = arith.constant 1 : i32
      %dma_wait3A_493 = arith.constant 1 : i32
      %dma_wait3A_494 = arith.constant 1 : i32
      %dma_wait3A_495 = arith.constant 0 : i32
      %dma_wait3A_496 = arith.constant 0 : i32
      %dma_wait3A_497 = tpu.memref_slice %arg8[%dma_wait3A_493, %dma_wait3A_495, %dma_wait3A_496] : memref<4x80x128xf32, #tpu.memory_space<vmem>> -> memref<1x80x128xf32, #tpu.memory_space<vmem>>
      %dma_wait3A_498 = tpu.memref_squeeze %dma_wait3A_497 : memref<1x80x128xf32, #tpu.memory_space<vmem>> -> memref<80x128xf32, #tpu.memory_space<vmem>>
      %dma_wait3A_499 = arith.constant 0 : i32
      %dma_wait3A_500 = tpu.memref_slice %arg6[%dma_wait3A_492, %dma_wait3A_499] : memref<8x80xi32, #tpu.memory_space<vmem>> -> memref<1x80xi32, #tpu.memory_space<vmem>>
      %dma_wait3A_501 = tpu.memref_squeeze %dma_wait3A_500 : memref<1x80xi32, #tpu.memory_space<vmem>> -> memref<80xi32, #tpu.memory_space<vmem>>
      %dma_wait3A_502 = arith.constant 0 : i32
      %dma_wait3A_503 = arith.constant 0 : i32
      %dma_wait3A_504 = tpu.memref_slice %arg4[%arg0, %dma_wait3A_502, %dma_wait3A_503] : memref<2x10240x128xf32, #tpu.memory_space<hbm>> -> memref<1x10240x128xf32, #tpu.memory_space<hbm>>
      %dma_wait3A_505 = tpu.memref_squeeze %dma_wait3A_504 : memref<1x10240x128xf32, #tpu.memory_space<hbm>> -> memref<10240x128xf32, #tpu.memory_space<hbm>>
      %dma_wait3A_506 = arith.constant 0 : i32
      %dma_wait3A_507 = arith.constant 0 : i32
      %dma_wait3A_508 = tpu.memref_slice %dma_wait3A_505[%dma_wait3A_506, %dma_wait3A_507] : memref<10240x128xf32, #tpu.memory_space<hbm>> -> memref<10240x128xf32, #tpu.memory_space<hbm>>
      %dma_wait3A_509 = tpu.memref_slice %arg11[%dma_wait3A_494] : memref<4x!tpu.dma_semaphore, #tpu.memory_space<semaphore_mem>> -> memref<1x!tpu.dma_semaphore, #tpu.memory_space<semaphore_mem>>
      %dma_wait3A_510 = tpu.memref_squeeze %dma_wait3A_509 : memref<1x!tpu.dma_semaphore, #tpu.memory_space<semaphore_mem>> -> memref<!tpu.dma_semaphore, #tpu.memory_space<semaphore_mem>>
      tpu.wait_indirect_dma semaphore(%dma_wait3A_510 : memref<!tpu.dma_semaphore, #tpu.memory_space<semaphore_mem>>) src(%dma_wait3A_508 : memref<10240x128xf32, #tpu.memory_space<hbm>>) dst(%dma_wait3A_498 : memref<80x128xf32, #tpu.memory_space<vmem>>)
      %dma_start3A_511 = arith.constant 1 : i32
      %dma_start3A_512 = arith.constant 1 : i32
      %dma_start3A_513 = arith.constant 1 : i32
      %dma_start3A_514 = arith.constant 0 : i32
      %dma_start3A_515 = arith.constant 0 : i32
      %dma_start3A_516 = tpu.memref_slice %arg8[%dma_start3A_511, %dma_start3A_514, %dma_start3A_515] : memref<4x80x128xf32, #tpu.memory_space<vmem>> -> memref<1x80x128xf32, #tpu.memory_space<vmem>>
      %dma_start3A_517 = tpu.memref_squeeze %dma_start3A_516 : memref<1x80x128xf32, #tpu.memory_space<vmem>> -> memref<80x128xf32, #tpu.memory_space<vmem>>
      %dma_start3A_518 = arith.constant 0 : i32
      %dma_start3A_519 = tpu.memref_slice %arg7[%dma_start3A_512, %dma_start3A_518] : memref<8x80xi32, #tpu.memory_space<vmem>> -> memref<1x80xi32, #tpu.memory_space<vmem>>
      %dma_start3A_520 = tpu.memref_squeeze %dma_start3A_519 : memref<1x80xi32, #tpu.memory_space<vmem>> -> memref<80xi32, #tpu.memory_space<vmem>>
      %dma_start3A_521 = arith.constant 0 : i32
      %dma_start3A_522 = arith.constant 0 : i32
      %dma_start3A_523 = tpu.memref_slice %arg9[%dma_start3A_521, %dma_start3A_522] : memref<10240x128xf32, #tpu.memory_space<vmem_shared>> -> memref<10240x128xf32, #tpu.memory_space<vmem_shared>>
      %dma_start3A_524 = tpu.memref_slice %arg12[%dma_start3A_513] : memref<4x!tpu.dma_semaphore, #tpu.memory_space<semaphore_mem>> -> memref<1x!tpu.dma_semaphore, #tpu.memory_space<semaphore_mem>>
      %dma_start3A_525 = tpu.memref_squeeze %dma_start3A_524 : memref<1x!tpu.dma_semaphore, #tpu.memory_space<semaphore_mem>> -> memref<!tpu.dma_semaphore, #tpu.memory_space<semaphore_mem>>
      tpu.enqueue_indirect_dma source(%dma_start3A_517 : memref<80x128xf32, #tpu.memory_space<vmem>>) target(%dma_start3A_523 : memref<10240x128xf32, #tpu.memory_space<vmem_shared>>) offsets(%dma_start3A_520 : memref<80xi32, #tpu.memory_space<vmem>>) semaphore(%dma_start3A_525 : memref<!tpu.dma_semaphore, #tpu.memory_space<semaphore_mem>>) {add = true}
      %mul3A_526 = arith.constant 8 : i32
      %mul3A_527 = arith.muli %mul3A_526, %scan3A_260 : i32
      %add3A_528 = arith.constant 2 : i32
      %add3A_529 = arith.addi %mul3A_527, %add3A_528 : i32
      %dma_wait3A_530 = arith.constant 0 : i32
      %dma_wait3A_531 = arith.constant 0 : i32
      %dma_wait3A_532 = arith.constant 0 : i32
      %dma_wait3A_533 = arith.constant 0 : i32
      %dma_wait3A_534 = arith.constant 0 : i32
      %dma_wait3A_535 = tpu.memref_slice %arg8[%dma_wait3A_530, %dma_wait3A_533, %dma_wait3A_534] : memref<4x80x128xf32, #tpu.memory_space<vmem>> -> memref<1x80x128xf32, #tpu.memory_space<vmem>>
      %dma_wait3A_536 = tpu.memref_squeeze %dma_wait3A_535 : memref<1x80x128xf32, #tpu.memory_space<vmem>> -> memref<80x128xf32, #tpu.memory_space<vmem>>
      %dma_wait3A_537 = arith.constant 0 : i32
      %dma_wait3A_538 = tpu.memref_slice %arg7[%dma_wait3A_531, %dma_wait3A_537] : memref<8x80xi32, #tpu.memory_space<vmem>> -> memref<1x80xi32, #tpu.memory_space<vmem>>
      %dma_wait3A_539 = tpu.memref_squeeze %dma_wait3A_538 : memref<1x80xi32, #tpu.memory_space<vmem>> -> memref<80xi32, #tpu.memory_space<vmem>>
      %dma_wait3A_540 = arith.constant 0 : i32
      %dma_wait3A_541 = arith.constant 0 : i32
      %dma_wait3A_542 = tpu.memref_slice %arg9[%dma_wait3A_540, %dma_wait3A_541] : memref<10240x128xf32, #tpu.memory_space<vmem_shared>> -> memref<10240x128xf32, #tpu.memory_space<vmem_shared>>
      %dma_wait3A_543 = tpu.memref_slice %arg12[%dma_wait3A_532] : memref<4x!tpu.dma_semaphore, #tpu.memory_space<semaphore_mem>> -> memref<1x!tpu.dma_semaphore, #tpu.memory_space<semaphore_mem>>
      %dma_wait3A_544 = tpu.memref_squeeze %dma_wait3A_543 : memref<1x!tpu.dma_semaphore, #tpu.memory_space<semaphore_mem>> -> memref<!tpu.dma_semaphore, #tpu.memory_space<semaphore_mem>>
      tpu.wait_indirect_dma semaphore(%dma_wait3A_544 : memref<!tpu.dma_semaphore, #tpu.memory_space<semaphore_mem>>) src(%dma_wait3A_536 : memref<80x128xf32, #tpu.memory_space<vmem>>) dst(%dma_wait3A_542 : memref<10240x128xf32, #tpu.memory_space<vmem_shared>>)
      %add3A_545 = arith.constant 2 : i32
      %add3A_546 = arith.addi %add3A_529, %add3A_545 : i32
      %add3A_547 = arith.addi %mul3A_4, %add3A_546 : i32
      %dma_wait3A_548 = arith.constant 4 : i32
      %dma_wait3A_549 = arith.constant 4 : i32
      %dma_wait3A_550 = arith.constant 0 : i32
      %dma_wait3A_551 = tpu.memref_slice %arg6[%dma_wait3A_548, %dma_wait3A_550] : memref<8x80xi32, #tpu.memory_space<vmem>> -> memref<1x80xi32, #tpu.memory_space<vmem>>
      %dma_wait3A_552 = tpu.memref_squeeze %dma_wait3A_551 : memref<1x80xi32, #tpu.memory_space<vmem>> -> memref<80xi32, #tpu.memory_space<vmem>>
      %dma_wait3A_553 = arith.constant 0 : i32
      %dma_wait3A_554 = tpu.memref_slice %arg2[%add3A_547, %dma_wait3A_553] : memref<2048x80xi32, #tpu.memory_space<hbm>> -> memref<1x80xi32, #tpu.memory_space<hbm>>
      %dma_wait3A_555 = tpu.memref_squeeze %dma_wait3A_554 : memref<1x80xi32, #tpu.memory_space<hbm>> -> memref<80xi32, #tpu.memory_space<hbm>>
      %dma_wait3A_556 = tpu.memref_slice %arg10[%dma_wait3A_549] : memref<8x!tpu.dma_semaphore, #tpu.memory_space<semaphore_mem>> -> memref<1x!tpu.dma_semaphore, #tpu.memory_space<semaphore_mem>>
      %dma_wait3A_557 = tpu.memref_squeeze %dma_wait3A_556 : memref<1x!tpu.dma_semaphore, #tpu.memory_space<semaphore_mem>> -> memref<!tpu.dma_semaphore, #tpu.memory_space<semaphore_mem>>
      %dma_wait3A_558 = arith.constant 0 : i32
      %dma_wait3A_559 = tpu.memref_slice %arg6[%dma_wait3A_548, %dma_wait3A_558] : memref<8x80xi32, #tpu.memory_space<vmem>> -> memref<1x80xi32, #tpu.memory_space<vmem>>
      %dma_wait3A_560 = tpu.memref_squeeze %dma_wait3A_559 : memref<1x80xi32, #tpu.memory_space<vmem>> -> memref<80xi32, #tpu.memory_space<vmem>>
      %dma_wait3A_561 = arith.constant 0 : i32
      %dma_wait3A_562 = tpu.memref_slice %arg2[%add3A_547, %dma_wait3A_561] : memref<2048x80xi32, #tpu.memory_space<hbm>> -> memref<1x80xi32, #tpu.memory_space<hbm>>
      %dma_wait3A_563 = tpu.memref_squeeze %dma_wait3A_562 : memref<1x80xi32, #tpu.memory_space<hbm>> -> memref<80xi32, #tpu.memory_space<hbm>>
      tpu.wait_dma2 semaphore(%dma_wait3A_557 : memref<!tpu.dma_semaphore, #tpu.memory_space<semaphore_mem>>) src(%dma_wait3A_563 : memref<80xi32, #tpu.memory_space<hbm>>) dst(%dma_wait3A_560 : memref<80xi32, #tpu.memory_space<vmem>>)
      %add3A_564 = arith.addi %mul3A_4, %add3A_546 : i32
      %dma_wait3A_565 = arith.constant 4 : i32
      %dma_wait3A_566 = arith.constant 4 : i32
      %dma_wait3A_567 = arith.constant 0 : i32
      %dma_wait3A_568 = tpu.memref_slice %arg7[%dma_wait3A_565, %dma_wait3A_567] : memref<8x80xi32, #tpu.memory_space<vmem>> -> memref<1x80xi32, #tpu.memory_space<vmem>>
      %dma_wait3A_569 = tpu.memref_squeeze %dma_wait3A_568 : memref<1x80xi32, #tpu.memory_space<vmem>> -> memref<80xi32, #tpu.memory_space<vmem>>
      %dma_wait3A_570 = arith.constant 0 : i32
      %dma_wait3A_571 = tpu.memref_slice %arg3[%add3A_564, %dma_wait3A_570] : memref<2048x80xi32, #tpu.memory_space<hbm>> -> memref<1x80xi32, #tpu.memory_space<hbm>>
      %dma_wait3A_572 = tpu.memref_squeeze %dma_wait3A_571 : memref<1x80xi32, #tpu.memory_space<hbm>> -> memref<80xi32, #tpu.memory_space<hbm>>
      %dma_wait3A_573 = tpu.memref_slice %arg10[%dma_wait3A_566] : memref<8x!tpu.dma_semaphore, #tpu.memory_space<semaphore_mem>> -> memref<1x!tpu.dma_semaphore, #tpu.memory_space<semaphore_mem>>
      %dma_wait3A_574 = tpu.memref_squeeze %dma_wait3A_573 : memref<1x!tpu.dma_semaphore, #tpu.memory_space<semaphore_mem>> -> memref<!tpu.dma_semaphore, #tpu.memory_space<semaphore_mem>>
      %dma_wait3A_575 = arith.constant 0 : i32
      %dma_wait3A_576 = tpu.memref_slice %arg7[%dma_wait3A_565, %dma_wait3A_575] : memref<8x80xi32, #tpu.memory_space<vmem>> -> memref<1x80xi32, #tpu.memory_space<vmem>>
      %dma_wait3A_577 = tpu.memref_squeeze %dma_wait3A_576 : memref<1x80xi32, #tpu.memory_space<vmem>> -> memref<80xi32, #tpu.memory_space<vmem>>
      %dma_wait3A_578 = arith.constant 0 : i32
      %dma_wait3A_579 = tpu.memref_slice %arg3[%add3A_564, %dma_wait3A_578] : memref<2048x80xi32, #tpu.memory_space<hbm>> -> memref<1x80xi32, #tpu.memory_space<hbm>>
      %dma_wait3A_580 = tpu.memref_squeeze %dma_wait3A_579 : memref<1x80xi32, #tpu.memory_space<hbm>> -> memref<80xi32, #tpu.memory_space<hbm>>
      tpu.wait_dma2 semaphore(%dma_wait3A_574 : memref<!tpu.dma_semaphore, #tpu.memory_space<semaphore_mem>>) src(%dma_wait3A_580 : memref<80xi32, #tpu.memory_space<hbm>>) dst(%dma_wait3A_577 : memref<80xi32, #tpu.memory_space<vmem>>)
      %dma_start3A_581 = arith.constant 4 : i32
      %dma_start3A_582 = arith.constant 0 : i32
      %dma_start3A_583 = arith.constant 0 : i32
      %dma_start3A_584 = arith.constant 0 : i32
      %dma_start3A_585 = arith.constant 0 : i32
      %dma_start3A_586 = tpu.memref_slice %arg8[%dma_start3A_582, %dma_start3A_584, %dma_start3A_585] : memref<4x80x128xf32, #tpu.memory_space<vmem>> -> memref<1x80x128xf32, #tpu.memory_space<vmem>>
      %dma_start3A_587 = tpu.memref_squeeze %dma_start3A_586 : memref<1x80x128xf32, #tpu.memory_space<vmem>> -> memref<80x128xf32, #tpu.memory_space<vmem>>
      %dma_start3A_588 = arith.constant 0 : i32
      %dma_start3A_589 = tpu.memref_slice %arg6[%dma_start3A_581, %dma_start3A_588] : memref<8x80xi32, #tpu.memory_space<vmem>> -> memref<1x80xi32, #tpu.memory_space<vmem>>
      %dma_start3A_590 = tpu.memref_squeeze %dma_start3A_589 : memref<1x80xi32, #tpu.memory_space<vmem>> -> memref<80xi32, #tpu.memory_space<vmem>>
      %dma_start3A_591 = arith.constant 0 : i32
      %dma_start3A_592 = arith.constant 0 : i32
      %dma_start3A_593 = tpu.memref_slice %arg4[%arg0, %dma_start3A_591, %dma_start3A_592] : memref<2x10240x128xf32, #tpu.memory_space<hbm>> -> memref<1x10240x128xf32, #tpu.memory_space<hbm>>
      %dma_start3A_594 = tpu.memref_squeeze %dma_start3A_593 : memref<1x10240x128xf32, #tpu.memory_space<hbm>> -> memref<10240x128xf32, #tpu.memory_space<hbm>>
      %dma_start3A_595 = arith.constant 0 : i32
      %dma_start3A_596 = arith.constant 0 : i32
      %dma_start3A_597 = tpu.memref_slice %dma_start3A_594[%dma_start3A_595, %dma_start3A_596] : memref<10240x128xf32, #tpu.memory_space<hbm>> -> memref<10240x128xf32, #tpu.memory_space<hbm>>
      %dma_start3A_598 = tpu.memref_slice %arg11[%dma_start3A_583] : memref<4x!tpu.dma_semaphore, #tpu.memory_space<semaphore_mem>> -> memref<1x!tpu.dma_semaphore, #tpu.memory_space<semaphore_mem>>
      %dma_start3A_599 = tpu.memref_squeeze %dma_start3A_598 : memref<1x!tpu.dma_semaphore, #tpu.memory_space<semaphore_mem>> -> memref<!tpu.dma_semaphore, #tpu.memory_space<semaphore_mem>>
      tpu.enqueue_indirect_dma source(%dma_start3A_597 : memref<10240x128xf32, #tpu.memory_space<hbm>>) target(%dma_start3A_587 : memref<80x128xf32, #tpu.memory_space<vmem>>) offsets(%dma_start3A_590 : memref<80xi32, #tpu.memory_space<vmem>>) semaphore(%dma_start3A_599 : memref<!tpu.dma_semaphore, #tpu.memory_space<semaphore_mem>>)
      %add3A_600 = arith.constant 3 : i32
      %add3A_601 = arith.addi %add3A_529, %add3A_600 : i32
      %add3A_602 = arith.addi %mul3A_4, %add3A_601 : i32
      %dma_start3A_603 = arith.constant 5 : i32
      %dma_start3A_604 = arith.constant 5 : i32
      %dma_start3A_605 = arith.constant 0 : i32
      %dma_start3A_606 = tpu.memref_slice %arg6[%dma_start3A_603, %dma_start3A_605] : memref<8x80xi32, #tpu.memory_space<vmem>> -> memref<1x80xi32, #tpu.memory_space<vmem>>
      %dma_start3A_607 = tpu.memref_squeeze %dma_start3A_606 : memref<1x80xi32, #tpu.memory_space<vmem>> -> memref<80xi32, #tpu.memory_space<vmem>>
      %dma_start3A_608 = arith.constant 0 : i32
      %dma_start3A_609 = tpu.memref_slice %arg2[%add3A_602, %dma_start3A_608] : memref<2048x80xi32, #tpu.memory_space<hbm>> -> memref<1x80xi32, #tpu.memory_space<hbm>>
      %dma_start3A_610 = tpu.memref_squeeze %dma_start3A_609 : memref<1x80xi32, #tpu.memory_space<hbm>> -> memref<80xi32, #tpu.memory_space<hbm>>
      %dma_start3A_611 = tpu.memref_slice %arg10[%dma_start3A_604] : memref<8x!tpu.dma_semaphore, #tpu.memory_space<semaphore_mem>> -> memref<1x!tpu.dma_semaphore, #tpu.memory_space<semaphore_mem>>
      %dma_start3A_612 = tpu.memref_squeeze %dma_start3A_611 : memref<1x!tpu.dma_semaphore, #tpu.memory_space<semaphore_mem>> -> memref<!tpu.dma_semaphore, #tpu.memory_space<semaphore_mem>>
      %dma_start3A_613 = arith.constant 0 : i32
      %dma_start3A_614 = tpu.memref_slice %arg6[%dma_start3A_603, %dma_start3A_613] : memref<8x80xi32, #tpu.memory_space<vmem>> -> memref<1x80xi32, #tpu.memory_space<vmem>>
      %dma_start3A_615 = tpu.memref_squeeze %dma_start3A_614 : memref<1x80xi32, #tpu.memory_space<vmem>> -> memref<80xi32, #tpu.memory_space<vmem>>
      %dma_start3A_616 = arith.constant 0 : i32
      %dma_start3A_617 = tpu.memref_slice %arg2[%add3A_602, %dma_start3A_616] : memref<2048x80xi32, #tpu.memory_space<hbm>> -> memref<1x80xi32, #tpu.memory_space<hbm>>
      %dma_start3A_618 = tpu.memref_squeeze %dma_start3A_617 : memref<1x80xi32, #tpu.memory_space<hbm>> -> memref<80xi32, #tpu.memory_space<hbm>>
      tpu.enqueue_dma source(%dma_start3A_618 : memref<80xi32, #tpu.memory_space<hbm>>) target(%dma_start3A_615 : memref<80xi32, #tpu.memory_space<vmem>>) target_semaphore(%dma_start3A_612 : memref<!tpu.dma_semaphore, #tpu.memory_space<semaphore_mem>>)
      %add3A_619 = arith.addi %mul3A_4, %add3A_601 : i32
      %dma_start3A_620 = arith.constant 5 : i32
      %dma_start3A_621 = arith.constant 5 : i32
      %dma_start3A_622 = arith.constant 0 : i32
      %dma_start3A_623 = tpu.memref_slice %arg7[%dma_start3A_620, %dma_start3A_622] : memref<8x80xi32, #tpu.memory_space<vmem>> -> memref<1x80xi32, #tpu.memory_space<vmem>>
      %dma_start3A_624 = tpu.memref_squeeze %dma_start3A_623 : memref<1x80xi32, #tpu.memory_space<vmem>> -> memref<80xi32, #tpu.memory_space<vmem>>
      %dma_start3A_625 = arith.constant 0 : i32
      %dma_start3A_626 = tpu.memref_slice %arg3[%add3A_619, %dma_start3A_625] : memref<2048x80xi32, #tpu.memory_space<hbm>> -> memref<1x80xi32, #tpu.memory_space<hbm>>
      %dma_start3A_627 = tpu.memref_squeeze %dma_start3A_626 : memref<1x80xi32, #tpu.memory_space<hbm>> -> memref<80xi32, #tpu.memory_space<hbm>>
      %dma_start3A_628 = tpu.memref_slice %arg10[%dma_start3A_621] : memref<8x!tpu.dma_semaphore, #tpu.memory_space<semaphore_mem>> -> memref<1x!tpu.dma_semaphore, #tpu.memory_space<semaphore_mem>>
      %dma_start3A_629 = tpu.memref_squeeze %dma_start3A_628 : memref<1x!tpu.dma_semaphore, #tpu.memory_space<semaphore_mem>> -> memref<!tpu.dma_semaphore, #tpu.memory_space<semaphore_mem>>
      %dma_start3A_630 = arith.constant 0 : i32
      %dma_start3A_631 = tpu.memref_slice %arg7[%dma_start3A_620, %dma_start3A_630] : memref<8x80xi32, #tpu.memory_space<vmem>> -> memref<1x80xi32, #tpu.memory_space<vmem>>
      %dma_start3A_632 = tpu.memref_squeeze %dma_start3A_631 : memref<1x80xi32, #tpu.memory_space<vmem>> -> memref<80xi32, #tpu.memory_space<vmem>>
      %dma_start3A_633 = arith.constant 0 : i32
      %dma_start3A_634 = tpu.memref_slice %arg3[%add3A_619, %dma_start3A_633] : memref<2048x80xi32, #tpu.memory_space<hbm>> -> memref<1x80xi32, #tpu.memory_space<hbm>>
      %dma_start3A_635 = tpu.memref_squeeze %dma_start3A_634 : memref<1x80xi32, #tpu.memory_space<hbm>> -> memref<80xi32, #tpu.memory_space<hbm>>
      tpu.enqueue_dma source(%dma_start3A_635 : memref<80xi32, #tpu.memory_space<hbm>>) target(%dma_start3A_632 : memref<80xi32, #tpu.memory_space<vmem>>) target_semaphore(%dma_start3A_629 : memref<!tpu.dma_semaphore, #tpu.memory_space<semaphore_mem>>)
      %dma_wait3A_636 = arith.constant 2 : i32
      %dma_wait3A_637 = arith.constant 2 : i32
      %dma_wait3A_638 = arith.constant 2 : i32
      %dma_wait3A_639 = arith.constant 0 : i32
      %dma_wait3A_640 = arith.constant 0 : i32
      %dma_wait3A_641 = tpu.memref_slice %arg8[%dma_wait3A_637, %dma_wait3A_639, %dma_wait3A_640] : memref<4x80x128xf32, #tpu.memory_space<vmem>> -> memref<1x80x128xf32, #tpu.memory_space<vmem>>
      %dma_wait3A_642 = tpu.memref_squeeze %dma_wait3A_641 : memref<1x80x128xf32, #tpu.memory_space<vmem>> -> memref<80x128xf32, #tpu.memory_space<vmem>>
      %dma_wait3A_643 = arith.constant 0 : i32
      %dma_wait3A_644 = tpu.memref_slice %arg6[%dma_wait3A_636, %dma_wait3A_643] : memref<8x80xi32, #tpu.memory_space<vmem>> -> memref<1x80xi32, #tpu.memory_space<vmem>>
      %dma_wait3A_645 = tpu.memref_squeeze %dma_wait3A_644 : memref<1x80xi32, #tpu.memory_space<vmem>> -> memref<80xi32, #tpu.memory_space<vmem>>
      %dma_wait3A_646 = arith.constant 0 : i32
      %dma_wait3A_647 = arith.constant 0 : i32
      %dma_wait3A_648 = tpu.memref_slice %arg4[%arg0, %dma_wait3A_646, %dma_wait3A_647] : memref<2x10240x128xf32, #tpu.memory_space<hbm>> -> memref<1x10240x128xf32, #tpu.memory_space<hbm>>
      %dma_wait3A_649 = tpu.memref_squeeze %dma_wait3A_648 : memref<1x10240x128xf32, #tpu.memory_space<hbm>> -> memref<10240x128xf32, #tpu.memory_space<hbm>>
      %dma_wait3A_650 = arith.constant 0 : i32
      %dma_wait3A_651 = arith.constant 0 : i32
      %dma_wait3A_652 = tpu.memref_slice %dma_wait3A_649[%dma_wait3A_650, %dma_wait3A_651] : memref<10240x128xf32, #tpu.memory_space<hbm>> -> memref<10240x128xf32, #tpu.memory_space<hbm>>
      %dma_wait3A_653 = tpu.memref_slice %arg11[%dma_wait3A_638] : memref<4x!tpu.dma_semaphore, #tpu.memory_space<semaphore_mem>> -> memref<1x!tpu.dma_semaphore, #tpu.memory_space<semaphore_mem>>
      %dma_wait3A_654 = tpu.memref_squeeze %dma_wait3A_653 : memref<1x!tpu.dma_semaphore, #tpu.memory_space<semaphore_mem>> -> memref<!tpu.dma_semaphore, #tpu.memory_space<semaphore_mem>>
      tpu.wait_indirect_dma semaphore(%dma_wait3A_654 : memref<!tpu.dma_semaphore, #tpu.memory_space<semaphore_mem>>) src(%dma_wait3A_652 : memref<10240x128xf32, #tpu.memory_space<hbm>>) dst(%dma_wait3A_642 : memref<80x128xf32, #tpu.memory_space<vmem>>)
      %dma_start3A_655 = arith.constant 2 : i32
      %dma_start3A_656 = arith.constant 2 : i32
      %dma_start3A_657 = arith.constant 2 : i32
      %dma_start3A_658 = arith.constant 0 : i32
      %dma_start3A_659 = arith.constant 0 : i32
      %dma_start3A_660 = tpu.memref_slice %arg8[%dma_start3A_655, %dma_start3A_658, %dma_start3A_659] : memref<4x80x128xf32, #tpu.memory_space<vmem>> -> memref<1x80x128xf32, #tpu.memory_space<vmem>>
      %dma_start3A_661 = tpu.memref_squeeze %dma_start3A_660 : memref<1x80x128xf32, #tpu.memory_space<vmem>> -> memref<80x128xf32, #tpu.memory_space<vmem>>
      %dma_start3A_662 = arith.constant 0 : i32
      %dma_start3A_663 = tpu.memref_slice %arg7[%dma_start3A_656, %dma_start3A_662] : memref<8x80xi32, #tpu.memory_space<vmem>> -> memref<1x80xi32, #tpu.memory_space<vmem>>
      %dma_start3A_664 = tpu.memref_squeeze %dma_start3A_663 : memref<1x80xi32, #tpu.memory_space<vmem>> -> memref<80xi32, #tpu.memory_space<vmem>>
      %dma_start3A_665 = arith.constant 0 : i32
      %dma_start3A_666 = arith.constant 0 : i32
      %dma_start3A_667 = tpu.memref_slice %arg9[%dma_start3A_665, %dma_start3A_666] : memref<10240x128xf32, #tpu.memory_space<vmem_shared>> -> memref<10240x128xf32, #tpu.memory_space<vmem_shared>>
      %dma_start3A_668 = tpu.memref_slice %arg12[%dma_start3A_657] : memref<4x!tpu.dma_semaphore, #tpu.memory_space<semaphore_mem>> -> memref<1x!tpu.dma_semaphore, #tpu.memory_space<semaphore_mem>>
      %dma_start3A_669 = tpu.memref_squeeze %dma_start3A_668 : memref<1x!tpu.dma_semaphore, #tpu.memory_space<semaphore_mem>> -> memref<!tpu.dma_semaphore, #tpu.memory_space<semaphore_mem>>
      tpu.enqueue_indirect_dma source(%dma_start3A_661 : memref<80x128xf32, #tpu.memory_space<vmem>>) target(%dma_start3A_667 : memref<10240x128xf32, #tpu.memory_space<vmem_shared>>) offsets(%dma_start3A_664 : memref<80xi32, #tpu.memory_space<vmem>>) semaphore(%dma_start3A_669 : memref<!tpu.dma_semaphore, #tpu.memory_space<semaphore_mem>>) {add = true}
      %mul3A_670 = arith.constant 8 : i32
      %mul3A_671 = arith.muli %mul3A_670, %scan3A_260 : i32
      %add3A_672 = arith.constant 3 : i32
      %add3A_673 = arith.addi %mul3A_671, %add3A_672 : i32
      %dma_wait3A_674 = arith.constant 1 : i32
      %dma_wait3A_675 = arith.constant 1 : i32
      %dma_wait3A_676 = arith.constant 1 : i32
      %dma_wait3A_677 = arith.constant 0 : i32
      %dma_wait3A_678 = arith.constant 0 : i32
      %dma_wait3A_679 = tpu.memref_slice %arg8[%dma_wait3A_674, %dma_wait3A_677, %dma_wait3A_678] : memref<4x80x128xf32, #tpu.memory_space<vmem>> -> memref<1x80x128xf32, #tpu.memory_space<vmem>>
      %dma_wait3A_680 = tpu.memref_squeeze %dma_wait3A_679 : memref<1x80x128xf32, #tpu.memory_space<vmem>> -> memref<80x128xf32, #tpu.memory_space<vmem>>
      %dma_wait3A_681 = arith.constant 0 : i32
      %dma_wait3A_682 = tpu.memref_slice %arg7[%dma_wait3A_675, %dma_wait3A_681] : memref<8x80xi32, #tpu.memory_space<vmem>> -> memref<1x80xi32, #tpu.memory_space<vmem>>
      %dma_wait3A_683 = tpu.memref_squeeze %dma_wait3A_682 : memref<1x80xi32, #tpu.memory_space<vmem>> -> memref<80xi32, #tpu.memory_space<vmem>>
      %dma_wait3A_684 = arith.constant 0 : i32
      %dma_wait3A_685 = arith.constant 0 : i32
      %dma_wait3A_686 = tpu.memref_slice %arg9[%dma_wait3A_684, %dma_wait3A_685] : memref<10240x128xf32, #tpu.memory_space<vmem_shared>> -> memref<10240x128xf32, #tpu.memory_space<vmem_shared>>
      %dma_wait3A_687 = tpu.memref_slice %arg12[%dma_wait3A_676] : memref<4x!tpu.dma_semaphore, #tpu.memory_space<semaphore_mem>> -> memref<1x!tpu.dma_semaphore, #tpu.memory_space<semaphore_mem>>
      %dma_wait3A_688 = tpu.memref_squeeze %dma_wait3A_687 : memref<1x!tpu.dma_semaphore, #tpu.memory_space<semaphore_mem>> -> memref<!tpu.dma_semaphore, #tpu.memory_space<semaphore_mem>>
      tpu.wait_indirect_dma semaphore(%dma_wait3A_688 : memref<!tpu.dma_semaphore, #tpu.memory_space<semaphore_mem>>) src(%dma_wait3A_680 : memref<80x128xf32, #tpu.memory_space<vmem>>) dst(%dma_wait3A_686 : memref<10240x128xf32, #tpu.memory_space<vmem_shared>>)
      %add3A_689 = arith.constant 2 : i32
      %add3A_690 = arith.addi %add3A_673, %add3A_689 : i32
      %add3A_691 = arith.addi %mul3A_4, %add3A_690 : i32
      %dma_wait3A_692 = arith.constant 5 : i32
      %dma_wait3A_693 = arith.constant 5 : i32
      %dma_wait3A_694 = arith.constant 0 : i32
      %dma_wait3A_695 = tpu.memref_slice %arg6[%dma_wait3A_692, %dma_wait3A_694] : memref<8x80xi32, #tpu.memory_space<vmem>> -> memref<1x80xi32, #tpu.memory_space<vmem>>
      %dma_wait3A_696 = tpu.memref_squeeze %dma_wait3A_695 : memref<1x80xi32, #tpu.memory_space<vmem>> -> memref<80xi32, #tpu.memory_space<vmem>>
      %dma_wait3A_697 = arith.constant 0 : i32
      %dma_wait3A_698 = tpu.memref_slice %arg2[%add3A_691, %dma_wait3A_697] : memref<2048x80xi32, #tpu.memory_space<hbm>> -> memref<1x80xi32, #tpu.memory_space<hbm>>
      %dma_wait3A_699 = tpu.memref_squeeze %dma_wait3A_698 : memref<1x80xi32, #tpu.memory_space<hbm>> -> memref<80xi32, #tpu.memory_space<hbm>>
      %dma_wait3A_700 = tpu.memref_slice %arg10[%dma_wait3A_693] : memref<8x!tpu.dma_semaphore, #tpu.memory_space<semaphore_mem>> -> memref<1x!tpu.dma_semaphore, #tpu.memory_space<semaphore_mem>>
      %dma_wait3A_701 = tpu.memref_squeeze %dma_wait3A_700 : memref<1x!tpu.dma_semaphore, #tpu.memory_space<semaphore_mem>> -> memref<!tpu.dma_semaphore, #tpu.memory_space<semaphore_mem>>
      %dma_wait3A_702 = arith.constant 0 : i32
      %dma_wait3A_703 = tpu.memref_slice %arg6[%dma_wait3A_692, %dma_wait3A_702] : memref<8x80xi32, #tpu.memory_space<vmem>> -> memref<1x80xi32, #tpu.memory_space<vmem>>
      %dma_wait3A_704 = tpu.memref_squeeze %dma_wait3A_703 : memref<1x80xi32, #tpu.memory_space<vmem>> -> memref<80xi32, #tpu.memory_space<vmem>>
      %dma_wait3A_705 = arith.constant 0 : i32
      %dma_wait3A_706 = tpu.memref_slice %arg2[%add3A_691, %dma_wait3A_705] : memref<2048x80xi32, #tpu.memory_space<hbm>> -> memref<1x80xi32, #tpu.memory_space<hbm>>
      %dma_wait3A_707 = tpu.memref_squeeze %dma_wait3A_706 : memref<1x80xi32, #tpu.memory_space<hbm>> -> memref<80xi32, #tpu.memory_space<hbm>>
      tpu.wait_dma2 semaphore(%dma_wait3A_701 : memref<!tpu.dma_semaphore, #tpu.memory_space<semaphore_mem>>) src(%dma_wait3A_707 : memref<80xi32, #tpu.memory_space<hbm>>) dst(%dma_wait3A_704 : memref<80xi32, #tpu.memory_space<vmem>>)
      %add3A_708 = arith.addi %mul3A_4, %add3A_690 : i32
      %dma_wait3A_709 = arith.constant 5 : i32
      %dma_wait3A_710 = arith.constant 5 : i32
      %dma_wait3A_711 = arith.constant 0 : i32
      %dma_wait3A_712 = tpu.memref_slice %arg7[%dma_wait3A_709, %dma_wait3A_711] : memref<8x80xi32, #tpu.memory_space<vmem>> -> memref<1x80xi32, #tpu.memory_space<vmem>>
      %dma_wait3A_713 = tpu.memref_squeeze %dma_wait3A_712 : memref<1x80xi32, #tpu.memory_space<vmem>> -> memref<80xi32, #tpu.memory_space<vmem>>
      %dma_wait3A_714 = arith.constant 0 : i32
      %dma_wait3A_715 = tpu.memref_slice %arg3[%add3A_708, %dma_wait3A_714] : memref<2048x80xi32, #tpu.memory_space<hbm>> -> memref<1x80xi32, #tpu.memory_space<hbm>>
      %dma_wait3A_716 = tpu.memref_squeeze %dma_wait3A_715 : memref<1x80xi32, #tpu.memory_space<hbm>> -> memref<80xi32, #tpu.memory_space<hbm>>
      %dma_wait3A_717 = tpu.memref_slice %arg10[%dma_wait3A_710] : memref<8x!tpu.dma_semaphore, #tpu.memory_space<semaphore_mem>> -> memref<1x!tpu.dma_semaphore, #tpu.memory_space<semaphore_mem>>
      %dma_wait3A_718 = tpu.memref_squeeze %dma_wait3A_717 : memref<1x!tpu.dma_semaphore, #tpu.memory_space<semaphore_mem>> -> memref<!tpu.dma_semaphore, #tpu.memory_space<semaphore_mem>>
      %dma_wait3A_719 = arith.constant 0 : i32
      %dma_wait3A_720 = tpu.memref_slice %arg7[%dma_wait3A_709, %dma_wait3A_719] : memref<8x80xi32, #tpu.memory_space<vmem>> -> memref<1x80xi32, #tpu.memory_space<vmem>>
      %dma_wait3A_721 = tpu.memref_squeeze %dma_wait3A_720 : memref<1x80xi32, #tpu.memory_space<vmem>> -> memref<80xi32, #tpu.memory_space<vmem>>
      %dma_wait3A_722 = arith.constant 0 : i32
      %dma_wait3A_723 = tpu.memref_slice %arg3[%add3A_708, %dma_wait3A_722] : memref<2048x80xi32, #tpu.memory_space<hbm>> -> memref<1x80xi32, #tpu.memory_space<hbm>>
      %dma_wait3A_724 = tpu.memref_squeeze %dma_wait3A_723 : memref<1x80xi32, #tpu.memory_space<hbm>> -> memref<80xi32, #tpu.memory_space<hbm>>
      tpu.wait_dma2 semaphore(%dma_wait3A_718 : memref<!tpu.dma_semaphore, #tpu.memory_space<semaphore_mem>>) src(%dma_wait3A_724 : memref<80xi32, #tpu.memory_space<hbm>>) dst(%dma_wait3A_721 : memref<80xi32, #tpu.memory_space<vmem>>)
      %dma_start3A_725 = arith.constant 5 : i32
      %dma_start3A_726 = arith.constant 1 : i32
      %dma_start3A_727 = arith.constant 1 : i32
      %dma_start3A_728 = arith.constant 0 : i32
      %dma_start3A_729 = arith.constant 0 : i32
      %dma_start3A_730 = tpu.memref_slice %arg8[%dma_start3A_726, %dma_start3A_728, %dma_start3A_729] : memref<4x80x128xf32, #tpu.memory_space<vmem>> -> memref<1x80x128xf32, #tpu.memory_space<vmem>>
      %dma_start3A_731 = tpu.memref_squeeze %dma_start3A_730 : memref<1x80x128xf32, #tpu.memory_space<vmem>> -> memref<80x128xf32, #tpu.memory_space<vmem>>
      %dma_start3A_732 = arith.constant 0 : i32
      %dma_start3A_733 = tpu.memref_slice %arg6[%dma_start3A_725, %dma_start3A_732] : memref<8x80xi32, #tpu.memory_space<vmem>> -> memref<1x80xi32, #tpu.memory_space<vmem>>
      %dma_start3A_734 = tpu.memref_squeeze %dma_start3A_733 : memref<1x80xi32, #tpu.memory_space<vmem>> -> memref<80xi32, #tpu.memory_space<vmem>>
      %dma_start3A_735 = arith.constant 0 : i32
      %dma_start3A_736 = arith.constant 0 : i32
      %dma_start3A_737 = tpu.memref_slice %arg4[%arg0, %dma_start3A_735, %dma_start3A_736] : memref<2x10240x128xf32, #tpu.memory_space<hbm>> -> memref<1x10240x128xf32, #tpu.memory_space<hbm>>
      %dma_start3A_738 = tpu.memref_squeeze %dma_start3A_737 : memref<1x10240x128xf32, #tpu.memory_space<hbm>> -> memref<10240x128xf32, #tpu.memory_space<hbm>>
      %dma_start3A_739 = arith.constant 0 : i32
      %dma_start3A_740 = arith.constant 0 : i32
      %dma_start3A_741 = tpu.memref_slice %dma_start3A_738[%dma_start3A_739, %dma_start3A_740] : memref<10240x128xf32, #tpu.memory_space<hbm>> -> memref<10240x128xf32, #tpu.memory_space<hbm>>
      %dma_start3A_742 = tpu.memref_slice %arg11[%dma_start3A_727] : memref<4x!tpu.dma_semaphore, #tpu.memory_space<semaphore_mem>> -> memref<1x!tpu.dma_semaphore, #tpu.memory_space<semaphore_mem>>
      %dma_start3A_743 = tpu.memref_squeeze %dma_start3A_742 : memref<1x!tpu.dma_semaphore, #tpu.memory_space<semaphore_mem>> -> memref<!tpu.dma_semaphore, #tpu.memory_space<semaphore_mem>>
      tpu.enqueue_indirect_dma source(%dma_start3A_741 : memref<10240x128xf32, #tpu.memory_space<hbm>>) target(%dma_start3A_731 : memref<80x128xf32, #tpu.memory_space<vmem>>) offsets(%dma_start3A_734 : memref<80xi32, #tpu.memory_space<vmem>>) semaphore(%dma_start3A_743 : memref<!tpu.dma_semaphore, #tpu.memory_space<semaphore_mem>>)
      %add3A_744 = arith.constant 3 : i32
      %add3A_745 = arith.addi %add3A_673, %add3A_744 : i32
      %add3A_746 = arith.addi %mul3A_4, %add3A_745 : i32
      %dma_start3A_747 = arith.constant 6 : i32
      %dma_start3A_748 = arith.constant 6 : i32
      %dma_start3A_749 = arith.constant 0 : i32
      %dma_start3A_750 = tpu.memref_slice %arg6[%dma_start3A_747, %dma_start3A_749] : memref<8x80xi32, #tpu.memory_space<vmem>> -> memref<1x80xi32, #tpu.memory_space<vmem>>
      %dma_start3A_751 = tpu.memref_squeeze %dma_start3A_750 : memref<1x80xi32, #tpu.memory_space<vmem>> -> memref<80xi32, #tpu.memory_space<vmem>>
      %dma_start3A_752 = arith.constant 0 : i32
      %dma_start3A_753 = tpu.memref_slice %arg2[%add3A_746, %dma_start3A_752] : memref<2048x80xi32, #tpu.memory_space<hbm>> -> memref<1x80xi32, #tpu.memory_space<hbm>>
      %dma_start3A_754 = tpu.memref_squeeze %dma_start3A_753 : memref<1x80xi32, #tpu.memory_space<hbm>> -> memref<80xi32, #tpu.memory_space<hbm>>
      %dma_start3A_755 = tpu.memref_slice %arg10[%dma_start3A_748] : memref<8x!tpu.dma_semaphore, #tpu.memory_space<semaphore_mem>> -> memref<1x!tpu.dma_semaphore, #tpu.memory_space<semaphore_mem>>
      %dma_start3A_756 = tpu.memref_squeeze %dma_start3A_755 : memref<1x!tpu.dma_semaphore, #tpu.memory_space<semaphore_mem>> -> memref<!tpu.dma_semaphore, #tpu.memory_space<semaphore_mem>>
      %dma_start3A_757 = arith.constant 0 : i32
      %dma_start3A_758 = tpu.memref_slice %arg6[%dma_start3A_747, %dma_start3A_757] : memref<8x80xi32, #tpu.memory_space<vmem>> -> memref<1x80xi32, #tpu.memory_space<vmem>>
      %dma_start3A_759 = tpu.memref_squeeze %dma_start3A_758 : memref<1x80xi32, #tpu.memory_space<vmem>> -> memref<80xi32, #tpu.memory_space<vmem>>
      %dma_start3A_760 = arith.constant 0 : i32
      %dma_start3A_761 = tpu.memref_slice %arg2[%add3A_746, %dma_start3A_760] : memref<2048x80xi32, #tpu.memory_space<hbm>> -> memref<1x80xi32, #tpu.memory_space<hbm>>
      %dma_start3A_762 = tpu.memref_squeeze %dma_start3A_761 : memref<1x80xi32, #tpu.memory_space<hbm>> -> memref<80xi32, #tpu.memory_space<hbm>>
      tpu.enqueue_dma source(%dma_start3A_762 : memref<80xi32, #tpu.memory_space<hbm>>) target(%dma_start3A_759 : memref<80xi32, #tpu.memory_space<vmem>>) target_semaphore(%dma_start3A_756 : memref<!tpu.dma_semaphore, #tpu.memory_space<semaphore_mem>>)
      %add3A_763 = arith.addi %mul3A_4, %add3A_745 : i32
      %dma_start3A_764 = arith.constant 6 : i32
      %dma_start3A_765 = arith.constant 6 : i32
      %dma_start3A_766 = arith.constant 0 : i32
      %dma_start3A_767 = tpu.memref_slice %arg7[%dma_start3A_764, %dma_start3A_766] : memref<8x80xi32, #tpu.memory_space<vmem>> -> memref<1x80xi32, #tpu.memory_space<vmem>>
      %dma_start3A_768 = tpu.memref_squeeze %dma_start3A_767 : memref<1x80xi32, #tpu.memory_space<vmem>> -> memref<80xi32, #tpu.memory_space<vmem>>
      %dma_start3A_769 = arith.constant 0 : i32
      %dma_start3A_770 = tpu.memref_slice %arg3[%add3A_763, %dma_start3A_769] : memref<2048x80xi32, #tpu.memory_space<hbm>> -> memref<1x80xi32, #tpu.memory_space<hbm>>
      %dma_start3A_771 = tpu.memref_squeeze %dma_start3A_770 : memref<1x80xi32, #tpu.memory_space<hbm>> -> memref<80xi32, #tpu.memory_space<hbm>>
      %dma_start3A_772 = tpu.memref_slice %arg10[%dma_start3A_765] : memref<8x!tpu.dma_semaphore, #tpu.memory_space<semaphore_mem>> -> memref<1x!tpu.dma_semaphore, #tpu.memory_space<semaphore_mem>>
      %dma_start3A_773 = tpu.memref_squeeze %dma_start3A_772 : memref<1x!tpu.dma_semaphore, #tpu.memory_space<semaphore_mem>> -> memref<!tpu.dma_semaphore, #tpu.memory_space<semaphore_mem>>
      %dma_start3A_774 = arith.constant 0 : i32
      %dma_start3A_775 = tpu.memref_slice %arg7[%dma_start3A_764, %dma_start3A_774] : memref<8x80xi32, #tpu.memory_space<vmem>> -> memref<1x80xi32, #tpu.memory_space<vmem>>
      %dma_start3A_776 = tpu.memref_squeeze %dma_start3A_775 : memref<1x80xi32, #tpu.memory_space<vmem>> -> memref<80xi32, #tpu.memory_space<vmem>>
      %dma_start3A_777 = arith.constant 0 : i32
      %dma_start3A_778 = tpu.memref_slice %arg3[%add3A_763, %dma_start3A_777] : memref<2048x80xi32, #tpu.memory_space<hbm>> -> memref<1x80xi32, #tpu.memory_space<hbm>>
      %dma_start3A_779 = tpu.memref_squeeze %dma_start3A_778 : memref<1x80xi32, #tpu.memory_space<hbm>> -> memref<80xi32, #tpu.memory_space<hbm>>
      tpu.enqueue_dma source(%dma_start3A_779 : memref<80xi32, #tpu.memory_space<hbm>>) target(%dma_start3A_776 : memref<80xi32, #tpu.memory_space<vmem>>) target_semaphore(%dma_start3A_773 : memref<!tpu.dma_semaphore, #tpu.memory_space<semaphore_mem>>)
      %dma_wait3A_780 = arith.constant 3 : i32
      %dma_wait3A_781 = arith.constant 3 : i32
      %dma_wait3A_782 = arith.constant 3 : i32
      %dma_wait3A_783 = arith.constant 0 : i32
      %dma_wait3A_784 = arith.constant 0 : i32
      %dma_wait3A_785 = tpu.memref_slice %arg8[%dma_wait3A_781, %dma_wait3A_783, %dma_wait3A_784] : memref<4x80x128xf32, #tpu.memory_space<vmem>> -> memref<1x80x128xf32, #tpu.memory_space<vmem>>
      %dma_wait3A_786 = tpu.memref_squeeze %dma_wait3A_785 : memref<1x80x128xf32, #tpu.memory_space<vmem>> -> memref<80x128xf32, #tpu.memory_space<vmem>>
      %dma_wait3A_787 = arith.constant 0 : i32
      %dma_wait3A_788 = tpu.memref_slice %arg6[%dma_wait3A_780, %dma_wait3A_787] : memref<8x80xi32, #tpu.memory_space<vmem>> -> memref<1x80xi32, #tpu.memory_space<vmem>>
      %dma_wait3A_789 = tpu.memref_squeeze %dma_wait3A_788 : memref<1x80xi32, #tpu.memory_space<vmem>> -> memref<80xi32, #tpu.memory_space<vmem>>
      %dma_wait3A_790 = arith.constant 0 : i32
      %dma_wait3A_791 = arith.constant 0 : i32
      %dma_wait3A_792 = tpu.memref_slice %arg4[%arg0, %dma_wait3A_790, %dma_wait3A_791] : memref<2x10240x128xf32, #tpu.memory_space<hbm>> -> memref<1x10240x128xf32, #tpu.memory_space<hbm>>
      %dma_wait3A_793 = tpu.memref_squeeze %dma_wait3A_792 : memref<1x10240x128xf32, #tpu.memory_space<hbm>> -> memref<10240x128xf32, #tpu.memory_space<hbm>>
      %dma_wait3A_794 = arith.constant 0 : i32
      %dma_wait3A_795 = arith.constant 0 : i32
      %dma_wait3A_796 = tpu.memref_slice %dma_wait3A_793[%dma_wait3A_794, %dma_wait3A_795] : memref<10240x128xf32, #tpu.memory_space<hbm>> -> memref<10240x128xf32, #tpu.memory_space<hbm>>
      %dma_wait3A_797 = tpu.memref_slice %arg11[%dma_wait3A_782] : memref<4x!tpu.dma_semaphore, #tpu.memory_space<semaphore_mem>> -> memref<1x!tpu.dma_semaphore, #tpu.memory_space<semaphore_mem>>
      %dma_wait3A_798 = tpu.memref_squeeze %dma_wait3A_797 : memref<1x!tpu.dma_semaphore, #tpu.memory_space<semaphore_mem>> -> memref<!tpu.dma_semaphore, #tpu.memory_space<semaphore_mem>>
      tpu.wait_indirect_dma semaphore(%dma_wait3A_798 : memref<!tpu.dma_semaphore, #tpu.memory_space<semaphore_mem>>) src(%dma_wait3A_796 : memref<10240x128xf32, #tpu.memory_space<hbm>>) dst(%dma_wait3A_786 : memref<80x128xf32, #tpu.memory_space<vmem>>)
      %dma_start3A_799 = arith.constant 3 : i32
      %dma_start3A_800 = arith.constant 3 : i32
      %dma_start3A_801 = arith.constant 3 : i32
      %dma_start3A_802 = arith.constant 0 : i32
      %dma_start3A_803 = arith.constant 0 : i32
      %dma_start3A_804 = tpu.memref_slice %arg8[%dma_start3A_799, %dma_start3A_802, %dma_start3A_803] : memref<4x80x128xf32, #tpu.memory_space<vmem>> -> memref<1x80x128xf32, #tpu.memory_space<vmem>>
      %dma_start3A_805 = tpu.memref_squeeze %dma_start3A_804 : memref<1x80x128xf32, #tpu.memory_space<vmem>> -> memref<80x128xf32, #tpu.memory_space<vmem>>
      %dma_start3A_806 = arith.constant 0 : i32
      %dma_start3A_807 = tpu.memref_slice %arg7[%dma_start3A_800, %dma_start3A_806] : memref<8x80xi32, #tpu.memory_space<vmem>> -> memref<1x80xi32, #tpu.memory_space<vmem>>
      %dma_start3A_808 = tpu.memref_squeeze %dma_start3A_807 : memref<1x80xi32, #tpu.memory_space<vmem>> -> memref<80xi32, #tpu.memory_space<vmem>>
      %dma_start3A_809 = arith.constant 0 : i32
      %dma_start3A_810 = arith.constant 0 : i32
      %dma_start3A_811 = tpu.memref_slice %arg9[%dma_start3A_809, %dma_start3A_810] : memref<10240x128xf32, #tpu.memory_space<vmem_shared>> -> memref<10240x128xf32, #tpu.memory_space<vmem_shared>>
      %dma_start3A_812 = tpu.memref_slice %arg12[%dma_start3A_801] : memref<4x!tpu.dma_semaphore, #tpu.memory_space<semaphore_mem>> -> memref<1x!tpu.dma_semaphore, #tpu.memory_space<semaphore_mem>>
      %dma_start3A_813 = tpu.memref_squeeze %dma_start3A_812 : memref<1x!tpu.dma_semaphore, #tpu.memory_space<semaphore_mem>> -> memref<!tpu.dma_semaphore, #tpu.memory_space<semaphore_mem>>
      tpu.enqueue_indirect_dma source(%dma_start3A_805 : memref<80x128xf32, #tpu.memory_space<vmem>>) target(%dma_start3A_811 : memref<10240x128xf32, #tpu.memory_space<vmem_shared>>) offsets(%dma_start3A_808 : memref<80xi32, #tpu.memory_space<vmem>>) semaphore(%dma_start3A_813 : memref<!tpu.dma_semaphore, #tpu.memory_space<semaphore_mem>>) {add = true}
      %mul3A_814 = arith.constant 8 : i32
      %mul3A_815 = arith.muli %mul3A_814, %scan3A_260 : i32
      %add3A_816 = arith.constant 4 : i32
      %add3A_817 = arith.addi %mul3A_815, %add3A_816 : i32
      %dma_wait3A_818 = arith.constant 2 : i32
      %dma_wait3A_819 = arith.constant 2 : i32
      %dma_wait3A_820 = arith.constant 2 : i32
      %dma_wait3A_821 = arith.constant 0 : i32
      %dma_wait3A_822 = arith.constant 0 : i32
      %dma_wait3A_823 = tpu.memref_slice %arg8[%dma_wait3A_818, %dma_wait3A_821, %dma_wait3A_822] : memref<4x80x128xf32, #tpu.memory_space<vmem>> -> memref<1x80x128xf32, #tpu.memory_space<vmem>>
      %dma_wait3A_824 = tpu.memref_squeeze %dma_wait3A_823 : memref<1x80x128xf32, #tpu.memory_space<vmem>> -> memref<80x128xf32, #tpu.memory_space<vmem>>
      %dma_wait3A_825 = arith.constant 0 : i32
      %dma_wait3A_826 = tpu.memref_slice %arg7[%dma_wait3A_819, %dma_wait3A_825] : memref<8x80xi32, #tpu.memory_space<vmem>> -> memref<1x80xi32, #tpu.memory_space<vmem>>
      %dma_wait3A_827 = tpu.memref_squeeze %dma_wait3A_826 : memref<1x80xi32, #tpu.memory_space<vmem>> -> memref<80xi32, #tpu.memory_space<vmem>>
      %dma_wait3A_828 = arith.constant 0 : i32
      %dma_wait3A_829 = arith.constant 0 : i32
      %dma_wait3A_830 = tpu.memref_slice %arg9[%dma_wait3A_828, %dma_wait3A_829] : memref<10240x128xf32, #tpu.memory_space<vmem_shared>> -> memref<10240x128xf32, #tpu.memory_space<vmem_shared>>
      %dma_wait3A_831 = tpu.memref_slice %arg12[%dma_wait3A_820] : memref<4x!tpu.dma_semaphore, #tpu.memory_space<semaphore_mem>> -> memref<1x!tpu.dma_semaphore, #tpu.memory_space<semaphore_mem>>
      %dma_wait3A_832 = tpu.memref_squeeze %dma_wait3A_831 : memref<1x!tpu.dma_semaphore, #tpu.memory_space<semaphore_mem>> -> memref<!tpu.dma_semaphore, #tpu.memory_space<semaphore_mem>>
      tpu.wait_indirect_dma semaphore(%dma_wait3A_832 : memref<!tpu.dma_semaphore, #tpu.memory_space<semaphore_mem>>) src(%dma_wait3A_824 : memref<80x128xf32, #tpu.memory_space<vmem>>) dst(%dma_wait3A_830 : memref<10240x128xf32, #tpu.memory_space<vmem_shared>>)
      %add3A_833 = arith.constant 2 : i32
      %add3A_834 = arith.addi %add3A_817, %add3A_833 : i32
      %add3A_835 = arith.addi %mul3A_4, %add3A_834 : i32
      %dma_wait3A_836 = arith.constant 6 : i32
      %dma_wait3A_837 = arith.constant 6 : i32
      %dma_wait3A_838 = arith.constant 0 : i32
      %dma_wait3A_839 = tpu.memref_slice %arg6[%dma_wait3A_836, %dma_wait3A_838] : memref<8x80xi32, #tpu.memory_space<vmem>> -> memref<1x80xi32, #tpu.memory_space<vmem>>
      %dma_wait3A_840 = tpu.memref_squeeze %dma_wait3A_839 : memref<1x80xi32, #tpu.memory_space<vmem>> -> memref<80xi32, #tpu.memory_space<vmem>>
      %dma_wait3A_841 = arith.constant 0 : i32
      %dma_wait3A_842 = tpu.memref_slice %arg2[%add3A_835, %dma_wait3A_841] : memref<2048x80xi32, #tpu.memory_space<hbm>> -> memref<1x80xi32, #tpu.memory_space<hbm>>
      %dma_wait3A_843 = tpu.memref_squeeze %dma_wait3A_842 : memref<1x80xi32, #tpu.memory_space<hbm>> -> memref<80xi32, #tpu.memory_space<hbm>>
      %dma_wait3A_844 = tpu.memref_slice %arg10[%dma_wait3A_837] : memref<8x!tpu.dma_semaphore, #tpu.memory_space<semaphore_mem>> -> memref<1x!tpu.dma_semaphore, #tpu.memory_space<semaphore_mem>>
      %dma_wait3A_845 = tpu.memref_squeeze %dma_wait3A_844 : memref<1x!tpu.dma_semaphore, #tpu.memory_space<semaphore_mem>> -> memref<!tpu.dma_semaphore, #tpu.memory_space<semaphore_mem>>
      %dma_wait3A_846 = arith.constant 0 : i32
      %dma_wait3A_847 = tpu.memref_slice %arg6[%dma_wait3A_836, %dma_wait3A_846] : memref<8x80xi32, #tpu.memory_space<vmem>> -> memref<1x80xi32, #tpu.memory_space<vmem>>
      %dma_wait3A_848 = tpu.memref_squeeze %dma_wait3A_847 : memref<1x80xi32, #tpu.memory_space<vmem>> -> memref<80xi32, #tpu.memory_space<vmem>>
      %dma_wait3A_849 = arith.constant 0 : i32
      %dma_wait3A_850 = tpu.memref_slice %arg2[%add3A_835, %dma_wait3A_849] : memref<2048x80xi32, #tpu.memory_space<hbm>> -> memref<1x80xi32, #tpu.memory_space<hbm>>
      %dma_wait3A_851 = tpu.memref_squeeze %dma_wait3A_850 : memref<1x80xi32, #tpu.memory_space<hbm>> -> memref<80xi32, #tpu.memory_space<hbm>>
      tpu.wait_dma2 semaphore(%dma_wait3A_845 : memref<!tpu.dma_semaphore, #tpu.memory_space<semaphore_mem>>) src(%dma_wait3A_851 : memref<80xi32, #tpu.memory_space<hbm>>) dst(%dma_wait3A_848 : memref<80xi32, #tpu.memory_space<vmem>>)
      %add3A_852 = arith.addi %mul3A_4, %add3A_834 : i32
      %dma_wait3A_853 = arith.constant 6 : i32
      %dma_wait3A_854 = arith.constant 6 : i32
      %dma_wait3A_855 = arith.constant 0 : i32
      %dma_wait3A_856 = tpu.memref_slice %arg7[%dma_wait3A_853, %dma_wait3A_855] : memref<8x80xi32, #tpu.memory_space<vmem>> -> memref<1x80xi32, #tpu.memory_space<vmem>>
      %dma_wait3A_857 = tpu.memref_squeeze %dma_wait3A_856 : memref<1x80xi32, #tpu.memory_space<vmem>> -> memref<80xi32, #tpu.memory_space<vmem>>
      %dma_wait3A_858 = arith.constant 0 : i32
      %dma_wait3A_859 = tpu.memref_slice %arg3[%add3A_852, %dma_wait3A_858] : memref<2048x80xi32, #tpu.memory_space<hbm>> -> memref<1x80xi32, #tpu.memory_space<hbm>>
      %dma_wait3A_860 = tpu.memref_squeeze %dma_wait3A_859 : memref<1x80xi32, #tpu.memory_space<hbm>> -> memref<80xi32, #tpu.memory_space<hbm>>
      %dma_wait3A_861 = tpu.memref_slice %arg10[%dma_wait3A_854] : memref<8x!tpu.dma_semaphore, #tpu.memory_space<semaphore_mem>> -> memref<1x!tpu.dma_semaphore, #tpu.memory_space<semaphore_mem>>
      %dma_wait3A_862 = tpu.memref_squeeze %dma_wait3A_861 : memref<1x!tpu.dma_semaphore, #tpu.memory_space<semaphore_mem>> -> memref<!tpu.dma_semaphore, #tpu.memory_space<semaphore_mem>>
      %dma_wait3A_863 = arith.constant 0 : i32
      %dma_wait3A_864 = tpu.memref_slice %arg7[%dma_wait3A_853, %dma_wait3A_863] : memref<8x80xi32, #tpu.memory_space<vmem>> -> memref<1x80xi32, #tpu.memory_space<vmem>>
      %dma_wait3A_865 = tpu.memref_squeeze %dma_wait3A_864 : memref<1x80xi32, #tpu.memory_space<vmem>> -> memref<80xi32, #tpu.memory_space<vmem>>
      %dma_wait3A_866 = arith.constant 0 : i32
      %dma_wait3A_867 = tpu.memref_slice %arg3[%add3A_852, %dma_wait3A_866] : memref<2048x80xi32, #tpu.memory_space<hbm>> -> memref<1x80xi32, #tpu.memory_space<hbm>>
      %dma_wait3A_868 = tpu.memref_squeeze %dma_wait3A_867 : memref<1x80xi32, #tpu.memory_space<hbm>> -> memref<80xi32, #tpu.memory_space<hbm>>
      tpu.wait_dma2 semaphore(%dma_wait3A_862 : memref<!tpu.dma_semaphore, #tpu.memory_space<semaphore_mem>>) src(%dma_wait3A_868 : memref<80xi32, #tpu.memory_space<hbm>>) dst(%dma_wait3A_865 : memref<80xi32, #tpu.memory_space<vmem>>)
      %dma_start3A_869 = arith.constant 6 : i32
      %dma_start3A_870 = arith.constant 2 : i32
      %dma_start3A_871 = arith.constant 2 : i32
      %dma_start3A_872 = arith.constant 0 : i32
      %dma_start3A_873 = arith.constant 0 : i32
      %dma_start3A_874 = tpu.memref_slice %arg8[%dma_start3A_870, %dma_start3A_872, %dma_start3A_873] : memref<4x80x128xf32, #tpu.memory_space<vmem>> -> memref<1x80x128xf32, #tpu.memory_space<vmem>>
      %dma_start3A_875 = tpu.memref_squeeze %dma_start3A_874 : memref<1x80x128xf32, #tpu.memory_space<vmem>> -> memref<80x128xf32, #tpu.memory_space<vmem>>
      %dma_start3A_876 = arith.constant 0 : i32
      %dma_start3A_877 = tpu.memref_slice %arg6[%dma_start3A_869, %dma_start3A_876] : memref<8x80xi32, #tpu.memory_space<vmem>> -> memref<1x80xi32, #tpu.memory_space<vmem>>
      %dma_start3A_878 = tpu.memref_squeeze %dma_start3A_877 : memref<1x80xi32, #tpu.memory_space<vmem>> -> memref<80xi32, #tpu.memory_space<vmem>>
      %dma_start3A_879 = arith.constant 0 : i32
      %dma_start3A_880 = arith.constant 0 : i32
      %dma_start3A_881 = tpu.memref_slice %arg4[%arg0, %dma_start3A_879, %dma_start3A_880] : memref<2x10240x128xf32, #tpu.memory_space<hbm>> -> memref<1x10240x128xf32, #tpu.memory_space<hbm>>
      %dma_start3A_882 = tpu.memref_squeeze %dma_start3A_881 : memref<1x10240x128xf32, #tpu.memory_space<hbm>> -> memref<10240x128xf32, #tpu.memory_space<hbm>>
      %dma_start3A_883 = arith.constant 0 : i32
      %dma_start3A_884 = arith.constant 0 : i32
      %dma_start3A_885 = tpu.memref_slice %dma_start3A_882[%dma_start3A_883, %dma_start3A_884] : memref<10240x128xf32, #tpu.memory_space<hbm>> -> memref<10240x128xf32, #tpu.memory_space<hbm>>
      %dma_start3A_886 = tpu.memref_slice %arg11[%dma_start3A_871] : memref<4x!tpu.dma_semaphore, #tpu.memory_space<semaphore_mem>> -> memref<1x!tpu.dma_semaphore, #tpu.memory_space<semaphore_mem>>
      %dma_start3A_887 = tpu.memref_squeeze %dma_start3A_886 : memref<1x!tpu.dma_semaphore, #tpu.memory_space<semaphore_mem>> -> memref<!tpu.dma_semaphore, #tpu.memory_space<semaphore_mem>>
      tpu.enqueue_indirect_dma source(%dma_start3A_885 : memref<10240x128xf32, #tpu.memory_space<hbm>>) target(%dma_start3A_875 : memref<80x128xf32, #tpu.memory_space<vmem>>) offsets(%dma_start3A_878 : memref<80xi32, #tpu.memory_space<vmem>>) semaphore(%dma_start3A_887 : memref<!tpu.dma_semaphore, #tpu.memory_space<semaphore_mem>>)
      %add3A_888 = arith.constant 3 : i32
      %add3A_889 = arith.addi %add3A_817, %add3A_888 : i32
      %add3A_890 = arith.addi %mul3A_4, %add3A_889 : i32
      %dma_start3A_891 = arith.constant 7 : i32
      %dma_start3A_892 = arith.constant 7 : i32
      %dma_start3A_893 = arith.constant 0 : i32
      %dma_start3A_894 = tpu.memref_slice %arg6[%dma_start3A_891, %dma_start3A_893] : memref<8x80xi32, #tpu.memory_space<vmem>> -> memref<1x80xi32, #tpu.memory_space<vmem>>
      %dma_start3A_895 = tpu.memref_squeeze %dma_start3A_894 : memref<1x80xi32, #tpu.memory_space<vmem>> -> memref<80xi32, #tpu.memory_space<vmem>>
      %dma_start3A_896 = arith.constant 0 : i32
      %dma_start3A_897 = tpu.memref_slice %arg2[%add3A_890, %dma_start3A_896] : memref<2048x80xi32, #tpu.memory_space<hbm>> -> memref<1x80xi32, #tpu.memory_space<hbm>>
      %dma_start3A_898 = tpu.memref_squeeze %dma_start3A_897 : memref<1x80xi32, #tpu.memory_space<hbm>> -> memref<80xi32, #tpu.memory_space<hbm>>
      %dma_start3A_899 = tpu.memref_slice %arg10[%dma_start3A_892] : memref<8x!tpu.dma_semaphore, #tpu.memory_space<semaphore_mem>> -> memref<1x!tpu.dma_semaphore, #tpu.memory_space<semaphore_mem>>
      %dma_start3A_900 = tpu.memref_squeeze %dma_start3A_899 : memref<1x!tpu.dma_semaphore, #tpu.memory_space<semaphore_mem>> -> memref<!tpu.dma_semaphore, #tpu.memory_space<semaphore_mem>>
      %dma_start3A_901 = arith.constant 0 : i32
      %dma_start3A_902 = tpu.memref_slice %arg6[%dma_start3A_891, %dma_start3A_901] : memref<8x80xi32, #tpu.memory_space<vmem>> -> memref<1x80xi32, #tpu.memory_space<vmem>>
      %dma_start3A_903 = tpu.memref_squeeze %dma_start3A_902 : memref<1x80xi32, #tpu.memory_space<vmem>> -> memref<80xi32, #tpu.memory_space<vmem>>
      %dma_start3A_904 = arith.constant 0 : i32
      %dma_start3A_905 = tpu.memref_slice %arg2[%add3A_890, %dma_start3A_904] : memref<2048x80xi32, #tpu.memory_space<hbm>> -> memref<1x80xi32, #tpu.memory_space<hbm>>
      %dma_start3A_906 = tpu.memref_squeeze %dma_start3A_905 : memref<1x80xi32, #tpu.memory_space<hbm>> -> memref<80xi32, #tpu.memory_space<hbm>>
      tpu.enqueue_dma source(%dma_start3A_906 : memref<80xi32, #tpu.memory_space<hbm>>) target(%dma_start3A_903 : memref<80xi32, #tpu.memory_space<vmem>>) target_semaphore(%dma_start3A_900 : memref<!tpu.dma_semaphore, #tpu.memory_space<semaphore_mem>>)
      %add3A_907 = arith.addi %mul3A_4, %add3A_889 : i32
      %dma_start3A_908 = arith.constant 7 : i32
      %dma_start3A_909 = arith.constant 7 : i32
      %dma_start3A_910 = arith.constant 0 : i32
      %dma_start3A_911 = tpu.memref_slice %arg7[%dma_start3A_908, %dma_start3A_910] : memref<8x80xi32, #tpu.memory_space<vmem>> -> memref<1x80xi32, #tpu.memory_space<vmem>>
      %dma_start3A_912 = tpu.memref_squeeze %dma_start3A_911 : memref<1x80xi32, #tpu.memory_space<vmem>> -> memref<80xi32, #tpu.memory_space<vmem>>
      %dma_start3A_913 = arith.constant 0 : i32
      %dma_start3A_914 = tpu.memref_slice %arg3[%add3A_907, %dma_start3A_913] : memref<2048x80xi32, #tpu.memory_space<hbm>> -> memref<1x80xi32, #tpu.memory_space<hbm>>
      %dma_start3A_915 = tpu.memref_squeeze %dma_start3A_914 : memref<1x80xi32, #tpu.memory_space<hbm>> -> memref<80xi32, #tpu.memory_space<hbm>>
      %dma_start3A_916 = tpu.memref_slice %arg10[%dma_start3A_909] : memref<8x!tpu.dma_semaphore, #tpu.memory_space<semaphore_mem>> -> memref<1x!tpu.dma_semaphore, #tpu.memory_space<semaphore_mem>>
      %dma_start3A_917 = tpu.memref_squeeze %dma_start3A_916 : memref<1x!tpu.dma_semaphore, #tpu.memory_space<semaphore_mem>> -> memref<!tpu.dma_semaphore, #tpu.memory_space<semaphore_mem>>
      %dma_start3A_918 = arith.constant 0 : i32
      %dma_start3A_919 = tpu.memref_slice %arg7[%dma_start3A_908, %dma_start3A_918] : memref<8x80xi32, #tpu.memory_space<vmem>> -> memref<1x80xi32, #tpu.memory_space<vmem>>
      %dma_start3A_920 = tpu.memref_squeeze %dma_start3A_919 : memref<1x80xi32, #tpu.memory_space<vmem>> -> memref<80xi32, #tpu.memory_space<vmem>>
      %dma_start3A_921 = arith.constant 0 : i32
      %dma_start3A_922 = tpu.memref_slice %arg3[%add3A_907, %dma_start3A_921] : memref<2048x80xi32, #tpu.memory_space<hbm>> -> memref<1x80xi32, #tpu.memory_space<hbm>>
      %dma_start3A_923 = tpu.memref_squeeze %dma_start3A_922 : memref<1x80xi32, #tpu.memory_space<hbm>> -> memref<80xi32, #tpu.memory_space<hbm>>
      tpu.enqueue_dma source(%dma_start3A_923 : memref<80xi32, #tpu.memory_space<hbm>>) target(%dma_start3A_920 : memref<80xi32, #tpu.memory_space<vmem>>) target_semaphore(%dma_start3A_917 : memref<!tpu.dma_semaphore, #tpu.memory_space<semaphore_mem>>)
      %dma_wait3A_924 = arith.constant 4 : i32
      %dma_wait3A_925 = arith.constant 0 : i32
      %dma_wait3A_926 = arith.constant 0 : i32
      %dma_wait3A_927 = arith.constant 0 : i32
      %dma_wait3A_928 = arith.constant 0 : i32
      %dma_wait3A_929 = tpu.memref_slice %arg8[%dma_wait3A_925, %dma_wait3A_927, %dma_wait3A_928] : memref<4x80x128xf32, #tpu.memory_space<vmem>> -> memref<1x80x128xf32, #tpu.memory_space<vmem>>
      %dma_wait3A_930 = tpu.memref_squeeze %dma_wait3A_929 : memref<1x80x128xf32, #tpu.memory_space<vmem>> -> memref<80x128xf32, #tpu.memory_space<vmem>>
      %dma_wait3A_931 = arith.constant 0 : i32
      %dma_wait3A_932 = tpu.memref_slice %arg6[%dma_wait3A_924, %dma_wait3A_931] : memref<8x80xi32, #tpu.memory_space<vmem>> -> memref<1x80xi32, #tpu.memory_space<vmem>>
      %dma_wait3A_933 = tpu.memref_squeeze %dma_wait3A_932 : memref<1x80xi32, #tpu.memory_space<vmem>> -> memref<80xi32, #tpu.memory_space<vmem>>
      %dma_wait3A_934 = arith.constant 0 : i32
      %dma_wait3A_935 = arith.constant 0 : i32
      %dma_wait3A_936 = tpu.memref_slice %arg4[%arg0, %dma_wait3A_934, %dma_wait3A_935] : memref<2x10240x128xf32, #tpu.memory_space<hbm>> -> memref<1x10240x128xf32, #tpu.memory_space<hbm>>
      %dma_wait3A_937 = tpu.memref_squeeze %dma_wait3A_936 : memref<1x10240x128xf32, #tpu.memory_space<hbm>> -> memref<10240x128xf32, #tpu.memory_space<hbm>>
      %dma_wait3A_938 = arith.constant 0 : i32
      %dma_wait3A_939 = arith.constant 0 : i32
      %dma_wait3A_940 = tpu.memref_slice %dma_wait3A_937[%dma_wait3A_938, %dma_wait3A_939] : memref<10240x128xf32, #tpu.memory_space<hbm>> -> memref<10240x128xf32, #tpu.memory_space<hbm>>
      %dma_wait3A_941 = tpu.memref_slice %arg11[%dma_wait3A_926] : memref<4x!tpu.dma_semaphore, #tpu.memory_space<semaphore_mem>> -> memref<1x!tpu.dma_semaphore, #tpu.memory_space<semaphore_mem>>
      %dma_wait3A_942 = tpu.memref_squeeze %dma_wait3A_941 : memref<1x!tpu.dma_semaphore, #tpu.memory_space<semaphore_mem>> -> memref<!tpu.dma_semaphore, #tpu.memory_space<semaphore_mem>>
      tpu.wait_indirect_dma semaphore(%dma_wait3A_942 : memref<!tpu.dma_semaphore, #tpu.memory_space<semaphore_mem>>) src(%dma_wait3A_940 : memref<10240x128xf32, #tpu.memory_space<hbm>>) dst(%dma_wait3A_930 : memref<80x128xf32, #tpu.memory_space<vmem>>)
      %dma_start3A_943 = arith.constant 0 : i32
      %dma_start3A_944 = arith.constant 4 : i32
      %dma_start3A_945 = arith.constant 0 : i32
      %dma_start3A_946 = arith.constant 0 : i32
      %dma_start3A_947 = arith.constant 0 : i32
      %dma_start3A_948 = tpu.memref_slice %arg8[%dma_start3A_943, %dma_start3A_946, %dma_start3A_947] : memref<4x80x128xf32, #tpu.memory_space<vmem>> -> memref<1x80x128xf32, #tpu.memory_space<vmem>>
      %dma_start3A_949 = tpu.memref_squeeze %dma_start3A_948 : memref<1x80x128xf32, #tpu.memory_space<vmem>> -> memref<80x128xf32, #tpu.memory_space<vmem>>
      %dma_start3A_950 = arith.constant 0 : i32
      %dma_start3A_951 = tpu.memref_slice %arg7[%dma_start3A_944, %dma_start3A_950] : memref<8x80xi32, #tpu.memory_space<vmem>> -> memref<1x80xi32, #tpu.memory_space<vmem>>
      %dma_start3A_952 = tpu.memref_squeeze %dma_start3A_951 : memref<1x80xi32, #tpu.memory_space<vmem>> -> memref<80xi32, #tpu.memory_space<vmem>>
      %dma_start3A_953 = arith.constant 0 : i32
      %dma_start3A_954 = arith.constant 0 : i32
      %dma_start3A_955 = tpu.memref_slice %arg9[%dma_start3A_953, %dma_start3A_954] : memref<10240x128xf32, #tpu.memory_space<vmem_shared>> -> memref<10240x128xf32, #tpu.memory_space<vmem_shared>>
      %dma_start3A_956 = tpu.memref_slice %arg12[%dma_start3A_945] : memref<4x!tpu.dma_semaphore, #tpu.memory_space<semaphore_mem>> -> memref<1x!tpu.dma_semaphore, #tpu.memory_space<semaphore_mem>>
      %dma_start3A_957 = tpu.memref_squeeze %dma_start3A_956 : memref<1x!tpu.dma_semaphore, #tpu.memory_space<semaphore_mem>> -> memref<!tpu.dma_semaphore, #tpu.memory_space<semaphore_mem>>
      tpu.enqueue_indirect_dma source(%dma_start3A_949 : memref<80x128xf32, #tpu.memory_space<vmem>>) target(%dma_start3A_955 : memref<10240x128xf32, #tpu.memory_space<vmem_shared>>) offsets(%dma_start3A_952 : memref<80xi32, #tpu.memory_space<vmem>>) semaphore(%dma_start3A_957 : memref<!tpu.dma_semaphore, #tpu.memory_space<semaphore_mem>>) {add = true}
      %mul3A_958 = arith.constant 8 : i32
      %mul3A_959 = arith.muli %mul3A_958, %scan3A_260 : i32
      %add3A_960 = arith.constant 5 : i32
      %add3A_961 = arith.addi %mul3A_959, %add3A_960 : i32
      %dma_wait3A_962 = arith.constant 3 : i32
      %dma_wait3A_963 = arith.constant 3 : i32
      %dma_wait3A_964 = arith.constant 3 : i32
      %dma_wait3A_965 = arith.constant 0 : i32
      %dma_wait3A_966 = arith.constant 0 : i32
      %dma_wait3A_967 = tpu.memref_slice %arg8[%dma_wait3A_962, %dma_wait3A_965, %dma_wait3A_966] : memref<4x80x128xf32, #tpu.memory_space<vmem>> -> memref<1x80x128xf32, #tpu.memory_space<vmem>>
      %dma_wait3A_968 = tpu.memref_squeeze %dma_wait3A_967 : memref<1x80x128xf32, #tpu.memory_space<vmem>> -> memref<80x128xf32, #tpu.memory_space<vmem>>
      %dma_wait3A_969 = arith.constant 0 : i32
      %dma_wait3A_970 = tpu.memref_slice %arg7[%dma_wait3A_963, %dma_wait3A_969] : memref<8x80xi32, #tpu.memory_space<vmem>> -> memref<1x80xi32, #tpu.memory_space<vmem>>
      %dma_wait3A_971 = tpu.memref_squeeze %dma_wait3A_970 : memref<1x80xi32, #tpu.memory_space<vmem>> -> memref<80xi32, #tpu.memory_space<vmem>>
      %dma_wait3A_972 = arith.constant 0 : i32
      %dma_wait3A_973 = arith.constant 0 : i32
      %dma_wait3A_974 = tpu.memref_slice %arg9[%dma_wait3A_972, %dma_wait3A_973] : memref<10240x128xf32, #tpu.memory_space<vmem_shared>> -> memref<10240x128xf32, #tpu.memory_space<vmem_shared>>
      %dma_wait3A_975 = tpu.memref_slice %arg12[%dma_wait3A_964] : memref<4x!tpu.dma_semaphore, #tpu.memory_space<semaphore_mem>> -> memref<1x!tpu.dma_semaphore, #tpu.memory_space<semaphore_mem>>
      %dma_wait3A_976 = tpu.memref_squeeze %dma_wait3A_975 : memref<1x!tpu.dma_semaphore, #tpu.memory_space<semaphore_mem>> -> memref<!tpu.dma_semaphore, #tpu.memory_space<semaphore_mem>>
      tpu.wait_indirect_dma semaphore(%dma_wait3A_976 : memref<!tpu.dma_semaphore, #tpu.memory_space<semaphore_mem>>) src(%dma_wait3A_968 : memref<80x128xf32, #tpu.memory_space<vmem>>) dst(%dma_wait3A_974 : memref<10240x128xf32, #tpu.memory_space<vmem_shared>>)
      %add3A_977 = arith.constant 2 : i32
      %add3A_978 = arith.addi %add3A_961, %add3A_977 : i32
      %add3A_979 = arith.addi %mul3A_4, %add3A_978 : i32
      %dma_wait3A_980 = arith.constant 7 : i32
      %dma_wait3A_981 = arith.constant 7 : i32
      %dma_wait3A_982 = arith.constant 0 : i32
      %dma_wait3A_983 = tpu.memref_slice %arg6[%dma_wait3A_980, %dma_wait3A_982] : memref<8x80xi32, #tpu.memory_space<vmem>> -> memref<1x80xi32, #tpu.memory_space<vmem>>
      %dma_wait3A_984 = tpu.memref_squeeze %dma_wait3A_983 : memref<1x80xi32, #tpu.memory_space<vmem>> -> memref<80xi32, #tpu.memory_space<vmem>>
      %dma_wait3A_985 = arith.constant 0 : i32
      %dma_wait3A_986 = tpu.memref_slice %arg2[%add3A_979, %dma_wait3A_985] : memref<2048x80xi32, #tpu.memory_space<hbm>> -> memref<1x80xi32, #tpu.memory_space<hbm>>
      %dma_wait3A_987 = tpu.memref_squeeze %dma_wait3A_986 : memref<1x80xi32, #tpu.memory_space<hbm>> -> memref<80xi32, #tpu.memory_space<hbm>>
      %dma_wait3A_988 = tpu.memref_slice %arg10[%dma_wait3A_981] : memref<8x!tpu.dma_semaphore, #tpu.memory_space<semaphore_mem>> -> memref<1x!tpu.dma_semaphore, #tpu.memory_space<semaphore_mem>>
      %dma_wait3A_989 = tpu.memref_squeeze %dma_wait3A_988 : memref<1x!tpu.dma_semaphore, #tpu.memory_space<semaphore_mem>> -> memref<!tpu.dma_semaphore, #tpu.memory_space<semaphore_mem>>
      %dma_wait3A_990 = arith.constant 0 : i32
      %dma_wait3A_991 = tpu.memref_slice %arg6[%dma_wait3A_980, %dma_wait3A_990] : memref<8x80xi32, #tpu.memory_space<vmem>> -> memref<1x80xi32, #tpu.memory_space<vmem>>
      %dma_wait3A_992 = tpu.memref_squeeze %dma_wait3A_991 : memref<1x80xi32, #tpu.memory_space<vmem>> -> memref<80xi32, #tpu.memory_space<vmem>>
      %dma_wait3A_993 = arith.constant 0 : i32
      %dma_wait3A_994 = tpu.memref_slice %arg2[%add3A_979, %dma_wait3A_993] : memref<2048x80xi32, #tpu.memory_space<hbm>> -> memref<1x80xi32, #tpu.memory_space<hbm>>
      %dma_wait3A_995 = tpu.memref_squeeze %dma_wait3A_994 : memref<1x80xi32, #tpu.memory_space<hbm>> -> memref<80xi32, #tpu.memory_space<hbm>>
      tpu.wait_dma2 semaphore(%dma_wait3A_989 : memref<!tpu.dma_semaphore, #tpu.memory_space<semaphore_mem>>) src(%dma_wait3A_995 : memref<80xi32, #tpu.memory_space<hbm>>) dst(%dma_wait3A_992 : memref<80xi32, #tpu.memory_space<vmem>>)
      %add3A_996 = arith.addi %mul3A_4, %add3A_978 : i32
      %dma_wait3A_997 = arith.constant 7 : i32
      %dma_wait3A_998 = arith.constant 7 : i32
      %dma_wait3A_999 = arith.constant 0 : i32
      %dma_wait3A_1000 = tpu.memref_slice %arg7[%dma_wait3A_997, %dma_wait3A_999] : memref<8x80xi32, #tpu.memory_space<vmem>> -> memref<1x80xi32, #tpu.memory_space<vmem>>
      %dma_wait3A_1001 = tpu.memref_squeeze %dma_wait3A_1000 : memref<1x80xi32, #tpu.memory_space<vmem>> -> memref<80xi32, #tpu.memory_space<vmem>>
      %dma_wait3A_1002 = arith.constant 0 : i32
      %dma_wait3A_1003 = tpu.memref_slice %arg3[%add3A_996, %dma_wait3A_1002] : memref<2048x80xi32, #tpu.memory_space<hbm>> -> memref<1x80xi32, #tpu.memory_space<hbm>>
      %dma_wait3A_1004 = tpu.memref_squeeze %dma_wait3A_1003 : memref<1x80xi32, #tpu.memory_space<hbm>> -> memref<80xi32, #tpu.memory_space<hbm>>
      %dma_wait3A_1005 = tpu.memref_slice %arg10[%dma_wait3A_998] : memref<8x!tpu.dma_semaphore, #tpu.memory_space<semaphore_mem>> -> memref<1x!tpu.dma_semaphore, #tpu.memory_space<semaphore_mem>>
      %dma_wait3A_1006 = tpu.memref_squeeze %dma_wait3A_1005 : memref<1x!tpu.dma_semaphore, #tpu.memory_space<semaphore_mem>> -> memref<!tpu.dma_semaphore, #tpu.memory_space<semaphore_mem>>
      %dma_wait3A_1007 = arith.constant 0 : i32
      %dma_wait3A_1008 = tpu.memref_slice %arg7[%dma_wait3A_997, %dma_wait3A_1007] : memref<8x80xi32, #tpu.memory_space<vmem>> -> memref<1x80xi32, #tpu.memory_space<vmem>>
      %dma_wait3A_1009 = tpu.memref_squeeze %dma_wait3A_1008 : memref<1x80xi32, #tpu.memory_space<vmem>> -> memref<80xi32, #tpu.memory_space<vmem>>
      %dma_wait3A_1010 = arith.constant 0 : i32
      %dma_wait3A_1011 = tpu.memref_slice %arg3[%add3A_996, %dma_wait3A_1010] : memref<2048x80xi32, #tpu.memory_space<hbm>> -> memref<1x80xi32, #tpu.memory_space<hbm>>
      %dma_wait3A_1012 = tpu.memref_squeeze %dma_wait3A_1011 : memref<1x80xi32, #tpu.memory_space<hbm>> -> memref<80xi32, #tpu.memory_space<hbm>>
      tpu.wait_dma2 semaphore(%dma_wait3A_1006 : memref<!tpu.dma_semaphore, #tpu.memory_space<semaphore_mem>>) src(%dma_wait3A_1012 : memref<80xi32, #tpu.memory_space<hbm>>) dst(%dma_wait3A_1009 : memref<80xi32, #tpu.memory_space<vmem>>)
      %dma_start3A_1013 = arith.constant 7 : i32
      %dma_start3A_1014 = arith.constant 3 : i32
      %dma_start3A_1015 = arith.constant 3 : i32
      %dma_start3A_1016 = arith.constant 0 : i32
      %dma_start3A_1017 = arith.constant 0 : i32
      %dma_start3A_1018 = tpu.memref_slice %arg8[%dma_start3A_1014, %dma_start3A_1016, %dma_start3A_1017] : memref<4x80x128xf32, #tpu.memory_space<vmem>> -> memref<1x80x128xf32, #tpu.memory_space<vmem>>
      %dma_start3A_1019 = tpu.memref_squeeze %dma_start3A_1018 : memref<1x80x128xf32, #tpu.memory_space<vmem>> -> memref<80x128xf32, #tpu.memory_space<vmem>>
      %dma_start3A_1020 = arith.constant 0 : i32
      %dma_start3A_1021 = tpu.memref_slice %arg6[%dma_start3A_1013, %dma_start3A_1020] : memref<8x80xi32, #tpu.memory_space<vmem>> -> memref<1x80xi32, #tpu.memory_space<vmem>>
      %dma_start3A_1022 = tpu.memref_squeeze %dma_start3A_1021 : memref<1x80xi32, #tpu.memory_space<vmem>> -> memref<80xi32, #tpu.memory_space<vmem>>
      %dma_start3A_1023 = arith.constant 0 : i32
      %dma_start3A_1024 = arith.constant 0 : i32
      %dma_start3A_1025 = tpu.memref_slice %arg4[%arg0, %dma_start3A_1023, %dma_start3A_1024] : memref<2x10240x128xf32, #tpu.memory_space<hbm>> -> memref<1x10240x128xf32, #tpu.memory_space<hbm>>
      %dma_start3A_1026 = tpu.memref_squeeze %dma_start3A_1025 : memref<1x10240x128xf32, #tpu.memory_space<hbm>> -> memref<10240x128xf32, #tpu.memory_space<hbm>>
      %dma_start3A_1027 = arith.constant 0 : i32
      %dma_start3A_1028 = arith.constant 0 : i32
      %dma_start3A_1029 = tpu.memref_slice %dma_start3A_1026[%dma_start3A_1027, %dma_start3A_1028] : memref<10240x128xf32, #tpu.memory_space<hbm>> -> memref<10240x128xf32, #tpu.memory_space<hbm>>
      %dma_start3A_1030 = tpu.memref_slice %arg11[%dma_start3A_1015] : memref<4x!tpu.dma_semaphore, #tpu.memory_space<semaphore_mem>> -> memref<1x!tpu.dma_semaphore, #tpu.memory_space<semaphore_mem>>
      %dma_start3A_1031 = tpu.memref_squeeze %dma_start3A_1030 : memref<1x!tpu.dma_semaphore, #tpu.memory_space<semaphore_mem>> -> memref<!tpu.dma_semaphore, #tpu.memory_space<semaphore_mem>>
      tpu.enqueue_indirect_dma source(%dma_start3A_1029 : memref<10240x128xf32, #tpu.memory_space<hbm>>) target(%dma_start3A_1019 : memref<80x128xf32, #tpu.memory_space<vmem>>) offsets(%dma_start3A_1022 : memref<80xi32, #tpu.memory_space<vmem>>) semaphore(%dma_start3A_1031 : memref<!tpu.dma_semaphore, #tpu.memory_space<semaphore_mem>>)
      %lt3A = arith.constant 15 : i32
      %lt3A_1032 = arith.cmpi slt, %scan3A_260, %lt3A : i32
      %convert_element_type3A_1033 = arith.extui %lt3A_1032 : i1 to i32
      %cond3A_1034 = arith.constant 0 : i32
      %cond3A_1035 = arith.cmpi ne, %convert_element_type3A_1033, %cond3A_1034 : i32
      scf.if %cond3A_1035 {
        %add3A_1196 = arith.constant 3 : i32
        %add3A_1197 = arith.addi %add3A_961, %add3A_1196 : i32
        %add3A_1198 = arith.addi %mul3A_4, %add3A_1197 : i32
        %dma_start3A_1199 = arith.constant 0 : i32
        %dma_start3A_1200 = arith.constant 0 : i32
        %dma_start3A_1201 = arith.constant 0 : i32
        %dma_start3A_1202 = tpu.memref_slice %arg6[%dma_start3A_1199, %dma_start3A_1201] : memref<8x80xi32, #tpu.memory_space<vmem>> -> memref<1x80xi32, #tpu.memory_space<vmem>>
        %dma_start3A_1203 = tpu.memref_squeeze %dma_start3A_1202 : memref<1x80xi32, #tpu.memory_space<vmem>> -> memref<80xi32, #tpu.memory_space<vmem>>
        %dma_start3A_1204 = arith.constant 0 : i32
        %dma_start3A_1205 = tpu.memref_slice %arg2[%add3A_1198, %dma_start3A_1204] : memref<2048x80xi32, #tpu.memory_space<hbm>> -> memref<1x80xi32, #tpu.memory_space<hbm>>
        %dma_start3A_1206 = tpu.memref_squeeze %dma_start3A_1205 : memref<1x80xi32, #tpu.memory_space<hbm>> -> memref<80xi32, #tpu.memory_space<hbm>>
        %dma_start3A_1207 = tpu.memref_slice %arg10[%dma_start3A_1200] : memref<8x!tpu.dma_semaphore, #tpu.memory_space<semaphore_mem>> -> memref<1x!tpu.dma_semaphore, #tpu.memory_space<semaphore_mem>>
        %dma_start3A_1208 = tpu.memref_squeeze %dma_start3A_1207 : memref<1x!tpu.dma_semaphore, #tpu.memory_space<semaphore_mem>> -> memref<!tpu.dma_semaphore, #tpu.memory_space<semaphore_mem>>
        %dma_start3A_1209 = arith.constant 0 : i32
        %dma_start3A_1210 = tpu.memref_slice %arg6[%dma_start3A_1199, %dma_start3A_1209] : memref<8x80xi32, #tpu.memory_space<vmem>> -> memref<1x80xi32, #tpu.memory_space<vmem>>
        %dma_start3A_1211 = tpu.memref_squeeze %dma_start3A_1210 : memref<1x80xi32, #tpu.memory_space<vmem>> -> memref<80xi32, #tpu.memory_space<vmem>>
        %dma_start3A_1212 = arith.constant 0 : i32
        %dma_start3A_1213 = tpu.memref_slice %arg2[%add3A_1198, %dma_start3A_1212] : memref<2048x80xi32, #tpu.memory_space<hbm>> -> memref<1x80xi32, #tpu.memory_space<hbm>>
        %dma_start3A_1214 = tpu.memref_squeeze %dma_start3A_1213 : memref<1x80xi32, #tpu.memory_space<hbm>> -> memref<80xi32, #tpu.memory_space<hbm>>
        tpu.enqueue_dma source(%dma_start3A_1214 : memref<80xi32, #tpu.memory_space<hbm>>) target(%dma_start3A_1211 : memref<80xi32, #tpu.memory_space<vmem>>) target_semaphore(%dma_start3A_1208 : memref<!tpu.dma_semaphore, #tpu.memory_space<semaphore_mem>>)
        %add3A_1215 = arith.addi %mul3A_4, %add3A_1197 : i32
        %dma_start3A_1216 = arith.constant 0 : i32
        %dma_start3A_1217 = arith.constant 0 : i32
        %dma_start3A_1218 = arith.constant 0 : i32
        %dma_start3A_1219 = tpu.memref_slice %arg7[%dma_start3A_1216, %dma_start3A_1218] : memref<8x80xi32, #tpu.memory_space<vmem>> -> memref<1x80xi32, #tpu.memory_space<vmem>>
        %dma_start3A_1220 = tpu.memref_squeeze %dma_start3A_1219 : memref<1x80xi32, #tpu.memory_space<vmem>> -> memref<80xi32, #tpu.memory_space<vmem>>
        %dma_start3A_1221 = arith.constant 0 : i32
        %dma_start3A_1222 = tpu.memref_slice %arg3[%add3A_1215, %dma_start3A_1221] : memref<2048x80xi32, #tpu.memory_space<hbm>> -> memref<1x80xi32, #tpu.memory_space<hbm>>
        %dma_start3A_1223 = tpu.memref_squeeze %dma_start3A_1222 : memref<1x80xi32, #tpu.memory_space<hbm>> -> memref<80xi32, #tpu.memory_space<hbm>>
        %dma_start3A_1224 = tpu.memref_slice %arg10[%dma_start3A_1217] : memref<8x!tpu.dma_semaphore, #tpu.memory_space<semaphore_mem>> -> memref<1x!tpu.dma_semaphore, #tpu.memory_space<semaphore_mem>>
        %dma_start3A_1225 = tpu.memref_squeeze %dma_start3A_1224 : memref<1x!tpu.dma_semaphore, #tpu.memory_space<semaphore_mem>> -> memref<!tpu.dma_semaphore, #tpu.memory_space<semaphore_mem>>
        %dma_start3A_1226 = arith.constant 0 : i32
        %dma_start3A_1227 = tpu.memref_slice %arg7[%dma_start3A_1216, %dma_start3A_1226] : memref<8x80xi32, #tpu.memory_space<vmem>> -> memref<1x80xi32, #tpu.memory_space<vmem>>
        %dma_start3A_1228 = tpu.memref_squeeze %dma_start3A_1227 : memref<1x80xi32, #tpu.memory_space<vmem>> -> memref<80xi32, #tpu.memory_space<vmem>>
        %dma_start3A_1229 = arith.constant 0 : i32
        %dma_start3A_1230 = tpu.memref_slice %arg3[%add3A_1215, %dma_start3A_1229] : memref<2048x80xi32, #tpu.memory_space<hbm>> -> memref<1x80xi32, #tpu.memory_space<hbm>>
        %dma_start3A_1231 = tpu.memref_squeeze %dma_start3A_1230 : memref<1x80xi32, #tpu.memory_space<hbm>> -> memref<80xi32, #tpu.memory_space<hbm>>
        tpu.enqueue_dma source(%dma_start3A_1231 : memref<80xi32, #tpu.memory_space<hbm>>) target(%dma_start3A_1228 : memref<80xi32, #tpu.memory_space<vmem>>) target_semaphore(%dma_start3A_1225 : memref<!tpu.dma_semaphore, #tpu.memory_space<semaphore_mem>>)
      } else {
      }
      %dma_wait3A_1036 = arith.constant 5 : i32
      %dma_wait3A_1037 = arith.constant 1 : i32
      %dma_wait3A_1038 = arith.constant 1 : i32
      %dma_wait3A_1039 = arith.constant 0 : i32
      %dma_wait3A_1040 = arith.constant 0 : i32
      %dma_wait3A_1041 = tpu.memref_slice %arg8[%dma_wait3A_1037, %dma_wait3A_1039, %dma_wait3A_1040] : memref<4x80x128xf32, #tpu.memory_space<vmem>> -> memref<1x80x128xf32, #tpu.memory_space<vmem>>
      %dma_wait3A_1042 = tpu.memref_squeeze %dma_wait3A_1041 : memref<1x80x128xf32, #tpu.memory_space<vmem>> -> memref<80x128xf32, #tpu.memory_space<vmem>>
      %dma_wait3A_1043 = arith.constant 0 : i32
      %dma_wait3A_1044 = tpu.memref_slice %arg6[%dma_wait3A_1036, %dma_wait3A_1043] : memref<8x80xi32, #tpu.memory_space<vmem>> -> memref<1x80xi32, #tpu.memory_space<vmem>>
      %dma_wait3A_1045 = tpu.memref_squeeze %dma_wait3A_1044 : memref<1x80xi32, #tpu.memory_space<vmem>> -> memref<80xi32, #tpu.memory_space<vmem>>
      %dma_wait3A_1046 = arith.constant 0 : i32
      %dma_wait3A_1047 = arith.constant 0 : i32
      %dma_wait3A_1048 = tpu.memref_slice %arg4[%arg0, %dma_wait3A_1046, %dma_wait3A_1047] : memref<2x10240x128xf32, #tpu.memory_space<hbm>> -> memref<1x10240x128xf32, #tpu.memory_space<hbm>>
      %dma_wait3A_1049 = tpu.memref_squeeze %dma_wait3A_1048 : memref<1x10240x128xf32, #tpu.memory_space<hbm>> -> memref<10240x128xf32, #tpu.memory_space<hbm>>
      %dma_wait3A_1050 = arith.constant 0 : i32
      %dma_wait3A_1051 = arith.constant 0 : i32
      %dma_wait3A_1052 = tpu.memref_slice %dma_wait3A_1049[%dma_wait3A_1050, %dma_wait3A_1051] : memref<10240x128xf32, #tpu.memory_space<hbm>> -> memref<10240x128xf32, #tpu.memory_space<hbm>>
      %dma_wait3A_1053 = tpu.memref_slice %arg11[%dma_wait3A_1038] : memref<4x!tpu.dma_semaphore, #tpu.memory_space<semaphore_mem>> -> memref<1x!tpu.dma_semaphore, #tpu.memory_space<semaphore_mem>>
      %dma_wait3A_1054 = tpu.memref_squeeze %dma_wait3A_1053 : memref<1x!tpu.dma_semaphore, #tpu.memory_space<semaphore_mem>> -> memref<!tpu.dma_semaphore, #tpu.memory_space<semaphore_mem>>
      tpu.wait_indirect_dma semaphore(%dma_wait3A_1054 : memref<!tpu.dma_semaphore, #tpu.memory_space<semaphore_mem>>) src(%dma_wait3A_1052 : memref<10240x128xf32, #tpu.memory_space<hbm>>) dst(%dma_wait3A_1042 : memref<80x128xf32, #tpu.memory_space<vmem>>)
      %dma_start3A_1055 = arith.constant 1 : i32
      %dma_start3A_1056 = arith.constant 5 : i32
      %dma_start3A_1057 = arith.constant 1 : i32
      %dma_start3A_1058 = arith.constant 0 : i32
      %dma_start3A_1059 = arith.constant 0 : i32
      %dma_start3A_1060 = tpu.memref_slice %arg8[%dma_start3A_1055, %dma_start3A_1058, %dma_start3A_1059] : memref<4x80x128xf32, #tpu.memory_space<vmem>> -> memref<1x80x128xf32, #tpu.memory_space<vmem>>
      %dma_start3A_1061 = tpu.memref_squeeze %dma_start3A_1060 : memref<1x80x128xf32, #tpu.memory_space<vmem>> -> memref<80x128xf32, #tpu.memory_space<vmem>>
      %dma_start3A_1062 = arith.constant 0 : i32
      %dma_start3A_1063 = tpu.memref_slice %arg7[%dma_start3A_1056, %dma_start3A_1062] : memref<8x80xi32, #tpu.memory_space<vmem>> -> memref<1x80xi32, #tpu.memory_space<vmem>>
      %dma_start3A_1064 = tpu.memref_squeeze %dma_start3A_1063 : memref<1x80xi32, #tpu.memory_space<vmem>> -> memref<80xi32, #tpu.memory_space<vmem>>
      %dma_start3A_1065 = arith.constant 0 : i32
      %dma_start3A_1066 = arith.constant 0 : i32
      %dma_start3A_1067 = tpu.memref_slice %arg9[%dma_start3A_1065, %dma_start3A_1066] : memref<10240x128xf32, #tpu.memory_space<vmem_shared>> -> memref<10240x128xf32, #tpu.memory_space<vmem_shared>>
      %dma_start3A_1068 = tpu.memref_slice %arg12[%dma_start3A_1057] : memref<4x!tpu.dma_semaphore, #tpu.memory_space<semaphore_mem>> -> memref<1x!tpu.dma_semaphore, #tpu.memory_space<semaphore_mem>>
      %dma_start3A_1069 = tpu.memref_squeeze %dma_start3A_1068 : memref<1x!tpu.dma_semaphore, #tpu.memory_space<semaphore_mem>> -> memref<!tpu.dma_semaphore, #tpu.memory_space<semaphore_mem>>
      tpu.enqueue_indirect_dma source(%dma_start3A_1061 : memref<80x128xf32, #tpu.memory_space<vmem>>) target(%dma_start3A_1067 : memref<10240x128xf32, #tpu.memory_space<vmem_shared>>) offsets(%dma_start3A_1064 : memref<80xi32, #tpu.memory_space<vmem>>) semaphore(%dma_start3A_1069 : memref<!tpu.dma_semaphore, #tpu.memory_space<semaphore_mem>>) {add = true}
      %mul3A_1070 = arith.constant 8 : i32
      %mul3A_1071 = arith.muli %mul3A_1070, %scan3A_260 : i32
      %add3A_1072 = arith.constant 6 : i32
      %add3A_1073 = arith.addi %mul3A_1071, %add3A_1072 : i32
      %dma_wait3A_1074 = arith.constant 0 : i32
      %dma_wait3A_1075 = arith.constant 4 : i32
      %dma_wait3A_1076 = arith.constant 0 : i32
      %dma_wait3A_1077 = arith.constant 0 : i32
      %dma_wait3A_1078 = arith.constant 0 : i32
      %dma_wait3A_1079 = tpu.memref_slice %arg8[%dma_wait3A_1074, %dma_wait3A_1077, %dma_wait3A_1078] : memref<4x80x128xf32, #tpu.memory_space<vmem>> -> memref<1x80x128xf32, #tpu.memory_space<vmem>>
      %dma_wait3A_1080 = tpu.memref_squeeze %dma_wait3A_1079 : memref<1x80x128xf32, #tpu.memory_space<vmem>> -> memref<80x128xf32, #tpu.memory_space<vmem>>
      %dma_wait3A_1081 = arith.constant 0 : i32
      %dma_wait3A_1082 = tpu.memref_slice %arg7[%dma_wait3A_1075, %dma_wait3A_1081] : memref<8x80xi32, #tpu.memory_space<vmem>> -> memref<1x80xi32, #tpu.memory_space<vmem>>
      %dma_wait3A_1083 = tpu.memref_squeeze %dma_wait3A_1082 : memref<1x80xi32, #tpu.memory_space<vmem>> -> memref<80xi32, #tpu.memory_space<vmem>>
      %dma_wait3A_1084 = arith.constant 0 : i32
      %dma_wait3A_1085 = arith.constant 0 : i32
      %dma_wait3A_1086 = tpu.memref_slice %arg9[%dma_wait3A_1084, %dma_wait3A_1085] : memref<10240x128xf32, #tpu.memory_space<vmem_shared>> -> memref<10240x128xf32, #tpu.memory_space<vmem_shared>>
      %dma_wait3A_1087 = tpu.memref_slice %arg12[%dma_wait3A_1076] : memref<4x!tpu.dma_semaphore, #tpu.memory_space<semaphore_mem>> -> memref<1x!tpu.dma_semaphore, #tpu.memory_space<semaphore_mem>>
      %dma_wait3A_1088 = tpu.memref_squeeze %dma_wait3A_1087 : memref<1x!tpu.dma_semaphore, #tpu.memory_space<semaphore_mem>> -> memref<!tpu.dma_semaphore, #tpu.memory_space<semaphore_mem>>
      tpu.wait_indirect_dma semaphore(%dma_wait3A_1088 : memref<!tpu.dma_semaphore, #tpu.memory_space<semaphore_mem>>) src(%dma_wait3A_1080 : memref<80x128xf32, #tpu.memory_space<vmem>>) dst(%dma_wait3A_1086 : memref<10240x128xf32, #tpu.memory_space<vmem_shared>>)
      %lt3A_1089 = arith.constant 15 : i32
      %lt3A_1090 = arith.cmpi slt, %scan3A_260, %lt3A_1089 : i32
      %convert_element_type3A_1091 = arith.extui %lt3A_1090 : i1 to i32
      %cond3A_1092 = arith.constant 0 : i32
      %cond3A_1093 = arith.cmpi ne, %convert_element_type3A_1091, %cond3A_1092 : i32
      scf.if %cond3A_1093 {
        %add3A_1196 = arith.constant 2 : i32
        %add3A_1197 = arith.addi %add3A_1073, %add3A_1196 : i32
        %add3A_1198 = arith.addi %mul3A_4, %add3A_1197 : i32
        %dma_wait3A_1199 = arith.constant 0 : i32
        %dma_wait3A_1200 = arith.constant 0 : i32
        %dma_wait3A_1201 = arith.constant 0 : i32
        %dma_wait3A_1202 = tpu.memref_slice %arg6[%dma_wait3A_1199, %dma_wait3A_1201] : memref<8x80xi32, #tpu.memory_space<vmem>> -> memref<1x80xi32, #tpu.memory_space<vmem>>
        %dma_wait3A_1203 = tpu.memref_squeeze %dma_wait3A_1202 : memref<1x80xi32, #tpu.memory_space<vmem>> -> memref<80xi32, #tpu.memory_space<vmem>>
        %dma_wait3A_1204 = arith.constant 0 : i32
        %dma_wait3A_1205 = tpu.memref_slice %arg2[%add3A_1198, %dma_wait3A_1204] : memref<2048x80xi32, #tpu.memory_space<hbm>> -> memref<1x80xi32, #tpu.memory_space<hbm>>
        %dma_wait3A_1206 = tpu.memref_squeeze %dma_wait3A_1205 : memref<1x80xi32, #tpu.memory_space<hbm>> -> memref<80xi32, #tpu.memory_space<hbm>>
        %dma_wait3A_1207 = tpu.memref_slice %arg10[%dma_wait3A_1200] : memref<8x!tpu.dma_semaphore, #tpu.memory_space<semaphore_mem>> -> memref<1x!tpu.dma_semaphore, #tpu.memory_space<semaphore_mem>>
        %dma_wait3A_1208 = tpu.memref_squeeze %dma_wait3A_1207 : memref<1x!tpu.dma_semaphore, #tpu.memory_space<semaphore_mem>> -> memref<!tpu.dma_semaphore, #tpu.memory_space<semaphore_mem>>
        %dma_wait3A_1209 = arith.constant 0 : i32
        %dma_wait3A_1210 = tpu.memref_slice %arg6[%dma_wait3A_1199, %dma_wait3A_1209] : memref<8x80xi32, #tpu.memory_space<vmem>> -> memref<1x80xi32, #tpu.memory_space<vmem>>
        %dma_wait3A_1211 = tpu.memref_squeeze %dma_wait3A_1210 : memref<1x80xi32, #tpu.memory_space<vmem>> -> memref<80xi32, #tpu.memory_space<vmem>>
        %dma_wait3A_1212 = arith.constant 0 : i32
        %dma_wait3A_1213 = tpu.memref_slice %arg2[%add3A_1198, %dma_wait3A_1212] : memref<2048x80xi32, #tpu.memory_space<hbm>> -> memref<1x80xi32, #tpu.memory_space<hbm>>
        %dma_wait3A_1214 = tpu.memref_squeeze %dma_wait3A_1213 : memref<1x80xi32, #tpu.memory_space<hbm>> -> memref<80xi32, #tpu.memory_space<hbm>>
        tpu.wait_dma2 semaphore(%dma_wait3A_1208 : memref<!tpu.dma_semaphore, #tpu.memory_space<semaphore_mem>>) src(%dma_wait3A_1214 : memref<80xi32, #tpu.memory_space<hbm>>) dst(%dma_wait3A_1211 : memref<80xi32, #tpu.memory_space<vmem>>)
        %add3A_1215 = arith.addi %mul3A_4, %add3A_1197 : i32
        %dma_wait3A_1216 = arith.constant 0 : i32
        %dma_wait3A_1217 = arith.constant 0 : i32
        %dma_wait3A_1218 = arith.constant 0 : i32
        %dma_wait3A_1219 = tpu.memref_slice %arg7[%dma_wait3A_1216, %dma_wait3A_1218] : memref<8x80xi32, #tpu.memory_space<vmem>> -> memref<1x80xi32, #tpu.memory_space<vmem>>
        %dma_wait3A_1220 = tpu.memref_squeeze %dma_wait3A_1219 : memref<1x80xi32, #tpu.memory_space<vmem>> -> memref<80xi32, #tpu.memory_space<vmem>>
        %dma_wait3A_1221 = arith.constant 0 : i32
        %dma_wait3A_1222 = tpu.memref_slice %arg3[%add3A_1215, %dma_wait3A_1221] : memref<2048x80xi32, #tpu.memory_space<hbm>> -> memref<1x80xi32, #tpu.memory_space<hbm>>
        %dma_wait3A_1223 = tpu.memref_squeeze %dma_wait3A_1222 : memref<1x80xi32, #tpu.memory_space<hbm>> -> memref<80xi32, #tpu.memory_space<hbm>>
        %dma_wait3A_1224 = tpu.memref_slice %arg10[%dma_wait3A_1217] : memref<8x!tpu.dma_semaphore, #tpu.memory_space<semaphore_mem>> -> memref<1x!tpu.dma_semaphore, #tpu.memory_space<semaphore_mem>>
        %dma_wait3A_1225 = tpu.memref_squeeze %dma_wait3A_1224 : memref<1x!tpu.dma_semaphore, #tpu.memory_space<semaphore_mem>> -> memref<!tpu.dma_semaphore, #tpu.memory_space<semaphore_mem>>
        %dma_wait3A_1226 = arith.constant 0 : i32
        %dma_wait3A_1227 = tpu.memref_slice %arg7[%dma_wait3A_1216, %dma_wait3A_1226] : memref<8x80xi32, #tpu.memory_space<vmem>> -> memref<1x80xi32, #tpu.memory_space<vmem>>
        %dma_wait3A_1228 = tpu.memref_squeeze %dma_wait3A_1227 : memref<1x80xi32, #tpu.memory_space<vmem>> -> memref<80xi32, #tpu.memory_space<vmem>>
        %dma_wait3A_1229 = arith.constant 0 : i32
        %dma_wait3A_1230 = tpu.memref_slice %arg3[%add3A_1215, %dma_wait3A_1229] : memref<2048x80xi32, #tpu.memory_space<hbm>> -> memref<1x80xi32, #tpu.memory_space<hbm>>
        %dma_wait3A_1231 = tpu.memref_squeeze %dma_wait3A_1230 : memref<1x80xi32, #tpu.memory_space<hbm>> -> memref<80xi32, #tpu.memory_space<hbm>>
        tpu.wait_dma2 semaphore(%dma_wait3A_1225 : memref<!tpu.dma_semaphore, #tpu.memory_space<semaphore_mem>>) src(%dma_wait3A_1231 : memref<80xi32, #tpu.memory_space<hbm>>) dst(%dma_wait3A_1228 : memref<80xi32, #tpu.memory_space<vmem>>)
        %dma_start3A_1232 = arith.constant 0 : i32
        %dma_start3A_1233 = arith.constant 0 : i32
        %dma_start3A_1234 = arith.constant 0 : i32
        %dma_start3A_1235 = arith.constant 0 : i32
        %dma_start3A_1236 = arith.constant 0 : i32
        %dma_start3A_1237 = tpu.memref_slice %arg8[%dma_start3A_1233, %dma_start3A_1235, %dma_start3A_1236] : memref<4x80x128xf32, #tpu.memory_space<vmem>> -> memref<1x80x128xf32, #tpu.memory_space<vmem>>
        %dma_start3A_1238 = tpu.memref_squeeze %dma_start3A_1237 : memref<1x80x128xf32, #tpu.memory_space<vmem>> -> memref<80x128xf32, #tpu.memory_space<vmem>>
        %dma_start3A_1239 = arith.constant 0 : i32
        %dma_start3A_1240 = tpu.memref_slice %arg6[%dma_start3A_1232, %dma_start3A_1239] : memref<8x80xi32, #tpu.memory_space<vmem>> -> memref<1x80xi32, #tpu.memory_space<vmem>>
        %dma_start3A_1241 = tpu.memref_squeeze %dma_start3A_1240 : memref<1x80xi32, #tpu.memory_space<vmem>> -> memref<80xi32, #tpu.memory_space<vmem>>
        %dma_start3A_1242 = arith.constant 0 : i32
        %dma_start3A_1243 = arith.constant 0 : i32
        %dma_start3A_1244 = tpu.memref_slice %arg4[%arg0, %dma_start3A_1242, %dma_start3A_1243] : memref<2x10240x128xf32, #tpu.memory_space<hbm>> -> memref<1x10240x128xf32, #tpu.memory_space<hbm>>
        %dma_start3A_1245 = tpu.memref_squeeze %dma_start3A_1244 : memref<1x10240x128xf32, #tpu.memory_space<hbm>> -> memref<10240x128xf32, #tpu.memory_space<hbm>>
        %dma_start3A_1246 = arith.constant 0 : i32
        %dma_start3A_1247 = arith.constant 0 : i32
        %dma_start3A_1248 = tpu.memref_slice %dma_start3A_1245[%dma_start3A_1246, %dma_start3A_1247] : memref<10240x128xf32, #tpu.memory_space<hbm>> -> memref<10240x128xf32, #tpu.memory_space<hbm>>
        %dma_start3A_1249 = tpu.memref_slice %arg11[%dma_start3A_1234] : memref<4x!tpu.dma_semaphore, #tpu.memory_space<semaphore_mem>> -> memref<1x!tpu.dma_semaphore, #tpu.memory_space<semaphore_mem>>
        %dma_start3A_1250 = tpu.memref_squeeze %dma_start3A_1249 : memref<1x!tpu.dma_semaphore, #tpu.memory_space<semaphore_mem>> -> memref<!tpu.dma_semaphore, #tpu.memory_space<semaphore_mem>>
        tpu.enqueue_indirect_dma source(%dma_start3A_1248 : memref<10240x128xf32, #tpu.memory_space<hbm>>) target(%dma_start3A_1238 : memref<80x128xf32, #tpu.memory_space<vmem>>) offsets(%dma_start3A_1241 : memref<80xi32, #tpu.memory_space<vmem>>) semaphore(%dma_start3A_1250 : memref<!tpu.dma_semaphore, #tpu.memory_space<semaphore_mem>>)
      } else {
      }
      %lt3A_1094 = arith.constant 15 : i32
      %lt3A_1095 = arith.cmpi slt, %scan3A_260, %lt3A_1094 : i32
      %convert_element_type3A_1096 = arith.extui %lt3A_1095 : i1 to i32
      %cond3A_1097 = arith.constant 0 : i32
      %cond3A_1098 = arith.cmpi ne, %convert_element_type3A_1096, %cond3A_1097 : i32
      scf.if %cond3A_1098 {
        %add3A_1196 = arith.constant 3 : i32
        %add3A_1197 = arith.addi %add3A_1073, %add3A_1196 : i32
        %add3A_1198 = arith.addi %mul3A_4, %add3A_1197 : i32
        %dma_start3A_1199 = arith.constant 1 : i32
        %dma_start3A_1200 = arith.constant 1 : i32
        %dma_start3A_1201 = arith.constant 0 : i32
        %dma_start3A_1202 = tpu.memref_slice %arg6[%dma_start3A_1199, %dma_start3A_1201] : memref<8x80xi32, #tpu.memory_space<vmem>> -> memref<1x80xi32, #tpu.memory_space<vmem>>
        %dma_start3A_1203 = tpu.memref_squeeze %dma_start3A_1202 : memref<1x80xi32, #tpu.memory_space<vmem>> -> memref<80xi32, #tpu.memory_space<vmem>>
        %dma_start3A_1204 = arith.constant 0 : i32
        %dma_start3A_1205 = tpu.memref_slice %arg2[%add3A_1198, %dma_start3A_1204] : memref<2048x80xi32, #tpu.memory_space<hbm>> -> memref<1x80xi32, #tpu.memory_space<hbm>>
        %dma_start3A_1206 = tpu.memref_squeeze %dma_start3A_1205 : memref<1x80xi32, #tpu.memory_space<hbm>> -> memref<80xi32, #tpu.memory_space<hbm>>
        %dma_start3A_1207 = tpu.memref_slice %arg10[%dma_start3A_1200] : memref<8x!tpu.dma_semaphore, #tpu.memory_space<semaphore_mem>> -> memref<1x!tpu.dma_semaphore, #tpu.memory_space<semaphore_mem>>
        %dma_start3A_1208 = tpu.memref_squeeze %dma_start3A_1207 : memref<1x!tpu.dma_semaphore, #tpu.memory_space<semaphore_mem>> -> memref<!tpu.dma_semaphore, #tpu.memory_space<semaphore_mem>>
        %dma_start3A_1209 = arith.constant 0 : i32
        %dma_start3A_1210 = tpu.memref_slice %arg6[%dma_start3A_1199, %dma_start3A_1209] : memref<8x80xi32, #tpu.memory_space<vmem>> -> memref<1x80xi32, #tpu.memory_space<vmem>>
        %dma_start3A_1211 = tpu.memref_squeeze %dma_start3A_1210 : memref<1x80xi32, #tpu.memory_space<vmem>> -> memref<80xi32, #tpu.memory_space<vmem>>
        %dma_start3A_1212 = arith.constant 0 : i32
        %dma_start3A_1213 = tpu.memref_slice %arg2[%add3A_1198, %dma_start3A_1212] : memref<2048x80xi32, #tpu.memory_space<hbm>> -> memref<1x80xi32, #tpu.memory_space<hbm>>
        %dma_start3A_1214 = tpu.memref_squeeze %dma_start3A_1213 : memref<1x80xi32, #tpu.memory_space<hbm>> -> memref<80xi32, #tpu.memory_space<hbm>>
        tpu.enqueue_dma source(%dma_start3A_1214 : memref<80xi32, #tpu.memory_space<hbm>>) target(%dma_start3A_1211 : memref<80xi32, #tpu.memory_space<vmem>>) target_semaphore(%dma_start3A_1208 : memref<!tpu.dma_semaphore, #tpu.memory_space<semaphore_mem>>)
        %add3A_1215 = arith.addi %mul3A_4, %add3A_1197 : i32
        %dma_start3A_1216 = arith.constant 1 : i32
        %dma_start3A_1217 = arith.constant 1 : i32
        %dma_start3A_1218 = arith.constant 0 : i32
        %dma_start3A_1219 = tpu.memref_slice %arg7[%dma_start3A_1216, %dma_start3A_1218] : memref<8x80xi32, #tpu.memory_space<vmem>> -> memref<1x80xi32, #tpu.memory_space<vmem>>
        %dma_start3A_1220 = tpu.memref_squeeze %dma_start3A_1219 : memref<1x80xi32, #tpu.memory_space<vmem>> -> memref<80xi32, #tpu.memory_space<vmem>>
        %dma_start3A_1221 = arith.constant 0 : i32
        %dma_start3A_1222 = tpu.memref_slice %arg3[%add3A_1215, %dma_start3A_1221] : memref<2048x80xi32, #tpu.memory_space<hbm>> -> memref<1x80xi32, #tpu.memory_space<hbm>>
        %dma_start3A_1223 = tpu.memref_squeeze %dma_start3A_1222 : memref<1x80xi32, #tpu.memory_space<hbm>> -> memref<80xi32, #tpu.memory_space<hbm>>
        %dma_start3A_1224 = tpu.memref_slice %arg10[%dma_start3A_1217] : memref<8x!tpu.dma_semaphore, #tpu.memory_space<semaphore_mem>> -> memref<1x!tpu.dma_semaphore, #tpu.memory_space<semaphore_mem>>
        %dma_start3A_1225 = tpu.memref_squeeze %dma_start3A_1224 : memref<1x!tpu.dma_semaphore, #tpu.memory_space<semaphore_mem>> -> memref<!tpu.dma_semaphore, #tpu.memory_space<semaphore_mem>>
        %dma_start3A_1226 = arith.constant 0 : i32
        %dma_start3A_1227 = tpu.memref_slice %arg7[%dma_start3A_1216, %dma_start3A_1226] : memref<8x80xi32, #tpu.memory_space<vmem>> -> memref<1x80xi32, #tpu.memory_space<vmem>>
        %dma_start3A_1228 = tpu.memref_squeeze %dma_start3A_1227 : memref<1x80xi32, #tpu.memory_space<vmem>> -> memref<80xi32, #tpu.memory_space<vmem>>
        %dma_start3A_1229 = arith.constant 0 : i32
        %dma_start3A_1230 = tpu.memref_slice %arg3[%add3A_1215, %dma_start3A_1229] : memref<2048x80xi32, #tpu.memory_space<hbm>> -> memref<1x80xi32, #tpu.memory_space<hbm>>
        %dma_start3A_1231 = tpu.memref_squeeze %dma_start3A_1230 : memref<1x80xi32, #tpu.memory_space<hbm>> -> memref<80xi32, #tpu.memory_space<hbm>>
        tpu.enqueue_dma source(%dma_start3A_1231 : memref<80xi32, #tpu.memory_space<hbm>>) target(%dma_start3A_1228 : memref<80xi32, #tpu.memory_space<vmem>>) target_semaphore(%dma_start3A_1225 : memref<!tpu.dma_semaphore, #tpu.memory_space<semaphore_mem>>)
      } else {
      }
      %dma_wait3A_1099 = arith.constant 6 : i32
      %dma_wait3A_1100 = arith.constant 2 : i32
      %dma_wait3A_1101 = arith.constant 2 : i32
      %dma_wait3A_1102 = arith.constant 0 : i32
      %dma_wait3A_1103 = arith.constant 0 : i32
      %dma_wait3A_1104 = tpu.memref_slice %arg8[%dma_wait3A_1100, %dma_wait3A_1102, %dma_wait3A_1103] : memref<4x80x128xf32, #tpu.memory_space<vmem>> -> memref<1x80x128xf32, #tpu.memory_space<vmem>>
      %dma_wait3A_1105 = tpu.memref_squeeze %dma_wait3A_1104 : memref<1x80x128xf32, #tpu.memory_space<vmem>> -> memref<80x128xf32, #tpu.memory_space<vmem>>
      %dma_wait3A_1106 = arith.constant 0 : i32
      %dma_wait3A_1107 = tpu.memref_slice %arg6[%dma_wait3A_1099, %dma_wait3A_1106] : memref<8x80xi32, #tpu.memory_space<vmem>> -> memref<1x80xi32, #tpu.memory_space<vmem>>
      %dma_wait3A_1108 = tpu.memref_squeeze %dma_wait3A_1107 : memref<1x80xi32, #tpu.memory_space<vmem>> -> memref<80xi32, #tpu.memory_space<vmem>>
      %dma_wait3A_1109 = arith.constant 0 : i32
      %dma_wait3A_1110 = arith.constant 0 : i32
      %dma_wait3A_1111 = tpu.memref_slice %arg4[%arg0, %dma_wait3A_1109, %dma_wait3A_1110] : memref<2x10240x128xf32, #tpu.memory_space<hbm>> -> memref<1x10240x128xf32, #tpu.memory_space<hbm>>
      %dma_wait3A_1112 = tpu.memref_squeeze %dma_wait3A_1111 : memref<1x10240x128xf32, #tpu.memory_space<hbm>> -> memref<10240x128xf32, #tpu.memory_space<hbm>>
      %dma_wait3A_1113 = arith.constant 0 : i32
      %dma_wait3A_1114 = arith.constant 0 : i32
      %dma_wait3A_1115 = tpu.memref_slice %dma_wait3A_1112[%dma_wait3A_1113, %dma_wait3A_1114] : memref<10240x128xf32, #tpu.memory_space<hbm>> -> memref<10240x128xf32, #tpu.memory_space<hbm>>
      %dma_wait3A_1116 = tpu.memref_slice %arg11[%dma_wait3A_1101] : memref<4x!tpu.dma_semaphore, #tpu.memory_space<semaphore_mem>> -> memref<1x!tpu.dma_semaphore, #tpu.memory_space<semaphore_mem>>
      %dma_wait3A_1117 = tpu.memref_squeeze %dma_wait3A_1116 : memref<1x!tpu.dma_semaphore, #tpu.memory_space<semaphore_mem>> -> memref<!tpu.dma_semaphore, #tpu.memory_space<semaphore_mem>>
      tpu.wait_indirect_dma semaphore(%dma_wait3A_1117 : memref<!tpu.dma_semaphore, #tpu.memory_space<semaphore_mem>>) src(%dma_wait3A_1115 : memref<10240x128xf32, #tpu.memory_space<hbm>>) dst(%dma_wait3A_1105 : memref<80x128xf32, #tpu.memory_space<vmem>>)
      %dma_start3A_1118 = arith.constant 2 : i32
      %dma_start3A_1119 = arith.constant 6 : i32
      %dma_start3A_1120 = arith.constant 2 : i32
      %dma_start3A_1121 = arith.constant 0 : i32
      %dma_start3A_1122 = arith.constant 0 : i32
      %dma_start3A_1123 = tpu.memref_slice %arg8[%dma_start3A_1118, %dma_start3A_1121, %dma_start3A_1122] : memref<4x80x128xf32, #tpu.memory_space<vmem>> -> memref<1x80x128xf32, #tpu.memory_space<vmem>>
      %dma_start3A_1124 = tpu.memref_squeeze %dma_start3A_1123 : memref<1x80x128xf32, #tpu.memory_space<vmem>> -> memref<80x128xf32, #tpu.memory_space<vmem>>
      %dma_start3A_1125 = arith.constant 0 : i32
      %dma_start3A_1126 = tpu.memref_slice %arg7[%dma_start3A_1119, %dma_start3A_1125] : memref<8x80xi32, #tpu.memory_space<vmem>> -> memref<1x80xi32, #tpu.memory_space<vmem>>
      %dma_start3A_1127 = tpu.memref_squeeze %dma_start3A_1126 : memref<1x80xi32, #tpu.memory_space<vmem>> -> memref<80xi32, #tpu.memory_space<vmem>>
      %dma_start3A_1128 = arith.constant 0 : i32
      %dma_start3A_1129 = arith.constant 0 : i32
      %dma_start3A_1130 = tpu.memref_slice %arg9[%dma_start3A_1128, %dma_start3A_1129] : memref<10240x128xf32, #tpu.memory_space<vmem_shared>> -> memref<10240x128xf32, #tpu.memory_space<vmem_shared>>
      %dma_start3A_1131 = tpu.memref_slice %arg12[%dma_start3A_1120] : memref<4x!tpu.dma_semaphore, #tpu.memory_space<semaphore_mem>> -> memref<1x!tpu.dma_semaphore, #tpu.memory_space<semaphore_mem>>
      %dma_start3A_1132 = tpu.memref_squeeze %dma_start3A_1131 : memref<1x!tpu.dma_semaphore, #tpu.memory_space<semaphore_mem>> -> memref<!tpu.dma_semaphore, #tpu.memory_space<semaphore_mem>>
      tpu.enqueue_indirect_dma source(%dma_start3A_1124 : memref<80x128xf32, #tpu.memory_space<vmem>>) target(%dma_start3A_1130 : memref<10240x128xf32, #tpu.memory_space<vmem_shared>>) offsets(%dma_start3A_1127 : memref<80xi32, #tpu.memory_space<vmem>>) semaphore(%dma_start3A_1132 : memref<!tpu.dma_semaphore, #tpu.memory_space<semaphore_mem>>) {add = true}
      %mul3A_1133 = arith.constant 8 : i32
      %mul3A_1134 = arith.muli %mul3A_1133, %scan3A_260 : i32
      %add3A_1135 = arith.constant 7 : i32
      %add3A_1136 = arith.addi %mul3A_1134, %add3A_1135 : i32
      %dma_wait3A_1137 = arith.constant 1 : i32
      %dma_wait3A_1138 = arith.constant 5 : i32
      %dma_wait3A_1139 = arith.constant 1 : i32
      %dma_wait3A_1140 = arith.constant 0 : i32
      %dma_wait3A_1141 = arith.constant 0 : i32
      %dma_wait3A_1142 = tpu.memref_slice %arg8[%dma_wait3A_1137, %dma_wait3A_1140, %dma_wait3A_1141] : memref<4x80x128xf32, #tpu.memory_space<vmem>> -> memref<1x80x128xf32, #tpu.memory_space<vmem>>
      %dma_wait3A_1143 = tpu.memref_squeeze %dma_wait3A_1142 : memref<1x80x128xf32, #tpu.memory_space<vmem>> -> memref<80x128xf32, #tpu.memory_space<vmem>>
      %dma_wait3A_1144 = arith.constant 0 : i32
      %dma_wait3A_1145 = tpu.memref_slice %arg7[%dma_wait3A_1138, %dma_wait3A_1144] : memref<8x80xi32, #tpu.memory_space<vmem>> -> memref<1x80xi32, #tpu.memory_space<vmem>>
      %dma_wait3A_1146 = tpu.memref_squeeze %dma_wait3A_1145 : memref<1x80xi32, #tpu.memory_space<vmem>> -> memref<80xi32, #tpu.memory_space<vmem>>
      %dma_wait3A_1147 = arith.constant 0 : i32
      %dma_wait3A_1148 = arith.constant 0 : i32
      %dma_wait3A_1149 = tpu.memref_slice %arg9[%dma_wait3A_1147, %dma_wait3A_1148] : memref<10240x128xf32, #tpu.memory_space<vmem_shared>> -> memref<10240x128xf32, #tpu.memory_space<vmem_shared>>
      %dma_wait3A_1150 = tpu.memref_slice %arg12[%dma_wait3A_1139] : memref<4x!tpu.dma_semaphore, #tpu.memory_space<semaphore_mem>> -> memref<1x!tpu.dma_semaphore, #tpu.memory_space<semaphore_mem>>
      %dma_wait3A_1151 = tpu.memref_squeeze %dma_wait3A_1150 : memref<1x!tpu.dma_semaphore, #tpu.memory_space<semaphore_mem>> -> memref<!tpu.dma_semaphore, #tpu.memory_space<semaphore_mem>>
      tpu.wait_indirect_dma semaphore(%dma_wait3A_1151 : memref<!tpu.dma_semaphore, #tpu.memory_space<semaphore_mem>>) src(%dma_wait3A_1143 : memref<80x128xf32, #tpu.memory_space<vmem>>) dst(%dma_wait3A_1149 : memref<10240x128xf32, #tpu.memory_space<vmem_shared>>)
      %lt3A_1152 = arith.constant 15 : i32
      %lt3A_1153 = arith.cmpi slt, %scan3A_260, %lt3A_1152 : i32
      %convert_element_type3A_1154 = arith.extui %lt3A_1153 : i1 to i32
      %cond3A_1155 = arith.constant 0 : i32
      %cond3A_1156 = arith.cmpi ne, %convert_element_type3A_1154, %cond3A_1155 : i32
      scf.if %cond3A_1156 {
        %add3A_1196 = arith.constant 2 : i32
        %add3A_1197 = arith.addi %add3A_1136, %add3A_1196 : i32
        %add3A_1198 = arith.addi %mul3A_4, %add3A_1197 : i32
        %dma_wait3A_1199 = arith.constant 1 : i32
        %dma_wait3A_1200 = arith.constant 1 : i32
        %dma_wait3A_1201 = arith.constant 0 : i32
        %dma_wait3A_1202 = tpu.memref_slice %arg6[%dma_wait3A_1199, %dma_wait3A_1201] : memref<8x80xi32, #tpu.memory_space<vmem>> -> memref<1x80xi32, #tpu.memory_space<vmem>>
        %dma_wait3A_1203 = tpu.memref_squeeze %dma_wait3A_1202 : memref<1x80xi32, #tpu.memory_space<vmem>> -> memref<80xi32, #tpu.memory_space<vmem>>
        %dma_wait3A_1204 = arith.constant 0 : i32
        %dma_wait3A_1205 = tpu.memref_slice %arg2[%add3A_1198, %dma_wait3A_1204] : memref<2048x80xi32, #tpu.memory_space<hbm>> -> memref<1x80xi32, #tpu.memory_space<hbm>>
        %dma_wait3A_1206 = tpu.memref_squeeze %dma_wait3A_1205 : memref<1x80xi32, #tpu.memory_space<hbm>> -> memref<80xi32, #tpu.memory_space<hbm>>
        %dma_wait3A_1207 = tpu.memref_slice %arg10[%dma_wait3A_1200] : memref<8x!tpu.dma_semaphore, #tpu.memory_space<semaphore_mem>> -> memref<1x!tpu.dma_semaphore, #tpu.memory_space<semaphore_mem>>
        %dma_wait3A_1208 = tpu.memref_squeeze %dma_wait3A_1207 : memref<1x!tpu.dma_semaphore, #tpu.memory_space<semaphore_mem>> -> memref<!tpu.dma_semaphore, #tpu.memory_space<semaphore_mem>>
        %dma_wait3A_1209 = arith.constant 0 : i32
        %dma_wait3A_1210 = tpu.memref_slice %arg6[%dma_wait3A_1199, %dma_wait3A_1209] : memref<8x80xi32, #tpu.memory_space<vmem>> -> memref<1x80xi32, #tpu.memory_space<vmem>>
        %dma_wait3A_1211 = tpu.memref_squeeze %dma_wait3A_1210 : memref<1x80xi32, #tpu.memory_space<vmem>> -> memref<80xi32, #tpu.memory_space<vmem>>
        %dma_wait3A_1212 = arith.constant 0 : i32
        %dma_wait3A_1213 = tpu.memref_slice %arg2[%add3A_1198, %dma_wait3A_1212] : memref<2048x80xi32, #tpu.memory_space<hbm>> -> memref<1x80xi32, #tpu.memory_space<hbm>>
        %dma_wait3A_1214 = tpu.memref_squeeze %dma_wait3A_1213 : memref<1x80xi32, #tpu.memory_space<hbm>> -> memref<80xi32, #tpu.memory_space<hbm>>
        tpu.wait_dma2 semaphore(%dma_wait3A_1208 : memref<!tpu.dma_semaphore, #tpu.memory_space<semaphore_mem>>) src(%dma_wait3A_1214 : memref<80xi32, #tpu.memory_space<hbm>>) dst(%dma_wait3A_1211 : memref<80xi32, #tpu.memory_space<vmem>>)
        %add3A_1215 = arith.addi %mul3A_4, %add3A_1197 : i32
        %dma_wait3A_1216 = arith.constant 1 : i32
        %dma_wait3A_1217 = arith.constant 1 : i32
        %dma_wait3A_1218 = arith.constant 0 : i32
        %dma_wait3A_1219 = tpu.memref_slice %arg7[%dma_wait3A_1216, %dma_wait3A_1218] : memref<8x80xi32, #tpu.memory_space<vmem>> -> memref<1x80xi32, #tpu.memory_space<vmem>>
        %dma_wait3A_1220 = tpu.memref_squeeze %dma_wait3A_1219 : memref<1x80xi32, #tpu.memory_space<vmem>> -> memref<80xi32, #tpu.memory_space<vmem>>
        %dma_wait3A_1221 = arith.constant 0 : i32
        %dma_wait3A_1222 = tpu.memref_slice %arg3[%add3A_1215, %dma_wait3A_1221] : memref<2048x80xi32, #tpu.memory_space<hbm>> -> memref<1x80xi32, #tpu.memory_space<hbm>>
        %dma_wait3A_1223 = tpu.memref_squeeze %dma_wait3A_1222 : memref<1x80xi32, #tpu.memory_space<hbm>> -> memref<80xi32, #tpu.memory_space<hbm>>
        %dma_wait3A_1224 = tpu.memref_slice %arg10[%dma_wait3A_1217] : memref<8x!tpu.dma_semaphore, #tpu.memory_space<semaphore_mem>> -> memref<1x!tpu.dma_semaphore, #tpu.memory_space<semaphore_mem>>
        %dma_wait3A_1225 = tpu.memref_squeeze %dma_wait3A_1224 : memref<1x!tpu.dma_semaphore, #tpu.memory_space<semaphore_mem>> -> memref<!tpu.dma_semaphore, #tpu.memory_space<semaphore_mem>>
        %dma_wait3A_1226 = arith.constant 0 : i32
        %dma_wait3A_1227 = tpu.memref_slice %arg7[%dma_wait3A_1216, %dma_wait3A_1226] : memref<8x80xi32, #tpu.memory_space<vmem>> -> memref<1x80xi32, #tpu.memory_space<vmem>>
        %dma_wait3A_1228 = tpu.memref_squeeze %dma_wait3A_1227 : memref<1x80xi32, #tpu.memory_space<vmem>> -> memref<80xi32, #tpu.memory_space<vmem>>
        %dma_wait3A_1229 = arith.constant 0 : i32
        %dma_wait3A_1230 = tpu.memref_slice %arg3[%add3A_1215, %dma_wait3A_1229] : memref<2048x80xi32, #tpu.memory_space<hbm>> -> memref<1x80xi32, #tpu.memory_space<hbm>>
        %dma_wait3A_1231 = tpu.memref_squeeze %dma_wait3A_1230 : memref<1x80xi32, #tpu.memory_space<hbm>> -> memref<80xi32, #tpu.memory_space<hbm>>
        tpu.wait_dma2 semaphore(%dma_wait3A_1225 : memref<!tpu.dma_semaphore, #tpu.memory_space<semaphore_mem>>) src(%dma_wait3A_1231 : memref<80xi32, #tpu.memory_space<hbm>>) dst(%dma_wait3A_1228 : memref<80xi32, #tpu.memory_space<vmem>>)
        %dma_start3A_1232 = arith.constant 1 : i32
        %dma_start3A_1233 = arith.constant 1 : i32
        %dma_start3A_1234 = arith.constant 1 : i32
        %dma_start3A_1235 = arith.constant 0 : i32
        %dma_start3A_1236 = arith.constant 0 : i32
        %dma_start3A_1237 = tpu.memref_slice %arg8[%dma_start3A_1233, %dma_start3A_1235, %dma_start3A_1236] : memref<4x80x128xf32, #tpu.memory_space<vmem>> -> memref<1x80x128xf32, #tpu.memory_space<vmem>>
        %dma_start3A_1238 = tpu.memref_squeeze %dma_start3A_1237 : memref<1x80x128xf32, #tpu.memory_space<vmem>> -> memref<80x128xf32, #tpu.memory_space<vmem>>
        %dma_start3A_1239 = arith.constant 0 : i32
        %dma_start3A_1240 = tpu.memref_slice %arg6[%dma_start3A_1232, %dma_start3A_1239] : memref<8x80xi32, #tpu.memory_space<vmem>> -> memref<1x80xi32, #tpu.memory_space<vmem>>
        %dma_start3A_1241 = tpu.memref_squeeze %dma_start3A_1240 : memref<1x80xi32, #tpu.memory_space<vmem>> -> memref<80xi32, #tpu.memory_space<vmem>>
        %dma_start3A_1242 = arith.constant 0 : i32
        %dma_start3A_1243 = arith.constant 0 : i32
        %dma_start3A_1244 = tpu.memref_slice %arg4[%arg0, %dma_start3A_1242, %dma_start3A_1243] : memref<2x10240x128xf32, #tpu.memory_space<hbm>> -> memref<1x10240x128xf32, #tpu.memory_space<hbm>>
        %dma_start3A_1245 = tpu.memref_squeeze %dma_start3A_1244 : memref<1x10240x128xf32, #tpu.memory_space<hbm>> -> memref<10240x128xf32, #tpu.memory_space<hbm>>
        %dma_start3A_1246 = arith.constant 0 : i32
        %dma_start3A_1247 = arith.constant 0 : i32
        %dma_start3A_1248 = tpu.memref_slice %dma_start3A_1245[%dma_start3A_1246, %dma_start3A_1247] : memref<10240x128xf32, #tpu.memory_space<hbm>> -> memref<10240x128xf32, #tpu.memory_space<hbm>>
        %dma_start3A_1249 = tpu.memref_slice %arg11[%dma_start3A_1234] : memref<4x!tpu.dma_semaphore, #tpu.memory_space<semaphore_mem>> -> memref<1x!tpu.dma_semaphore, #tpu.memory_space<semaphore_mem>>
        %dma_start3A_1250 = tpu.memref_squeeze %dma_start3A_1249 : memref<1x!tpu.dma_semaphore, #tpu.memory_space<semaphore_mem>> -> memref<!tpu.dma_semaphore, #tpu.memory_space<semaphore_mem>>
        tpu.enqueue_indirect_dma source(%dma_start3A_1248 : memref<10240x128xf32, #tpu.memory_space<hbm>>) target(%dma_start3A_1238 : memref<80x128xf32, #tpu.memory_space<vmem>>) offsets(%dma_start3A_1241 : memref<80xi32, #tpu.memory_space<vmem>>) semaphore(%dma_start3A_1250 : memref<!tpu.dma_semaphore, #tpu.memory_space<semaphore_mem>>)
      } else {
      }
      %lt3A_1157 = arith.constant 15 : i32
      %lt3A_1158 = arith.cmpi slt, %scan3A_260, %lt3A_1157 : i32
      %convert_element_type3A_1159 = arith.extui %lt3A_1158 : i1 to i32
      %cond3A_1160 = arith.constant 0 : i32
      %cond3A_1161 = arith.cmpi ne, %convert_element_type3A_1159, %cond3A_1160 : i32
      scf.if %cond3A_1161 {
        %add3A_1196 = arith.constant 3 : i32
        %add3A_1197 = arith.addi %add3A_1136, %add3A_1196 : i32
        %add3A_1198 = arith.addi %mul3A_4, %add3A_1197 : i32
        %dma_start3A_1199 = arith.constant 2 : i32
        %dma_start3A_1200 = arith.constant 2 : i32
        %dma_start3A_1201 = arith.constant 0 : i32
        %dma_start3A_1202 = tpu.memref_slice %arg6[%dma_start3A_1199, %dma_start3A_1201] : memref<8x80xi32, #tpu.memory_space<vmem>> -> memref<1x80xi32, #tpu.memory_space<vmem>>
        %dma_start3A_1203 = tpu.memref_squeeze %dma_start3A_1202 : memref<1x80xi32, #tpu.memory_space<vmem>> -> memref<80xi32, #tpu.memory_space<vmem>>
        %dma_start3A_1204 = arith.constant 0 : i32
        %dma_start3A_1205 = tpu.memref_slice %arg2[%add3A_1198, %dma_start3A_1204] : memref<2048x80xi32, #tpu.memory_space<hbm>> -> memref<1x80xi32, #tpu.memory_space<hbm>>
        %dma_start3A_1206 = tpu.memref_squeeze %dma_start3A_1205 : memref<1x80xi32, #tpu.memory_space<hbm>> -> memref<80xi32, #tpu.memory_space<hbm>>
        %dma_start3A_1207 = tpu.memref_slice %arg10[%dma_start3A_1200] : memref<8x!tpu.dma_semaphore, #tpu.memory_space<semaphore_mem>> -> memref<1x!tpu.dma_semaphore, #tpu.memory_space<semaphore_mem>>
        %dma_start3A_1208 = tpu.memref_squeeze %dma_start3A_1207 : memref<1x!tpu.dma_semaphore, #tpu.memory_space<semaphore_mem>> -> memref<!tpu.dma_semaphore, #tpu.memory_space<semaphore_mem>>
        %dma_start3A_1209 = arith.constant 0 : i32
        %dma_start3A_1210 = tpu.memref_slice %arg6[%dma_start3A_1199, %dma_start3A_1209] : memref<8x80xi32, #tpu.memory_space<vmem>> -> memref<1x80xi32, #tpu.memory_space<vmem>>
        %dma_start3A_1211 = tpu.memref_squeeze %dma_start3A_1210 : memref<1x80xi32, #tpu.memory_space<vmem>> -> memref<80xi32, #tpu.memory_space<vmem>>
        %dma_start3A_1212 = arith.constant 0 : i32
        %dma_start3A_1213 = tpu.memref_slice %arg2[%add3A_1198, %dma_start3A_1212] : memref<2048x80xi32, #tpu.memory_space<hbm>> -> memref<1x80xi32, #tpu.memory_space<hbm>>
        %dma_start3A_1214 = tpu.memref_squeeze %dma_start3A_1213 : memref<1x80xi32, #tpu.memory_space<hbm>> -> memref<80xi32, #tpu.memory_space<hbm>>
        tpu.enqueue_dma source(%dma_start3A_1214 : memref<80xi32, #tpu.memory_space<hbm>>) target(%dma_start3A_1211 : memref<80xi32, #tpu.memory_space<vmem>>) target_semaphore(%dma_start3A_1208 : memref<!tpu.dma_semaphore, #tpu.memory_space<semaphore_mem>>)
        %add3A_1215 = arith.addi %mul3A_4, %add3A_1197 : i32
        %dma_start3A_1216 = arith.constant 2 : i32
        %dma_start3A_1217 = arith.constant 2 : i32
        %dma_start3A_1218 = arith.constant 0 : i32
        %dma_start3A_1219 = tpu.memref_slice %arg7[%dma_start3A_1216, %dma_start3A_1218] : memref<8x80xi32, #tpu.memory_space<vmem>> -> memref<1x80xi32, #tpu.memory_space<vmem>>
        %dma_start3A_1220 = tpu.memref_squeeze %dma_start3A_1219 : memref<1x80xi32, #tpu.memory_space<vmem>> -> memref<80xi32, #tpu.memory_space<vmem>>
        %dma_start3A_1221 = arith.constant 0 : i32
        %dma_start3A_1222 = tpu.memref_slice %arg3[%add3A_1215, %dma_start3A_1221] : memref<2048x80xi32, #tpu.memory_space<hbm>> -> memref<1x80xi32, #tpu.memory_space<hbm>>
        %dma_start3A_1223 = tpu.memref_squeeze %dma_start3A_1222 : memref<1x80xi32, #tpu.memory_space<hbm>> -> memref<80xi32, #tpu.memory_space<hbm>>
        %dma_start3A_1224 = tpu.memref_slice %arg10[%dma_start3A_1217] : memref<8x!tpu.dma_semaphore, #tpu.memory_space<semaphore_mem>> -> memref<1x!tpu.dma_semaphore, #tpu.memory_space<semaphore_mem>>
        %dma_start3A_1225 = tpu.memref_squeeze %dma_start3A_1224 : memref<1x!tpu.dma_semaphore, #tpu.memory_space<semaphore_mem>> -> memref<!tpu.dma_semaphore, #tpu.memory_space<semaphore_mem>>
        %dma_start3A_1226 = arith.constant 0 : i32
        %dma_start3A_1227 = tpu.memref_slice %arg7[%dma_start3A_1216, %dma_start3A_1226] : memref<8x80xi32, #tpu.memory_space<vmem>> -> memref<1x80xi32, #tpu.memory_space<vmem>>
        %dma_start3A_1228 = tpu.memref_squeeze %dma_start3A_1227 : memref<1x80xi32, #tpu.memory_space<vmem>> -> memref<80xi32, #tpu.memory_space<vmem>>
        %dma_start3A_1229 = arith.constant 0 : i32
        %dma_start3A_1230 = tpu.memref_slice %arg3[%add3A_1215, %dma_start3A_1229] : memref<2048x80xi32, #tpu.memory_space<hbm>> -> memref<1x80xi32, #tpu.memory_space<hbm>>
        %dma_start3A_1231 = tpu.memref_squeeze %dma_start3A_1230 : memref<1x80xi32, #tpu.memory_space<hbm>> -> memref<80xi32, #tpu.memory_space<hbm>>
        tpu.enqueue_dma source(%dma_start3A_1231 : memref<80xi32, #tpu.memory_space<hbm>>) target(%dma_start3A_1228 : memref<80xi32, #tpu.memory_space<vmem>>) target_semaphore(%dma_start3A_1225 : memref<!tpu.dma_semaphore, #tpu.memory_space<semaphore_mem>>)
      } else {
      }
      %dma_wait3A_1162 = arith.constant 7 : i32
      %dma_wait3A_1163 = arith.constant 3 : i32
      %dma_wait3A_1164 = arith.constant 3 : i32
      %dma_wait3A_1165 = arith.constant 0 : i32
      %dma_wait3A_1166 = arith.constant 0 : i32
      %dma_wait3A_1167 = tpu.memref_slice %arg8[%dma_wait3A_1163, %dma_wait3A_1165, %dma_wait3A_1166] : memref<4x80x128xf32, #tpu.memory_space<vmem>> -> memref<1x80x128xf32, #tpu.memory_space<vmem>>
      %dma_wait3A_1168 = tpu.memref_squeeze %dma_wait3A_1167 : memref<1x80x128xf32, #tpu.memory_space<vmem>> -> memref<80x128xf32, #tpu.memory_space<vmem>>
      %dma_wait3A_1169 = arith.constant 0 : i32
      %dma_wait3A_1170 = tpu.memref_slice %arg6[%dma_wait3A_1162, %dma_wait3A_1169] : memref<8x80xi32, #tpu.memory_space<vmem>> -> memref<1x80xi32, #tpu.memory_space<vmem>>
      %dma_wait3A_1171 = tpu.memref_squeeze %dma_wait3A_1170 : memref<1x80xi32, #tpu.memory_space<vmem>> -> memref<80xi32, #tpu.memory_space<vmem>>
      %dma_wait3A_1172 = arith.constant 0 : i32
      %dma_wait3A_1173 = arith.constant 0 : i32
      %dma_wait3A_1174 = tpu.memref_slice %arg4[%arg0, %dma_wait3A_1172, %dma_wait3A_1173] : memref<2x10240x128xf32, #tpu.memory_space<hbm>> -> memref<1x10240x128xf32, #tpu.memory_space<hbm>>
      %dma_wait3A_1175 = tpu.memref_squeeze %dma_wait3A_1174 : memref<1x10240x128xf32, #tpu.memory_space<hbm>> -> memref<10240x128xf32, #tpu.memory_space<hbm>>
      %dma_wait3A_1176 = arith.constant 0 : i32
      %dma_wait3A_1177 = arith.constant 0 : i32
      %dma_wait3A_1178 = tpu.memref_slice %dma_wait3A_1175[%dma_wait3A_1176, %dma_wait3A_1177] : memref<10240x128xf32, #tpu.memory_space<hbm>> -> memref<10240x128xf32, #tpu.memory_space<hbm>>
      %dma_wait3A_1179 = tpu.memref_slice %arg11[%dma_wait3A_1164] : memref<4x!tpu.dma_semaphore, #tpu.memory_space<semaphore_mem>> -> memref<1x!tpu.dma_semaphore, #tpu.memory_space<semaphore_mem>>
      %dma_wait3A_1180 = tpu.memref_squeeze %dma_wait3A_1179 : memref<1x!tpu.dma_semaphore, #tpu.memory_space<semaphore_mem>> -> memref<!tpu.dma_semaphore, #tpu.memory_space<semaphore_mem>>
      tpu.wait_indirect_dma semaphore(%dma_wait3A_1180 : memref<!tpu.dma_semaphore, #tpu.memory_space<semaphore_mem>>) src(%dma_wait3A_1178 : memref<10240x128xf32, #tpu.memory_space<hbm>>) dst(%dma_wait3A_1168 : memref<80x128xf32, #tpu.memory_space<vmem>>)
      %dma_start3A_1181 = arith.constant 3 : i32
      %dma_start3A_1182 = arith.constant 7 : i32
      %dma_start3A_1183 = arith.constant 3 : i32
      %dma_start3A_1184 = arith.constant 0 : i32
      %dma_start3A_1185 = arith.constant 0 : i32
      %dma_start3A_1186 = tpu.memref_slice %arg8[%dma_start3A_1181, %dma_start3A_1184, %dma_start3A_1185] : memref<4x80x128xf32, #tpu.memory_space<vmem>> -> memref<1x80x128xf32, #tpu.memory_space<vmem>>
      %dma_start3A_1187 = tpu.memref_squeeze %dma_start3A_1186 : memref<1x80x128xf32, #tpu.memory_space<vmem>> -> memref<80x128xf32, #tpu.memory_space<vmem>>
      %dma_start3A_1188 = arith.constant 0 : i32
      %dma_start3A_1189 = tpu.memref_slice %arg7[%dma_start3A_1182, %dma_start3A_1188] : memref<8x80xi32, #tpu.memory_space<vmem>> -> memref<1x80xi32, #tpu.memory_space<vmem>>
      %dma_start3A_1190 = tpu.memref_squeeze %dma_start3A_1189 : memref<1x80xi32, #tpu.memory_space<vmem>> -> memref<80xi32, #tpu.memory_space<vmem>>
      %dma_start3A_1191 = arith.constant 0 : i32
      %dma_start3A_1192 = arith.constant 0 : i32
      %dma_start3A_1193 = tpu.memref_slice %arg9[%dma_start3A_1191, %dma_start3A_1192] : memref<10240x128xf32, #tpu.memory_space<vmem_shared>> -> memref<10240x128xf32, #tpu.memory_space<vmem_shared>>
      %dma_start3A_1194 = tpu.memref_slice %arg12[%dma_start3A_1183] : memref<4x!tpu.dma_semaphore, #tpu.memory_space<semaphore_mem>> -> memref<1x!tpu.dma_semaphore, #tpu.memory_space<semaphore_mem>>
      %dma_start3A_1195 = tpu.memref_squeeze %dma_start3A_1194 : memref<1x!tpu.dma_semaphore, #tpu.memory_space<semaphore_mem>> -> memref<!tpu.dma_semaphore, #tpu.memory_space<semaphore_mem>>
      tpu.enqueue_indirect_dma source(%dma_start3A_1187 : memref<80x128xf32, #tpu.memory_space<vmem>>) target(%dma_start3A_1193 : memref<10240x128xf32, #tpu.memory_space<vmem_shared>>) offsets(%dma_start3A_1190 : memref<80xi32, #tpu.memory_space<vmem>>) semaphore(%dma_start3A_1195 : memref<!tpu.dma_semaphore, #tpu.memory_space<semaphore_mem>>) {add = true}
    }
    %scan3A_224 = arith.constant 16 : i32
    %dma_wait3A_225 = arith.constant 2 : i32
    %dma_wait3A_226 = arith.constant 6 : i32
    %dma_wait3A_227 = arith.constant 2 : i32
    %dma_wait3A_228 = arith.constant 0 : i32
    %dma_wait3A_229 = arith.constant 0 : i32
    %dma_wait3A_230 = tpu.memref_slice %arg8[%dma_wait3A_225, %dma_wait3A_228, %dma_wait3A_229] : memref<4x80x128xf32, #tpu.memory_space<vmem>> -> memref<1x80x128xf32, #tpu.memory_space<vmem>>
    %dma_wait3A_231 = tpu.memref_squeeze %dma_wait3A_230 : memref<1x80x128xf32, #tpu.memory_space<vmem>> -> memref<80x128xf32, #tpu.memory_space<vmem>>
    %dma_wait3A_232 = arith.constant 0 : i32
    %dma_wait3A_233 = tpu.memref_slice %arg7[%dma_wait3A_226, %dma_wait3A_232] : memref<8x80xi32, #tpu.memory_space<vmem>> -> memref<1x80xi32, #tpu.memory_space<vmem>>
    %dma_wait3A_234 = tpu.memref_squeeze %dma_wait3A_233 : memref<1x80xi32, #tpu.memory_space<vmem>> -> memref<80xi32, #tpu.memory_space<vmem>>
    %dma_wait3A_235 = arith.constant 0 : i32
    %dma_wait3A_236 = arith.constant 0 : i32
    %dma_wait3A_237 = tpu.memref_slice %arg9[%dma_wait3A_235, %dma_wait3A_236] : memref<10240x128xf32, #tpu.memory_space<vmem_shared>> -> memref<10240x128xf32, #tpu.memory_space<vmem_shared>>
    %dma_wait3A_238 = tpu.memref_slice %arg12[%dma_wait3A_227] : memref<4x!tpu.dma_semaphore, #tpu.memory_space<semaphore_mem>> -> memref<1x!tpu.dma_semaphore, #tpu.memory_space<semaphore_mem>>
    %dma_wait3A_239 = tpu.memref_squeeze %dma_wait3A_238 : memref<1x!tpu.dma_semaphore, #tpu.memory_space<semaphore_mem>> -> memref<!tpu.dma_semaphore, #tpu.memory_space<semaphore_mem>>
    tpu.wait_indirect_dma semaphore(%dma_wait3A_239 : memref<!tpu.dma_semaphore, #tpu.memory_space<semaphore_mem>>) src(%dma_wait3A_231 : memref<80x128xf32, #tpu.memory_space<vmem>>) dst(%dma_wait3A_237 : memref<10240x128xf32, #tpu.memory_space<vmem_shared>>)
    %dma_wait3A_240 = arith.constant 3 : i32
    %dma_wait3A_241 = arith.constant 7 : i32
    %dma_wait3A_242 = arith.constant 3 : i32
    %dma_wait3A_243 = arith.constant 0 : i32
    %dma_wait3A_244 = arith.constant 0 : i32
    %dma_wait3A_245 = tpu.memref_slice %arg8[%dma_wait3A_240, %dma_wait3A_243, %dma_wait3A_244] : memref<4x80x128xf32, #tpu.memory_space<vmem>> -> memref<1x80x128xf32, #tpu.memory_space<vmem>>
    %dma_wait3A_246 = tpu.memref_squeeze %dma_wait3A_245 : memref<1x80x128xf32, #tpu.memory_space<vmem>> -> memref<80x128xf32, #tpu.memory_space<vmem>>
    %dma_wait3A_247 = arith.constant 0 : i32
    %dma_wait3A_248 = tpu.memref_slice %arg7[%dma_wait3A_241, %dma_wait3A_247] : memref<8x80xi32, #tpu.memory_space<vmem>> -> memref<1x80xi32, #tpu.memory_space<vmem>>
    %dma_wait3A_249 = tpu.memref_squeeze %dma_wait3A_248 : memref<1x80xi32, #tpu.memory_space<vmem>> -> memref<80xi32, #tpu.memory_space<vmem>>
    %dma_wait3A_250 = arith.constant 0 : i32
    %dma_wait3A_251 = arith.constant 0 : i32
    %dma_wait3A_252 = tpu.memref_slice %arg9[%dma_wait3A_250, %dma_wait3A_251] : memref<10240x128xf32, #tpu.memory_space<vmem_shared>> -> memref<10240x128xf32, #tpu.memory_space<vmem_shared>>
    %dma_wait3A_253 = tpu.memref_slice %arg12[%dma_wait3A_242] : memref<4x!tpu.dma_semaphore, #tpu.memory_space<semaphore_mem>> -> memref<1x!tpu.dma_semaphore, #tpu.memory_space<semaphore_mem>>
    %dma_wait3A_254 = tpu.memref_squeeze %dma_wait3A_253 : memref<1x!tpu.dma_semaphore, #tpu.memory_space<semaphore_mem>> -> memref<!tpu.dma_semaphore, #tpu.memory_space<semaphore_mem>>
    tpu.wait_indirect_dma semaphore(%dma_wait3A_254 : memref<!tpu.dma_semaphore, #tpu.memory_space<semaphore_mem>>) src(%dma_wait3A_246 : memref<80x128xf32, #tpu.memory_space<vmem>>) dst(%dma_wait3A_252 : memref<10240x128xf32, #tpu.memory_space<vmem_shared>>)
    %barrier3A_255 = arith.constant 0 : index
    tpu.barrier barrier_id(%barrier3A_255)
    %mul3A_256 = arith.constant 640 : i32
    %mul3A_257 = arith.muli %arg1, %mul3A_256 : i32
    %mul3A_258 = arith.constant 640 : i32
    %mul3A_259 = arith.muli %arg1, %mul3A_258 : i32
    "tpu.region"() ({
      %run_scoped3A = tpu.sem_alloc : memref<!tpu.dma_semaphore, #tpu.memory_space<semaphore_mem>>
      %dma_start3A_260 = arith.constant 0 : i32
      %dma_start3A_261 = tpu.memref_slice %arg5[%arg0, %mul3A_259, %dma_start3A_260] : memref<2x10240x128xf32, #tpu.memory_space<hbm>> -> memref<1x640x128xf32, #tpu.memory_space<hbm>>
      %dma_start3A_262 = tpu.memref_squeeze %dma_start3A_261 : memref<1x640x128xf32, #tpu.memory_space<hbm>> -> memref<640x128xf32, #tpu.memory_space<hbm>>
      %dma_start3A_263 = arith.constant 0 : i32
      %dma_start3A_264 = tpu.memref_slice %arg9[%mul3A_257, %dma_start3A_263] : memref<10240x128xf32, #tpu.memory_space<vmem_shared>> -> memref<640x128xf32, #tpu.memory_space<vmem_shared>>
      tpu.enqueue_dma source(%dma_start3A_264 : memref<640x128xf32, #tpu.memory_space<vmem_shared>>) target(%dma_start3A_262 : memref<640x128xf32, #tpu.memory_space<hbm>>) target_semaphore(%run_scoped3A : memref<!tpu.dma_semaphore, #tpu.memory_space<semaphore_mem>>)
      %dma_wait3A_265 = arith.constant 0 : i32
      %dma_wait3A_266 = tpu.memref_slice %arg5[%arg0, %mul3A_259, %dma_wait3A_265] : memref<2x10240x128xf32, #tpu.memory_space<hbm>> -> memref<1x640x128xf32, #tpu.memory_space<hbm>>
      %dma_wait3A_267 = tpu.memref_squeeze %dma_wait3A_266 : memref<1x640x128xf32, #tpu.memory_space<hbm>> -> memref<640x128xf32, #tpu.memory_space<hbm>>
      %dma_wait3A_268 = arith.constant 0 : i32
      %dma_wait3A_269 = tpu.memref_slice %arg9[%mul3A_257, %dma_wait3A_268] : memref<10240x128xf32, #tpu.memory_space<vmem_shared>> -> memref<640x128xf32, #tpu.memory_space<vmem_shared>>
      tpu.wait_dma2 semaphore(%run_scoped3A : memref<!tpu.dma_semaphore, #tpu.memory_space<semaphore_mem>>) src(%dma_wait3A_269 : memref<640x128xf32, #tpu.memory_space<vmem_shared>>) dst(%dma_wait3A_267 : memref<640x128xf32, #tpu.memory_space<hbm>>)
      tpu.yield
    }) : () -> ()
    return
  }
}

module attributes {stable_mosaic.version = 14 : i64} {
  func.func @_scale_body(%arg0: i32, %arg1: memref<640x256xf32, #tpu.memory_space<vmem>>, %arg2: memref<640x1xf32, #tpu.memory_space<vmem>>, %arg3: memref<2x640x1xf32, #tpu.memory_space<vmem>>, %arg4: memref<2x640x128xf32, #tpu.memory_space<vmem>>, %arg5: memref<640x128xf32, #tpu.memory_space<vmem>>) attributes {dimension_semantics = [#tpu.dimension_semantics<arbitrary>], iteration_bounds = array<i64: 16>, scalar_prefetch = 0 : i64, scratch_operands = 0 : i64, tpu.core_type = #tpu.core_type<tc>, window_params = [{transform_indices = @transform_0, window_bounds = array<i64: 640, 256>}, {transform_indices = @transform_1, window_bounds = array<i64: 640, 1>}, {transform_indices = @transform_2, window_bounds = array<i64: 2, 640, 1>}, {transform_indices = @transform_3, window_bounds = array<i64: 2, 640, 128>}, {transform_indices = @transform_4, window_bounds = array<i64: 640, 128>}]} {
    %get3A = arith.constant 0 : index
    %get3A_0 = arith.constant 0 : index
    %get3A_1 = arith.constant 0 : index
    %get3A_2 = vector.load %arg3[%get3A, %get3A_0, %get3A_1] : memref<2x640x1xf32, #tpu.memory_space<vmem>>, vector<1x640x1xf32>
    %get3A_3 = vector.shape_cast %get3A_2 : vector<1x640x1xf32> to vector<640x1xf32>
    %get3A_4 = arith.constant 1 : index
    %get3A_5 = arith.constant 0 : index
    %get3A_6 = arith.constant 0 : index
    %get3A_7 = vector.load %arg3[%get3A_4, %get3A_5, %get3A_6] : memref<2x640x1xf32, #tpu.memory_space<vmem>>, vector<1x640x1xf32>
    %get3A_8 = vector.shape_cast %get3A_7 : vector<1x640x1xf32> to vector<640x1xf32>
    %add3A = arith.addf %get3A_3, %get3A_8 : vector<640x1xf32>
    %add3A_9 = arith.constant 1.000000e+00 : f32
    %add3A_10 = vector.broadcast %add3A_9 : f32 to vector<640x1xf32>
    %add3A_11 = arith.addf %add3A, %add3A_10 : vector<640x1xf32>
    %rsqrt3A = math.rsqrt %add3A_11 : vector<640x1xf32>
    %get3A_12 = arith.constant 0 : index
    %get3A_13 = arith.constant 0 : index
    %get3A_14 = vector.load %arg1[%get3A_12, %get3A_13] : memref<640x256xf32, #tpu.memory_space<vmem>>, vector<640x256xf32>
    %get3A_15 = arith.constant 0 : index
    %get3A_16 = arith.constant 0 : index
    %get3A_17 = vector.load %arg2[%get3A_15, %get3A_16] : memref<640x1xf32, #tpu.memory_space<vmem>>, vector<640x1xf32>
    %mul3A = arith.mulf %get3A_17, %rsqrt3A : vector<640x1xf32>
    %mul3A_18 = vector.broadcast %mul3A : vector<640x1xf32> to vector<640x256xf32>
    %mul3A_19 = arith.mulf %get3A_14, %mul3A_18 : vector<640x256xf32>
    %slice3A = vector.extract_strided_slice %mul3A_19 {offsets = [0, 0], sizes = [640, 128], strides = [1, 1]} : vector<640x256xf32> to vector<640x128xf32>
    %swap3A = arith.constant 0 : index
    %swap3A_20 = arith.constant 0 : index
    %swap3A_21 = arith.constant 0 : index
    %swap3A_22 = vector.load %arg4[%swap3A, %swap3A_20, %swap3A_21] : memref<2x640x128xf32, #tpu.memory_space<vmem>>, vector<1x640x128xf32>
    %swap3A_23 = vector.shape_cast %swap3A_22 : vector<1x640x128xf32> to vector<640x128xf32>
    %swap3A_24 = vector.shape_cast %slice3A : vector<640x128xf32> to vector<1x640x128xf32>
    tpu.vector_store %arg4[%swap3A, %swap3A_20, %swap3A_21], %swap3A_24 {strides = array<i32>} : memref<2x640x128xf32, #tpu.memory_space<vmem>>, vector<1x640x128xf32>,
    %slice3A_25 = vector.extract_strided_slice %mul3A_19 {offsets = [0, 128], sizes = [640, 128], strides = [1, 1]} : vector<640x256xf32> to vector<640x128xf32>
    %swap3A_26 = arith.constant 1 : index
    %swap3A_27 = arith.constant 0 : index
    %swap3A_28 = arith.constant 0 : index
    %swap3A_29 = vector.load %arg4[%swap3A_26, %swap3A_27, %swap3A_28] : memref<2x640x128xf32, #tpu.memory_space<vmem>>, vector<1x640x128xf32>
    %swap3A_30 = vector.shape_cast %swap3A_29 : vector<1x640x128xf32> to vector<640x128xf32>
    %swap3A_31 = vector.shape_cast %slice3A_25 : vector<640x128xf32> to vector<1x640x128xf32>
    tpu.vector_store %arg4[%swap3A_26, %swap3A_27, %swap3A_28], %swap3A_31 {strides = array<i32>} : memref<2x640x128xf32, #tpu.memory_space<vmem>>, vector<1x640x128xf32>,
    %broadcast_in_dim3A = vector.shape_cast %rsqrt3A : vector<640x1xf32> to vector<640x1xf32>
    %broadcast_in_dim3A_32 = vector.broadcast %broadcast_in_dim3A : vector<640x1xf32> to vector<640x128xf32>
    %swap3A_33 = arith.constant 0 : index
    %swap3A_34 = arith.constant 0 : index
    %swap3A_35 = vector.load %arg5[%swap3A_33, %swap3A_34] : memref<640x128xf32, #tpu.memory_space<vmem>>, vector<640x128xf32>
    tpu.vector_store %arg5[%swap3A_33, %swap3A_34], %broadcast_in_dim3A_32 {strides = array<i32>} : memref<640x128xf32, #tpu.memory_space<vmem>>, vector<640x128xf32>,
    return
  }
  func.func @transform_0(%arg0: i32) -> (i32, i32) {
    %c0_i32 = arith.constant 0 : i32
    %c0_i32_0 = arith.constant 0 : i32
    return %arg0, %c0_i32 : i32, i32
  }
  func.func @transform_1(%arg0: i32) -> (i32, i32) {
    %c0_i32 = arith.constant 0 : i32
    %c0_i32_0 = arith.constant 0 : i32
    return %arg0, %c0_i32 : i32, i32
  }
  func.func @transform_2(%arg0: i32) -> (i32, i32, i32) {
    %c0_i32 = arith.constant 0 : i32
    %c0_i32_0 = arith.constant 0 : i32
    %c0_i32_1 = arith.constant 0 : i32
    return %c0_i32, %arg0, %c0_i32_0 : i32, i32, i32
  }
  func.func @transform_3(%arg0: i32) -> (i32, i32, i32) {
    %c0_i32 = arith.constant 0 : i32
    %c0_i32_0 = arith.constant 0 : i32
    %c0_i32_1 = arith.constant 0 : i32
    return %c0_i32, %arg0, %c0_i32_0 : i32, i32, i32
  }
  func.func @transform_4(%arg0: i32) -> (i32, i32) {
    %c0_i32 = arith.constant 0 : i32
    %c0_i32_0 = arith.constant 0 : i32
    return %arg0, %c0_i32 : i32, i32
  }
}

module attributes {stable_mosaic.version = 14 : i64} {
  func.func @_dense_body(%arg0: i32, %arg1: memref<2x640x128xf32, #tpu.memory_space<vmem>>, %arg2: memref<640x128xf32, #tpu.memory_space<vmem>>, %arg3: memref<256x512xf32, #tpu.memory_space<vmem>>, %arg4: memref<1x512xf32, #tpu.memory_space<vmem>>, %arg5: memref<512x256xf32, #tpu.memory_space<vmem>>, %arg6: memref<256x1xf32, #tpu.memory_space<vmem>>, %arg7: memref<8x640xf32, #tpu.memory_space<vmem>>) attributes {dimension_semantics = [#tpu.dimension_semantics<arbitrary>], iteration_bounds = array<i64: 16>, scalar_prefetch = 0 : i64, scratch_operands = 0 : i64, tpu.core_type = #tpu.core_type<tc>, window_params = [{transform_indices = @transform_0, window_bounds = array<i64: 2, 640, 128>}, {transform_indices = @transform_1, window_bounds = array<i64: 640, 128>}, {pipeline_mode = #tpu.pipeline_mode<synchronous>, transform_indices = @transform_2, window_bounds = array<i64: 256, 512>}, {pipeline_mode = #tpu.pipeline_mode<synchronous>, transform_indices = @transform_3, window_bounds = array<i64: 1, 512>}, {pipeline_mode = #tpu.pipeline_mode<synchronous>, transform_indices = @transform_4, window_bounds = array<i64: 512, 256>}, {pipeline_mode = #tpu.pipeline_mode<synchronous>, transform_indices = @transform_5, window_bounds = array<i64: 256, 1>}, {transform_indices = @transform_6, window_bounds = array<i64: 8, 640>}]} {
    %get3A = arith.constant 0 : index
    %get3A_0 = arith.constant 0 : index
    %get3A_1 = vector.load %arg2[%get3A, %get3A_0] : memref<640x128xf32, #tpu.memory_space<vmem>>, vector<640x1xf32>
    %get3A_2 = arith.constant 0 : index
    %get3A_3 = arith.constant 0 : index
    %get3A_4 = arith.constant 0 : index
    %get3A_5 = vector.load %arg1[%get3A_2, %get3A_3, %get3A_4] : memref<2x640x128xf32, #tpu.memory_space<vmem>>, vector<1x640x128xf32>
    %get3A_6 = vector.shape_cast %get3A_5 : vector<1x640x128xf32> to vector<640x128xf32>
    %get3A_7 = arith.constant 1 : index
    %get3A_8 = arith.constant 0 : index
    %get3A_9 = arith.constant 0 : index
    %get3A_10 = vector.load %arg1[%get3A_7, %get3A_8, %get3A_9] : memref<2x640x128xf32, #tpu.memory_space<vmem>>, vector<1x640x128xf32>
    %get3A_11 = vector.shape_cast %get3A_10 : vector<1x640x128xf32> to vector<640x128xf32>
    %concatenate3A = tpu.concatenate %get3A_6, %get3A_11 in 1 : vector<640x128xf32>, vector<640x128xf32> -> vector<640x256xf32>
    %mul3A = vector.broadcast %get3A_1 : vector<640x1xf32> to vector<640x256xf32>
    %mul3A_12 = arith.mulf %concatenate3A, %mul3A : vector<640x256xf32>
    %get3A_13 = arith.constant 0 : index
    %get3A_14 = arith.constant 0 : index
    %get3A_15 = vector.load %arg3[%get3A_13, %get3A_14] : memref<256x512xf32, #tpu.memory_space<vmem>>, vector<256x512xf32>
    %dot_general3A = arith.constant dense<0.000000e+00> : vector<640x512xf32>
    %dot_general3A_16 = tpu.matmul %mul3A_12, %get3A_15, %dot_general3A {dimension_numbers = #tpu.dot_dimension_numbers<[1], [0], [0], [1], [0, 0, 1, 1], [], []>, transpose_lhs_hint = false} : vector<640x256xf32>, vector<256x512xf32>, vector<640x512xf32> -> vector<640x512xf32>
    %get3A_17 = arith.constant 0 : index
    %get3A_18 = arith.constant 0 : index
    %get3A_19 = vector.load %arg4[%get3A_17, %get3A_18] : memref<1x512xf32, #tpu.memory_space<vmem>>, vector<1x512xf32>
    %add3A = vector.broadcast %get3A_19 : vector<1x512xf32> to vector<640x512xf32>
    %add3A_20 = arith.addf %dot_general3A_16, %add3A : vector<640x512xf32>
    %mul3A_21 = arith.constant 5.000000e-01 : f32
    %mul3A_22 = vector.broadcast %mul3A_21 : f32 to vector<640x512xf32>
    %mul3A_23 = arith.mulf %mul3A_22, %add3A_20 : vector<640x512xf32>
    %mul3A_24 = arith.constant 0.707106769 : f32
    %mul3A_25 = vector.broadcast %mul3A_24 : f32 to vector<640x512xf32>
    %mul3A_26 = arith.mulf %add3A_20, %mul3A_25 : vector<640x512xf32>
    %erf3A = math.erf %mul3A_26 : vector<640x512xf32>
    %add3A_27 = arith.constant 1.000000e+00 : f32
    %add3A_28 = vector.broadcast %add3A_27 : f32 to vector<640x512xf32>
    %add3A_29 = arith.addf %add3A_28, %erf3A : vector<640x512xf32>
    %mul3A_30 = arith.mulf %mul3A_23, %add3A_29 : vector<640x512xf32>
    %get3A_31 = arith.constant 0 : index
    %get3A_32 = arith.constant 0 : index
    %get3A_33 = vector.load %arg5[%get3A_31, %get3A_32] : memref<512x256xf32, #tpu.memory_space<vmem>>, vector<512x256xf32>
    %get3A_34 = arith.constant 0 : index
    %get3A_35 = arith.constant 0 : index
    %get3A_36 = vector.load %arg6[%get3A_34, %get3A_35] : memref<256x1xf32, #tpu.memory_space<vmem>>, vector<256x1xf32>
    %dot_general3A_37 = arith.constant dense<0.000000e+00> : vector<512x1xf32>
    %dot_general3A_38 = tpu.matmul %get3A_33, %get3A_36, %dot_general3A_37 {dimension_numbers = #tpu.dot_dimension_numbers<[1], [0], [0], [1], [0, 0, 1, 1], [], []>, transpose_lhs_hint = false} : vector<512x256xf32>, vector<256x1xf32>, vector<512x1xf32> -> vector<512x1xf32>
    %dot_general3A_39 = arith.constant dense<0.000000e+00> : vector<640x1xf32>
    %dot_general3A_40 = tpu.matmul %mul3A_30, %dot_general3A_38, %dot_general3A_39 {dimension_numbers = #tpu.dot_dimension_numbers<[1], [0], [0], [1], [0, 0, 1, 1], [], []>, transpose_lhs_hint = false} : vector<640x512xf32>, vector<512x1xf32>, vector<640x1xf32> -> vector<640x1xf32>
    %mul3A_41 = arith.mulf %get3A_1, %dot_general3A_40 : vector<640x1xf32>
    %transpose3A = tpu.transpose %mul3A_41, [1, 0] : vector<640x1xf32> -> vector<1x640xf32>
    %broadcast_in_dim3A = vector.shape_cast %transpose3A : vector<1x640xf32> to vector<1x640xf32>
    %broadcast_in_dim3A_42 = vector.broadcast %broadcast_in_dim3A : vector<1x640xf32> to vector<8x640xf32>
    %swap3A = arith.constant 0 : index
    %swap3A_43 = arith.constant 0 : index
    %swap3A_44 = vector.load %arg7[%swap3A, %swap3A_43] : memref<8x640xf32, #tpu.memory_space<vmem>>, vector<8x640xf32>
    tpu.vector_store %arg7[%swap3A, %swap3A_43], %broadcast_in_dim3A_42 {strides = array<i32>} : memref<8x640xf32, #tpu.memory_space<vmem>>, vector<8x640xf32>,
    return
  }
  func.func @transform_0(%arg0: i32) -> (i32, i32, i32) {
    %c0_i32 = arith.constant 0 : i32
    %c0_i32_0 = arith.constant 0 : i32
    %c0_i32_1 = arith.constant 0 : i32
    return %c0_i32, %arg0, %c0_i32_0 : i32, i32, i32
  }
  func.func @transform_1(%arg0: i32) -> (i32, i32) {
    %c0_i32 = arith.constant 0 : i32
    %c0_i32_0 = arith.constant 0 : i32
    return %arg0, %c0_i32 : i32, i32
  }
  func.func @transform_2(%arg0: i32) -> (i32, i32) {
    %c0_i32 = arith.constant 0 : i32
    %c0_i32_0 = arith.constant 0 : i32
    %c0_i32_1 = arith.constant 0 : i32
    return %c0_i32, %c0_i32_0 : i32, i32
  }
  func.func @transform_3(%arg0: i32) -> (i32, i32) {
    %c0_i32 = arith.constant 0 : i32
    %c0_i32_0 = arith.constant 0 : i32
    %c0_i32_1 = arith.constant 0 : i32
    return %c0_i32, %c0_i32_0 : i32, i32
  }
  func.func @transform_4(%arg0: i32) -> (i32, i32) {
    %c0_i32 = arith.constant 0 : i32
    %c0_i32_0 = arith.constant 0 : i32
    %c0_i32_1 = arith.constant 0 : i32
    return %c0_i32, %c0_i32_0 : i32, i32
  }
  func.func @transform_5(%arg0: i32) -> (i32, i32) {
    %c0_i32 = arith.constant 0 : i32
    %c0_i32_0 = arith.constant 0 : i32
    %c0_i32_1 = arith.constant 0 : i32
    return %c0_i32, %c0_i32_0 : i32, i32
  }
  func.func @transform_6(%arg0: i32) -> (i32, i32) {
    %c0_i32 = arith.constant 0 : i32
    %c0_i32_0 = arith.constant 0 : i32
    return %c0_i32, %arg0 : i32, i32
  }
}

module attributes {stable_mosaic.version = 14 : i64} {
  func.func @_final_body(%arg0: i32, %arg1: memref<2x640x1xf32, #tpu.memory_space<vmem>>, %arg2: memref<640x128xf32, #tpu.memory_space<vmem>>, %arg3: memref<1x256xf32, #tpu.memory_space<vmem>>, %arg4: memref<1x256xf32, #tpu.memory_space<vmem>>, %arg5: memref<1x1xf32, #tpu.memory_space<vmem>>, %arg6: memref<640x1xf32, #tpu.memory_space<vmem>>) attributes {dimension_semantics = [#tpu.dimension_semantics<arbitrary>], iteration_bounds = array<i64: 16>, scalar_prefetch = 0 : i64, scratch_operands = 0 : i64, tpu.core_type = #tpu.core_type<tc>, window_params = [{transform_indices = @transform_0, window_bounds = array<i64: 2, 640, 1>}, {transform_indices = @transform_1, window_bounds = array<i64: 640, 128>}, {pipeline_mode = #tpu.pipeline_mode<synchronous>, transform_indices = @transform_2, window_bounds = array<i64: 1, 256>}, {pipeline_mode = #tpu.pipeline_mode<synchronous>, transform_indices = @transform_3, window_bounds = array<i64: 1, 256>}, {pipeline_mode = #tpu.pipeline_mode<synchronous>, transform_indices = @transform_4, window_bounds = array<i64: 1, 1>}, {transform_indices = @transform_5, window_bounds = array<i64: 640, 1>}]} {
    %get3A = arith.constant 0 : index
    %get3A_0 = arith.constant 0 : index
    %get3A_1 = vector.load %arg3[%get3A, %get3A_0] : memref<1x256xf32, #tpu.memory_space<vmem>>, vector<1x256xf32>
    %get3A_2 = arith.constant 0 : index
    %get3A_3 = arith.constant 0 : index
    %get3A_4 = vector.load %arg4[%get3A_2, %get3A_3] : memref<1x256xf32, #tpu.memory_space<vmem>>, vector<1x256xf32>
    %mul3A = arith.mulf %get3A_1, %get3A_4 : vector<1x256xf32>
    %reduce_sum3A = vector.shape_cast %mul3A : vector<1x256xf32> to vector<1x1x256xf32>
    %reduce_sum3A_5 = arith.constant dense<0.000000e+00> : vector<1xf32>
    %reduce_sum3A_6 = vector.multi_reduction <add>, %reduce_sum3A, %reduce_sum3A_5 [1, 2] : vector<1x1x256xf32> to vector<1xf32>
    %reduce_sum3A_7 = vector.shape_cast %reduce_sum3A_6 : vector<1xf32> to vector<1x1x1xf32>
    %reduce_sum3A_8 = vector.extract %reduce_sum3A_7[0, 0, 0] : f32 from vector<1x1x1xf32>
    %get3A_9 = arith.constant 0 : index
    %get3A_10 = arith.constant 0 : index
    %get3A_11 = vector.load %arg5[%get3A_9, %get3A_10] : memref<1x1xf32, #tpu.memory_space<vmem>>, vector<1x1xf32>
    %get3A_12 = vector.extract %get3A_11[0, 0] : f32 from vector<1x1xf32>
    %add3A = arith.addf %reduce_sum3A_8, %get3A_12 : f32
    %get3A_13 = arith.constant 0 : index
    %get3A_14 = arith.constant 0 : index
    %get3A_15 = vector.load %arg2[%get3A_13, %get3A_14] : memref<640x128xf32, #tpu.memory_space<vmem>>, vector<640x1xf32>
    %get3A_16 = arith.constant 0 : index
    %get3A_17 = arith.constant 0 : index
    %get3A_18 = arith.constant 0 : index
    %get3A_19 = vector.load %arg1[%get3A_16, %get3A_17, %get3A_18] : memref<2x640x1xf32, #tpu.memory_space<vmem>>, vector<1x640x1xf32>
    %get3A_20 = vector.shape_cast %get3A_19 : vector<1x640x1xf32> to vector<640x1xf32>
    %get3A_21 = arith.constant 1 : index
    %get3A_22 = arith.constant 0 : index
    %get3A_23 = arith.constant 0 : index
    %get3A_24 = vector.load %arg1[%get3A_21, %get3A_22, %get3A_23] : memref<2x640x1xf32, #tpu.memory_space<vmem>>, vector<1x640x1xf32>
    %get3A_25 = vector.shape_cast %get3A_24 : vector<1x640x1xf32> to vector<640x1xf32>
    %add3A_26 = arith.addf %get3A_20, %get3A_25 : vector<640x1xf32>
    %mul3A_27 = arith.mulf %get3A_15, %add3A_26 : vector<640x1xf32>
    %add3A_28 = vector.broadcast %add3A : f32 to vector<640x1xf32>
    %add3A_29 = arith.addf %mul3A_27, %add3A_28 : vector<640x1xf32>
    %swap3A = arith.constant 0 : index
    %swap3A_30 = arith.constant 0 : index
    %swap3A_31 = vector.load %arg6[%swap3A, %swap3A_30] : memref<640x1xf32, #tpu.memory_space<vmem>>, vector<640x1xf32>
    tpu.vector_store %arg6[%swap3A, %swap3A_30], %add3A_29 {strides = array<i32>} : memref<640x1xf32, #tpu.memory_space<vmem>>, vector<640x1xf32>,
    return
  }
  func.func @transform_0(%arg0: i32) -> (i32, i32, i32) {
    %c0_i32 = arith.constant 0 : i32
    %c0_i32_0 = arith.constant 0 : i32
    %c0_i32_1 = arith.constant 0 : i32
    return %c0_i32, %arg0, %c0_i32_0 : i32, i32, i32
  }
  func.func @transform_1(%arg0: i32) -> (i32, i32) {
    %c0_i32 = arith.constant 0 : i32
    %c0_i32_0 = arith.constant 0 : i32
    return %arg0, %c0_i32 : i32, i32
  }
  func.func @transform_2(%arg0: i32) -> (i32, i32) {
    %c0_i32 = arith.constant 0 : i32
    %c0_i32_0 = arith.constant 0 : i32
    %c0_i32_1 = arith.constant 0 : i32
    return %c0_i32, %c0_i32_0 : i32, i32
  }
  func.func @transform_3(%arg0: i32) -> (i32, i32) {
    %c0_i32 = arith.constant 0 : i32
    %c0_i32_0 = arith.constant 0 : i32
    %c0_i32_1 = arith.constant 0 : i32
    return %c0_i32, %c0_i32_0 : i32, i32
  }
  func.func @transform_4(%arg0: i32) -> (i32, i32) {
    %c0_i32 = arith.constant 0 : i32
    %c0_i32_0 = arith.constant 0 : i32
    %c0_i32_1 = arith.constant 0 : i32
    return %c0_i32, %c0_i32_0 : i32, i32
  }
  func.func @transform_5(%arg0: i32) -> (i32, i32) {
    %c0_i32 = arith.constant 0 : i32
    %c0_i32_0 = arith.constant 0 : i32
    return %arg0, %c0_i32 : i32, i32
  }
}

</mosaic_0001>

<sc_bundles>
// kernel: kernel.11.cloned.1.call-start
scs
__scs_entry_jumppad:
0x0: {  	(pc) =	sbr.rel $0x88, $3  }
0x1: {  	(tag) =	ssettag $0x0;
	lr =	simm.s32 $0x1  }
0x2: {  	[smem:$0x3F98] =	sst lr;
	_ =	strace $0xD0000000  }
0x3: {  	_ = 	snop  }
0x4: {  	_ = 	snop  }
0x5: {  	_ = 	snop  }
0x6: {  	_ = 	snop  }
0x7: {  	_ = 	snop  }
__scs_overlays_trampoline_lowered:
0x8: {  	[smem:$0x3FA7] =	sst s0  }
0x9: {  	[smem:$0x3FA8] =	sst s1  }
0xa: {  	[smem:$0x3FA9] =	sst s2  }
0xb: {  	[smem:$0x3FAA] =	sst s3  }
0xc: {  	[smem:$0x3FAB] =	sst s4  }
0xd: {  	[smem:$0x3FAC] =	sst s5  }
0xe: {  	[smem:$0x3FAD] =	sst s6  }
0xf: {  	[smem:$0x3FAE] =	sst s7  }
0x10: {  	[smem:$0x3FAF] =	sst s8  }
0x11: {  	[smem:$0x3FB0] =	sst s9;
	s0 =	simm.s32 @!p0 $0x0  }
0x12: {  	s1 =	sld [smem:$0x3F96];
	s0 =	simm.s32 @p0 $0x1  }
0x13: {  	[smem:$0x3FB1] =	sst s0;
	s0 =	simm.s32 @!p1 $0x0  }
0x14: {  	s2 =	sld [smem:$0x3F95];
	s0 =	simm.s32 @p1 $0x1  }
0x15: {  	[smem:$0x3FB2] =	sst s0;
	s0 =	simm.s32 @!p2 $0x0  }
0x16: {  	s3 =	sld [smem:$0x3FDB];
	s0 =	simm.s32 @p2 $0x1  }
0x17: {  	s4 =	simm.s32 $0x1BF5;
	[smem:$0x3FB4] =	sst s0  }
0x18: {  	s0 =	sld [smem:$0x3F97];
	_ =	swait.ge [sflag:s4], $0x0  }
0x19: {  	s7 =	sld [smem:$0x3F98]  }
0x1a: {  	s8 =	sadd.s32 $0xFFFFE003, lr  }
0x1b: {  	s9 =	sadd.s32 $0xFFFFFEF7, lr;
	s5 =	simm.s32 $0xFFFFFFFF;
	p2 =	slt.u32 s8, $0xFFFFF086  }
0x1c: {  	p1 =	slt.u32 s9, $0xF7A;
	s5 =	simm.s32 @!p2 $0x0  }
0x1d: {  	s5 =	simm.s32 @p1 $0x1;
	p0 =	seq.s32 s7, s2  }
0x1e: {  	s7 =	smul.u32 @!p0 $0xF7A, s2;
	p2 =	seq.s32 @!p0 s5, $0x0  }
0x1f: {  	s9 =	smul.u32 $0xF7A, s1;
	s8 =	simm.s32 @!p0 $0x1BF5;
	p2 =	por !p2, p0  }
0x20: {  	[sflag:s8] =	ssyncset.s32 @!p0 $0xFFFFF086;
	s6 =	sadd.s32 @!p0 s3, s7;
	s7 =	simm.s32 @!p0 $0x108  }
0x21: {  	s3 =	sadd.s32 s3, s9;
	s6 =	sadd.s32 @!p0 $0x88, s6;
	s7 =	simm.s32 @p2 $0x1082  }
0x22: {  	[simem:s7], [sflag:s8] =	dma.local @!p0 [hbm:s6], $0xF7A  }
0x23: {  	s9 =	sor.u32 $0xD0000000, s2;
	s6 =	simm.s32 $0x108;
	_ =	swait.ge @!p0 [sflag:s8], $0x0  }
0x24: {  	s3 =	sadd.s32 $0x88, s3;
	s6 =	simm.s32 @!p1 $0x1082;
	[sflag:s4] =	ssyncset.s32 $0xFFFFF086  }
0x25: {  	[simem:s6], [sflag:s4] =	dma.local [hbm:s3], $0xF7A  }
0x26: {  	[smem:$0x3F98] =	sst s1;
	(tag) =	ssettag s2;
	_ =	strace s9  }
0x27: {  	s1 =	sld [smem:$0x3FA8]  }
0x28: {  	s2 =	sld [smem:$0x3FA9]  }
0x29: {  	s4 =	sld [smem:$0x3FAB]  }
0x2a: {  	p0 =	seq.s32 s5, $0x0;
	s5 =	sld [smem:$0x3FAC]  }
0x2b: {  	s6 =	sld [smem:$0x3FAD]  }
0x2c: {  	s7 =	sld [smem:$0x3FAE]  }
0x2d: {  	s3 =	simm.s32 $0x108;
	s8 =	sld [smem:$0x3FAF]  }
0x2e: {  	s3 =	simm.s32 @!p0 $0x1082;
	s9 =	sld [smem:$0x3FB0]  }
0x2f: {  	lr =	sadd.s32 s0, s3;
	s0 =	sld [smem:$0x3FA7]  }
0x30: {  	s3 =	sld [smem:$0x3FAA]  }
0x31: {  	[smem:$0x3FB3] =	sst s10  }
0x32: {  	s10 =	sld [smem:$0x3FB1];
	_ =	sdelay $0x3  }
0x33: {  	p0 =	seq.s32 s10, $0x1;
	s10 =	sld [smem:$0x3FB3];
	_ =	sdelay $0x3  }
0x34: {  	[smem:$0x3FB3] =	sst s10  }
0x35: {  	s10 =	sld [smem:$0x3FB2];
	_ =	sdelay $0x3  }
0x36: {  	p1 =	seq.s32 s10, $0x1;
	s10 =	sld [smem:$0x3FB3];
	_ =	sdelay $0x3  }
0x37: {  	[smem:$0x3FB3] =	sst s10  }
0x38: {  	s10 =	sld [smem:$0x3FB4]  }
0x39: {  	_ = 	snop;
	(pc) =	sbr.ind lr, $3  }
0x3a: {  	_ = 	snop  }
0x3b: {  	_ = 	snop  }
0x3c: {  	p2 =	seq.s32 s10, $0x1;
	s10 =	sld [smem:$0x3FB3]  }
0x3d: {  	_ =	shalt  }
0x3e: {  	_ =	shalt  }
0x3f: {  	_ =	shalt  }
0x40: {  	_ =	shalt  }
0x41: {  	_ =	shalt  }
0x42: {  	_ =	shalt  }
0x43: {  	_ =	shalt  }
0x44: {  	_ =	shalt  }
0x45: {  	_ =	shalt  }
0x46: {  	_ =	shalt  }
0x47: {  	_ =	shalt  }
0x48: {  	_ =	shalt  }
0x49: {  	_ =	shalt  }
0x4a: {  	_ =	shalt  }
0x4b: {  	_ =	shalt  }
0x4c: {  	_ =	shalt  }
0x4d: {  	_ =	shalt  }
0x4e: {  	_ =	shalt  }
0x4f: {  	_ =	shalt  }
0x50: {  	_ =	shalt  }
0x51: {  	_ =	shalt  }
0x52: {  	_ =	shalt  }
0x53: {  	_ =	shalt  }
0x54: {  	_ =	shalt  }
0x55: {  	_ =	shalt  }
0x56: {  	_ =	shalt  }
0x57: {  	_ =	shalt  }
0x58: {  	_ =	shalt  }
0x59: {  	_ =	shalt  }
0x5a: {  	_ =	shalt  }
0x5b: {  	_ =	shalt  }
0x5c: {  	_ =	shalt  }
0x5d: {  	_ =	shalt  }
0x5e: {  	_ =	shalt  }
0x5f: {  	_ =	shalt  }
0x60: {  	_ =	shalt  }
0x61: {  	_ =	shalt  }
0x62: {  	_ =	shalt  }
0x63: {  	_ =	shalt  }
0x64: {  	_ =	shalt  }
0x65: {  	_ =	shalt  }
0x66: {  	_ =	shalt  }
0x67: {  	_ =	shalt  }
0x68: {  	_ =	shalt  }
0x69: {  	_ =	shalt  }
0x6a: {  	_ =	shalt  }
0x6b: {  	_ =	shalt  }
0x6c: {  	_ =	shalt  }
0x6d: {  	_ =	shalt  }
0x6e: {  	_ =	shalt  }
0x6f: {  	_ =	shalt  }
0x70: {  	_ =	shalt  }
0x71: {  	_ =	shalt  }
0x72: {  	_ =	shalt  }
0x73: {  	_ =	shalt  }
0x74: {  	_ =	shalt  }
0x75: {  	_ =	shalt  }
0x76: {  	_ =	shalt  }
0x77: {  	_ =	shalt  }
0x78: {  	_ =	shalt  }
0x79: {  	_ =	shalt  }
0x7a: {  	_ =	shalt  }
0x7b: {  	_ =	shalt  }
0x7c: {  	_ =	shalt  }
0x7d: {  	_ =	shalt  }
0x7e: {  	_ =	shalt  }
0x7f: {  	_ =	shalt  }
0x80: {  	_ =	shalt  }
0x81: {  	_ =	shalt  }
0x82: {  	_ =	shalt  }
0x83: {  	_ =	shalt  }
0x84: {  	_ =	shalt  }
0x85: {  	_ =	shalt  }
0x86: {  	_ =	shalt  }
0x87: {  	_ =	shalt  }
.Lfunc_end0:
.L_simem_size_0:
called_computation.1_lowered:
.L_overlay_start_0:
0x88: {  	s2 =	sld [smem:$0x3FD9]  }
0x89: {  	s3 =	sld [smem:$0x3FFE];
	_ =	sdelay $0x1  }
0x8a: {  	s1 =	srdreg.scid  }
0x8b: {  	s0 =	sand.u32 $0x1, s1  }
0x8c: {  	s16 =	sshll.u32 s0, $0xA;
	s2 =	sadd.s32 s3, s2  }
0x8d: {  	s2 =	sadd.s32 s2, s16  }
0x8e: {  	[smem:$0x3FBF] =	sst s2  }
0x8f: {  	_ = 	snop  }
0x90: {  	(tm) =	ssettm $0x1  }
0x91: {  	s17 =	sld [smem:$0x3FFB];
	_ =	sdelay $0x3  }
0x92: {  	_ =	strace s17  }
0x93: {  	s2 =	sld [smem:$0x3FFC];
	_ =	sdelay $0x3  }
0x94: {  	_ =	strace s2  }
0x95: {  	s2 =	sld [smem:$0x3FFD];
	_ =	sdelay $0x3  }
0x96: {  	_ =	strace s2  }
0x97: {  	_ =	strace $0x8FFFFFFF  }
0x98: {  	s18 =	sld [smem:$0x3FDB];
	_ =	sdelay $0x1  }
0x99: {  	s19 =	simm.s32 $_scs_section_size  }
0x9a: {  	s4 =	simm.s32 $_size__tile_overlayer_lowered;
	s5 =	simm.s32 $_tile_overlayer_lowered  }
0x9b: {  	s22 =	simm.s32 $0x1BFF;
	s21 =	sshll.u32 s5, $0x1;
	s2 =	sadd.s32 s19, s18  }
0x9c: {  	s6 =	simm.s32 $0x0;
	s20 =	sshll.u32 s4, $0x1;
	s4 =	sadd.s32 s21, s2  }
0x9d: {  	[timem:s6], [sflag:s22] =	dma.local [hbm:s4], s20  }
0x9e: {  	_ =	swait.ge [sflag:s22], s20  }
0x9f: {  	s3 =	ssub.s32 $0x0, s20;
	[sflag:s22] =	ssyncset.done $0x0  }
0xa0: {  	[sflag:s22] =	ssyncadd.s32 s3;
	_ =	sdelay $0x1  }
0xa1: {  	s23 =	simm.s32 $0x1B8B  }
0xa2: {  	_ =	swait.ge [sflag:s23], $0x1  }
0xa3: {  	[sflag:s23] =	ssyncset.done $0x0  }
0xa4: {  	s25 =	simm.s32 $0x1B8E;
	s24 =	sld [smem:$0x3FFE];
	[sflag:s23] =	ssyncadd.s32 $0xFFFFFFFF  }
0xa5: {  	s26 =	simm.s32 $execute0_lowered;
	[smem:$0x3FD2] =	sst s25  }
0xa6: {  	s4 =	sshll.u32 s26, $0x1;
	_ =	strace $0x80000049;
	[dreg:$0x1] =	wrdreg $0xFFFFFFFF  }
0xa7: {  	s28 =	simm.s32 $_size_execute0_lowered;
	s2 =	sadd.s32 s2, s4;
	[dreg:$0x0] =	wrdreg $0x0  }
0xa8: {  	s4 =	sshll.u32 s28, $0x1;
	[dreg:$0x2] =	wrdreg s2  }
0xa9: {  	[dreg:$0x3] =	wrdreg s4  }
0xaa: {  	[dreg:$0x4] =	wrdreg $0xC0  }
0xab: {  	_ =	task [dreg:s6], $0x5FFFF  }
0xac: {  	[dreg:$0x1] =	wrdreg $0xFFFFFFFF  }
0xad: {  	[dreg:$0x0] =	wrdreg $0x60  }
0xae: {  	[dreg:$0x2] =	wrdreg s24  }
0xaf: {  	[dreg:$0x3] =	wrdreg $0xA8000  }
0xb0: {  	[dreg:$0x4] =	wrdreg $0x9  }
0xb1: {  	_ =	task.clear_ibuf [dreg:s6], $0x5FFFF;
	_ =	strace $0x90000049  }
0xb2: {  	s29 =	simm.s32 $0x9;
	_ =	strace $0x8000004B  }
0xb3: {  	_ =	swait.ge [sflag:s29], $0x1  }
0xb4: {  	[sflag:s29] =	ssyncadd.s32 $0xFFFFFFFF  }
0xb5: {  	_ =	strace $0x9000004B  }
0xb6: {  	_ =	sfence  }
0xb7: {  	s30 =	sld [smem:$0x0];
	_ =	sdelay $0x2  }
0xb8: {  	s31 =	sshll.u32 s1, $0xD;
	s1 =	sshrl.u32 s1, $0x2  }
0xb9: {  	s3 =	sand.u32 $0x4000, s31;
	s1 =	sadd.s32 s1, s30  }
0xba: {  	s0 =	sor.u32 s3, s0;
	s1 =	sshll.u32 s1, $0x11  }
0xbb: {  	s0 =	sor.u32 s1, s0  }
0xbc: {  	s0 =	sadd.s32 $0x8F2B, s0  }
0xbd: {  	[sflag:s0] =	ssyncadd.remote.s32 $0x1  }
0xbe: {  	_ =	sfence.sel $0xFFFF  }
0xbf: {  	[dreg:$0x0] =	wrdreg $0xFFFFFFFF;
	(pc) =	sbr.abs _section_cstart, $3  }
0xc0: {  	[dreg:$0x1] =	wrdreg $0xFFFFFFFF  }
0xc1: {  	_ =	task.clear_ibuf [dreg:s6], $0x2FFFF;
	_ =	strace $0x9FFFFFFF  }
0xc2: {  	(tm) =	ssettm $0x7FFFFFFF  }
0xc3: {  	_ =	shalt  }
tec
execute0_lowered:
.L_overlay_start_1:
0x0: {  	(tag) =	ssettag $0x1  }
0x1: {  	s0 =	rddreg [dreg:$0x0]  }
0x2: {  	s1 =	rddreg [dreg:$0x1]  }
0x3: {  	s2 =	srdreg.scid;
	s3 =	simm.s32 $0x0;
	s12 =	stileid.u32  }
0x4: {  	s31 =	simm.s32 $0x680;
	s15 =	simm.s32 $0x6;
	s19 =	simm.s32 $0x7  }
0x5: {  	s30 =	simm.s32 $0x8;
	s2 =	sand.u32 $0x1, s2;
	[smem:$0x7FF] =	sst s3  }
0x6: {  	s5 =	smul.u32 $0x14000, s12;
	s8 =	sadd.s32 $0x64000, s0;
	s9 =	sadd.s32 $0x7000, s0  }
0x7: {  	s6 =	smul.u32 $0x50000, s12;
	s10 =	sadd.s32 $0xF000, s0;
	s23 =	sshll.u32 s12, $0x6  }
0x8: {  	s12 =	sshll.u32 s12, $0xB;
	s4 =	smul.u32 $0x140000, s2;
	_ =	strace $0x8000004A  }
0x9: {  	s2 =	ssub.s32 $0x2, s2;
	s13 =	sor.u32 $0x1C11, s23;
	s24 =	sor.u32 $0x10, s12  }
0xa: {  	s25 =	sadd.s32 s8, s12;
	s26 =	sadd.s32 s9, s12;
	[dreg:$0x3] =	wrdreg s31  }
0xb: {  	s28 =	sor.u32 $0x20, s12;
	s23 =	simm.s32 $0x50;
	[dreg:$0x4] =	wrdreg s25  }
0xc: {  	s7 =	sshrl.u32 s2, $0x1;
	s6 =	sshrl.u32 s6, $0x2;
	[dreg:$0x5] =	wrdreg s26  }
0xd: {  	s14 =	sadd.s32 s8, s24;
	s8 =	sadd.s32 s8, s28;
	s25 =	simm.s32 $0xC  }
0xe: {  	s26 =	simm.s32 $0x780;
	[dreg:$0x7] =	wrdreg s13;
	s5 =	sadd.s32 s5, s4  }
0xf: {  	s2 =	ssub.s32 s2, s7;
	s11 =	sadd.s32 s6, s1;
	[dreg:$0x8] =	wrdreg s14  }
0x10: {  	s4 =	sshrl.u32 s4, $0x3;
	[dreg:$0xa] =	wrdreg s8;
	s14 =	simm.s32 $0xB  }
0x11: {  	s5 =	sshrl.u32 s5, $0x3;
	s12 =	sadd.s32 s10, s4;
	s29 =	smax.u32 s2, $0x1  }
0x12: {  	s0 =	sadd.s32 s5, s0;
	s5 =	sadd.s32 s10, s5;
	[dreg:$0xd] =	wrdreg s29  }
0x13: {  	s2 =	simm.s32 $0x4;
	[dreg:$0x6] =	wrdreg s5;
	s5 =	sadd.s32 s9, s24  }
0x14: {  	s4 =	simm.s32 $0x0;
	s0 =	sadd.s32 $0x6C000, s0;
	[dreg:$0x9] =	wrdreg s5  }
0x15: {  	s10 =	simm.s32 $0x11;
	s5 =	sadd.s32 s9, s28;
	[dreg:$0xc] =	wrdreg s0  }
0x16: {  	s9 =	sshrl.u32 s11, $0x3;
	s0 =	simm.s32 $0x9;
	[dreg:$0xb] =	wrdreg s5  }
0x17: {  	s11 =	simm.s32 $0x5;
	s5 =	simm.s32 $0xE;
	[dreg:$0xe] =	wrdreg s9  }
.LBB2_1:
0x18: {  	[dreg:$0xf] =	wrdreg s4  }
0x19: {  	s8 =	rddreg [dreg:$0x6]  }
0x1a: {  	[spmem:s9], [sflag:s13] =	dma.local [hbm:s8], $0x2800  }
0x1b: {  	_ =	swait.ge [sflag:s10], $0x2800  }
0x1c: {  	[sflag:s10] =	ssyncset.done $0x0  }
0x1d: {  	[sflag:s10] =	ssyncadd.s32 $0xFFFFD800  }
0x1e: {  	[bflag:$0x0] =	sbarrier.arrive $0xFFFF  }
0x1f: {  	s6 =	rddreg [dreg:$0x4]  }
0x20: {  	[tilespmem:s3], [sflag:$0x1] =	stream.linear.gather [hbm4b:s6+s3], $0x80, $0x38;
	[tilespmem:$0x1E800] =	vst v63  }
0x21: {  	s9 =	simm.s32 $0x400;
	s7 =	rddreg [dreg:$0x5]  }
0x22: {  	[tilespmem:s9], [sflag:$0x1] =	stream.linear.gather [hbm4b:s7+s3], $0x80, $0x38;
	[tilespmem:$0x1E800] =	vst v63  }
0x23: {  	s18 =	simm.s32 $0x80;
	s17 =	rddreg [dreg:$0x8]  }
0x24: {  	[tilespmem:s18], [sflag:$0x2] =	stream.linear.gather [hbm4b:s17+s3], $0x80, $0x38;
	[tilespmem:$0x1E800] =	vst v63  }
0x25: {  	s21 =	rddreg [dreg:$0x9];
	s17 =	simm.s32 $0x480  }
0x26: {  	[tilespmem:s17], [sflag:$0x2] =	stream.linear.gather [hbm4b:s21+s3], $0x80, $0x38;
	[tilespmem:$0x1E800] =	vst v63  }
0x27: {  	s24 =	simm.s32 $0x100;
	s22 =	rddreg [dreg:$0xa]  }
0x28: {  	[tilespmem:s24], [sflag:$0x3] =	stream.linear.gather [hbm4b:s22+s3], $0x80, $0x38;
	[tilespmem:$0x1E800] =	vst v63  }
0x29: {  	s20 =	simm.s32 $0x500;
	s29 =	simm.s32 $0x1;
	s28 =	rddreg [dreg:$0xb]  }
0x2a: {  	[tilespmem:s20], [sflag:$0x3] =	stream.linear.gather [hbm4b:s28+s3], $0x80, $0x38;
	[tilespmem:$0x1E800] =	vst v63  }
0x2b: {  	_ =	swait.ge [sflag:s29], $0x80  }
0x2c: {  	[sflag:s29] =	ssyncset.done $0x0  }
0x2d: {  	[sflag:s29] =	ssyncadd.s32 $0xFFFFFF80  }
0x2e: {  	_ =	swait.ge [sflag:s29], $0x80  }
0x2f: {  	[sflag:s29] =	ssyncset.done $0x0  }
0x30: {  	s4 =	simm.s32 $0x2;
	s21 =	simm.s32 $0x800;
	[sflag:s29] =	ssyncadd.s32 $0xFFFFFF80  }
0x31: {  	[tilespmem:s21], [sflag:$0x9] =	stream.indirect.gather [hbm4b:s12+s23], $0x80, s3, s23, $0xb8;
	[tilespmem:$0x1E800] =	vst v63  }
0x32: {  	_ =	swait.ge [sflag:s4], $0x80  }
0x33: {  	[sflag:s4] =	ssyncset.done $0x0  }
0x34: {  	[sflag:s4] =	ssyncadd.s32 $0xFFFFFF80  }
0x35: {  	p0 =	por $0x1, $0x1;
	_ =	swait.ge [sflag:s4], $0x80  }
0x36: {  	p0 =	por p0, p0;
	[sflag:s4] =	ssyncset.done $0x0  }
0x37: {  	s8 =	simm.s32 @!p0 $0xF;
	s22 =	simm.s32 $0x3000;
	[sflag:s4] =	ssyncadd.s32 $0xFFFFFF80  }
0x38: {  	[tilespmem:s22], [sflag:$0xA] =	stream.indirect.gather [hbm4b:s12+s23], $0x80, s18, s23, $0xb8;
	[tilespmem:$0x1E800] =	vst v63  }
0x39: {  	_ =	swait.ge @!p0 [sflag:s8], $0x2800  }
0x3a: {  	[sflag:s8] =	ssyncset.done @!p0 $0x0  }
0x3b: {  	s16 =	simm.s32 $0x3;
	[sflag:s8] =	ssyncadd.s32 @!p0 $0xFFFFD800  }
0x3c: {  	_ =	swait.ge [sflag:s16], $0x80  }
0x3d: {  	[sflag:s16] =	ssyncset.done $0x0  }
0x3e: {  	[sflag:s16] =	ssyncadd.s32 $0xFFFFFF80  }
0x3f: {  	_ =	swait.ge [sflag:s16], $0x80  }
0x40: {  	[sflag:s16] =	ssyncset.done $0x0  }
0x41: {  	s4 =	simm.s32 $0x5800;
	s8 =	sadd.s32 $0x0, s6;
	[sflag:s16] =	ssyncadd.s32 $0xFFFFFF80  }
0x42: {  	[tilespmem:s4], [sflag:$0xB] =	stream.indirect.gather [hbm4b:s12+s23], $0x80, s24, s23, $0xb8;
	[tilespmem:$0x1E800] =	vst v63  }
0x43: {  	s13 =	sadd.s32 $0x0, s7;
	s18 =	simm.s32 $0x180;
	s16 =	sadd.s32 $0x30, s8  }
0x44: {  	[tilespmem:s18], [sflag:$0x4] =	stream.linear.gather [hbm4b:s16+s3], $0x80, $0x38;
	[tilespmem:$0x1E800] =	vst v63  }
0x45: {  	s29 =	sadd.s32 $0x30, s13;
	s24 =	simm.s32 $0x580  }
0x46: {  	[tilespmem:s24], [sflag:$0x4] =	stream.linear.gather [hbm4b:s29+s3], $0x80, $0x38;
	[tilespmem:$0x1E800] =	vst v63  }
0x47: {  	_ =	swait.ge [sflag:s0], $0x2800  }
0x48: {  	[sflag:s0] =	ssyncset.done $0x0  }
0x49: {  	s16 =	simm.s32 @!p0 $0x10;
	[sflag:s0] =	ssyncadd.s32 $0xFFFFD800  }
0x4a: {  	[spmem:s1] =	stream.indirect.scatter.add.f32 [tilespmem:s21], [sflag:$0xD], $0x80, s9, s23, $0xb8;
	[tilespmem:$0x1E800] =	vst v63  }
0x4b: {  	_ =	swait.ge @!p0 [sflag:s16], $0x2800  }
0x4c: {  	[sflag:s16] =	ssyncset.done @!p0 $0x0  }
0x4d: {  	[sflag:s16] =	ssyncadd.s32 @!p0 $0xFFFFD800  }
0x4e: {  	_ =	swait.ge [sflag:s2], $0x80  }
0x4f: {  	[sflag:s2] =	ssyncset.done $0x0  }
0x50: {  	[sflag:s2] =	ssyncadd.s32 $0xFFFFFF80  }
0x51: {  	_ =	swait.ge [sflag:s2], $0x80  }
0x52: {  	[sflag:s2] =	ssyncset.done $0x0  }
0x53: {  	s28 =	simm.s32 $0x8000;
	[sflag:s2] =	ssyncadd.s32 $0xFFFFFF80  }
0x54: {  	[tilespmem:s28], [sflag:$0xC] =	stream.indirect.gather [hbm4b:s12+s23], $0x80, s18, s23, $0xb8;
	[tilespmem:$0x1E800] =	vst v63  }
0x55: {  	s9 =	simm.s32 $0x200;
	s18 =	sadd.s32 $0x40, s8  }
0x56: {  	[tilespmem:s9], [sflag:$0x5] =	stream.linear.gather [hbm4b:s18+s3], $0x80, $0x38;
	[tilespmem:$0x1E800] =	vst v63  }
0x57: {  	s10 =	simm.s32 $0x600;
	s29 =	sadd.s32 $0x40, s13;
	s18 =	simm.s32 $0xA  }
0x58: {  	[tilespmem:s10], [sflag:$0x5] =	stream.linear.gather [hbm4b:s29+s3], $0x80, $0x38;
	[tilespmem:$0x1E800] =	vst v63  }
0x59: {  	_ =	swait.ge [sflag:s18], $0x2800  }
0x5a: {  	[sflag:s18] =	ssyncset.done $0x0  }
0x5b: {  	s29 =	simm.s32 $0xD;
	[sflag:s18] =	ssyncadd.s32 $0xFFFFD800  }
0x5c: {  	[spmem:s1] =	stream.indirect.scatter.add.f32 [tilespmem:s22], [sflag:$0xE], $0x80, s17, s23, $0xb8;
	[tilespmem:$0x1E800] =	vst v63  }
0x5d: {  	_ =	swait.ge [sflag:s29], $0x2800  }
0x5e: {  	[sflag:s29] =	ssyncset.done $0x0  }
0x5f: {  	[sflag:s29] =	ssyncadd.s32 $0xFFFFD800  }
0x60: {  	_ =	swait.ge [sflag:s11], $0x80  }
0x61: {  	[sflag:s11] =	ssyncset.done $0x0  }
0x62: {  	[sflag:s11] =	ssyncadd.s32 $0xFFFFFF80  }
0x63: {  	_ =	swait.ge [sflag:s11], $0x80  }
0x64: {  	[sflag:s11] =	ssyncset.done $0x0  }
0x65: {  	[sflag:s11] =	ssyncadd.s32 $0xFFFFFF80  }
0x66: {  	[tilespmem:s21], [sflag:$0x9] =	stream.indirect.gather [hbm4b:s12+s23], $0x80, s9, s23, $0xb8;
	[tilespmem:$0x1E800] =	vst v63  }
0x67: {  	s17 =	sadd.s32 $0x50, s8;
	s29 =	simm.s32 $0x280  }
0x68: {  	[tilespmem:s29], [sflag:$0x6] =	stream.linear.gather [hbm4b:s17+s3], $0x80, $0x38;
	[tilespmem:$0x1E800] =	vst v63  }
0x69: {  	s18 =	rddreg [dreg:$0x3];
	s17 =	sadd.s32 $0x50, s13  }
0x6a: {  	[tilespmem:s18], [sflag:$0x6] =	stream.linear.gather [hbm4b:s17+s3], $0x80, $0x38;
	[tilespmem:$0x1E800] =	vst v63  }
0x6b: {  	_ =	swait.ge [sflag:s14], $0x2800  }
0x6c: {  	[sflag:s14] =	ssyncset.done $0x0  }
0x6d: {  	[sflag:s14] =	ssyncadd.s32 $0xFFFFD800  }
0x6e: {  	[spmem:s1] =	stream.indirect.scatter.add.f32 [tilespmem:s4], [sflag:$0xF], $0x80, s20, s23, $0xb8;
	[tilespmem:$0x1E800] =	vst v63  }
0x6f: {  	_ =	swait.ge [sflag:s5], $0x2800  }
0x70: {  	[sflag:s5] =	ssyncset.done $0x0  }
0x71: {  	[sflag:s5] =	ssyncadd.s32 $0xFFFFD800  }
0x72: {  	_ =	swait.ge [sflag:s15], $0x80  }
0x73: {  	[sflag:s15] =	ssyncset.done $0x0  }
0x74: {  	[sflag:s15] =	ssyncadd.s32 $0xFFFFFF80  }
0x75: {  	_ =	swait.ge [sflag:s15], $0x80  }
0x76: {  	[sflag:s15] =	ssyncset.done $0x0  }
0x77: {  	[sflag:s15] =	ssyncadd.s32 $0xFFFFFF80  }
0x78: {  	[tilespmem:s22], [sflag:$0xA] =	stream.indirect.gather [hbm4b:s12+s23], $0x80, s29, s23, $0xb8;
	[tilespmem:$0x1E800] =	vst v63  }
0x79: {  	s22 =	sadd.s32 $0x60, s8;
	s29 =	simm.s32 $0x300  }
0x7a: {  	[tilespmem:s29], [sflag:$0x7] =	stream.linear.gather [hbm4b:s22+s3], $0x80, $0x38;
	[tilespmem:$0x1E800] =	vst v63  }
0x7b: {  	s18 =	sadd.s32 $0x60, s13;
	s17 =	simm.s32 $0x700  }
0x7c: {  	[tilespmem:s17], [sflag:$0x7] =	stream.linear.gather [hbm4b:s18+s3], $0x80, $0x38;
	[tilespmem:$0x1E800] =	vst v63  }
0x7d: {  	_ =	swait.ge [sflag:s25], $0x2800  }
0x7e: {  	[sflag:s25] =	ssyncset.done $0x0  }
0x7f: {  	s20 =	simm.s32 $0xF;
	[sflag:s25] =	ssyncadd.s32 $0xFFFFD800  }
0x80: {  	[spmem:s1] =	stream.indirect.scatter.add.f32 [tilespmem:s28], [sflag:$0x10], $0x80, s24, s23, $0xb8;
	[tilespmem:$0x1E800] =	vst v63  }
0x81: {  	_ =	swait.ge [sflag:s20], $0x2800  }
0x82: {  	[sflag:s20] =	ssyncset.done $0x0  }
0x83: {  	[sflag:s20] =	ssyncadd.s32 $0xFFFFD800  }
0x84: {  	_ =	swait.ge [sflag:s19], $0x80  }
0x85: {  	[sflag:s19] =	ssyncset.done $0x0  }
0x86: {  	[sflag:s19] =	ssyncadd.s32 $0xFFFFFF80  }
0x87: {  	_ =	swait.ge [sflag:s19], $0x80  }
0x88: {  	[sflag:s19] =	ssyncset.done $0x0  }
0x89: {  	[sflag:s19] =	ssyncadd.s32 $0xFFFFFF80  }
0x8a: {  	[tilespmem:s4], [sflag:$0xB] =	stream.indirect.gather [hbm4b:s12+s23], $0x80, s29, s23, $0xb8;
	[tilespmem:$0x1E800] =	vst v63  }
0x8b: {  	s8 =	sadd.s32 $0x70, s8;
	s22 =	simm.s32 $0x380  }
0x8c: {  	[tilespmem:s22], [sflag:$0x8] =	stream.linear.gather [hbm4b:s8+s3], $0x80, $0x38;
	[tilespmem:$0x1E800] =	vst v63  }
0x8d: {  	s24 =	sadd.s32 $0x70, s13  }
0x8e: {  	[tilespmem:s26], [sflag:$0x8] =	stream.linear.gather [hbm4b:s24+s3], $0x80, $0x38;
	[tilespmem:$0x1E800] =	vst v63  }
0x8f: {  	_ =	swait.ge [sflag:s0], $0x2800  }
0x90: {  	[sflag:s0] =	ssyncset.done $0x0  }
0x91: {  	s29 =	simm.s32 $0x10;
	[sflag:s0] =	ssyncadd.s32 $0xFFFFD800  }
0x92: {  	[spmem:s1] =	stream.indirect.scatter.add.f32 [tilespmem:s21], [sflag:$0xD], $0x80, s10, s23, $0xb8;
	[tilespmem:$0x1E800] =	vst v63  }
0x93: {  	_ =	swait.ge [sflag:s29], $0x2800  }
0x94: {  	[sflag:s29] =	ssyncset.done $0x0  }
0x95: {  	[sflag:s29] =	ssyncadd.s32 $0xFFFFD800  }
0x96: {  	_ =	swait.ge [sflag:s30], $0x80  }
0x97: {  	[sflag:s30] =	ssyncset.done $0x0  }
0x98: {  	[sflag:s30] =	ssyncadd.s32 $0xFFFFFF80  }
0x99: {  	_ =	swait.ge [sflag:s30], $0x80  }
0x9a: {  	p0 =	por $0x0, $0x0;
	[sflag:s30] =	ssyncset.done $0x0  }
0x9b: {  	s8 =	simm.s32 @p0 $0xA;
	[sflag:s30] =	ssyncadd.s32 $0xFFFFFF80  }
0x9c: {  	[tilespmem:s28], [sflag:$0xC] =	stream.indirect.gather [hbm4b:s12+s23], $0x80, s22, s23, $0xb8;
	[tilespmem:$0x1E800] =	vst v63  }
0x9d: {  	_ =	swait.ge @p0 [sflag:s8], $0x2800  }
0x9e: {  	s16 =	simm.s32 @p0 $0x50;
	s18 =	simm.s32 @p0 $0x680;
	[sflag:s8] =	ssyncset.done @p0 $0x0  }
0x9f: {  	s13 =	simm.s32 @p0 $0x3000;
	[sflag:s8] =	ssyncadd.s32 @p0 $0xFFFFD800;
	s8 =	simm.s32 @p0 $0xD  }
0xa0: {  	[spmem:s1] =	stream.indirect.scatter.add.f32 @p0 [tilespmem:s13], [sflag:$0xE], $0x80, s18, s16, $0xb8;
	[tilespmem:$0x1E800] =	vst v63  }
0xa1: {  	_ =	swait.ge @p0 [sflag:s8], $0x2800  }
0xa2: {  	s20 =	simm.s32 @!p0 $0x0;
	s13 =	sadd.s32 @!p0 $0x0, s6;
	[sflag:s8] =	ssyncset.done @p0 $0x0  }
0xa3: {  	s16 =	sadd.s32 @!p0 $0x0, s7;
	s18 =	sadd.s32 @!p0 $0x80, s13;
	[sflag:s8] =	ssyncadd.s32 @p0 $0xFFFFD800  }
0xa4: {  	[tilespmem:s20], [sflag:$0x1] =	stream.linear.gather @!p0 [hbm4b:s18+s20], $0x80, $0x38;
	[tilespmem:$0x1E800] =	vst v63  }
0xa5: {  	s22 =	simm.s32 @!p0 $0xA;
	s8 =	sadd.s32 @!p0 $0x80, s16;
	s18 =	simm.s32 @!p0 $0x400  }
0xa6: {  	[tilespmem:s18], [sflag:$0x1] =	stream.linear.gather @!p0 [hbm4b:s8+s20], $0x80, $0x38;
	[tilespmem:$0x1E800] =	vst v63  }
0xa7: {  	_ =	swait.ge @!p0 [sflag:s22], $0x2800  }
0xa8: {  	s31 =	simm.s32 @!p0 $0x680;
	s6 =	simm.s32 @!p0 $0x3000;
	[sflag:s22] =	ssyncset.done @!p0 $0x0  }
0xa9: {  	s18 =	simm.s32 @!p0 $0x50;
	[sflag:s22] =	ssyncadd.s32 @!p0 $0xFFFFD800;
	s22 =	simm.s32 @!p0 $0xD  }
0xaa: {  	[spmem:s1] =	stream.indirect.scatter.add.f32 @!p0 [tilespmem:s6], [sflag:$0xE], $0x80, s31, s18, $0xb8;
	[tilespmem:$0x1E800] =	vst v63  }
0xab: {  	_ =	swait.ge @!p0 [sflag:s22], $0x2800  }
0xac: {  	[sflag:s22] =	ssyncset.done @!p0 $0x0  }
0xad: {  	s31 =	simm.s32 @!p0 $0x1;
	[sflag:s22] =	ssyncadd.s32 @!p0 $0xFFFFD800  }
0xae: {  	_ =	swait.ge @!p0 [sflag:s31], $0x80  }
0xaf: {  	[sflag:s31] =	ssyncset.done @!p0 $0x0  }
0xb0: {  	[sflag:s31] =	ssyncadd.s32 @!p0 $0xFFFFFF80  }
0xb1: {  	_ =	swait.ge @!p0 [sflag:s31], $0x80  }
0xb2: {  	[sflag:s31] =	ssyncset.done @!p0 $0x0  }
0xb3: {  	s22 =	simm.s32 @!p0 $0x800;
	[sflag:s31] =	ssyncadd.s32 @!p0 $0xFFFFFF80  }
0xb4: {  	[tilespmem:s22], [sflag:$0x9] =	stream.indirect.gather @!p0 [hbm4b:s12+s18], $0x80, s20, s18, $0xb8;
	[tilespmem:$0x1E800] =	vst v63  }
0xb5: {  	s31 =	simm.s32 @!p0 $0x80;
	s22 =	sadd.s32 @!p0 $0x90, s13  }
0xb6: {  	[tilespmem:s31], [sflag:$0x2] =	stream.linear.gather @!p0 [hbm4b:s22+s20], $0x80, $0x38;
	[tilespmem:$0x1E800] =	vst v63  }
0xb7: {  	s8 =	simm.s32 @!p0 $0x480;
	s22 =	sadd.s32 @!p0 $0x90, s16  }
0xb8: {  	[tilespmem:s8], [sflag:$0x2] =	stream.linear.gather @!p0 [hbm4b:s22+s20], $0x80, $0x38;
	[tilespmem:$0x1E800] =	vst v63  }
0xb9: {  	_ =	swait.ge [sflag:s14], $0x2800  }
0xba: {  	[sflag:s14] =	ssyncset.done $0x0  }
0xbb: {  	[sflag:s14] =	ssyncadd.s32 $0xFFFFD800  }
0xbc: {  	[spmem:s1] =	stream.indirect.scatter.add.f32 [tilespmem:s4], [sflag:$0xF], $0x80, s17, s23, $0xb8;
	[tilespmem:$0x1E800] =	vst v63  }
0xbd: {  	_ =	swait.ge [sflag:s5], $0x2800  }
0xbe: {  	[sflag:s5] =	ssyncset.done $0x0  }
0xbf: {  	s8 =	simm.s32 @!p0 $0x2;
	[sflag:s5] =	ssyncadd.s32 $0xFFFFD800  }
0xc0: {  	_ =	swait.ge @!p0 [sflag:s8], $0x80  }
0xc1: {  	[sflag:s8] =	ssyncset.done @!p0 $0x0  }
0xc2: {  	[sflag:s8] =	ssyncadd.s32 @!p0 $0xFFFFFF80  }
0xc3: {  	_ =	swait.ge @!p0 [sflag:s8], $0x80  }
0xc4: {  	[sflag:s8] =	ssyncset.done @!p0 $0x0  }
0xc5: {  	[sflag:s8] =	ssyncadd.s32 @!p0 $0xFFFFFF80  }
0xc6: {  	[tilespmem:s6], [sflag:$0xA] =	stream.indirect.gather @!p0 [hbm4b:s12+s18], $0x80, s31, s18, $0xb8;
	[tilespmem:$0x1E800] =	vst v63  }
0xc7: {  	s8 =	sadd.s32 @!p0 $0xA0, s13;
	s13 =	simm.s32 @!p0 $0x100  }
0xc8: {  	[tilespmem:s13], [sflag:$0x3] =	stream.linear.gather @!p0 [hbm4b:s8+s20], $0x80, $0x38;
	[tilespmem:$0x1E800] =	vst v63  }
0xc9: {  	p1 =	por $0x0, $0x0;
	s8 =	sadd.s32 @!p0 $0xA0, s16;
	s13 =	simm.s32 @!p0 $0x500  }
0xca: {  	[tilespmem:s13], [sflag:$0x3] =	stream.linear.gather @!p0 [hbm4b:s8+s20], $0x80, $0x38;
	[tilespmem:$0x1E800] =	vst v63  }
0xcb: {  	s31 =	simm.s32 $0x80;
	p0 =	por p1, p1;
	_ =	swait.ge [sflag:s25], $0x2800  }
0xcc: {  	s18 =	simm.s32 $0x100;
	s13 =	simm.s32 @!p0 $0xF;
	[sflag:s25] =	ssyncset.done $0x0  }
.LBB2_2:
0xcd: {  	[sflag:s25] =	ssyncadd.s32 $0xFFFFD800;
	s6 =	simm.s32 $0x780;
	s28 =	simm.s32 $0x8000  }
0xce: {  	[spmem:s1] =	stream.indirect.scatter.add.f32 [tilespmem:s28], [sflag:$0x10], $0x80, s6, s23, $0xb8;
	[tilespmem:$0x1E800] =	vst v63  }
0xcf: {  	_ =	swait.ge @!p0 [sflag:s13], $0x2800  }
0xd0: {  	[sflag:s13] =	ssyncset.done @!p0 $0x0  }
0xd1: {  	s4 =	simm.s32 $0x3;
	[sflag:s13] =	ssyncadd.s32 @!p0 $0xFFFFD800  }
0xd2: {  	_ =	swait.ge [sflag:s4], $0x80  }
0xd3: {  	[sflag:s4] =	ssyncset.done $0x0  }
0xd4: {  	[sflag:s4] =	ssyncadd.s32 $0xFFFFFF80  }
0xd5: {  	_ =	swait.ge [sflag:s4], $0x80  }
0xd6: {  	s7 =	rddreg [dreg:$0x4]  }
0xd7: {  	s9 =	simm.s32 $0x100;
	[sflag:s4] =	ssyncset.done $0x0;
	s29 =	rddreg [dreg:$0x5]  }
0xd8: {  	[sflag:s4] =	ssyncadd.s32 $0xFFFFFF80;
	s13 =	sadd.s32 s31, s7;
	s4 =	simm.s32 $0x5800  }
0xd9: {  	[tilespmem:s4], [sflag:$0xB] =	stream.indirect.gather [hbm4b:s12+s23], $0x80, s9, s23, $0xb8;
	[tilespmem:$0x1E800] =	vst v63  }
0xda: {  	s17 =	simm.s32 $0x180;
	s16 =	sadd.s32 s31, s29;
	s20 =	sadd.s32 $0x30, s13  }
0xdb: {  	[tilespmem:s17], [sflag:$0x4] =	stream.linear.gather [hbm4b:s20+s3], $0x80, $0x38;
	[tilespmem:$0x1E800] =	vst v63  }
0xdc: {  	s21 =	simm.s32 $0x580;
	s22 =	sadd.s32 $0x30, s16  }
0xdd: {  	[tilespmem:s21], [sflag:$0x4] =	stream.linear.gather [hbm4b:s22+s3], $0x80, $0x38;
	[tilespmem:$0x1E800] =	vst v63  }
0xde: {  	_ =	swait.ge [sflag:s0], $0x2800  }
0xdf: {  	s24 =	simm.s32 $0x400;
	[sflag:s0] =	ssyncset.done $0x0  }
0xe0: {  	s10 =	simm.s32 $0x800;
	s20 =	simm.s32 @!p0 $0x10;
	[sflag:s0] =	ssyncadd.s32 $0xFFFFD800  }
0xe1: {  	[spmem:s1] =	stream.indirect.scatter.add.f32 [tilespmem:s10], [sflag:$0xD], $0x80, s24, s23, $0xb8;
	[tilespmem:$0x1E800] =	vst v63  }
0xe2: {  	_ =	swait.ge @!p0 [sflag:s20], $0x2800  }
0xe3: {  	[sflag:s20] =	ssyncset.done @!p0 $0x0  }
0xe4: {  	[sflag:s20] =	ssyncadd.s32 @!p0 $0xFFFFD800  }
0xe5: {  	_ =	swait.ge [sflag:s2], $0x80  }
0xe6: {  	[sflag:s2] =	ssyncset.done $0x0  }
0xe7: {  	[sflag:s2] =	ssyncadd.s32 $0xFFFFFF80  }
0xe8: {  	_ =	swait.ge [sflag:s2], $0x80  }
0xe9: {  	[sflag:s2] =	ssyncset.done $0x0  }
0xea: {  	[sflag:s2] =	ssyncadd.s32 $0xFFFFFF80  }
0xeb: {  	[tilespmem:s28], [sflag:$0xC] =	stream.indirect.gather [hbm4b:s12+s23], $0x80, s17, s23, $0xb8;
	[tilespmem:$0x1E800] =	vst v63  }
0xec: {  	s26 =	sadd.s32 $0x40, s13;
	s22 =	simm.s32 $0x200  }
0xed: {  	[tilespmem:s22], [sflag:$0x5] =	stream.linear.gather [hbm4b:s26+s3], $0x80, $0x38;
	[tilespmem:$0x1E800] =	vst v63  }
0xee: {  	s9 =	sadd.s32 $0x40, s16;
	s24 =	simm.s32 $0x600;
	s17 =	simm.s32 $0xA  }
0xef: {  	[tilespmem:s24], [sflag:$0x5] =	stream.linear.gather [hbm4b:s9+s3], $0x80, $0x38;
	[tilespmem:$0x1E800] =	vst v63  }
0xf0: {  	_ =	swait.ge [sflag:s17], $0x2800  }
0xf1: {  	s20 =	simm.s32 $0x480;
	[sflag:s17] =	ssyncset.done $0x0  }
0xf2: {  	s26 =	simm.s32 $0xD;
	[sflag:s17] =	ssyncadd.s32 $0xFFFFD800;
	s17 =	simm.s32 $0x3000  }
0xf3: {  	[spmem:s1] =	stream.indirect.scatter.add.f32 [tilespmem:s17], [sflag:$0xE], $0x80, s20, s23, $0xb8;
	[tilespmem:$0x1E800] =	vst v63  }
0xf4: {  	_ =	swait.ge [sflag:s26], $0x2800  }
0xf5: {  	[sflag:s26] =	ssyncset.done $0x0  }
0xf6: {  	[sflag:s26] =	ssyncadd.s32 $0xFFFFD800  }
0xf7: {  	_ =	swait.ge [sflag:s11], $0x80  }
0xf8: {  	[sflag:s11] =	ssyncset.done $0x0  }
0xf9: {  	[sflag:s11] =	ssyncadd.s32 $0xFFFFFF80  }
0xfa: {  	_ =	swait.ge [sflag:s11], $0x80  }
0xfb: {  	[sflag:s11] =	ssyncset.done $0x0  }
0xfc: {  	[sflag:s11] =	ssyncadd.s32 $0xFFFFFF80  }
0xfd: {  	[tilespmem:s10], [sflag:$0x9] =	stream.indirect.gather [hbm4b:s12+s23], $0x80, s22, s23, $0xb8;
	[tilespmem:$0x1E800] =	vst v63  }
0xfe: {  	s9 =	sadd.s32 $0x50, s13;
	s26 =	simm.s32 $0x280  }
0xff: {  	[tilespmem:s26], [sflag:$0x6] =	stream.linear.gather [hbm4b:s9+s3], $0x80, $0x38;
	[tilespmem:$0x1E800] =	vst v63  }
0x100: {  	s22 =	rddreg [dreg:$0x3];
	s9 =	sadd.s32 $0x50, s16  }
0x101: {  	[tilespmem:s22], [sflag:$0x6] =	stream.linear.gather [hbm4b:s9+s3], $0x80, $0x38;
	[tilespmem:$0x1E800] =	vst v63  }
0x102: {  	_ =	swait.ge [sflag:s14], $0x2800  }
0x103: {  	[sflag:s14] =	ssyncset.done $0x0  }
0x104: {  	s22 =	simm.s32 $0x500;
	[sflag:s14] =	ssyncadd.s32 $0xFFFFD800  }
0x105: {  	[spmem:s1] =	stream.indirect.scatter.add.f32 [tilespmem:s4], [sflag:$0xF], $0x80, s22, s23, $0xb8;
	[tilespmem:$0x1E800] =	vst v63  }
0x106: {  	_ =	swait.ge [sflag:s5], $0x2800  }
0x107: {  	[sflag:s5] =	ssyncset.done $0x0  }
0x108: {  	[sflag:s5] =	ssyncadd.s32 $0xFFFFD800  }
0x109: {  	_ =	swait.ge [sflag:s15], $0x80  }
0x10a: {  	[sflag:s15] =	ssyncset.done $0x0  }
0x10b: {  	[sflag:s15] =	ssyncadd.s32 $0xFFFFFF80  }
0x10c: {  	_ =	swait.ge [sflag:s15], $0x80  }
0x10d: {  	[sflag:s15] =	ssyncset.done $0x0  }
0x10e: {  	[sflag:s15] =	ssyncadd.s32 $0xFFFFFF80  }
0x10f: {  	[tilespmem:s17], [sflag:$0xA] =	stream.indirect.gather [hbm4b:s12+s23], $0x80, s26, s23, $0xb8;
	[tilespmem:$0x1E800] =	vst v63  }
0x110: {  	s22 =	simm.s32 $0x300;
	s17 =	sadd.s32 $0x60, s13  }
0x111: {  	[tilespmem:s22], [sflag:$0x7] =	stream.linear.gather [hbm4b:s17+s3], $0x80, $0x38;
	[tilespmem:$0x1E800] =	vst v63  }
0x112: {  	s26 =	simm.s32 $0x700;
	s17 =	sadd.s32 $0x60, s16  }
0x113: {  	[tilespmem:s26], [sflag:$0x7] =	stream.linear.gather [hbm4b:s17+s3], $0x80, $0x38;
	[tilespmem:$0x1E800] =	vst v63  }
0x114: {  	_ =	swait.ge [sflag:s25], $0x2800  }
0x115: {  	[sflag:s25] =	ssyncset.done $0x0  }
0x116: {  	s20 =	simm.s32 $0xF;
	[sflag:s25] =	ssyncadd.s32 $0xFFFFD800  }
0x117: {  	[spmem:s1] =	stream.indirect.scatter.add.f32 [tilespmem:s28], [sflag:$0x10], $0x80, s21, s23, $0xb8;
	[tilespmem:$0x1E800] =	vst v63  }
0x118: {  	_ =	swait.ge [sflag:s20], $0x2800  }
0x119: {  	[sflag:s20] =	ssyncset.done $0x0  }
0x11a: {  	[sflag:s20] =	ssyncadd.s32 $0xFFFFD800  }
0x11b: {  	_ =	swait.ge [sflag:s19], $0x80  }
0x11c: {  	[sflag:s19] =	ssyncset.done $0x0  }
0x11d: {  	[sflag:s19] =	ssyncadd.s32 $0xFFFFFF80  }
0x11e: {  	_ =	swait.ge [sflag:s19], $0x80  }
0x11f: {  	[sflag:s19] =	ssyncset.done $0x0  }
0x120: {  	[sflag:s19] =	ssyncadd.s32 $0xFFFFFF80  }
0x121: {  	[tilespmem:s4], [sflag:$0xB] =	stream.indirect.gather [hbm4b:s12+s23], $0x80, s22, s23, $0xb8;
	[tilespmem:$0x1E800] =	vst v63  }
0x122: {  	s13 =	sadd.s32 $0x70, s13;
	s21 =	simm.s32 $0x380  }
0x123: {  	[tilespmem:s21], [sflag:$0x8] =	stream.linear.gather [hbm4b:s13+s3], $0x80, $0x38;
	[tilespmem:$0x1E800] =	vst v63  }
0x124: {  	s22 =	sadd.s32 $0x70, s16  }
0x125: {  	[tilespmem:s6], [sflag:$0x8] =	stream.linear.gather [hbm4b:s22+s3], $0x80, $0x38;
	[tilespmem:$0x1E800] =	vst v63  }
0x126: {  	_ =	swait.ge [sflag:s0], $0x2800  }
0x127: {  	[sflag:s0] =	ssyncset.done $0x0  }
0x128: {  	[sflag:s0] =	ssyncadd.s32 $0xFFFFD800  }
0x129: {  	[spmem:s1] =	stream.indirect.scatter.add.f32 [tilespmem:s10], [sflag:$0xD], $0x80, s24, s23, $0xb8;
	[tilespmem:$0x1E800] =	vst v63  }
0x12a: {  	s24 =	simm.s32 $0x10  }
0x12b: {  	_ =	swait.ge [sflag:s24], $0x2800  }
0x12c: {  	[sflag:s24] =	ssyncset.done $0x0  }
0x12d: {  	[sflag:s24] =	ssyncadd.s32 $0xFFFFD800  }
0x12e: {  	_ =	swait.ge [sflag:s30], $0x80  }
0x12f: {  	[sflag:s30] =	ssyncset.done $0x0  }
0x130: {  	[sflag:s30] =	ssyncadd.s32 $0xFFFFFF80  }
0x131: {  	p2 =	seq.s32 s18, $0x0;
	_ =	swait.ge [sflag:s30], $0x80  }
0x132: {  	p0 =	por p2, p2;
	p2 =	seq.s32 s31, $0x780;
	[sflag:s30] =	ssyncset.done $0x0  }
0x133: {  	s13 =	simm.s32 @p2 $0xA;
	[sflag:s30] =	ssyncadd.s32 $0xFFFFFF80  }
0x134: {  	[tilespmem:s28], [sflag:$0xC] =	stream.indirect.gather [hbm4b:s12+s23], $0x80, s21, s23, $0xb8;
	[tilespmem:$0x1E800] =	vst v63  }
0x135: {  	_ =	swait.ge @p2 [sflag:s13], $0x2800  }
0x136: {  	s9 =	simm.s32 @p2 $0xD;
	s22 =	simm.s32 @p2 $0x3000;
	[sflag:s13] =	ssyncset.done @p2 $0x0  }
0x137: {  	s24 =	simm.s32 @p2 $0x680;
	s21 =	simm.s32 @p2 $0x50;
	[sflag:s13] =	ssyncadd.s32 @p2 $0xFFFFD800  }
0x138: {  	[spmem:s1] =	stream.indirect.scatter.add.f32 @p2 [tilespmem:s22], [sflag:$0xE], $0x80, s24, s21, $0xb8;
	[tilespmem:$0x1E800] =	vst v63  }
0x139: {  	s8 =	smov.u32 s18;
	s17 =	simm.s32 @!p2 $0xA;
	_ =	swait.ge @p2 [sflag:s9], $0x2800  }
0x13a: {  	s20 =	sadd.s32 @!p2 s31, s29;
	s16 =	sadd.s32 @!p2 s31, s7;
	[sflag:s9] =	ssyncset.done @p2 $0x0  }
0x13b: {  	s31 =	sadd.s32 @!p2 $0x80, s16;
	s13 =	simm.s32 @!p2 $0x0;
	[sflag:s9] =	ssyncadd.s32 @p2 $0xFFFFD800  }
0x13c: {  	[tilespmem:s13], [sflag:$0x1] =	stream.linear.gather @!p2 [hbm4b:s31+s13], $0x80, $0x38;
	[tilespmem:$0x1E800] =	vst v63  }
0x13d: {  	s10 =	sadd.s32 @!p2 $0x80, s20;
	s24 =	sadd.s32 @!p2 $0x90, s20;
	s9 =	simm.s32 @!p2 $0x400  }
0x13e: {  	[tilespmem:s9], [sflag:$0x1] =	stream.linear.gather @!p2 [hbm4b:s10+s13], $0x80, $0x38;
	[tilespmem:$0x1E800] =	vst v63  }
0x13f: {  	s22 =	sadd.s32 @!p2 $0xA0, s20;
	s20 =	simm.s32 @!p2 $0x50;
	_ =	swait.ge @!p2 [sflag:s17], $0x2800  }
0x140: {  	s31 =	smov.u32 s8;
	s8 =	simm.s32 @!p2 $0x3000;
	[sflag:s17] =	ssyncset.done @!p2 $0x0  }
0x141: {  	s9 =	simm.s32 @!p2 $0x680;
	s10 =	simm.s32 @!p2 $0xD;
	[sflag:s17] =	ssyncadd.s32 @!p2 $0xFFFFD800  }
0x142: {  	[spmem:s1] =	stream.indirect.scatter.add.f32 @!p2 [tilespmem:s8], [sflag:$0xE], $0x80, s9, s20, $0xb8;
	[tilespmem:$0x1E800] =	vst v63  }
0x143: {  	_ =	swait.ge @!p2 [sflag:s10], $0x2800  }
0x144: {  	[sflag:s10] =	ssyncset.done @!p2 $0x0  }
0x145: {  	s9 =	simm.s32 @!p2 $0x1;
	[sflag:s10] =	ssyncadd.s32 @!p2 $0xFFFFD800  }
0x146: {  	_ =	swait.ge @!p2 [sflag:s9], $0x80  }
0x147: {  	[sflag:s9] =	ssyncset.done @!p2 $0x0  }
0x148: {  	[sflag:s9] =	ssyncadd.s32 @!p2 $0xFFFFFF80  }
0x149: {  	_ =	swait.ge @!p2 [sflag:s9], $0x80  }
0x14a: {  	[sflag:s9] =	ssyncset.done @!p2 $0x0  }
0x14b: {  	s10 =	simm.s32 @!p2 $0x800;
	[sflag:s9] =	ssyncadd.s32 @!p2 $0xFFFFFF80  }
0x14c: {  	[tilespmem:s10], [sflag:$0x9] =	stream.indirect.gather @!p2 [hbm4b:s12+s20], $0x80, s13, s20, $0xb8;
	[tilespmem:$0x1E800] =	vst v63  }
0x14d: {  	s21 =	sadd.s32 @!p2 $0x90, s16;
	s9 =	simm.s32 @!p2 $0x80  }
0x14e: {  	[tilespmem:s9], [sflag:$0x2] =	stream.linear.gather @!p2 [hbm4b:s21+s13], $0x80, $0x38;
	[tilespmem:$0x1E800] =	vst v63  }
0x14f: {  	s10 =	simm.s32 @!p2 $0x480  }
0x150: {  	[tilespmem:s10], [sflag:$0x2] =	stream.linear.gather @!p2 [hbm4b:s24+s13], $0x80, $0x38;
	[tilespmem:$0x1E800] =	vst v63  }
0x151: {  	_ =	swait.ge [sflag:s14], $0x2800  }
0x152: {  	[sflag:s14] =	ssyncset.done $0x0  }
0x153: {  	[sflag:s14] =	ssyncadd.s32 $0xFFFFD800  }
0x154: {  	[spmem:s1] =	stream.indirect.scatter.add.f32 [tilespmem:s4], [sflag:$0xF], $0x80, s26, s23, $0xb8;
	[tilespmem:$0x1E800] =	vst v63  }
0x155: {  	_ =	swait.ge [sflag:s5], $0x2800  }
0x156: {  	[sflag:s5] =	ssyncset.done $0x0  }
0x157: {  	s10 =	simm.s32 @!p2 $0x2;
	[sflag:s5] =	ssyncadd.s32 $0xFFFFD800  }
0x158: {  	_ =	swait.ge @!p2 [sflag:s10], $0x80  }
0x159: {  	[sflag:s10] =	ssyncset.done @!p2 $0x0  }
0x15a: {  	[sflag:s10] =	ssyncadd.s32 @!p2 $0xFFFFFF80  }
0x15b: {  	_ =	swait.ge @!p2 [sflag:s10], $0x80  }
0x15c: {  	[sflag:s10] =	ssyncset.done @!p2 $0x0  }
0x15d: {  	s18 =	sadd.s32 $0x80, s18;
	[sflag:s10] =	ssyncadd.s32 @!p2 $0xFFFFFF80  }
0x15e: {  	[tilespmem:s8], [sflag:$0xA] =	stream.indirect.gather @!p2 [hbm4b:s12+s20], $0x80, s9, s20, $0xb8;
	[tilespmem:$0x1E800] =	vst v63  }
0x15f: {  	p1 =	sne.s32 s18, $0x800;
	s16 =	sadd.s32 @!p2 $0xA0, s16;
	s10 =	simm.s32 @!p2 $0x100  }
0x160: {  	[tilespmem:s10], [sflag:$0x3] =	stream.linear.gather @!p2 [hbm4b:s16+s13], $0x80, $0x38;
	[tilespmem:$0x1E800] =	vst v63  }
.Ltmp0:
0x161: {  	_ = 	snop;
	(pc) =	sbr.rel @p1 .LBB2_2-.Ltmp0, $4  }
0x162: {  	s8 =	simm.s32 @!p2 $0x500  }
0x163: {  	[tilespmem:s8], [sflag:$0x3] =	stream.linear.gather @!p2 [hbm4b:s22+s13], $0x80, $0x38;
	[tilespmem:$0x1E800] =	vst v63  }
0x164: {  	_ =	swait.ge [sflag:s25], $0x2800  }
0x165: {  	s13 =	simm.s32 @!p0 $0xF;
	[sflag:s25] =	ssyncset.done $0x0  }
0x166: {  	[sflag:s25] =	ssyncadd.s32 $0xFFFFD800;
	s6 =	simm.s32 $0x780;
	s28 =	simm.s32 $0x8000  }
0x167: {  	[spmem:s1] =	stream.indirect.scatter.add.f32 [tilespmem:s28], [sflag:$0x10], $0x80, s6, s23, $0xb8;
	[tilespmem:$0x1E800] =	vst v63  }
0x168: {  	_ =	swait.ge @!p0 [sflag:s13], $0x2800  }
0x169: {  	[sflag:s13] =	ssyncset.done @!p0 $0x0  }
0x16a: {  	s4 =	simm.s32 $0x3;
	[sflag:s13] =	ssyncadd.s32 @!p0 $0xFFFFD800  }
0x16b: {  	_ =	swait.ge [sflag:s4], $0x80  }
0x16c: {  	[sflag:s4] =	ssyncset.done $0x0  }
0x16d: {  	[sflag:s4] =	ssyncadd.s32 $0xFFFFFF80  }
0x16e: {  	_ =	swait.ge [sflag:s4], $0x80  }
0x16f: {  	s7 =	rddreg [dreg:$0x4]  }
0x170: {  	s9 =	simm.s32 $0x100;
	[sflag:s4] =	ssyncset.done $0x0;
	s24 =	rddreg [dreg:$0x5]  }
0x171: {  	[sflag:s4] =	ssyncadd.s32 $0xFFFFFF80;
	s8 =	sadd.s32 s31, s7;
	s4 =	simm.s32 $0x5800  }
0x172: {  	[tilespmem:s4], [sflag:$0xB] =	stream.indirect.gather [hbm4b:s12+s23], $0x80, s9, s23, $0xb8;
	[tilespmem:$0x1E800] =	vst v63  }
0x173: {  	s17 =	simm.s32 $0x180;
	s13 =	sadd.s32 s31, s24;
	s18 =	sadd.s32 $0x30, s8  }
0x174: {  	[tilespmem:s17], [sflag:$0x4] =	stream.linear.gather [hbm4b:s18+s3], $0x80, $0x38;
	[tilespmem:$0x1E800] =	vst v63  }
0x175: {  	s20 =	sadd.s32 $0x30, s13;
	s18 =	simm.s32 $0x580  }
0x176: {  	[tilespmem:s18], [sflag:$0x4] =	stream.linear.gather [hbm4b:s20+s3], $0x80, $0x38;
	[tilespmem:$0x1E800] =	vst v63  }
0x177: {  	_ =	swait.ge [sflag:s0], $0x2800  }
0x178: {  	s10 =	simm.s32 $0x400;
	[sflag:s0] =	ssyncset.done $0x0  }
0x179: {  	s16 =	simm.s32 $0x800;
	s9 =	simm.s32 @!p0 $0x10;
	[sflag:s0] =	ssyncadd.s32 $0xFFFFD800  }
0x17a: {  	[spmem:s1] =	stream.indirect.scatter.add.f32 [tilespmem:s16], [sflag:$0xD], $0x80, s10, s23, $0xb8;
	[tilespmem:$0x1E800] =	vst v63  }
0x17b: {  	_ =	swait.ge @!p0 [sflag:s9], $0x2800  }
0x17c: {  	[sflag:s9] =	ssyncset.done @!p0 $0x0  }
0x17d: {  	[sflag:s9] =	ssyncadd.s32 @!p0 $0xFFFFD800  }
0x17e: {  	_ =	swait.ge [sflag:s2], $0x80  }
0x17f: {  	[sflag:s2] =	ssyncset.done $0x0  }
0x180: {  	[sflag:s2] =	ssyncadd.s32 $0xFFFFFF80  }
0x181: {  	_ =	swait.ge [sflag:s2], $0x80  }
0x182: {  	[sflag:s2] =	ssyncset.done $0x0  }
0x183: {  	[sflag:s2] =	ssyncadd.s32 $0xFFFFFF80  }
0x184: {  	[tilespmem:s28], [sflag:$0xC] =	stream.indirect.gather [hbm4b:s12+s23], $0x80, s17, s23, $0xb8;
	[tilespmem:$0x1E800] =	vst v63  }
0x185: {  	s21 =	sadd.s32 $0x40, s8;
	s10 =	simm.s32 $0x200  }
0x186: {  	[tilespmem:s10], [sflag:$0x5] =	stream.linear.gather [hbm4b:s21+s3], $0x80, $0x38;
	[tilespmem:$0x1E800] =	vst v63  }
0x187: {  	s26 =	simm.s32 $0xA;
	s22 =	sadd.s32 $0x40, s13;
	s20 =	simm.s32 $0x600  }
0x188: {  	[tilespmem:s20], [sflag:$0x5] =	stream.linear.gather [hbm4b:s22+s3], $0x80, $0x38;
	[tilespmem:$0x1E800] =	vst v63  }
0x189: {  	_ =	swait.ge [sflag:s26], $0x2800  }
0x18a: {  	s29 =	simm.s32 $0x480;
	[sflag:s26] =	ssyncset.done $0x0  }
0x18b: {  	s17 =	simm.s32 $0x3000;
	s21 =	simm.s32 $0xD;
	[sflag:s26] =	ssyncadd.s32 $0xFFFFD800  }
0x18c: {  	[spmem:s1] =	stream.indirect.scatter.add.f32 [tilespmem:s17], [sflag:$0xE], $0x80, s29, s23, $0xb8;
	[tilespmem:$0x1E800] =	vst v63  }
0x18d: {  	_ =	swait.ge [sflag:s21], $0x2800  }
0x18e: {  	[sflag:s21] =	ssyncset.done $0x0  }
0x18f: {  	[sflag:s21] =	ssyncadd.s32 $0xFFFFD800  }
0x190: {  	_ =	swait.ge [sflag:s11], $0x80  }
0x191: {  	[sflag:s11] =	ssyncset.done $0x0  }
0x192: {  	[sflag:s11] =	ssyncadd.s32 $0xFFFFFF80  }
0x193: {  	_ =	swait.ge [sflag:s11], $0x80  }
0x194: {  	[sflag:s11] =	ssyncset.done $0x0  }
0x195: {  	[sflag:s11] =	ssyncadd.s32 $0xFFFFFF80  }
0x196: {  	[tilespmem:s16], [sflag:$0x9] =	stream.indirect.gather [hbm4b:s12+s23], $0x80, s10, s23, $0xb8;
	[tilespmem:$0x1E800] =	vst v63  }
0x197: {  	s22 =	sadd.s32 $0x50, s8;
	s21 =	simm.s32 $0x280  }
0x198: {  	[tilespmem:s21], [sflag:$0x6] =	stream.linear.gather [hbm4b:s22+s3], $0x80, $0x38;
	[tilespmem:$0x1E800] =	vst v63  }
0x199: {  	s29 =	sadd.s32 $0x50, s13;
	s26 =	rddreg [dreg:$0x3]  }
0x19a: {  	[tilespmem:s26], [sflag:$0x6] =	stream.linear.gather [hbm4b:s29+s3], $0x80, $0x38;
	[tilespmem:$0x1E800] =	vst v63  }
0x19b: {  	_ =	swait.ge [sflag:s14], $0x2800  }
0x19c: {  	[sflag:s14] =	ssyncset.done $0x0  }
0x19d: {  	s22 =	simm.s32 $0x500;
	[sflag:s14] =	ssyncadd.s32 $0xFFFFD800  }
0x19e: {  	[spmem:s1] =	stream.indirect.scatter.add.f32 [tilespmem:s4], [sflag:$0xF], $0x80, s22, s23, $0xb8;
	[tilespmem:$0x1E800] =	vst v63  }
0x19f: {  	_ =	swait.ge [sflag:s5], $0x2800  }
0x1a0: {  	[sflag:s5] =	ssyncset.done $0x0  }
0x1a1: {  	[sflag:s5] =	ssyncadd.s32 $0xFFFFD800  }
0x1a2: {  	_ =	swait.ge [sflag:s15], $0x80  }
0x1a3: {  	[sflag:s15] =	ssyncset.done $0x0  }
0x1a4: {  	[sflag:s15] =	ssyncadd.s32 $0xFFFFFF80  }
0x1a5: {  	_ =	swait.ge [sflag:s15], $0x80  }
0x1a6: {  	[sflag:s15] =	ssyncset.done $0x0  }
0x1a7: {  	[sflag:s15] =	ssyncadd.s32 $0xFFFFFF80  }
0x1a8: {  	[tilespmem:s17], [sflag:$0xA] =	stream.indirect.gather [hbm4b:s12+s23], $0x80, s21, s23, $0xb8;
	[tilespmem:$0x1E800] =	vst v63  }
0x1a9: {  	s26 =	sadd.s32 $0x60, s8;
	s29 =	simm.s32 $0x300  }
0x1aa: {  	[tilespmem:s29], [sflag:$0x7] =	stream.linear.gather [hbm4b:s26+s3], $0x80, $0x38;
	[tilespmem:$0x1E800] =	vst v63  }
0x1ab: {  	s17 =	sadd.s32 $0x60, s13;
	s21 =	simm.s32 $0x700  }
0x1ac: {  	[tilespmem:s21], [sflag:$0x7] =	stream.linear.gather [hbm4b:s17+s3], $0x80, $0x38;
	[tilespmem:$0x1E800] =	vst v63  }
0x1ad: {  	_ =	swait.ge [sflag:s25], $0x2800  }
0x1ae: {  	[sflag:s25] =	ssyncset.done $0x0  }
0x1af: {  	s22 =	simm.s32 $0xF;
	[sflag:s25] =	ssyncadd.s32 $0xFFFFD800  }
0x1b0: {  	[spmem:s1] =	stream.indirect.scatter.add.f32 [tilespmem:s28], [sflag:$0x10], $0x80, s18, s23, $0xb8;
	[tilespmem:$0x1E800] =	vst v63  }
0x1b1: {  	_ =	swait.ge [sflag:s22], $0x2800  }
0x1b2: {  	[sflag:s22] =	ssyncset.done $0x0  }
0x1b3: {  	[sflag:s22] =	ssyncadd.s32 $0xFFFFD800  }
0x1b4: {  	_ =	swait.ge [sflag:s19], $0x80  }
0x1b5: {  	[sflag:s19] =	ssyncset.done $0x0  }
0x1b6: {  	[sflag:s19] =	ssyncadd.s32 $0xFFFFFF80  }
0x1b7: {  	_ =	swait.ge [sflag:s19], $0x80  }
0x1b8: {  	[sflag:s19] =	ssyncset.done $0x0  }
0x1b9: {  	[sflag:s19] =	ssyncadd.s32 $0xFFFFFF80  }
0x1ba: {  	[tilespmem:s4], [sflag:$0xB] =	stream.indirect.gather [hbm4b:s12+s23], $0x80, s29, s23, $0xb8;
	[tilespmem:$0x1E800] =	vst v63  }
0x1bb: {  	s8 =	sadd.s32 $0x70, s8;
	s18 =	simm.s32 $0x380  }
0x1bc: {  	[tilespmem:s18], [sflag:$0x8] =	stream.linear.gather [hbm4b:s8+s3], $0x80, $0x38;
	[tilespmem:$0x1E800] =	vst v63  }
0x1bd: {  	s26 =	sadd.s32 $0x70, s13  }
0x1be: {  	[tilespmem:s6], [sflag:$0x8] =	stream.linear.gather [hbm4b:s26+s3], $0x80, $0x38;
	[tilespmem:$0x1E800] =	vst v63  }
0x1bf: {  	_ =	swait.ge [sflag:s0], $0x2800  }
0x1c0: {  	[sflag:s0] =	ssyncset.done $0x0  }
0x1c1: {  	s29 =	simm.s32 $0x10;
	[sflag:s0] =	ssyncadd.s32 $0xFFFFD800  }
0x1c2: {  	[spmem:s1] =	stream.indirect.scatter.add.f32 [tilespmem:s16], [sflag:$0xD], $0x80, s20, s23, $0xb8;
	[tilespmem:$0x1E800] =	vst v63  }
0x1c3: {  	_ =	swait.ge [sflag:s29], $0x2800  }
0x1c4: {  	[sflag:s29] =	ssyncset.done $0x0  }
0x1c5: {  	[sflag:s29] =	ssyncadd.s32 $0xFFFFD800  }
0x1c6: {  	_ =	swait.ge [sflag:s30], $0x80  }
0x1c7: {  	[sflag:s30] =	ssyncset.done $0x0  }
0x1c8: {  	[sflag:s30] =	ssyncadd.s32 $0xFFFFFF80  }
0x1c9: {  	_ =	swait.ge [sflag:s30], $0x80  }
0x1ca: {  	p0 =	seq.s32 s31, $0x780;
	[sflag:s30] =	ssyncset.done $0x0  }
0x1cb: {  	s8 =	simm.s32 @p0 $0xA;
	[sflag:s30] =	ssyncadd.s32 $0xFFFFFF80  }
0x1cc: {  	[tilespmem:s28], [sflag:$0xC] =	stream.indirect.gather [hbm4b:s12+s23], $0x80, s18, s23, $0xb8;
	[tilespmem:$0x1E800] =	vst v63  }
0x1cd: {  	_ =	swait.ge @p0 [sflag:s8], $0x2800  }
0x1ce: {  	s9 =	simm.s32 @p0 $0x3000;
	s10 =	simm.s32 @p0 $0x50;
	[sflag:s8] =	ssyncset.done @p0 $0x0  }
0x1cf: {  	s13 =	simm.s32 @p0 $0x680;
	[sflag:s8] =	ssyncadd.s32 @p0 $0xFFFFD800;
	s8 =	simm.s32 @p0 $0xD  }
0x1d0: {  	[spmem:s1] =	stream.indirect.scatter.add.f32 @p0 [tilespmem:s9], [sflag:$0xE], $0x80, s13, s10, $0xb8;
	[tilespmem:$0x1E800] =	vst v63  }
0x1d1: {  	_ =	swait.ge @p0 [sflag:s8], $0x2800  }
0x1d2: {  	s16 =	simm.s32 @!p0 $0x0;
	s9 =	sadd.s32 @!p0 s31, s7;
	[sflag:s8] =	ssyncset.done @p0 $0x0  }
0x1d3: {  	s10 =	sadd.s32 @!p0 s31, s24;
	s13 =	sadd.s32 @!p0 $0x80, s9;
	[sflag:s8] =	ssyncadd.s32 @p0 $0xFFFFD800  }
0x1d4: {  	[tilespmem:s16], [sflag:$0x1] =	stream.linear.gather @!p0 [hbm4b:s13+s16], $0x80, $0x38;
	[tilespmem:$0x1E800] =	vst v63  }
0x1d5: {  	s17 =	simm.s32 @!p0 $0xA;
	s8 =	sadd.s32 @!p0 $0x80, s10;
	s13 =	simm.s32 @!p0 $0x400  }
0x1d6: {  	[tilespmem:s13], [sflag:$0x1] =	stream.linear.gather @!p0 [hbm4b:s8+s16], $0x80, $0x38;
	[tilespmem:$0x1E800] =	vst v63  }
0x1d7: {  	_ =	swait.ge @!p0 [sflag:s17], $0x2800  }
0x1d8: {  	s18 =	simm.s32 @!p0 $0x680;
	s8 =	simm.s32 @!p0 $0x3000;
	[sflag:s17] =	ssyncset.done @!p0 $0x0  }
0x1d9: {  	s13 =	simm.s32 @!p0 $0x50;
	[sflag:s17] =	ssyncadd.s32 @!p0 $0xFFFFD800;
	s17 =	simm.s32 @!p0 $0xD  }
0x1da: {  	[spmem:s1] =	stream.indirect.scatter.add.f32 @!p0 [tilespmem:s8], [sflag:$0xE], $0x80, s18, s13, $0xb8;
	[tilespmem:$0x1E800] =	vst v63  }
0x1db: {  	_ =	swait.ge @!p0 [sflag:s17], $0x2800  }
0x1dc: {  	[sflag:s17] =	ssyncset.done @!p0 $0x0  }
0x1dd: {  	s18 =	simm.s32 @!p0 $0x1;
	[sflag:s17] =	ssyncadd.s32 @!p0 $0xFFFFD800  }
0x1de: {  	_ =	swait.ge @!p0 [sflag:s18], $0x80  }
0x1df: {  	[sflag:s18] =	ssyncset.done @!p0 $0x0  }
0x1e0: {  	[sflag:s18] =	ssyncadd.s32 @!p0 $0xFFFFFF80  }
0x1e1: {  	_ =	swait.ge @!p0 [sflag:s18], $0x80  }
0x1e2: {  	[sflag:s18] =	ssyncset.done @!p0 $0x0  }
0x1e3: {  	s17 =	simm.s32 @!p0 $0x800;
	[sflag:s18] =	ssyncadd.s32 @!p0 $0xFFFFFF80  }
0x1e4: {  	[tilespmem:s17], [sflag:$0x9] =	stream.indirect.gather @!p0 [hbm4b:s12+s13], $0x80, s16, s13, $0xb8;
	[tilespmem:$0x1E800] =	vst v63  }
0x1e5: {  	s18 =	simm.s32 @!p0 $0x80;
	s17 =	sadd.s32 @!p0 $0x90, s9  }
0x1e6: {  	[tilespmem:s18], [sflag:$0x2] =	stream.linear.gather @!p0 [hbm4b:s17+s16], $0x80, $0x38;
	[tilespmem:$0x1E800] =	vst v63  }
0x1e7: {  	s20 =	simm.s32 @!p0 $0x480;
	s17 =	sadd.s32 @!p0 $0x90, s10  }
0x1e8: {  	[tilespmem:s20], [sflag:$0x2] =	stream.linear.gather @!p0 [hbm4b:s17+s16], $0x80, $0x38;
	[tilespmem:$0x1E800] =	vst v63  }
0x1e9: {  	_ =	swait.ge [sflag:s14], $0x2800  }
0x1ea: {  	[sflag:s14] =	ssyncset.done $0x0  }
0x1eb: {  	[sflag:s14] =	ssyncadd.s32 $0xFFFFD800  }
0x1ec: {  	[spmem:s1] =	stream.indirect.scatter.add.f32 [tilespmem:s4], [sflag:$0xF], $0x80, s21, s23, $0xb8;
	[tilespmem:$0x1E800] =	vst v63  }
0x1ed: {  	_ =	swait.ge [sflag:s5], $0x2800  }
0x1ee: {  	[sflag:s5] =	ssyncset.done $0x0  }
0x1ef: {  	s17 =	simm.s32 @!p0 $0x2;
	[sflag:s5] =	ssyncadd.s32 $0xFFFFD800  }
0x1f0: {  	_ =	swait.ge @!p0 [sflag:s17], $0x80  }
0x1f1: {  	[sflag:s17] =	ssyncset.done @!p0 $0x0  }
0x1f2: {  	[sflag:s17] =	ssyncadd.s32 @!p0 $0xFFFFFF80  }
0x1f3: {  	_ =	swait.ge @!p0 [sflag:s17], $0x80  }
0x1f4: {  	[sflag:s17] =	ssyncset.done @!p0 $0x0  }
0x1f5: {  	[sflag:s17] =	ssyncadd.s32 @!p0 $0xFFFFFF80  }
0x1f6: {  	[tilespmem:s8], [sflag:$0xA] =	stream.indirect.gather @!p0 [hbm4b:s12+s13], $0x80, s18, s13, $0xb8;
	[tilespmem:$0x1E800] =	vst v63  }
0x1f7: {  	s8 =	sadd.s32 @!p0 $0xA0, s9;
	s9 =	simm.s32 @!p0 $0x100  }
0x1f8: {  	[tilespmem:s9], [sflag:$0x3] =	stream.linear.gather @!p0 [hbm4b:s8+s16], $0x80, $0x38;
	[tilespmem:$0x1E800] =	vst v63  }
0x1f9: {  	s8 =	sadd.s32 @!p0 $0xA0, s10;
	s9 =	simm.s32 @!p0 $0x500  }
0x1fa: {  	[tilespmem:s9], [sflag:$0x3] =	stream.linear.gather @!p0 [hbm4b:s8+s16], $0x80, $0x38;
	[tilespmem:$0x1E800] =	vst v63  }
0x1fb: {  	_ =	swait.ge [sflag:s25], $0x2800  }
0x1fc: {  	[sflag:s25] =	ssyncset.done $0x0  }
0x1fd: {  	[sflag:s25] =	ssyncadd.s32 $0xFFFFD800  }
0x1fe: {  	[spmem:s1] =	stream.indirect.scatter.add.f32 [tilespmem:s28], [sflag:$0x10], $0x80, s6, s23, $0xb8;
	[tilespmem:$0x1E800] =	vst v63  }
0x1ff: {  	_ =	swait.ge [sflag:s22], $0x2800  }
0x200: {  	[sflag:s22] =	ssyncset.done $0x0  }
0x201: {  	[sflag:s22] =	ssyncadd.s32 $0xFFFFD800  }
0x202: {  	_ =	swait.ge [sflag:s29], $0x2800  }
0x203: {  	[sflag:s29] =	ssyncset.done $0x0  }
0x204: {  	[sflag:s29] =	ssyncadd.s32 $0xFFFFD800  }
0x205: {  	[bflag:$0x0] =	sbarrier.arrive $0xFFFF  }
0x206: {  	s13 =	rddreg [dreg:$0x7]  }
0x207: {  	s28 =	rddreg [dreg:$0xc]  }
0x208: {  	s10 =	simm.s32 $0x11;
	s9 =	rddreg [dreg:$0xe]  }
0x209: {  	[hbm:s28], [sflag:s13] =	dma.local [spmem:s9], $0x2800  }
0x20a: {  	_ =	swait.ge [sflag:s10], $0x2800  }
0x20b: {  	s29 =	rddreg [dreg:$0xf]  }
0x20c: {  	s31 =	rddreg [dreg:$0xd];
	s4 =	sadd.s32 $0x1, s29  }
0x20d: {  	p0 =	sne.s32 s4, s31  }
.Ltmp1:
0x20e: {  	_ = 	snop;
	(pc) =	sbr.rel @p0 .LBB2_1-.Ltmp1, $3  }
0x20f: {  	_ =	sdelay $0x1  }
0x210: {  	[sflag:s10] =	ssyncset.done $0x0  }
0x211: {  	s26 =	simm.s32 $0x780;
	[sflag:s10] =	ssyncadd.s32 $0xFFFFD800  }
0x212: {  	_ =	sfence.sel $0x180000  }
0x213: {  	[bflag:$0x0] =	sbarrier.arrive $0xFFFF  }
0x214: {  	_ =	strace $0x9000004A  }
0x215: {  	s0 =	stileid.u32;
	[bflag:$0x2] =	sbarrier.arrive $0xFFFF  }
0x216: {  	p0 =	sne.s32 s0, $0x0;
	s0 =	rddreg [dreg:$0x2]  }
0x217: {  	s0 =	sadd.s32 @!p0 $0x100000, s0  }
0x218: {  	[sflag:s0] =	ssyncadd.tile.s32 @!p0 $0x1;
	_ =	shalt  }
.Lfunc_end2:
_tile_overlayer_lowered:
.L_overlay_start_2:
0x219: {  	(tag) =	ssettag $0x2  }
0x21a: {  	s0 =	rddreg [dreg:$0x0];
	s2 =	stileid.u32  }
0x21b: {  	s1 =	rddreg [dreg:$0x1];
	p0 =	sne.s32 s2, $0x0  }
0x21c: {  	s3 =	rddreg [dreg:$0x2];
	[bflag:$0x3] =	sbarrier.arrive $0xFFFF;
	s2 =	simm.s32 @!p0 $0x1C11  }
0x21d: {  	[timem:s3], [sflag:s2] =	dma.local @!p0 [hbm:s0], s1  }
0x21e: {  	s0 =	simm.s32 @!p0 $0x11  }
0x21f: {  	_ =	swait.ge @!p0 [sflag:s0], s1  }
0x220: {  	s1 =	ssub.s32 @!p0 $0x0, s1;
	[sflag:s0] =	ssyncset.done @!p0 $0x0  }
0x221: {  	[sflag:s0] =	ssyncadd.s32 @!p0 s1  }
0x222: {  	[bflag:$0x3] =	sbarrier.arrive $0xFFFF  }
0x223: {  	_ =	shalt  }

// kernel: kernel.14.cloned.1.call-start
scs
__scs_entry_jumppad:
0x0: {  	(pc) =	sbr.rel $0x88, $3  }
0x1: {  	(tag) =	ssettag $0x0;
	lr =	simm.s32 $0x1  }
0x2: {  	[smem:$0x3F98] =	sst lr;
	_ =	strace $0xD0000000  }
0x3: {  	_ = 	snop  }
0x4: {  	_ = 	snop  }
0x5: {  	_ = 	snop  }
0x6: {  	_ = 	snop  }
0x7: {  	_ = 	snop  }
__scs_overlays_trampoline_lowered:
0x8: {  	[smem:$0x3FA7] =	sst s0  }
0x9: {  	[smem:$0x3FA8] =	sst s1  }
0xa: {  	[smem:$0x3FA9] =	sst s2  }
0xb: {  	[smem:$0x3FAA] =	sst s3  }
0xc: {  	[smem:$0x3FAB] =	sst s4  }
0xd: {  	[smem:$0x3FAC] =	sst s5  }
0xe: {  	[smem:$0x3FAD] =	sst s6  }
0xf: {  	[smem:$0x3FAE] =	sst s7  }
0x10: {  	[smem:$0x3FAF] =	sst s8  }
0x11: {  	[smem:$0x3FB0] =	sst s9;
	s0 =	simm.s32 @!p0 $0x0  }
0x12: {  	s1 =	sld [smem:$0x3F96];
	s0 =	simm.s32 @p0 $0x1  }
0x13: {  	[smem:$0x3FB1] =	sst s0;
	s0 =	simm.s32 @!p1 $0x0  }
0x14: {  	s2 =	sld [smem:$0x3F95];
	s0 =	simm.s32 @p1 $0x1  }
0x15: {  	[smem:$0x3FB2] =	sst s0;
	s0 =	simm.s32 @!p2 $0x0  }
0x16: {  	s3 =	sld [smem:$0x3FDB];
	s0 =	simm.s32 @p2 $0x1  }
0x17: {  	s4 =	simm.s32 $0x1BF5;
	[smem:$0x3FB4] =	sst s0  }
0x18: {  	s0 =	sld [smem:$0x3F97];
	_ =	swait.ge [sflag:s4], $0x0  }
0x19: {  	s7 =	sld [smem:$0x3F98]  }
0x1a: {  	s8 =	sadd.s32 $0xFFFFE003, lr  }
0x1b: {  	s9 =	sadd.s32 $0xFFFFFEF7, lr;
	s5 =	simm.s32 $0xFFFFFFFF;
	p2 =	slt.u32 s8, $0xFFFFF086  }
0x1c: {  	p1 =	slt.u32 s9, $0xF7A;
	s5 =	simm.s32 @!p2 $0x0  }
0x1d: {  	s5 =	simm.s32 @p1 $0x1;
	p0 =	seq.s32 s7, s2  }
0x1e: {  	s7 =	smul.u32 @!p0 $0xF7A, s2;
	p2 =	seq.s32 @!p0 s5, $0x0  }
0x1f: {  	s9 =	smul.u32 $0xF7A, s1;
	s8 =	simm.s32 @!p0 $0x1BF5;
	p2 =	por !p2, p0  }
0x20: {  	[sflag:s8] =	ssyncset.s32 @!p0 $0xFFFFF086;
	s6 =	sadd.s32 @!p0 s3, s7;
	s7 =	simm.s32 @!p0 $0x108  }
0x21: {  	s3 =	sadd.s32 s3, s9;
	s6 =	sadd.s32 @!p0 $0x88, s6;
	s7 =	simm.s32 @p2 $0x1082  }
0x22: {  	[simem:s7], [sflag:s8] =	dma.local @!p0 [hbm:s6], $0xF7A  }
0x23: {  	s9 =	sor.u32 $0xD0000000, s2;
	s6 =	simm.s32 $0x108;
	_ =	swait.ge @!p0 [sflag:s8], $0x0  }
0x24: {  	s3 =	sadd.s32 $0x88, s3;
	s6 =	simm.s32 @!p1 $0x1082;
	[sflag:s4] =	ssyncset.s32 $0xFFFFF086  }
0x25: {  	[simem:s6], [sflag:s4] =	dma.local [hbm:s3], $0xF7A  }
0x26: {  	[smem:$0x3F98] =	sst s1;
	(tag) =	ssettag s2;
	_ =	strace s9  }
0x27: {  	s1 =	sld [smem:$0x3FA8]  }
0x28: {  	s2 =	sld [smem:$0x3FA9]  }
0x29: {  	s4 =	sld [smem:$0x3FAB]  }
0x2a: {  	p0 =	seq.s32 s5, $0x0;
	s5 =	sld [smem:$0x3FAC]  }
0x2b: {  	s6 =	sld [smem:$0x3FAD]  }
0x2c: {  	s7 =	sld [smem:$0x3FAE]  }
0x2d: {  	s3 =	simm.s32 $0x108;
	s8 =	sld [smem:$0x3FAF]  }
0x2e: {  	s3 =	simm.s32 @!p0 $0x1082;
	s9 =	sld [smem:$0x3FB0]  }
0x2f: {  	lr =	sadd.s32 s0, s3;
	s0 =	sld [smem:$0x3FA7]  }
0x30: {  	s3 =	sld [smem:$0x3FAA]  }
0x31: {  	[smem:$0x3FB3] =	sst s10  }
0x32: {  	s10 =	sld [smem:$0x3FB1];
	_ =	sdelay $0x3  }
0x33: {  	p0 =	seq.s32 s10, $0x1;
	s10 =	sld [smem:$0x3FB3];
	_ =	sdelay $0x3  }
0x34: {  	[smem:$0x3FB3] =	sst s10  }
0x35: {  	s10 =	sld [smem:$0x3FB2];
	_ =	sdelay $0x3  }
0x36: {  	p1 =	seq.s32 s10, $0x1;
	s10 =	sld [smem:$0x3FB3];
	_ =	sdelay $0x3  }
0x37: {  	[smem:$0x3FB3] =	sst s10  }
0x38: {  	s10 =	sld [smem:$0x3FB4]  }
0x39: {  	_ = 	snop;
	(pc) =	sbr.ind lr, $3  }
0x3a: {  	_ = 	snop  }
0x3b: {  	_ = 	snop  }
0x3c: {  	p2 =	seq.s32 s10, $0x1;
	s10 =	sld [smem:$0x3FB3]  }
0x3d: {  	_ =	shalt  }
0x3e: {  	_ =	shalt  }
0x3f: {  	_ =	shalt  }
0x40: {  	_ =	shalt  }
0x41: {  	_ =	shalt  }
0x42: {  	_ =	shalt  }
0x43: {  	_ =	shalt  }
0x44: {  	_ =	shalt  }
0x45: {  	_ =	shalt  }
0x46: {  	_ =	shalt  }
0x47: {  	_ =	shalt  }
0x48: {  	_ =	shalt  }
0x49: {  	_ =	shalt  }
0x4a: {  	_ =	shalt  }
0x4b: {  	_ =	shalt  }
0x4c: {  	_ =	shalt  }
0x4d: {  	_ =	shalt  }
0x4e: {  	_ =	shalt  }
0x4f: {  	_ =	shalt  }
0x50: {  	_ =	shalt  }
0x51: {  	_ =	shalt  }
0x52: {  	_ =	shalt  }
0x53: {  	_ =	shalt  }
0x54: {  	_ =	shalt  }
0x55: {  	_ =	shalt  }
0x56: {  	_ =	shalt  }
0x57: {  	_ =	shalt  }
0x58: {  	_ =	shalt  }
0x59: {  	_ =	shalt  }
0x5a: {  	_ =	shalt  }
0x5b: {  	_ =	shalt  }
0x5c: {  	_ =	shalt  }
0x5d: {  	_ =	shalt  }
0x5e: {  	_ =	shalt  }
0x5f: {  	_ =	shalt  }
0x60: {  	_ =	shalt  }
0x61: {  	_ =	shalt  }
0x62: {  	_ =	shalt  }
0x63: {  	_ =	shalt  }
0x64: {  	_ =	shalt  }
0x65: {  	_ =	shalt  }
0x66: {  	_ =	shalt  }
0x67: {  	_ =	shalt  }
0x68: {  	_ =	shalt  }
0x69: {  	_ =	shalt  }
0x6a: {  	_ =	shalt  }
0x6b: {  	_ =	shalt  }
0x6c: {  	_ =	shalt  }
0x6d: {  	_ =	shalt  }
0x6e: {  	_ =	shalt  }
0x6f: {  	_ =	shalt  }
0x70: {  	_ =	shalt  }
0x71: {  	_ =	shalt  }
0x72: {  	_ =	shalt  }
0x73: {  	_ =	shalt  }
0x74: {  	_ =	shalt  }
0x75: {  	_ =	shalt  }
0x76: {  	_ =	shalt  }
0x77: {  	_ =	shalt  }
0x78: {  	_ =	shalt  }
0x79: {  	_ =	shalt  }
0x7a: {  	_ =	shalt  }
0x7b: {  	_ =	shalt  }
0x7c: {  	_ =	shalt  }
0x7d: {  	_ =	shalt  }
0x7e: {  	_ =	shalt  }
0x7f: {  	_ =	shalt  }
0x80: {  	_ =	shalt  }
0x81: {  	_ =	shalt  }
0x82: {  	_ =	shalt  }
0x83: {  	_ =	shalt  }
0x84: {  	_ =	shalt  }
0x85: {  	_ =	shalt  }
0x86: {  	_ =	shalt  }
0x87: {  	_ =	shalt  }
.Lfunc_end0:
.L_simem_size_0:
called_computation.2_lowered:
.L_overlay_start_0:
0x88: {  	s2 =	sld [smem:$0x3FD9]  }
0x89: {  	s3 =	sld [smem:$0x3FFE];
	_ =	sdelay $0x1  }
0x8a: {  	s1 =	srdreg.scid  }
0x8b: {  	s0 =	sand.u32 $0x1, s1  }
0x8c: {  	s16 =	sshll.u32 s0, $0xA;
	s2 =	sadd.s32 s3, s2  }
0x8d: {  	s2 =	sadd.s32 s2, s16  }
0x8e: {  	[smem:$0x3FBF] =	sst s2  }
0x8f: {  	_ = 	snop  }
0x90: {  	(tm) =	ssettm $0x1  }
0x91: {  	s17 =	sld [smem:$0x3FFB];
	_ =	sdelay $0x3  }
0x92: {  	_ =	strace s17  }
0x93: {  	s2 =	sld [smem:$0x3FFC];
	_ =	sdelay $0x3  }
0x94: {  	_ =	strace s2  }
0x95: {  	s2 =	sld [smem:$0x3FFD];
	_ =	sdelay $0x3  }
0x96: {  	_ =	strace s2  }
0x97: {  	_ =	strace $0x8FFFFFFF  }
0x98: {  	s18 =	sld [smem:$0x3FDB];
	_ =	sdelay $0x1  }
0x99: {  	s19 =	simm.s32 $_scs_section_size  }
0x9a: {  	s4 =	simm.s32 $_size__tile_overlayer_lowered;
	s5 =	simm.s32 $_tile_overlayer_lowered  }
0x9b: {  	s22 =	simm.s32 $0x1BFF;
	s21 =	sshll.u32 s5, $0x1;
	s2 =	sadd.s32 s19, s18  }
0x9c: {  	s6 =	simm.s32 $0x0;
	s20 =	sshll.u32 s4, $0x1;
	s4 =	sadd.s32 s21, s2  }
0x9d: {  	[timem:s6], [sflag:s22] =	dma.local [hbm:s4], s20  }
0x9e: {  	_ =	swait.ge [sflag:s22], s20  }
0x9f: {  	s3 =	ssub.s32 $0x0, s20;
	[sflag:s22] =	ssyncset.done $0x0  }
0xa0: {  	[sflag:s22] =	ssyncadd.s32 s3;
	_ =	sdelay $0x1  }
0xa1: {  	s23 =	simm.s32 $0x1B8B  }
0xa2: {  	_ =	swait.ge [sflag:s23], $0x1  }
0xa3: {  	[sflag:s23] =	ssyncset.done $0x0  }
0xa4: {  	s25 =	simm.s32 $0x1B8E;
	s24 =	sld [smem:$0x3FFE];
	[sflag:s23] =	ssyncadd.s32 $0xFFFFFFFF  }
0xa5: {  	s26 =	simm.s32 $execute0_lowered;
	[smem:$0x3FD2] =	sst s25  }
0xa6: {  	s4 =	sshll.u32 s26, $0x1;
	_ =	strace $0x8000004C;
	[dreg:$0x1] =	wrdreg $0xFFFFFFFF  }
0xa7: {  	s28 =	simm.s32 $_size_execute0_lowered;
	s2 =	sadd.s32 s2, s4;
	[dreg:$0x0] =	wrdreg $0x0  }
0xa8: {  	s4 =	sshll.u32 s28, $0x1;
	[dreg:$0x2] =	wrdreg s2  }
0xa9: {  	[dreg:$0x3] =	wrdreg s4  }
0xaa: {  	[dreg:$0x4] =	wrdreg $0xC0  }
0xab: {  	_ =	task [dreg:s6], $0x5FFFF  }
0xac: {  	[dreg:$0x1] =	wrdreg $0xFFFFFFFF  }
0xad: {  	[dreg:$0x0] =	wrdreg $0x60  }
0xae: {  	[dreg:$0x2] =	wrdreg s24  }
0xaf: {  	[dreg:$0x3] =	wrdreg $0xA2800  }
0xb0: {  	[dreg:$0x4] =	wrdreg $0x9  }
0xb1: {  	_ =	task.clear_ibuf [dreg:s6], $0x5FFFF;
	_ =	strace $0x9000004C  }
0xb2: {  	s29 =	simm.s32 $0x9;
	_ =	strace $0x8000004E  }
0xb3: {  	_ =	swait.ge [sflag:s29], $0x1  }
0xb4: {  	[sflag:s29] =	ssyncadd.s32 $0xFFFFFFFF  }
0xb5: {  	_ =	strace $0x9000004E  }
0xb6: {  	_ =	sfence  }
0xb7: {  	s30 =	sld [smem:$0x0];
	_ =	sdelay $0x2  }
0xb8: {  	s31 =	sshll.u32 s1, $0xD;
	s1 =	sshrl.u32 s1, $0x2  }
0xb9: {  	s3 =	sand.u32 $0x4000, s31;
	s1 =	sadd.s32 s1, s30  }
0xba: {  	s0 =	sor.u32 s3, s0;
	s1 =	sshll.u32 s1, $0x11  }
0xbb: {  	s0 =	sor.u32 s1, s0  }
0xbc: {  	s0 =	sadd.s32 $0x8F2B, s0  }
0xbd: {  	[sflag:s0] =	ssyncadd.remote.s32 $0x1  }
0xbe: {  	_ =	sfence.sel $0xFFFF  }
0xbf: {  	[dreg:$0x0] =	wrdreg $0xFFFFFFFF;
	(pc) =	sbr.abs _section_cstart, $3  }
0xc0: {  	[dreg:$0x1] =	wrdreg $0xFFFFFFFF  }
0xc1: {  	_ =	task.clear_ibuf [dreg:s6], $0x2FFFF;
	_ =	strace $0x9FFFFFFF  }
0xc2: {  	(tm) =	ssettm $0x7FFFFFFF  }
0xc3: {  	_ =	shalt  }
tec
execute0_lowered:
.L_overlay_start_1:
0x0: {  	(tag) =	ssettag $0x1  }
0x1: {  	s0 =	srdreg.scid;
	s1 =	rddreg [dreg:$0x0]  }
0x2: {  	s9 =	stileid.u32;
	s4 =	rddreg [dreg:$0x1];
	s3 =	simm.s32 $0x0  }
0x3: {  	s28 =	simm.s32 $0x2800;
	s29 =	simm.s32 $0x1;
	s31 =	simm.s32 $0x5000  }
0x4: {  	s30 =	simm.s32 $0x0;
	s0 =	sand.u32 $0x1, s0;
	[smem:$0x7FF] =	sst s3  }
0x5: {  	s5 =	smul.u32 $0x500, s9;
	s3 =	sadd.s32 $0x6600, s1;
	s7 =	sshrl.u32 s9, $0x3  }
0x6: {  	s25 =	smul.u32 $0x5000, s9;
	s26 =	sshll.u32 s9, $0x7;
	s2 =	sshll.u32 s0, $0x4  }
0x7: {  	_ =	strace $0x8000004D;
	s6 =	sshll.u32 s0, $0x7;
	s21 =	ssub.s32 $0x2, s0  }
0x8: {  	s7 =	smul.u32 $0x50000, s7;
	s0 =	sor.u32 s9, s0;
	s2 =	sor.u32 s9, s2  }
0x9: {  	s5 =	sor.u32 s6, s5;
	s22 =	sshrl.u32 s21, $0x1;
	s8 =	sshrl.u32 s25, $0x2  }
0xa: {  	p0 =	sne.s32 s0, $0x0;
	s25 =	simm.s32 $0x80;
	s2 =	smul.u32 $0x280, s2  }
0xb: {  	s5 =	sshrl.u32 s5, $0x3;
	s24 =	ssub.s32 s21, s22;
	s7 =	sshrl.u32 s7, $0x2  }
0xc: {  	s7 =	sadd.s32 s7, s4;
	s24 =	smax.u32 s24, $0x1;
	s2 =	sadd.s32 s2, s1  }
0xd: {  	s1 =	sadd.s32 s5, s1;
	s23 =	sadd.s32 $0x5F000, s2;
	s5 =	sadd.s32 $0x1600, s2  }
0xe: {  	s2 =	sand.u32 $0x380, s26;
	s26 =	simm.s32 $0x400;
	[dreg:$0x3] =	wrdreg s23  }
0xf: {  	s6 =	sadd.s32 s2, s7;
	s7 =	sadd.s32 s8, s4;
	s23 =	sadd.s32 $0x8E00, s1  }
0x10: {  	s8 =	sadd.s32 $0x80, s7;
	s9 =	sadd.s32 $0x100, s7;
	s10 =	sadd.s32 $0x180, s7  }
0x11: {  	s11 =	sadd.s32 $0x200, s7;
	s12 =	sadd.s32 $0x280, s7;
	s13 =	sadd.s32 $0x300, s7  }
0x12: {  	s14 =	sadd.s32 $0x380, s7;
	s15 =	sadd.s32 $0x14000, s7;
	s16 =	sadd.s32 $0x14080, s7  }
0x13: {  	s17 =	sadd.s32 $0x14100, s7;
	s18 =	sadd.s32 $0x14180, s7;
	s19 =	sadd.s32 $0x14200, s7  }
0x14: {  	v0 =	vimm.f32 $0.0e+00;
	s20 =	sadd.s32 $0x14280, s7;
	s21 =	sadd.s32 $0x14300, s7;
	s22 =	sadd.s32 $0x14380, s7  }
.LBB2_1:
0x15: {  	[tilespmem:s28], [sflag:$0x1] =	stream.strided.gather [hbm4b:s3+s25], $0x2800, s26, s25, $0x38;
	[tilespmem:$0xCA80] =	vst v63  }
0x16: {  	_ =	swait.ge [sflag:s29], $0x2800  }
0x17: {  	[sflag:s29] =	ssyncset.done $0x0  }
0x18: {  	s0 =	simm.s32 $0x0;
	s1 =	rddreg [dreg:$0x3];
	[sflag:s29] =	ssyncadd.s32 $0xFFFFD800  }
0x19: {  	[tilespmem:s0], [sflag:$0x1] =	stream.linear.gather [hbm4b:s1+s0], $0x1400, $0x38;
	[tilespmem:$0xCA80] =	vst v63  }
0x1a: {  	_ =	swait.ge [sflag:s29], $0x1400  }
0x1b: {  	[sflag:s29] =	ssyncset.done $0x0  }
.Ltmp0:
0x1c: {  	s4 =	simm.s32 $0x1400;
	[sflag:s29] =	ssyncadd.s32 $0xFFFFEC00;
	(pc) =	sbr.rel @!p0 .LBB2_2-.Ltmp0, $4  }
0x1d: {  	[tilespmem:s4], [sflag:$0x1] =	stream.linear.gather [hbm4b:s5+s0], $0x1400, $0x38;
	[tilespmem:$0xCA80] =	vst v63  }
0x1e: {  	_ =	swait.ge [sflag:s29], $0x1400  }
0x1f: {  	[sflag:s29] =	ssyncset.done $0x0  }
0x20: {  	[sflag:s29] =	ssyncadd.s32 $0xFFFFEC00  }
0x21: {  	s0 =	simm.s32 $0x40;
	s1 =	simm.s32 $0x0  }
.LBB2_4:
0x22: {  	p1 =	sne.s32 s0, $0x9FC0;
	[tilespmem:s1+$0x5000] =	vst v0;
	s1 =	smov.u32 s0;
	s0 =	sadd.s32 $0x40, s0  }
.Ltmp1:
0x23: {  	(pc) =	sbr.rel @p1 .LBB2_4-.Ltmp1, $2  }
0x24: {  	_ =	sdelay $0x2  }
0x25: {  	s1 =	sshra.s32 s1, $0x2  }
.Ltmp2:
0x26: {  	(pc) =	sbr.rel .LBB2_6-.Ltmp2, $2  }
0x27: {  	_ =	sdelay $0x2  }
0x28: {  	[tilespmem:s1+$0x5000] =	vst v0  }
.LBB2_2:
0x29: {  	[tilespmem:s31], [sflag:$0x1] =	stream.strided.gather [hbm4b:s3+s25], $0x2800, s26, s25, $0x38;
	[tilespmem:$0xCA80] =	vst v63  }
0x2a: {  	_ =	swait.ge [sflag:s29], $0x2800  }
0x2b: {  	[sflag:s29] =	ssyncset.done $0x0  }
0x2c: {  	[sflag:s29] =	ssyncadd.s32 $0xFFFFD800  }
.LBB2_6:
0x2d: {  	s1 =	simm.s32 $0x0;
	s0 =	simm.s32 $0x40  }
.LBB2_7:
0x2e: {  	p1 =	sne.s32 s0, $0x4FC0;
	v1 =	vld [tilespmem:s1+$0x0];
	_ =	sdelay $0x5  }
0x2f: {  	v2 =	vld [tilespmem:s1+$0x1400];
	_ =	sdelay $0x1  }
0x30: {  	v1 =	vld.idx.msk [tilespmem:v1+s28+$0x0], $0xffff;
	_ =	sdelay $0x1  }
.Ltmp3:
0x31: {  	(pc) =	sbr.rel @p1 .LBB2_7-.Ltmp3, $2  }
0x32: {  	_ =	sdelay $0x2  }
0x33: {  	s1 =	sshra.s32 s0, $0x2;
	s0 =	sadd.s32 $0x40, s0;
	[tilespmem:v2+s31+$0x0] =	vst.idx.add.f32.msk $0xffff, v1  }
0x34: {  	v1 =	vld [tilespmem:s1+$0x0];
	_ =	sdelay $0x4  }
0x35: {  	v2 =	vld [tilespmem:s1+$0x1400];
	_ =	sdelay $0x2  }
0x36: {  	v1 =	vld.idx.msk [tilespmem:v1+s28+$0x0], $0xffff;
	_ =	sdelay $0x4  }
0x37: {  	[tilespmem:v2+s31+$0x0] =	vst.idx.add.f32.msk $0xffff, v1  }
0x38: {  	[spmem:s6] =	stream.strided.scatter [tilespmem:s31], [sflag:$0x1], $0x2800, s26, s25, $0x38;
	[tilespmem:$0xCA80] =	vst v63  }
0x39: {  	_ =	swait.ge [sflag:s29], $0x2800  }
0x3a: {  	[sflag:s29] =	ssyncset.done $0x0  }
0x3b: {  	[sflag:s29] =	ssyncadd.s32 $0xFFFFD800  }
0x3c: {  	s0 =	simm.s32 $0x7800;
	[bflag:$0x0] =	sbarrier.arrive $0xFFFF  }
0x3d: {  	[tilespmem:s0], [sflag:$0x1] =	stream.strided.gather [spmem:s7], $0x280, s26, s25, $0x38;
	[tilespmem:$0xCA80] =	vst v63  }
0x3e: {  	_ =	swait.ge [sflag:s29], $0x280  }
0x3f: {  	[sflag:s29] =	ssyncset.done $0x0  }
0x40: {  	s4 =	simm.s32 $0x7A80;
	[sflag:s29] =	ssyncadd.s32 $0xFFFFFD80  }
0x41: {  	[tilespmem:s4], [sflag:$0x1] =	stream.strided.gather [spmem:s8], $0x280, s26, s25, $0x38;
	[tilespmem:$0xCA80] =	vst v63  }
0x42: {  	_ =	swait.ge [sflag:s29], $0x280  }
0x43: {  	[sflag:s29] =	ssyncset.done $0x0  }
0x44: {  	s2 =	simm.s32 $0x7D00;
	[sflag:s29] =	ssyncadd.s32 $0xFFFFFD80  }
0x45: {  	[tilespmem:s2], [sflag:$0x1] =	stream.strided.gather [spmem:s9], $0x280, s26, s25, $0x38;
	[tilespmem:$0xCA80] =	vst v63  }
0x46: {  	_ =	swait.ge [sflag:s29], $0x280  }
0x47: {  	[sflag:s29] =	ssyncset.done $0x0  }
0x48: {  	s4 =	simm.s32 $0x7F80;
	[sflag:s29] =	ssyncadd.s32 $0xFFFFFD80  }
0x49: {  	[tilespmem:s4], [sflag:$0x1] =	stream.strided.gather [spmem:s10], $0x280, s26, s25, $0x38;
	[tilespmem:$0xCA80] =	vst v63  }
0x4a: {  	_ =	swait.ge [sflag:s29], $0x280  }
0x4b: {  	[sflag:s29] =	ssyncset.done $0x0  }
0x4c: {  	s2 =	simm.s32 $0x8200;
	[sflag:s29] =	ssyncadd.s32 $0xFFFFFD80  }
0x4d: {  	[tilespmem:s2], [sflag:$0x1] =	stream.strided.gather [spmem:s11], $0x280, s26, s25, $0x38;
	[tilespmem:$0xCA80] =	vst v63  }
0x4e: {  	_ =	swait.ge [sflag:s29], $0x280  }
0x4f: {  	[sflag:s29] =	ssyncset.done $0x0  }
0x50: {  	s4 =	simm.s32 $0x8480;
	[sflag:s29] =	ssyncadd.s32 $0xFFFFFD80  }
0x51: {  	[tilespmem:s4], [sflag:$0x1] =	stream.strided.gather [spmem:s12], $0x280, s26, s25, $0x38;
	[tilespmem:$0xCA80] =	vst v63  }
0x52: {  	_ =	swait.ge [sflag:s29], $0x280  }
0x53: {  	[sflag:s29] =	ssyncset.done $0x0  }
0x54: {  	s2 =	simm.s32 $0x8700;
	[sflag:s29] =	ssyncadd.s32 $0xFFFFFD80  }
0x55: {  	[tilespmem:s2], [sflag:$0x1] =	stream.strided.gather [spmem:s13], $0x280, s26, s25, $0x38;
	[tilespmem:$0xCA80] =	vst v63  }
0x56: {  	_ =	swait.ge [sflag:s29], $0x280  }
0x57: {  	[sflag:s29] =	ssyncset.done $0x0  }
0x58: {  	s4 =	simm.s32 $0x8980;
	[sflag:s29] =	ssyncadd.s32 $0xFFFFFD80  }
0x59: {  	[tilespmem:s4], [sflag:$0x1] =	stream.strided.gather [spmem:s14], $0x280, s26, s25, $0x38;
	[tilespmem:$0xCA80] =	vst v63  }
0x5a: {  	_ =	swait.ge [sflag:s29], $0x280  }
0x5b: {  	[sflag:s29] =	ssyncset.done $0x0  }
0x5c: {  	s2 =	simm.s32 $0x8C00;
	[sflag:s29] =	ssyncadd.s32 $0xFFFFFD80  }
0x5d: {  	[tilespmem:s2], [sflag:$0x1] =	stream.strided.gather [spmem:s15], $0x280, s26, s25, $0x38;
	[tilespmem:$0xCA80] =	vst v63  }
0x5e: {  	_ =	swait.ge [sflag:s29], $0x280  }
0x5f: {  	[sflag:s29] =	ssyncset.done $0x0  }
0x60: {  	s4 =	simm.s32 $0x8E80;
	[sflag:s29] =	ssyncadd.s32 $0xFFFFFD80  }
0x61: {  	[tilespmem:s4], [sflag:$0x1] =	stream.strided.gather [spmem:s16], $0x280, s26, s25, $0x38;
	[tilespmem:$0xCA80] =	vst v63  }
0x62: {  	_ =	swait.ge [sflag:s29], $0x280  }
0x63: {  	[sflag:s29] =	ssyncset.done $0x0  }
0x64: {  	s2 =	simm.s32 $0x9100;
	[sflag:s29] =	ssyncadd.s32 $0xFFFFFD80  }
0x65: {  	[tilespmem:s2], [sflag:$0x1] =	stream.strided.gather [spmem:s17], $0x280, s26, s25, $0x38;
	[tilespmem:$0xCA80] =	vst v63  }
0x66: {  	_ =	swait.ge [sflag:s29], $0x280  }
0x67: {  	[sflag:s29] =	ssyncset.done $0x0  }
0x68: {  	s4 =	simm.s32 $0x9380;
	[sflag:s29] =	ssyncadd.s32 $0xFFFFFD80  }
0x69: {  	[tilespmem:s4], [sflag:$0x1] =	stream.strided.gather [spmem:s18], $0x280, s26, s25, $0x38;
	[tilespmem:$0xCA80] =	vst v63  }
0x6a: {  	_ =	swait.ge [sflag:s29], $0x280  }
0x6b: {  	[sflag:s29] =	ssyncset.done $0x0  }
0x6c: {  	s2 =	simm.s32 $0x9600;
	[sflag:s29] =	ssyncadd.s32 $0xFFFFFD80  }
0x6d: {  	[tilespmem:s2], [sflag:$0x1] =	stream.strided.gather [spmem:s19], $0x280, s26, s25, $0x38;
	[tilespmem:$0xCA80] =	vst v63  }
0x6e: {  	_ =	swait.ge [sflag:s29], $0x280  }
0x6f: {  	[sflag:s29] =	ssyncset.done $0x0  }
0x70: {  	s4 =	simm.s32 $0x9880;
	[sflag:s29] =	ssyncadd.s32 $0xFFFFFD80  }
0x71: {  	[tilespmem:s4], [sflag:$0x1] =	stream.strided.gather [spmem:s20], $0x280, s26, s25, $0x38;
	[tilespmem:$0xCA80] =	vst v63  }
0x72: {  	_ =	swait.ge [sflag:s29], $0x280  }
0x73: {  	[sflag:s29] =	ssyncset.done $0x0  }
0x74: {  	s2 =	simm.s32 $0x9B00;
	[sflag:s29] =	ssyncadd.s32 $0xFFFFFD80  }
0x75: {  	[tilespmem:s2], [sflag:$0x1] =	stream.strided.gather [spmem:s21], $0x280, s26, s25, $0x38;
	[tilespmem:$0xCA80] =	vst v63  }
0x76: {  	_ =	swait.ge [sflag:s29], $0x280  }
0x77: {  	[sflag:s29] =	ssyncset.done $0x0  }
0x78: {  	s4 =	simm.s32 $0x9D80;
	[sflag:s29] =	ssyncadd.s32 $0xFFFFFD80  }
0x79: {  	[tilespmem:s4], [sflag:$0x1] =	stream.strided.gather [spmem:s22], $0x280, s26, s25, $0x38;
	[tilespmem:$0xCA80] =	vst v63  }
0x7a: {  	_ =	swait.ge [sflag:s29], $0x280  }
0x7b: {  	s2 =	simm.s32 $0x0;
	[sflag:s29] =	ssyncset.done $0x0  }
0x7c: {  	s1 =	sand.u32 $0x3F0, s2;
	[sflag:s29] =	ssyncadd.s32 $0xFFFFFD80  }
0x7d: {  	v1 =	vld [tilespmem:s1+$0x7A80]  }
0x7e: {  	v2 =	vld [tilespmem:s0+$0x0];
	_ =	sdelay $0x1  }
0x7f: {  	v3 =	vld [tilespmem:s1+$0x7D00];
	_ =	sdelay $0x1  }
0x80: {  	v4 =	vld [tilespmem:s1+$0x7F80]  }
0x81: {  	v1 =	vadd.f32 v1, v2  }
0x82: {  	v2 =	vld [tilespmem:s1+$0x8200]  }
0x83: {  	v1 =	vadd.f32 v3, v1  }
0x84: {  	v3 =	vld [tilespmem:s1+$0x8480]  }
0x85: {  	v1 =	vadd.f32 v4, v1  }
0x86: {  	v60 =	vld [tilespmem:s1+$0x8700]  }
0x87: {  	v1 =	vadd.f32 v2, v1  }
0x88: {  	v2 =	vld [tilespmem:s1+$0x8980]  }
0x89: {  	v1 =	vadd.f32 v3, v1  }
0x8a: {  	v3 =	vld [tilespmem:s1+$0x8C00]  }
0x8b: {  	v1 =	vadd.f32 v60, v1  }
0x8c: {  	v61 =	vld [tilespmem:s1+$0x8E80]  }
0x8d: {  	v1 =	vadd.f32 v2, v1  }
0x8e: {  	v2 =	vld [tilespmem:s1+$0x9100]  }
0x8f: {  	v1 =	vadd.f32 v3, v1  }
0x90: {  	v3 =	vld [tilespmem:s1+$0x9380]  }
0x91: {  	v1 =	vadd.f32 v61, v1  }
0x92: {  	v62 =	vld [tilespmem:s1+$0x9600]  }
0x93: {  	v1 =	vadd.f32 v2, v1  }
0x94: {  	v2 =	vld [tilespmem:s1+$0x9880]  }
0x95: {  	v1 =	vadd.f32 v3, v1  }
0x96: {  	v3 =	vld [tilespmem:s1+$0x9B00]  }
0x97: {  	v1 =	vadd.f32 v62, v1  }
0x98: {  	v63 =	vld [tilespmem:s1+$0x9D80]  }
0x99: {  	v1 =	vadd.f32 v2, v1;
	_ =	sdelay $0x1  }
0x9a: {  	v1 =	vadd.f32 v3, v1;
	_ =	sdelay $0x1  }
0x9b: {  	v1 =	vadd.f32 v63, v1  }
0x9c: {  	s4 =	simm.s32 $0x10;
	s1 =	simm.s32 $0xA000  }
0x9d: {  	s0 =	sand.u32 $0x3F0, s4;
	[tilespmem:s1+$0x0] =	vst v1  }
0x9e: {  	s2 =	simm.s32 $0x7810;
	s4 =	simm.s32 $0x20;
	v1 =	vld [tilespmem:s0+$0x7A80]  }
.LBB2_9:
0x9f: {  	p1 =	sne.s32 s4, $0x270;
	v2 =	vld [tilespmem:s2+$0x0];
	_ =	sdelay $0x1  }
0xa0: {  	v3 =	vld [tilespmem:s0+$0x7D00];
	_ =	sdelay $0x1  }
0xa1: {  	v4 =	vld [tilespmem:s0+$0x7F80]  }
0xa2: {  	v1 =	vadd.f32 v1, v2  }
0xa3: {  	v2 =	vld [tilespmem:s0+$0x8200]  }
0xa4: {  	v1 =	vadd.f32 v3, v1  }
0xa5: {  	v3 =	vld [tilespmem:s0+$0x8480]  }
0xa6: {  	v1 =	vadd.f32 v4, v1  }
0xa7: {  	v4 =	vld [tilespmem:s0+$0x8700]  }
0xa8: {  	v1 =	vadd.f32 v2, v1  }
0xa9: {  	v2 =	vld [tilespmem:s0+$0x8980]  }
0xaa: {  	v1 =	vadd.f32 v3, v1  }
0xab: {  	v3 =	vld [tilespmem:s0+$0x8C00]  }
0xac: {  	v1 =	vadd.f32 v4, v1  }
0xad: {  	v4 =	vld [tilespmem:s0+$0x8E80]  }
0xae: {  	v1 =	vadd.f32 v2, v1  }
0xaf: {  	v2 =	vld [tilespmem:s0+$0x9100]  }
0xb0: {  	v1 =	vadd.f32 v3, v1  }
0xb1: {  	v3 =	vld [tilespmem:s0+$0x9380]  }
0xb2: {  	v1 =	vadd.f32 v4, v1  }
0xb3: {  	v4 =	vld [tilespmem:s0+$0x9600]  }
0xb4: {  	v1 =	vadd.f32 v2, v1  }
0xb5: {  	v2 =	vld [tilespmem:s0+$0x9880]  }
0xb6: {  	v1 =	vadd.f32 v3, v1  }
0xb7: {  	v3 =	vld [tilespmem:s0+$0x9B00]  }
0xb8: {  	v1 =	vadd.f32 v4, v1  }
0xb9: {  	v4 =	vld [tilespmem:s0+$0x9D80]  }
0xba: {  	v1 =	vadd.f32 v2, v1;
	_ =	sdelay $0x1  }
0xbb: {  	v1 =	vadd.f32 v3, v1  }
.Ltmp4:
0xbc: {  	(pc) =	sbr.rel @p1 .LBB2_9-.Ltmp4, $4  }
0xbd: {  	v1 =	vadd.f32 v4, v1  }
0xbe: {  	s1 =	sadd.s32 $0x10, s1  }
0xbf: {  	s0 =	sand.u32 $0x3F0, s4;
	[tilespmem:s1+$0x0] =	vst v1  }
0xc0: {  	s2 =	sadd.s32 $0x10, s2;
	s4 =	sadd.s32 $0x10, s4;
	v1 =	vld [tilespmem:s0+$0x7A80]  }
0xc1: {  	v2 =	vld [tilespmem:s2+$0x0];
	_ =	sdelay $0x1  }
0xc2: {  	v3 =	vld [tilespmem:s0+$0x7D00];
	_ =	sdelay $0x1  }
0xc3: {  	v4 =	vld [tilespmem:s0+$0x7F80]  }
0xc4: {  	v1 =	vadd.f32 v1, v2  }
0xc5: {  	v2 =	vld [tilespmem:s0+$0x8200]  }
0xc6: {  	v1 =	vadd.f32 v3, v1  }
0xc7: {  	v3 =	vld [tilespmem:s0+$0x8480]  }
0xc8: {  	v1 =	vadd.f32 v4, v1  }
0xc9: {  	v60 =	vld [tilespmem:s0+$0x8700]  }
0xca: {  	v1 =	vadd.f32 v2, v1  }
0xcb: {  	v2 =	vld [tilespmem:s0+$0x8980]  }
0xcc: {  	v1 =	vadd.f32 v3, v1  }
0xcd: {  	v3 =	vld [tilespmem:s0+$0x8C00]  }
0xce: {  	v1 =	vadd.f32 v60, v1  }
0xcf: {  	v61 =	vld [tilespmem:s0+$0x8E80]  }
0xd0: {  	v1 =	vadd.f32 v2, v1  }
0xd1: {  	v2 =	vld [tilespmem:s0+$0x9100]  }
0xd2: {  	v1 =	vadd.f32 v3, v1  }
0xd3: {  	v3 =	vld [tilespmem:s0+$0x9380]  }
0xd4: {  	v1 =	vadd.f32 v61, v1  }
0xd5: {  	v62 =	vld [tilespmem:s0+$0x9600]  }
0xd6: {  	v1 =	vadd.f32 v2, v1  }
0xd7: {  	v2 =	vld [tilespmem:s0+$0x9880]  }
0xd8: {  	v1 =	vadd.f32 v3, v1  }
0xd9: {  	v3 =	vld [tilespmem:s0+$0x9B00]  }
0xda: {  	v1 =	vadd.f32 v62, v1  }
0xdb: {  	v63 =	vld [tilespmem:s0+$0x9D80]  }
0xdc: {  	v1 =	vadd.f32 v2, v1;
	_ =	sdelay $0x1  }
0xdd: {  	v1 =	vadd.f32 v3, v1;
	_ =	sdelay $0x1  }
0xde: {  	s30 =	sadd.s32 $0x1, s30;
	v1 =	vadd.f32 v63, v1  }
0xdf: {  	s1 =	sadd.s32 $0x10, s1;
	p1 =	sne.s32 s30, s24  }
.Ltmp5:
0xe0: {  	s2 =	simm.s32 $0x100;
	s4 =	simm.s32 $0xA000;
	[tilespmem:s1+$0x0] =	vst v1;
	(pc) =	sbr.rel @p1 .LBB2_1-.Ltmp5, $4  }
0xe1: {  	[hbm4b:s23+s25] =	stream.strided.scatter [tilespmem:s4], [sflag:$0x1], $0x280, s2, s25, $0x38;
	[tilespmem:$0xCA80] =	vst v63  }
0xe2: {  	_ =	swait.ge [sflag:s29], $0x280  }
0xe3: {  	[sflag:s29] =	ssyncset.done $0x0  }
0xe4: {  	[sflag:s29] =	ssyncadd.s32 $0xFFFFFD80  }
0xe5: {  	_ =	sfence.sel $0x180000  }
0xe6: {  	[bflag:$0x0] =	sbarrier.arrive $0xFFFF  }
0xe7: {  	_ =	strace $0x9000004D  }
0xe8: {  	s0 =	stileid.u32;
	[bflag:$0x2] =	sbarrier.arrive $0xFFFF  }
0xe9: {  	p0 =	sne.s32 s0, $0x0;
	s0 =	rddreg [dreg:$0x2]  }
0xea: {  	s0 =	sadd.s32 @!p0 $0x100000, s0  }
0xeb: {  	[sflag:s0] =	ssyncadd.tile.s32 @!p0 $0x1;
	_ =	shalt  }
.Lfunc_end2:
_tile_overlayer_lowered:
.L_overlay_start_2:
0xec: {  	(tag) =	ssettag $0x2  }
0xed: {  	s0 =	rddreg [dreg:$0x0];
	s2 =	stileid.u32  }
0xee: {  	s1 =	rddreg [dreg:$0x1];
	p0 =	sne.s32 s2, $0x0  }
0xef: {  	s3 =	rddreg [dreg:$0x2];
	[bflag:$0x3] =	sbarrier.arrive $0xFFFF;
	s2 =	simm.s32 @!p0 $0x1C01  }
0xf0: {  	[timem:s3], [sflag:s2] =	dma.local @!p0 [hbm:s0], s1  }
0xf1: {  	s0 =	simm.s32 @!p0 $0x1  }
0xf2: {  	_ =	swait.ge @!p0 [sflag:s0], s1  }
0xf3: {  	s1 =	ssub.s32 @!p0 $0x0, s1;
	[sflag:s0] =	ssyncset.done @!p0 $0x0  }
0xf4: {  	[sflag:s0] =	ssyncadd.s32 @!p0 s1  }
0xf5: {  	[bflag:$0x3] =	sbarrier.arrive $0xFFFF  }
0xf6: {  	_ =	shalt  }

// kernel: kernel.8.cloned.1.call-start
scs
__scs_entry_jumppad:
0x0: {  	(pc) =	sbr.rel $0x88, $3  }
0x1: {  	(tag) =	ssettag $0x0;
	lr =	simm.s32 $0x1  }
0x2: {  	[smem:$0x3F98] =	sst lr;
	_ =	strace $0xD0000000  }
0x3: {  	_ = 	snop  }
0x4: {  	_ = 	snop  }
0x5: {  	_ = 	snop  }
0x6: {  	_ = 	snop  }
0x7: {  	_ = 	snop  }
__scs_overlays_trampoline_lowered:
0x8: {  	[smem:$0x3FA7] =	sst s0  }
0x9: {  	[smem:$0x3FA8] =	sst s1  }
0xa: {  	[smem:$0x3FA9] =	sst s2  }
0xb: {  	[smem:$0x3FAA] =	sst s3  }
0xc: {  	[smem:$0x3FAB] =	sst s4  }
0xd: {  	[smem:$0x3FAC] =	sst s5  }
0xe: {  	[smem:$0x3FAD] =	sst s6  }
0xf: {  	[smem:$0x3FAE] =	sst s7  }
0x10: {  	[smem:$0x3FAF] =	sst s8  }
0x11: {  	[smem:$0x3FB0] =	sst s9;
	s0 =	simm.s32 @!p0 $0x0  }
0x12: {  	s1 =	sld [smem:$0x3F96];
	s0 =	simm.s32 @p0 $0x1  }
0x13: {  	[smem:$0x3FB1] =	sst s0;
	s0 =	simm.s32 @!p1 $0x0  }
0x14: {  	s2 =	sld [smem:$0x3F95];
	s0 =	simm.s32 @p1 $0x1  }
0x15: {  	[smem:$0x3FB2] =	sst s0;
	s0 =	simm.s32 @!p2 $0x0  }
0x16: {  	s3 =	sld [smem:$0x3FDB];
	s0 =	simm.s32 @p2 $0x1  }
0x17: {  	s4 =	simm.s32 $0x1BF5;
	[smem:$0x3FB4] =	sst s0  }
0x18: {  	s0 =	sld [smem:$0x3F97];
	_ =	swait.ge [sflag:s4], $0x0  }
0x19: {  	s7 =	sld [smem:$0x3F98]  }
0x1a: {  	s8 =	sadd.s32 $0xFFFFE003, lr  }
0x1b: {  	s9 =	sadd.s32 $0xFFFFFEF7, lr;
	s5 =	simm.s32 $0xFFFFFFFF;
	p2 =	slt.u32 s8, $0xFFFFF086  }
0x1c: {  	p1 =	slt.u32 s9, $0xF7A;
	s5 =	simm.s32 @!p2 $0x0  }
0x1d: {  	s5 =	simm.s32 @p1 $0x1;
	p0 =	seq.s32 s7, s2  }
0x1e: {  	s7 =	smul.u32 @!p0 $0xF7A, s2;
	p2 =	seq.s32 @!p0 s5, $0x0  }
0x1f: {  	s9 =	smul.u32 $0xF7A, s1;
	s8 =	simm.s32 @!p0 $0x1BF5;
	p2 =	por !p2, p0  }
0x20: {  	[sflag:s8] =	ssyncset.s32 @!p0 $0xFFFFF086;
	s6 =	sadd.s32 @!p0 s3, s7;
	s7 =	simm.s32 @!p0 $0x108  }
0x21: {  	s3 =	sadd.s32 s3, s9;
	s6 =	sadd.s32 @!p0 $0x88, s6;
	s7 =	simm.s32 @p2 $0x1082  }
0x22: {  	[simem:s7], [sflag:s8] =	dma.local @!p0 [hbm:s6], $0xF7A  }
0x23: {  	s9 =	sor.u32 $0xD0000000, s2;
	s6 =	simm.s32 $0x108;
	_ =	swait.ge @!p0 [sflag:s8], $0x0  }
0x24: {  	s3 =	sadd.s32 $0x88, s3;
	s6 =	simm.s32 @!p1 $0x1082;
	[sflag:s4] =	ssyncset.s32 $0xFFFFF086  }
0x25: {  	[simem:s6], [sflag:s4] =	dma.local [hbm:s3], $0xF7A  }
0x26: {  	[smem:$0x3F98] =	sst s1;
	(tag) =	ssettag s2;
	_ =	strace s9  }
0x27: {  	s1 =	sld [smem:$0x3FA8]  }
0x28: {  	s2 =	sld [smem:$0x3FA9]  }
0x29: {  	s4 =	sld [smem:$0x3FAB]  }
0x2a: {  	p0 =	seq.s32 s5, $0x0;
	s5 =	sld [smem:$0x3FAC]  }
0x2b: {  	s6 =	sld [smem:$0x3FAD]  }
0x2c: {  	s7 =	sld [smem:$0x3FAE]  }
0x2d: {  	s3 =	simm.s32 $0x108;
	s8 =	sld [smem:$0x3FAF]  }
0x2e: {  	s3 =	simm.s32 @!p0 $0x1082;
	s9 =	sld [smem:$0x3FB0]  }
0x2f: {  	lr =	sadd.s32 s0, s3;
	s0 =	sld [smem:$0x3FA7]  }
0x30: {  	s3 =	sld [smem:$0x3FAA]  }
0x31: {  	[smem:$0x3FB3] =	sst s10  }
0x32: {  	s10 =	sld [smem:$0x3FB1];
	_ =	sdelay $0x3  }
0x33: {  	p0 =	seq.s32 s10, $0x1;
	s10 =	sld [smem:$0x3FB3];
	_ =	sdelay $0x3  }
0x34: {  	[smem:$0x3FB3] =	sst s10  }
0x35: {  	s10 =	sld [smem:$0x3FB2];
	_ =	sdelay $0x3  }
0x36: {  	p1 =	seq.s32 s10, $0x1;
	s10 =	sld [smem:$0x3FB3];
	_ =	sdelay $0x3  }
0x37: {  	[smem:$0x3FB3] =	sst s10  }
0x38: {  	s10 =	sld [smem:$0x3FB4]  }
0x39: {  	_ = 	snop;
	(pc) =	sbr.ind lr, $3  }
0x3a: {  	_ = 	snop  }
0x3b: {  	_ = 	snop  }
0x3c: {  	p2 =	seq.s32 s10, $0x1;
	s10 =	sld [smem:$0x3FB3]  }
0x3d: {  	_ =	shalt  }
0x3e: {  	_ =	shalt  }
0x3f: {  	_ =	shalt  }
0x40: {  	_ =	shalt  }
0x41: {  	_ =	shalt  }
0x42: {  	_ =	shalt  }
0x43: {  	_ =	shalt  }
0x44: {  	_ =	shalt  }
0x45: {  	_ =	shalt  }
0x46: {  	_ =	shalt  }
0x47: {  	_ =	shalt  }
0x48: {  	_ =	shalt  }
0x49: {  	_ =	shalt  }
0x4a: {  	_ =	shalt  }
0x4b: {  	_ =	shalt  }
0x4c: {  	_ =	shalt  }
0x4d: {  	_ =	shalt  }
0x4e: {  	_ =	shalt  }
0x4f: {  	_ =	shalt  }
0x50: {  	_ =	shalt  }
0x51: {  	_ =	shalt  }
0x52: {  	_ =	shalt  }
0x53: {  	_ =	shalt  }
0x54: {  	_ =	shalt  }
0x55: {  	_ =	shalt  }
0x56: {  	_ =	shalt  }
0x57: {  	_ =	shalt  }
0x58: {  	_ =	shalt  }
0x59: {  	_ =	shalt  }
0x5a: {  	_ =	shalt  }
0x5b: {  	_ =	shalt  }
0x5c: {  	_ =	shalt  }
0x5d: {  	_ =	shalt  }
0x5e: {  	_ =	shalt  }
0x5f: {  	_ =	shalt  }
0x60: {  	_ =	shalt  }
0x61: {  	_ =	shalt  }
0x62: {  	_ =	shalt  }
0x63: {  	_ =	shalt  }
0x64: {  	_ =	shalt  }
0x65: {  	_ =	shalt  }
0x66: {  	_ =	shalt  }
0x67: {  	_ =	shalt  }
0x68: {  	_ =	shalt  }
0x69: {  	_ =	shalt  }
0x6a: {  	_ =	shalt  }
0x6b: {  	_ =	shalt  }
0x6c: {  	_ =	shalt  }
0x6d: {  	_ =	shalt  }
0x6e: {  	_ =	shalt  }
0x6f: {  	_ =	shalt  }
0x70: {  	_ =	shalt  }
0x71: {  	_ =	shalt  }
0x72: {  	_ =	shalt  }
0x73: {  	_ =	shalt  }
0x74: {  	_ =	shalt  }
0x75: {  	_ =	shalt  }
0x76: {  	_ =	shalt  }
0x77: {  	_ =	shalt  }
0x78: {  	_ =	shalt  }
0x79: {  	_ =	shalt  }
0x7a: {  	_ =	shalt  }
0x7b: {  	_ =	shalt  }
0x7c: {  	_ =	shalt  }
0x7d: {  	_ =	shalt  }
0x7e: {  	_ =	shalt  }
0x7f: {  	_ =	shalt  }
0x80: {  	_ =	shalt  }
0x81: {  	_ =	shalt  }
0x82: {  	_ =	shalt  }
0x83: {  	_ =	shalt  }
0x84: {  	_ =	shalt  }
0x85: {  	_ =	shalt  }
0x86: {  	_ =	shalt  }
0x87: {  	_ =	shalt  }
.Lfunc_end0:
.L_simem_size_0:
called_computation_lowered:
.L_overlay_start_0:
0x88: {  	s2 =	sld [smem:$0x3FD9]  }
0x89: {  	s3 =	sld [smem:$0x3FFE];
	_ =	sdelay $0x1  }
0x8a: {  	s1 =	srdreg.scid  }
0x8b: {  	s0 =	sand.u32 $0x1, s1  }
0x8c: {  	s16 =	sshll.u32 s0, $0xA;
	s2 =	sadd.s32 s3, s2  }
0x8d: {  	s2 =	sadd.s32 s2, s16  }
0x8e: {  	[smem:$0x3FBF] =	sst s2  }
0x8f: {  	_ = 	snop  }
0x90: {  	(tm) =	ssettm $0x1  }
0x91: {  	s17 =	sld [smem:$0x3FFB];
	_ =	sdelay $0x3  }
0x92: {  	_ =	strace s17  }
0x93: {  	s2 =	sld [smem:$0x3FFC];
	_ =	sdelay $0x3  }
0x94: {  	_ =	strace s2  }
0x95: {  	s2 =	sld [smem:$0x3FFD];
	_ =	sdelay $0x3  }
0x96: {  	_ =	strace s2  }
0x97: {  	_ =	strace $0x8FFFFFFF  }
0x98: {  	s18 =	sld [smem:$0x3FDB];
	_ =	sdelay $0x1  }
0x99: {  	s19 =	simm.s32 $_scs_section_size  }
0x9a: {  	s4 =	simm.s32 $_size__tile_overlayer_lowered;
	s5 =	simm.s32 $_tile_overlayer_lowered  }
0x9b: {  	s22 =	simm.s32 $0x1BFF;
	s21 =	sshll.u32 s5, $0x1;
	s2 =	sadd.s32 s19, s18  }
0x9c: {  	s6 =	simm.s32 $0x0;
	s20 =	sshll.u32 s4, $0x1;
	s4 =	sadd.s32 s21, s2  }
0x9d: {  	[timem:s6], [sflag:s22] =	dma.local [hbm:s4], s20  }
0x9e: {  	_ =	swait.ge [sflag:s22], s20  }
0x9f: {  	s3 =	ssub.s32 $0x0, s20;
	[sflag:s22] =	ssyncset.done $0x0  }
0xa0: {  	[sflag:s22] =	ssyncadd.s32 s3;
	_ =	sdelay $0x1  }
0xa1: {  	s23 =	simm.s32 $0x1B8B  }
0xa2: {  	_ =	swait.ge [sflag:s23], $0x1  }
0xa3: {  	[sflag:s23] =	ssyncset.done $0x0  }
0xa4: {  	s25 =	simm.s32 $0x1B8E;
	s24 =	sld [smem:$0x3FFE];
	[sflag:s23] =	ssyncadd.s32 $0xFFFFFFFF  }
0xa5: {  	s26 =	simm.s32 $execute0_lowered;
	[smem:$0x3FD2] =	sst s25  }
0xa6: {  	s4 =	sshll.u32 s26, $0x1;
	_ =	strace $0x80000046;
	[dreg:$0x1] =	wrdreg $0xFFFFFFFF  }
0xa7: {  	s28 =	simm.s32 $_size_execute0_lowered;
	s2 =	sadd.s32 s2, s4;
	[dreg:$0x0] =	wrdreg $0x0  }
0xa8: {  	s4 =	sshll.u32 s28, $0x1;
	[dreg:$0x2] =	wrdreg s2  }
0xa9: {  	[dreg:$0x3] =	wrdreg s4  }
0xaa: {  	[dreg:$0x4] =	wrdreg $0xC0  }
0xab: {  	_ =	task [dreg:s6], $0x5FFFF  }
0xac: {  	[dreg:$0x1] =	wrdreg $0xFFFFFFFF  }
0xad: {  	[dreg:$0x0] =	wrdreg $0x60  }
0xae: {  	[dreg:$0x2] =	wrdreg s24  }
0xaf: {  	[dreg:$0x3] =	wrdreg $0x66800  }
0xb0: {  	[dreg:$0x4] =	wrdreg $0x9  }
0xb1: {  	_ =	task.clear_ibuf [dreg:s6], $0x5FFFF;
	_ =	strace $0x90000046  }
0xb2: {  	s29 =	simm.s32 $0x9;
	_ =	strace $0x80000048  }
0xb3: {  	_ =	swait.ge [sflag:s29], $0x1  }
0xb4: {  	[sflag:s29] =	ssyncadd.s32 $0xFFFFFFFF  }
0xb5: {  	_ =	strace $0x90000048  }
0xb6: {  	_ =	sfence  }
0xb7: {  	s30 =	sld [smem:$0x0];
	_ =	sdelay $0x2  }
0xb8: {  	s31 =	sshll.u32 s1, $0xD;
	s1 =	sshrl.u32 s1, $0x2  }
0xb9: {  	s3 =	sand.u32 $0x4000, s31;
	s1 =	sadd.s32 s1, s30  }
0xba: {  	s0 =	sor.u32 s3, s0;
	s1 =	sshll.u32 s1, $0x11  }
0xbb: {  	s0 =	sor.u32 s1, s0  }
0xbc: {  	s0 =	sadd.s32 $0x8F2B, s0  }
0xbd: {  	[sflag:s0] =	ssyncadd.remote.s32 $0x1  }
0xbe: {  	_ =	sfence.sel $0xFFFF  }
0xbf: {  	[dreg:$0x0] =	wrdreg $0xFFFFFFFF;
	(pc) =	sbr.abs _section_cstart, $3  }
0xc0: {  	[dreg:$0x1] =	wrdreg $0xFFFFFFFF  }
0xc1: {  	_ =	task.clear_ibuf [dreg:s6], $0x2FFFF;
	_ =	strace $0x9FFFFFFF  }
0xc2: {  	(tm) =	ssettm $0x7FFFFFFF  }
0xc3: {  	_ =	shalt  }
tec
execute0_lowered:
.L_overlay_start_1:
0x0: {  	(tag) =	ssettag $0x1  }
0x1: {  	s0 =	srdreg.scid;
	s1 =	rddreg [dreg:$0x0]  }
0x2: {  	s7 =	stileid.u32;
	s5 =	rddreg [dreg:$0x1]  }
0x3: {  	s3 =	simm.s32 $0x0;
	s23 =	simm.s32 $0x1;
	s29 =	simm.s32 $0x100  }
0x4: {  	s30 =	simm.s32 $0x6400;
	s31 =	simm.s32 $0x0;
	s0 =	sand.u32 $0x1, s0  }
0x5: {  	[smem:$0x7FF] =	sst s3;
	s24 =	smul.u32 $0x500, s7;
	s25 =	sshrl.u32 s7, $0x3  }
0x6: {  	s6 =	smul.u32 $0x5000, s7;
	s28 =	sshll.u32 s7, $0x7;
	s2 =	sshll.u32 s0, $0x4  }
0x7: {  	_ =	strace $0x80000047;
	s4 =	sshll.u32 s0, $0x7;
	s0 =	ssub.s32 $0x2, s0  }
0x8: {  	s2 =	sor.u32 s7, s2;
	s3 =	sor.u32 s4, s24;
	s4 =	smul.u32 $0x50000, s25  }
0x9: {  	s26 =	sshrl.u32 s0, $0x1;
	s7 =	sand.u32 $0x380, s28;
	s6 =	sshrl.u32 s6, $0x2  }
0xa: {  	s24 =	simm.s32 $0x1400;
	s25 =	simm.s32 $0x80;
	s2 =	smul.u32 $0x280, s2  }
0xb: {  	s3 =	sshrl.u32 s3, $0x3;
	s0 =	ssub.s32 s0, s26;
	s26 =	simm.s32 $0x400  }
0xc: {  	s4 =	sshrl.u32 s4, $0x2;
	s22 =	smax.u32 s0, $0x1;
	s2 =	sadd.s32 s2, s1  }
0xd: {  	s1 =	sadd.s32 s3, s1;
	s4 =	sadd.s32 s4, s5;
	s5 =	sadd.s32 s6, s5  }
0xe: {  	s3 =	sadd.s32 $0x1600, s2;
	s4 =	sadd.s32 s7, s4;
	s6 =	sadd.s32 $0x80, s5  }
0xf: {  	s7 =	sadd.s32 $0x100, s5;
	s8 =	sadd.s32 $0x180, s5;
	s9 =	sadd.s32 $0x200, s5  }
0x10: {  	s10 =	sadd.s32 $0x280, s5;
	s11 =	sadd.s32 $0x300, s5;
	s12 =	sadd.s32 $0x380, s5  }
0x11: {  	s13 =	sadd.s32 $0x14000, s5;
	s14 =	sadd.s32 $0x14080, s5;
	s15 =	sadd.s32 $0x14100, s5  }
0x12: {  	s16 =	sadd.s32 $0x14180, s5;
	s17 =	sadd.s32 $0x14200, s5;
	s18 =	sadd.s32 $0x14280, s5  }
0x13: {  	v0 =	vimm.f32 $0.0e+00;
	v1 =	vimm.f32 $1.000000000e+00;
	s19 =	sadd.s32 $0x14300, s5;
	s20 =	sadd.s32 $0x14380, s5;
	s21 =	sadd.s32 $0x6600, s1  }
.LBB2_1:
0x14: {  	s0 =	simm.s32 $0x0  }
0x15: {  	[tilespmem:s0], [sflag:$0x1] =	stream.linear.gather [hbm4b:s3+s0], $0x1400, $0x38;
	[tilespmem:$0x8E80] =	vst v63  }
0x16: {  	_ =	swait.ge [sflag:s23], $0x1400  }
0x17: {  	[sflag:s23] =	ssyncset.done $0x0  }
0x18: {  	s0 =	simm.s32 $0x0;
	[sflag:s23] =	ssyncadd.s32 $0xFFFFEC00  }
.LBB2_2:
0x19: {  	p0 =	sne.s32 s0, $0x9FC0  }
.Ltmp0:
0x1a: {  	_ = 	snop;
	(pc) =	sbr.rel @p0 .LBB2_2-.Ltmp0, $3  }
0x1b: {  	_ =	sdelay $0x1  }
0x1c: {  	s1 =	sshra.s32 s0, $0x2  }
0x1d: {  	s0 =	sadd.s32 $0x40, s0;
	[tilespmem:s1+$0x1400] =	vst v0  }
0x1e: {  	s1 =	simm.s32 $0x0;
	s0 =	simm.s32 $0x40  }
.LBB2_4:
0x1f: {  	p0 =	sne.s32 s0, $0x4FC0;
	v2 =	vld [tilespmem:s1+$0x0];
	_ =	sdelay $0x3  }
.Ltmp1:
0x20: {  	(pc) =	sbr.rel @p0 .LBB2_4-.Ltmp1, $2  }
0x21: {  	_ =	sdelay $0x2  }
0x22: {  	s1 =	sshra.s32 s0, $0x2;
	s0 =	sadd.s32 $0x40, s0;
	[tilespmem:v2+s24+$0x0] =	vst.idx.add.f32.msk $0xffff, v1  }
0x23: {  	v2 =	vld [tilespmem:s1+$0x0];
	_ =	sdelay $0x7  }
0x24: {  	[tilespmem:v2+s24+$0x0] =	vst.idx.add.f32.msk $0xffff, v1  }
0x25: {  	[spmem:s4] =	stream.strided.scatter [tilespmem:s24], [sflag:$0x1], $0x2800, s26, s25, $0x38;
	[tilespmem:$0x8E80] =	vst v63  }
0x26: {  	_ =	swait.ge [sflag:s23], $0x2800  }
0x27: {  	[sflag:s23] =	ssyncset.done $0x0  }
0x28: {  	[sflag:s23] =	ssyncadd.s32 $0xFFFFD800  }
0x29: {  	s0 =	simm.s32 $0x3C00;
	[bflag:$0x0] =	sbarrier.arrive $0xFFFF  }
0x2a: {  	[tilespmem:s0], [sflag:$0x1] =	stream.strided.gather [spmem:s5], $0x280, s26, s25, $0x38;
	[tilespmem:$0x8E80] =	vst v63  }
0x2b: {  	_ =	swait.ge [sflag:s23], $0x280  }
0x2c: {  	[sflag:s23] =	ssyncset.done $0x0  }
0x2d: {  	s2 =	simm.s32 $0x3E80;
	[sflag:s23] =	ssyncadd.s32 $0xFFFFFD80  }
0x2e: {  	[tilespmem:s2], [sflag:$0x1] =	stream.strided.gather [spmem:s6], $0x280, s26, s25, $0x38;
	[tilespmem:$0x8E80] =	vst v63  }
0x2f: {  	_ =	swait.ge [sflag:s23], $0x280  }
0x30: {  	[sflag:s23] =	ssyncset.done $0x0  }
0x31: {  	s2 =	simm.s32 $0x4100;
	[sflag:s23] =	ssyncadd.s32 $0xFFFFFD80  }
0x32: {  	[tilespmem:s2], [sflag:$0x1] =	stream.strided.gather [spmem:s7], $0x280, s26, s25, $0x38;
	[tilespmem:$0x8E80] =	vst v63  }
0x33: {  	_ =	swait.ge [sflag:s23], $0x280  }
0x34: {  	[sflag:s23] =	ssyncset.done $0x0  }
0x35: {  	s2 =	simm.s32 $0x4380;
	[sflag:s23] =	ssyncadd.s32 $0xFFFFFD80  }
0x36: {  	[tilespmem:s2], [sflag:$0x1] =	stream.strided.gather [spmem:s8], $0x280, s26, s25, $0x38;
	[tilespmem:$0x8E80] =	vst v63  }
0x37: {  	_ =	swait.ge [sflag:s23], $0x280  }
0x38: {  	[sflag:s23] =	ssyncset.done $0x0  }
0x39: {  	s2 =	simm.s32 $0x4600;
	[sflag:s23] =	ssyncadd.s32 $0xFFFFFD80  }
0x3a: {  	[tilespmem:s2], [sflag:$0x1] =	stream.strided.gather [spmem:s9], $0x280, s26, s25, $0x38;
	[tilespmem:$0x8E80] =	vst v63  }
0x3b: {  	_ =	swait.ge [sflag:s23], $0x280  }
0x3c: {  	[sflag:s23] =	ssyncset.done $0x0  }
0x3d: {  	s2 =	simm.s32 $0x4880;
	[sflag:s23] =	ssyncadd.s32 $0xFFFFFD80  }
0x3e: {  	[tilespmem:s2], [sflag:$0x1] =	stream.strided.gather [spmem:s10], $0x280, s26, s25, $0x38;
	[tilespmem:$0x8E80] =	vst v63  }
0x3f: {  	_ =	swait.ge [sflag:s23], $0x280  }
0x40: {  	[sflag:s23] =	ssyncset.done $0x0  }
0x41: {  	s2 =	simm.s32 $0x4B00;
	[sflag:s23] =	ssyncadd.s32 $0xFFFFFD80  }
0x42: {  	[tilespmem:s2], [sflag:$0x1] =	stream.strided.gather [spmem:s11], $0x280, s26, s25, $0x38;
	[tilespmem:$0x8E80] =	vst v63  }
0x43: {  	_ =	swait.ge [sflag:s23], $0x280  }
0x44: {  	[sflag:s23] =	ssyncset.done $0x0  }
0x45: {  	s2 =	simm.s32 $0x4D80;
	[sflag:s23] =	ssyncadd.s32 $0xFFFFFD80  }
0x46: {  	[tilespmem:s2], [sflag:$0x1] =	stream.strided.gather [spmem:s12], $0x280, s26, s25, $0x38;
	[tilespmem:$0x8E80] =	vst v63  }
0x47: {  	_ =	swait.ge [sflag:s23], $0x280  }
0x48: {  	[sflag:s23] =	ssyncset.done $0x0  }
0x49: {  	s2 =	simm.s32 $0x5000;
	[sflag:s23] =	ssyncadd.s32 $0xFFFFFD80  }
0x4a: {  	[tilespmem:s2], [sflag:$0x1] =	stream.strided.gather [spmem:s13], $0x280, s26, s25, $0x38;
	[tilespmem:$0x8E80] =	vst v63  }
0x4b: {  	_ =	swait.ge [sflag:s23], $0x280  }
0x4c: {  	[sflag:s23] =	ssyncset.done $0x0  }
0x4d: {  	s2 =	simm.s32 $0x5280;
	[sflag:s23] =	ssyncadd.s32 $0xFFFFFD80  }
0x4e: {  	[tilespmem:s2], [sflag:$0x1] =	stream.strided.gather [spmem:s14], $0x280, s26, s25, $0x38;
	[tilespmem:$0x8E80] =	vst v63  }
0x4f: {  	_ =	swait.ge [sflag:s23], $0x280  }
0x50: {  	[sflag:s23] =	ssyncset.done $0x0  }
0x51: {  	s2 =	simm.s32 $0x5500;
	[sflag:s23] =	ssyncadd.s32 $0xFFFFFD80  }
0x52: {  	[tilespmem:s2], [sflag:$0x1] =	stream.strided.gather [spmem:s15], $0x280, s26, s25, $0x38;
	[tilespmem:$0x8E80] =	vst v63  }
0x53: {  	_ =	swait.ge [sflag:s23], $0x280  }
0x54: {  	[sflag:s23] =	ssyncset.done $0x0  }
0x55: {  	s2 =	simm.s32 $0x5780;
	[sflag:s23] =	ssyncadd.s32 $0xFFFFFD80  }
0x56: {  	[tilespmem:s2], [sflag:$0x1] =	stream.strided.gather [spmem:s16], $0x280, s26, s25, $0x38;
	[tilespmem:$0x8E80] =	vst v63  }
0x57: {  	_ =	swait.ge [sflag:s23], $0x280  }
0x58: {  	[sflag:s23] =	ssyncset.done $0x0  }
0x59: {  	s2 =	simm.s32 $0x5A00;
	[sflag:s23] =	ssyncadd.s32 $0xFFFFFD80  }
0x5a: {  	[tilespmem:s2], [sflag:$0x1] =	stream.strided.gather [spmem:s17], $0x280, s26, s25, $0x38;
	[tilespmem:$0x8E80] =	vst v63  }
0x5b: {  	_ =	swait.ge [sflag:s23], $0x280  }
0x5c: {  	[sflag:s23] =	ssyncset.done $0x0  }
0x5d: {  	s2 =	simm.s32 $0x5C80;
	[sflag:s23] =	ssyncadd.s32 $0xFFFFFD80  }
0x5e: {  	[tilespmem:s2], [sflag:$0x1] =	stream.strided.gather [spmem:s18], $0x280, s26, s25, $0x38;
	[tilespmem:$0x8E80] =	vst v63  }
0x5f: {  	_ =	swait.ge [sflag:s23], $0x280  }
0x60: {  	[sflag:s23] =	ssyncset.done $0x0  }
0x61: {  	s2 =	simm.s32 $0x5F00;
	[sflag:s23] =	ssyncadd.s32 $0xFFFFFD80  }
0x62: {  	[tilespmem:s2], [sflag:$0x1] =	stream.strided.gather [spmem:s19], $0x280, s26, s25, $0x38;
	[tilespmem:$0x8E80] =	vst v63  }
0x63: {  	_ =	swait.ge [sflag:s23], $0x280  }
0x64: {  	[sflag:s23] =	ssyncset.done $0x0  }
0x65: {  	s2 =	simm.s32 $0x6180;
	[sflag:s23] =	ssyncadd.s32 $0xFFFFFD80  }
0x66: {  	[tilespmem:s2], [sflag:$0x1] =	stream.strided.gather [spmem:s20], $0x280, s26, s25, $0x38;
	[tilespmem:$0x8E80] =	vst v63  }
0x67: {  	_ =	swait.ge [sflag:s23], $0x280  }
0x68: {  	s2 =	simm.s32 $0x0;
	[sflag:s23] =	ssyncset.done $0x0  }
0x69: {  	s1 =	sand.u32 $0x3F0, s2;
	[sflag:s23] =	ssyncadd.s32 $0xFFFFFD80  }
0x6a: {  	v2 =	vld [tilespmem:s1+$0x3E80]  }
0x6b: {  	v3 =	vld [tilespmem:s0+$0x0];
	_ =	sdelay $0x1  }
0x6c: {  	v4 =	vld [tilespmem:s1+$0x4100];
	_ =	sdelay $0x1  }
0x6d: {  	v5 =	vld [tilespmem:s1+$0x4380]  }
0x6e: {  	v2 =	vadd.f32 v2, v3  }
0x6f: {  	v3 =	vld [tilespmem:s1+$0x4600]  }
0x70: {  	v2 =	vadd.f32 v4, v2  }
0x71: {  	v56 =	vld [tilespmem:s1+$0x4880]  }
0x72: {  	v2 =	vadd.f32 v5, v2  }
0x73: {  	v57 =	vld [tilespmem:s1+$0x4B00]  }
0x74: {  	v2 =	vadd.f32 v3, v2  }
0x75: {  	v3 =	vld [tilespmem:s1+$0x4D80]  }
0x76: {  	v2 =	vadd.f32 v56, v2  }
0x77: {  	v58 =	vld [tilespmem:s1+$0x5000]  }
0x78: {  	v2 =	vadd.f32 v57, v2  }
0x79: {  	v59 =	vld [tilespmem:s1+$0x5280]  }
0x7a: {  	v2 =	vadd.f32 v3, v2  }
0x7b: {  	v3 =	vld [tilespmem:s1+$0x5500]  }
0x7c: {  	v2 =	vadd.f32 v58, v2  }
0x7d: {  	v60 =	vld [tilespmem:s1+$0x5780]  }
0x7e: {  	v2 =	vadd.f32 v59, v2  }
0x7f: {  	v61 =	vld [tilespmem:s1+$0x5A00]  }
0x80: {  	v2 =	vadd.f32 v3, v2  }
0x81: {  	v3 =	vld [tilespmem:s1+$0x5C80]  }
0x82: {  	v2 =	vadd.f32 v60, v2  }
0x83: {  	v62 =	vld [tilespmem:s1+$0x5F00]  }
0x84: {  	v2 =	vadd.f32 v61, v2  }
0x85: {  	v63 =	vld [tilespmem:s1+$0x6180]  }
0x86: {  	v2 =	vadd.f32 v3, v2;
	_ =	sdelay $0x1  }
0x87: {  	v2 =	vadd.f32 v62, v2;
	_ =	sdelay $0x1  }
0x88: {  	v2 =	vadd.f32 v63, v2  }
0x89: {  	s2 =	simm.s32 $0x10;
	s1 =	simm.s32 $0x6400  }
0x8a: {  	s0 =	sand.u32 $0x3F0, s2;
	[tilespmem:s1+$0x0] =	vst v2  }
0x8b: {  	s28 =	simm.s32 $0x20;
	s2 =	simm.s32 $0x3C10;
	v2 =	vld [tilespmem:s0+$0x3E80]  }
.LBB2_6:
0x8c: {  	p0 =	sne.s32 s28, $0x270;
	v3 =	vld [tilespmem:s2+$0x0];
	_ =	sdelay $0x1  }
0x8d: {  	v4 =	vld [tilespmem:s0+$0x4100];
	_ =	sdelay $0x1  }
0x8e: {  	v5 =	vld [tilespmem:s0+$0x4380]  }
0x8f: {  	v2 =	vadd.f32 v2, v3  }
0x90: {  	v3 =	vld [tilespmem:s0+$0x4600]  }
0x91: {  	v2 =	vadd.f32 v4, v2  }
0x92: {  	v4 =	vld [tilespmem:s0+$0x4880]  }
0x93: {  	v2 =	vadd.f32 v5, v2  }
0x94: {  	v5 =	vld [tilespmem:s0+$0x4B00]  }
0x95: {  	v2 =	vadd.f32 v3, v2  }
0x96: {  	v3 =	vld [tilespmem:s0+$0x4D80]  }
0x97: {  	v2 =	vadd.f32 v4, v2  }
0x98: {  	v4 =	vld [tilespmem:s0+$0x5000]  }
0x99: {  	v2 =	vadd.f32 v5, v2  }
0x9a: {  	v5 =	vld [tilespmem:s0+$0x5280]  }
0x9b: {  	v2 =	vadd.f32 v3, v2  }
0x9c: {  	v3 =	vld [tilespmem:s0+$0x5500]  }
0x9d: {  	v2 =	vadd.f32 v4, v2  }
0x9e: {  	v4 =	vld [tilespmem:s0+$0x5780]  }
0x9f: {  	v2 =	vadd.f32 v5, v2  }
0xa0: {  	v5 =	vld [tilespmem:s0+$0x5A00]  }
0xa1: {  	v2 =	vadd.f32 v3, v2  }
0xa2: {  	v3 =	vld [tilespmem:s0+$0x5C80]  }
0xa3: {  	v2 =	vadd.f32 v4, v2  }
0xa4: {  	v4 =	vld [tilespmem:s0+$0x5F00]  }
0xa5: {  	v2 =	vadd.f32 v5, v2  }
0xa6: {  	v5 =	vld [tilespmem:s0+$0x6180]  }
0xa7: {  	v2 =	vadd.f32 v3, v2;
	_ =	sdelay $0x1  }
0xa8: {  	v2 =	vadd.f32 v4, v2  }
.Ltmp2:
0xa9: {  	(pc) =	sbr.rel @p0 .LBB2_6-.Ltmp2, $4  }
0xaa: {  	v2 =	vadd.f32 v5, v2  }
0xab: {  	s1 =	sadd.s32 $0x10, s1  }
0xac: {  	s0 =	sand.u32 $0x3F0, s28;
	[tilespmem:s1+$0x0] =	vst v2  }
0xad: {  	s2 =	sadd.s32 $0x10, s2;
	s28 =	sadd.s32 $0x10, s28;
	v2 =	vld [tilespmem:s0+$0x3E80]  }
0xae: {  	v3 =	vld [tilespmem:s2+$0x0];
	_ =	sdelay $0x1  }
0xaf: {  	v4 =	vld [tilespmem:s0+$0x4100];
	_ =	sdelay $0x1  }
0xb0: {  	v5 =	vld [tilespmem:s0+$0x4380]  }
0xb1: {  	v2 =	vadd.f32 v2, v3  }
0xb2: {  	v3 =	vld [tilespmem:s0+$0x4600]  }
0xb3: {  	v2 =	vadd.f32 v4, v2  }
0xb4: {  	v56 =	vld [tilespmem:s0+$0x4880]  }
0xb5: {  	v2 =	vadd.f32 v5, v2  }
0xb6: {  	v57 =	vld [tilespmem:s0+$0x4B00]  }
0xb7: {  	v2 =	vadd.f32 v3, v2  }
0xb8: {  	v3 =	vld [tilespmem:s0+$0x4D80]  }
0xb9: {  	v2 =	vadd.f32 v56, v2  }
0xba: {  	v58 =	vld [tilespmem:s0+$0x5000]  }
0xbb: {  	v2 =	vadd.f32 v57, v2  }
0xbc: {  	v59 =	vld [tilespmem:s0+$0x5280]  }
0xbd: {  	v2 =	vadd.f32 v3, v2  }
0xbe: {  	v3 =	vld [tilespmem:s0+$0x5500]  }
0xbf: {  	v2 =	vadd.f32 v58, v2  }
0xc0: {  	v60 =	vld [tilespmem:s0+$0x5780]  }
0xc1: {  	v2 =	vadd.f32 v59, v2  }
0xc2: {  	v61 =	vld [tilespmem:s0+$0x5A00]  }
0xc3: {  	v2 =	vadd.f32 v3, v2  }
0xc4: {  	v3 =	vld [tilespmem:s0+$0x5C80]  }
0xc5: {  	v2 =	vadd.f32 v60, v2  }
0xc6: {  	v62 =	vld [tilespmem:s0+$0x5F00]  }
0xc7: {  	v2 =	vadd.f32 v61, v2  }
0xc8: {  	v63 =	vld [tilespmem:s0+$0x6180]  }
0xc9: {  	v2 =	vadd.f32 v3, v2;
	_ =	sdelay $0x1  }
0xca: {  	v2 =	vadd.f32 v62, v2;
	_ =	sdelay $0x1  }
0xcb: {  	s31 =	sadd.s32 $0x1, s31;
	v2 =	vadd.f32 v63, v2  }
0xcc: {  	s28 =	sadd.s32 $0x10, s1;
	p0 =	sne.s32 s31, s22  }
.Ltmp3:
0xcd: {  	[tilespmem:s28+$0x0] =	vst v2;
	(pc) =	sbr.rel @p0 .LBB2_1-.Ltmp3, $4  }
0xce: {  	[hbm4b:s21+s25] =	stream.strided.scatter [tilespmem:s30], [sflag:$0x1], $0x280, s29, s25, $0x38;
	[tilespmem:$0x8E80] =	vst v63  }
0xcf: {  	_ =	swait.ge [sflag:s23], $0x280  }
0xd0: {  	[sflag:s23] =	ssyncset.done $0x0  }
0xd1: {  	[sflag:s23] =	ssyncadd.s32 $0xFFFFFD80  }
0xd2: {  	_ =	sfence.sel $0x180000  }
0xd3: {  	[bflag:$0x0] =	sbarrier.arrive $0xFFFF  }
0xd4: {  	_ =	strace $0x90000047  }
0xd5: {  	s0 =	stileid.u32;
	[bflag:$0x2] =	sbarrier.arrive $0xFFFF  }
0xd6: {  	p0 =	sne.s32 s0, $0x0;
	s0 =	rddreg [dreg:$0x2]  }
0xd7: {  	s0 =	sadd.s32 @!p0 $0x100000, s0  }
0xd8: {  	[sflag:s0] =	ssyncadd.tile.s32 @!p0 $0x1;
	_ =	shalt  }
.Lfunc_end2:
_tile_overlayer_lowered:
.L_overlay_start_2:
0xd9: {  	(tag) =	ssettag $0x2  }
0xda: {  	s0 =	rddreg [dreg:$0x0];
	s2 =	stileid.u32  }
0xdb: {  	s1 =	rddreg [dreg:$0x1];
	p0 =	sne.s32 s2, $0x0  }
0xdc: {  	s3 =	rddreg [dreg:$0x2];
	[bflag:$0x3] =	sbarrier.arrive $0xFFFF;
	s2 =	simm.s32 @!p0 $0x1C01  }
0xdd: {  	[timem:s3], [sflag:s2] =	dma.local @!p0 [hbm:s0], s1  }
0xde: {  	s0 =	simm.s32 @!p0 $0x1  }
0xdf: {  	_ =	swait.ge @!p0 [sflag:s0], s1  }
0xe0: {  	s1 =	ssub.s32 @!p0 $0x0, s1;
	[sflag:s0] =	ssyncset.done @!p0 $0x0  }
0xe1: {  	[sflag:s0] =	ssyncadd.s32 @!p0 s1  }
0xe2: {  	[bflag:$0x3] =	sbarrier.arrive $0xFFFF  }
0xe3: {  	_ =	shalt  }

</sc_bundles>
